<compile_context>
chip_gen: v7x
topology: tpu7x:2x2x1
jax: 0.10.2.dev20260603
libtpu: 0.0.44.dev20260713+nightly
codegen_flags: <defaults>
</compile_context>

<pallas_src>
import numpy as np
import jax
import jax.numpy as jnp
from jax import lax
from jax.experimental import pallas as pl
from jax.experimental.pallas import tpu as pltpu
from jax.experimental.pallas import tpu_sc as plsc

_NC, _NS = 2, 16
_NW = _NC * _NS
_L = 16
_MARG = 256


def _shift_groups(ch):
    sort_value, shift_list = [], []
    for h in (-1, 0, 1):
        for w in (-1, 0, 1):
            shift_list.append((h, w))
            sort_value.append(
                max(abs(h) + abs(h) / 10.0 + abs(w) / 100.0 + h / 1000.0 + w / 10000.0,
                    abs(w) + abs(h) / 20.0 + abs(w) / 200.0 + h / 2000.0 + w / 20000.0))
    order = np.argsort(sort_value)
    span = ch // 9
    groups = [(shift_list[g][0], shift_list[g][1], i * span, span)
              for i, g in enumerate(order)]
    if ch - 9 * span:
        groups.append((0, 0, 9 * span, ch - 9 * span))
    return groups


def _make_body(b_, ch, h_, w_):
    hw = h_ * w_
    groups = _shift_groups(ch)
    wpc = w_ // _L

    def body(x_ref, o_ref, ybuf, obuf, sem):
        wid = lax.axis_index("s") * _NC + lax.axis_index("c")
        iota = lax.iota(jnp.int32, _L)
        zvec = jnp.zeros((_L,), jnp.float32)
        groups_sync = [g for g in groups if g[1] == 0]
        groups_async = [g for g in groups if g[1] != 0]
        for dh, dw, c0, ccount in groups_sync:
            n = b_ * ccount
            lo = (wid * n) // _NW
            hi = ((wid + 1) * n) // _NW

            def img_body(j, carry, dh=dh, c0=c0, ccount=ccount):
                b = j // ccount
                c = c0 + (j - b * ccount)
                img = b * ch + c
                pltpu.sync_copy(x_ref.at[img], ybuf.at[pl.ds(_MARG + dh * w_, hw)])
                if dh != 0:
                    base = _MARG + (0 if dh > 0 else (h_ - 1) * w_)

                    def zrow(kk, cr):
                        ybuf[pl.ds(base + kk * _L, _L)] = zvec
                        return cr

                    lax.fori_loop(0, w_ // _L, zrow, 0)
                pltpu.sync_copy(ybuf.at[pl.ds(_MARG, hw)], o_ref.at[img])
                return carry

            lax.fori_loop(lo, hi, img_body, 0)

        for gi, (dh, dw, c0, ccount) in enumerate(groups_async):
            n = b_ * ccount
            lo = (wid * n) // _NW
            hi = ((wid + 1) * n) // _NW

            def img_body(j, carry, gi=gi, dh=dh, dw=dw, c0=c0, ccount=ccount,
                         lo=lo):
                b = j // ccount
                c = c0 + (j - b * ccount)
                img = b * ch + c
                pltpu.sync_copy(x_ref.at[img], ybuf.at[pl.ds(_MARG + dh * w_, hw)])

                def wait_prev():
                    pltpu.make_async_copy(obuf, o_ref.at[img], sem).wait()

                if gi == 0:
                    @pl.when(j > lo)
                    def _():
                        wait_prev()
                else:
                    wait_prev()
                src0 = _MARG - dw
                bmask = (iota == 0) if dw > 0 else (iota == _L - 1)
                bchunk = 0 if dw > 0 else wpc - 1

                def cshift(r, cr):
                    base = r * w_
                    for u in range(wpc):
                        v = ybuf[pl.ds(src0 + base + u * _L, _L)]
                        if u == bchunk:
                            v = jnp.where(bmask, 0.0, v)
                        obuf[pl.ds(base + u * _L, _L)] = v
                    return cr

                lax.fori_loop(0, h_, cshift, 0)
                if dh != 0:
                    base = 0 if dh > 0 else (h_ - 1) * w_

                    def zrow(kk, cr):
                        obuf[pl.ds(base + kk * _L, _L)] = zvec
                        return cr

                    lax.fori_loop(0, w_ // _L, zrow, 0)
                pltpu.async_copy(obuf, o_ref.at[img], sem)
                return carry

            lax.fori_loop(lo, hi, img_body, 0)
        pltpu.make_async_copy(obuf, o_ref.at[0], sem).wait()

    return body


def kernel(x, index):
    del index
    b_, ch, h_, w_ = x.shape
    hw = h_ * w_
    body = _make_body(b_, ch, h_, w_)
    mesh = plsc.VectorSubcoreMesh(core_axis_name="c", subcore_axis_name="s",
                                  num_cores=_NC, num_subcores=_NS)
    run = pl.kernel(
        body,
        out_type=jax.ShapeDtypeStruct((b_ * ch, hw), jnp.float32),
        mesh=mesh,
        compiler_params=pltpu.CompilerParams(use_tc_tiling_on_sc=False),
        scratch_types=[pltpu.VMEM((hw + 2 * _MARG,), jnp.float32),
                       pltpu.VMEM((hw,), jnp.float32),
                       pltpu.SemaphoreType.DMA],
    )
    out = run(x.reshape(b_ * ch, hw))
    return out.reshape(b_, ch, h_, w_)

# --- scband reference (transcript-rebuilt; emitter-appended) ---
"""Pipeline reference for scband-shiftlution-75325136437782 (READ-ONLY COPY).

The authoritative reference and input builder live on the scoring server;
editing this copy changes nothing except your own understanding.
"""

import jax, jax.numpy as jnp
import numpy as np

B = 2
CH = 384
H = 224
W = 224
KH = 3
KW = 3
PAD_H = (KH - 1) // 2
PAD_W = (KW - 1) // 2


def _build_index():
    sort_value = []
    shift_list = []
    shift_h = list(range(-(KH - 1) // 2, (KH - 1) // 2 + 1, 1)) if KH != 1 else [0]
    shift_w = list(range(-(KW - 1) // 2, (KW - 1) // 2 + 1, 1)) if KW != 1 else [0]
    for h in shift_h:
        for w in shift_w:
            shift_list.append((h, w))
            sort_value.append(max(abs(h) + abs(h) / 10.0 + abs(w) / 100.0 + h / 1000.0 + w / 10000.0,
                                  abs(w) + abs(h) / 20.0 + abs(w) / 200.0 + h / 2000.0 + w / 20000.0))
    sort_idx = np.argsort(sort_value)
    shift_list = np.array(shift_list)
    shift_list = shift_list[sort_idx]
    index_w = np.zeros((CH, W), dtype=np.int64)
    index_h = np.zeros((CH, H), dtype=np.int64)
    range_w = np.arange(W)
    range_h = np.arange(H)
    c_span = CH // (KW * KH)
    for i, shift in enumerate(shift_list):
        h_offset = shift[0]
        w_offset = shift[1]
        index_w[i * c_span:(i + 1) * c_span, :] = range_w + w_offset + PAD_W
        index_h[i * c_span:(i + 1) * c_span, :] = range_h + h_offset + PAD_H
    index_w[len(shift_list) * c_span:, :] = range_w + PAD_W
    index_h[len(shift_list) * c_span:, :] = range_h + PAD_H
    index = index_h[:, :, None] * (W + 2 * PAD_W) + index_w[:, None, :]
    return index.reshape(CH, H * W).astype(np.int32)


def setup_inputs(seed: int = 0) -> dict:
    key = jax.random.key(seed)
    x = jax.random.normal(key, (B, CH, H, W), dtype=jnp.float32)
    index = jnp.asarray(_build_index())
    return {"x": x, "index": index}


def reference(x, index):
    B_, C_, H_, W_ = x.shape
    Hp = H_ + 2 * PAD_H
    Wp = W_ + 2 * PAD_W
    xf = x.reshape(B_, C_, H_ * W_)
    y = jnp.zeros((B_, C_, Hp * Wp), dtype=x.dtype)
    b_idx = jnp.arange(B_)[:, None, None]
    c_idx = jnp.arange(C_)[None, :, None]
    idx = index[None, :, :]
    y = y.at[b_idx, c_idx, idx].set(xf)
    y = y.reshape(B_, C_, Hp, Wp)
    return y[:, :, PAD_H:PAD_H + H_, PAD_W:PAD_W + W_]

if __name__ == "__main__":
    import jax
    _d = setup_inputs()
    print(jax.jit(kernel)(*tuple(_d.values())))

</pallas_src>

<mosaic_0001>
#map = affine_map<(d0, d1) -> (0, 0)>
module attributes {stable_mosaic.version = 14 : i64} {
  func.func @body(%arg0: i32, %arg1: i32, %arg2: memref<768x50176xf32, #tpu.memory_space<hbm>>, %arg3: memref<768x50176xf32, #tpu.memory_space<hbm>>, %arg4: memref<50688xf32, #tpu.memory_space<vmem>>, %arg5: memref<50176xf32, #tpu.memory_space<vmem>>, %arg6: memref<!tpu.dma_semaphore, #tpu.memory_space<semaphore_mem>>) attributes {dimension_semantics = [#tpu.dimension_semantics<core_parallel>, #tpu.dimension_semantics<subcore_parallel>], iteration_bounds = array<i64: 2, 16>, scalar_prefetch = 0 : i64, scratch_operands = 3 : i64, tpu.core_type = #tpu.core_type<sc_vector_subcore>, window_params = [{transform_indices = #map}, {transform_indices = #map}]} {
    %mul3A = arith.constant 2 : i32
    %mul3A_0 = arith.muli %arg1, %mul3A : i32
    %add3A = arith.addi %mul3A_0, %arg0 : i32
    %iota3A = tpu.iota {dimensions = array<i32: 0>} : vector<16xi32>
    %broadcast_in_dim3A = arith.constant 0.000000e+00 : f32
    %broadcast_in_dim3A_1 = vector.broadcast %broadcast_in_dim3A : f32 to vector<16xf32>
    %mul3A_2 = arith.constant 84 : i32
    %mul3A_3 = arith.muli %add3A, %mul3A_2 : i32
    %jit3A = arith.constant 32 : i32
    %div3A = arith.divsi %mul3A_3, %jit3A : i32
    %sign3A = arith.constant 0 : i32
    %sign3A_4 = arith.cmpi sgt, %mul3A_3, %sign3A : i32
    %sign3A_5 = arith.extui %sign3A_4 : i1 to i32
    %sign3A_6 = arith.constant 0 : i32
    %sign3A_7 = arith.cmpi slt, %mul3A_3, %sign3A_6 : i32
    %sign3A_8 = arith.extui %sign3A_7 : i1 to i32
    %sign3A_9 = arith.subi %sign3A_5, %sign3A_8 : i32
    %sign3A_10 = arith.constant 0 : i32
    %sign3A_11 = arith.cmpi sgt, %jit3A, %sign3A_10 : i32
    %sign3A_12 = arith.extui %sign3A_11 : i1 to i32
    %sign3A_13 = arith.constant 0 : i32
    %sign3A_14 = arith.cmpi slt, %jit3A, %sign3A_13 : i32
    %sign3A_15 = arith.extui %sign3A_14 : i1 to i32
    %sign3A_16 = arith.subi %sign3A_12, %sign3A_15 : i32
    %ne3A = arith.cmpi ne, %sign3A_9, %sign3A_16 : i32
    %rem3A = arith.remsi %mul3A_3, %jit3A : i32
    %ne3A_17 = arith.constant 0 : i32
    %ne3A_18 = arith.cmpi ne, %rem3A, %ne3A_17 : i32
    %and3A = arith.andi %ne3A, %ne3A_18 : i1
    %sub3A = arith.constant 1 : i32
    %sub3A_19 = arith.subi %div3A, %sub3A : i32
    %select_n3A = arith.select %and3A, %sub3A_19, %div3A : i32
    %add3A_20 = arith.constant 1 : i32
    %add3A_21 = arith.addi %add3A, %add3A_20 : i32
    %mul3A_22 = arith.constant 84 : i32
    %mul3A_23 = arith.muli %add3A_21, %mul3A_22 : i32
    %jit3A_24 = arith.constant 32 : i32
    %div3A_25 = arith.divsi %mul3A_23, %jit3A_24 : i32
    %sign3A_26 = arith.constant 0 : i32
    %sign3A_27 = arith.cmpi sgt, %mul3A_23, %sign3A_26 : i32
    %sign3A_28 = arith.extui %sign3A_27 : i1 to i32
    %sign3A_29 = arith.constant 0 : i32
    %sign3A_30 = arith.cmpi slt, %mul3A_23, %sign3A_29 : i32
    %sign3A_31 = arith.extui %sign3A_30 : i1 to i32
    %sign3A_32 = arith.subi %sign3A_28, %sign3A_31 : i32
    %sign3A_33 = arith.constant 0 : i32
    %sign3A_34 = arith.cmpi sgt, %jit3A_24, %sign3A_33 : i32
    %sign3A_35 = arith.extui %sign3A_34 : i1 to i32
    %sign3A_36 = arith.constant 0 : i32
    %sign3A_37 = arith.cmpi slt, %jit3A_24, %sign3A_36 : i32
    %sign3A_38 = arith.extui %sign3A_37 : i1 to i32
    %sign3A_39 = arith.subi %sign3A_35, %sign3A_38 : i32
    %ne3A_40 = arith.cmpi ne, %sign3A_32, %sign3A_39 : i32
    %rem3A_41 = arith.remsi %mul3A_23, %jit3A_24 : i32
    %ne3A_42 = arith.constant 0 : i32
    %ne3A_43 = arith.cmpi ne, %rem3A_41, %ne3A_42 : i32
    %and3A_44 = arith.andi %ne3A_40, %ne3A_43 : i1
    %sub3A_45 = arith.constant 1 : i32
    %sub3A_46 = arith.subi %div3A_25, %sub3A_45 : i32
    %select_n3A_47 = arith.select %and3A_44, %sub3A_46, %div3A_25 : i32
    %while3A = arith.constant 0 : i32
    %while3A_48 = arith.subi %select_n3A_47, %select_n3A : i32
    %while3A_49 = arith.addi %select_n3A, %while3A_48 : i32
    %while3A_50 = arith.constant 1 : i32
    %while3A_51 = arith.divsi %while3A_48, %while3A_50 : i32
    %while3A_52 = arith.muli %while3A_51, %while3A_50 : i32
    %while3A_53 = arith.addi %select_n3A, %while3A_52 : i32
    %while3A_54 = arith.constant 1 : i32
    scf.for %while3A_629 = %select_n3A to %while3A_53 step %while3A_54  : i32 {
      %jit3A_630 = arith.constant 42 : i32
      %div3A_631 = arith.divsi %while3A_629, %jit3A_630 : i32
      %sign3A_632 = arith.constant 0 : i32
      %sign3A_633 = arith.cmpi sgt, %while3A_629, %sign3A_632 : i32
      %sign3A_634 = arith.extui %sign3A_633 : i1 to i32
      %sign3A_635 = arith.constant 0 : i32
      %sign3A_636 = arith.cmpi slt, %while3A_629, %sign3A_635 : i32
      %sign3A_637 = arith.extui %sign3A_636 : i1 to i32
      %sign3A_638 = arith.subi %sign3A_634, %sign3A_637 : i32
      %sign3A_639 = arith.constant 0 : i32
      %sign3A_640 = arith.cmpi sgt, %jit3A_630, %sign3A_639 : i32
      %sign3A_641 = arith.extui %sign3A_640 : i1 to i32
      %sign3A_642 = arith.constant 0 : i32
      %sign3A_643 = arith.cmpi slt, %jit3A_630, %sign3A_642 : i32
      %sign3A_644 = arith.extui %sign3A_643 : i1 to i32
      %sign3A_645 = arith.subi %sign3A_641, %sign3A_644 : i32
      %ne3A_646 = arith.cmpi ne, %sign3A_638, %sign3A_645 : i32
      %rem3A_647 = arith.remsi %while3A_629, %jit3A_630 : i32
      %ne3A_648 = arith.constant 0 : i32
      %ne3A_649 = arith.cmpi ne, %rem3A_647, %ne3A_648 : i32
      %and3A_650 = arith.andi %ne3A_646, %ne3A_649 : i1
      %sub3A_651 = arith.constant 1 : i32
      %sub3A_652 = arith.subi %div3A_631, %sub3A_651 : i32
      %select_n3A_653 = arith.select %and3A_650, %sub3A_652, %div3A_631 : i32
      %mul3A_654 = arith.constant 42 : i32
      %mul3A_655 = arith.muli %select_n3A_653, %mul3A_654 : i32
      %sub3A_656 = arith.subi %while3A_629, %mul3A_655 : i32
      %add3A_657 = arith.constant 0 : i32
      %add3A_658 = arith.addi %add3A_657, %sub3A_656 : i32
      %mul3A_659 = arith.constant 384 : i32
      %mul3A_660 = arith.muli %select_n3A_653, %mul3A_659 : i32
      %add3A_661 = arith.addi %mul3A_660, %add3A_658 : i32
      "tpu.region"() ({
        %run_scoped3A = tpu.sem_alloc : memref<!tpu.dma_semaphore, #tpu.memory_space<semaphore_mem>>
        %dma_start3A = arith.constant 256 : i32
        %dma_start3A_662 = tpu.memref_slice %arg4[%dma_start3A] : memref<50688xf32, #tpu.memory_space<vmem>> -> memref<50176xf32, #tpu.memory_space<vmem>>
        %dma_start3A_663 = arith.constant 0 : i32
        %dma_start3A_664 = tpu.memref_slice %arg2[%add3A_661, %dma_start3A_663] : memref<768x50176xf32, #tpu.memory_space<hbm>> -> memref<1x50176xf32, #tpu.memory_space<hbm>>
        %dma_start3A_665 = tpu.memref_squeeze %dma_start3A_664 : memref<1x50176xf32, #tpu.memory_space<hbm>> -> memref<50176xf32, #tpu.memory_space<hbm>>
        %dma_start3A_666 = arith.constant 256 : i32
        %dma_start3A_667 = tpu.memref_slice %arg4[%dma_start3A_666] : memref<50688xf32, #tpu.memory_space<vmem>> -> memref<50176xf32, #tpu.memory_space<vmem>>
        %dma_start3A_668 = arith.constant 0 : i32
        %dma_start3A_669 = tpu.memref_slice %arg2[%add3A_661, %dma_start3A_668] : memref<768x50176xf32, #tpu.memory_space<hbm>> -> memref<1x50176xf32, #tpu.memory_space<hbm>>
        %dma_start3A_670 = tpu.memref_squeeze %dma_start3A_669 : memref<1x50176xf32, #tpu.memory_space<hbm>> -> memref<50176xf32, #tpu.memory_space<hbm>>
        tpu.enqueue_dma source(%dma_start3A_670 : memref<50176xf32, #tpu.memory_space<hbm>>) target(%dma_start3A_667 : memref<50176xf32, #tpu.memory_space<vmem>>) target_semaphore(%run_scoped3A : memref<!tpu.dma_semaphore, #tpu.memory_space<semaphore_mem>>)
        %dma_wait3A_671 = arith.constant 256 : i32
        %dma_wait3A_672 = tpu.memref_slice %arg4[%dma_wait3A_671] : memref<50688xf32, #tpu.memory_space<vmem>> -> memref<50176xf32, #tpu.memory_space<vmem>>
        %dma_wait3A_673 = arith.constant 0 : i32
        %dma_wait3A_674 = tpu.memref_slice %arg2[%add3A_661, %dma_wait3A_673] : memref<768x50176xf32, #tpu.memory_space<hbm>> -> memref<1x50176xf32, #tpu.memory_space<hbm>>
        %dma_wait3A_675 = tpu.memref_squeeze %dma_wait3A_674 : memref<1x50176xf32, #tpu.memory_space<hbm>> -> memref<50176xf32, #tpu.memory_space<hbm>>
        %dma_wait3A_676 = arith.constant 256 : i32
        %dma_wait3A_677 = tpu.memref_slice %arg4[%dma_wait3A_676] : memref<50688xf32, #tpu.memory_space<vmem>> -> memref<50176xf32, #tpu.memory_space<vmem>>
        %dma_wait3A_678 = arith.constant 0 : i32
        %dma_wait3A_679 = tpu.memref_slice %arg2[%add3A_661, %dma_wait3A_678] : memref<768x50176xf32, #tpu.memory_space<hbm>> -> memref<1x50176xf32, #tpu.memory_space<hbm>>
        %dma_wait3A_680 = tpu.memref_squeeze %dma_wait3A_679 : memref<1x50176xf32, #tpu.memory_space<hbm>> -> memref<50176xf32, #tpu.memory_space<hbm>>
        tpu.wait_dma2 semaphore(%run_scoped3A : memref<!tpu.dma_semaphore, #tpu.memory_space<semaphore_mem>>) src(%dma_wait3A_680 : memref<50176xf32, #tpu.memory_space<hbm>>) dst(%dma_wait3A_677 : memref<50176xf32, #tpu.memory_space<vmem>>)
        tpu.yield
      }) : () -> ()
      "tpu.region"() ({
        %run_scoped3A = tpu.sem_alloc : memref<!tpu.dma_semaphore, #tpu.memory_space<semaphore_mem>>
        %dma_start3A = arith.constant 256 : i32
        %dma_start3A_662 = tpu.memref_slice %arg4[%dma_start3A] : memref<50688xf32, #tpu.memory_space<vmem>> -> memref<50176xf32, #tpu.memory_space<vmem>>
        %dma_start3A_663 = arith.constant 0 : i32
        %dma_start3A_664 = tpu.memref_slice %arg3[%add3A_661, %dma_start3A_663] : memref<768x50176xf32, #tpu.memory_space<hbm>> -> memref<1x50176xf32, #tpu.memory_space<hbm>>
        %dma_start3A_665 = tpu.memref_squeeze %dma_start3A_664 : memref<1x50176xf32, #tpu.memory_space<hbm>> -> memref<50176xf32, #tpu.memory_space<hbm>>
        %dma_start3A_666 = arith.constant 0 : i32
        %dma_start3A_667 = tpu.memref_slice %arg3[%add3A_661, %dma_start3A_666] : memref<768x50176xf32, #tpu.memory_space<hbm>> -> memref<1x50176xf32, #tpu.memory_space<hbm>>
        %dma_start3A_668 = tpu.memref_squeeze %dma_start3A_667 : memref<1x50176xf32, #tpu.memory_space<hbm>> -> memref<50176xf32, #tpu.memory_space<hbm>>
        %dma_start3A_669 = arith.constant 256 : i32
        %dma_start3A_670 = tpu.memref_slice %arg4[%dma_start3A_669] : memref<50688xf32, #tpu.memory_space<vmem>> -> memref<50176xf32, #tpu.memory_space<vmem>>
        tpu.enqueue_dma source(%dma_start3A_670 : memref<50176xf32, #tpu.memory_space<vmem>>) target(%dma_start3A_668 : memref<50176xf32, #tpu.memory_space<hbm>>) target_semaphore(%run_scoped3A : memref<!tpu.dma_semaphore, #tpu.memory_space<semaphore_mem>>)
        %dma_wait3A_671 = arith.constant 256 : i32
        %dma_wait3A_672 = tpu.memref_slice %arg4[%dma_wait3A_671] : memref<50688xf32, #tpu.memory_space<vmem>> -> memref<50176xf32, #tpu.memory_space<vmem>>
        %dma_wait3A_673 = arith.constant 0 : i32
        %dma_wait3A_674 = tpu.memref_slice %arg3[%add3A_661, %dma_wait3A_673] : memref<768x50176xf32, #tpu.memory_space<hbm>> -> memref<1x50176xf32, #tpu.memory_space<hbm>>
        %dma_wait3A_675 = tpu.memref_squeeze %dma_wait3A_674 : memref<1x50176xf32, #tpu.memory_space<hbm>> -> memref<50176xf32, #tpu.memory_space<hbm>>
        %dma_wait3A_676 = arith.constant 0 : i32
        %dma_wait3A_677 = tpu.memref_slice %arg3[%add3A_661, %dma_wait3A_676] : memref<768x50176xf32, #tpu.memory_space<hbm>> -> memref<1x50176xf32, #tpu.memory_space<hbm>>
        %dma_wait3A_678 = tpu.memref_squeeze %dma_wait3A_677 : memref<1x50176xf32, #tpu.memory_space<hbm>> -> memref<50176xf32, #tpu.memory_space<hbm>>
        %dma_wait3A_679 = arith.constant 256 : i32
        %dma_wait3A_680 = tpu.memref_slice %arg4[%dma_wait3A_679] : memref<50688xf32, #tpu.memory_space<vmem>> -> memref<50176xf32, #tpu.memory_space<vmem>>
        tpu.wait_dma2 semaphore(%run_scoped3A : memref<!tpu.dma_semaphore, #tpu.memory_space<semaphore_mem>>) src(%dma_wait3A_680 : memref<50176xf32, #tpu.memory_space<vmem>>) dst(%dma_wait3A_678 : memref<50176xf32, #tpu.memory_space<hbm>>)
        tpu.yield
      }) : () -> ()
    }
    %while3A_55 = arith.constant 1 : i32
    scf.for %while3A_629 = %while3A_53 to %while3A_49 step %while3A_55  : i32 {
      %jit3A_630 = arith.constant 42 : i32
      %div3A_631 = arith.divsi %while3A_629, %jit3A_630 : i32
      %sign3A_632 = arith.constant 0 : i32
      %sign3A_633 = arith.cmpi sgt, %while3A_629, %sign3A_632 : i32
      %sign3A_634 = arith.extui %sign3A_633 : i1 to i32
      %sign3A_635 = arith.constant 0 : i32
      %sign3A_636 = arith.cmpi slt, %while3A_629, %sign3A_635 : i32
      %sign3A_637 = arith.extui %sign3A_636 : i1 to i32
      %sign3A_638 = arith.subi %sign3A_634, %sign3A_637 : i32
      %sign3A_639 = arith.constant 0 : i32
      %sign3A_640 = arith.cmpi sgt, %jit3A_630, %sign3A_639 : i32
      %sign3A_641 = arith.extui %sign3A_640 : i1 to i32
      %sign3A_642 = arith.constant 0 : i32
      %sign3A_643 = arith.cmpi slt, %jit3A_630, %sign3A_642 : i32
      %sign3A_644 = arith.extui %sign3A_643 : i1 to i32
      %sign3A_645 = arith.subi %sign3A_641, %sign3A_644 : i32
      %ne3A_646 = arith.cmpi ne, %sign3A_638, %sign3A_645 : i32
      %rem3A_647 = arith.remsi %while3A_629, %jit3A_630 : i32
      %ne3A_648 = arith.constant 0 : i32
      %ne3A_649 = arith.cmpi ne, %rem3A_647, %ne3A_648 : i32
      %and3A_650 = arith.andi %ne3A_646, %ne3A_649 : i1
      %sub3A_651 = arith.constant 1 : i32
      %sub3A_652 = arith.subi %div3A_631, %sub3A_651 : i32
      %select_n3A_653 = arith.select %and3A_650, %sub3A_652, %div3A_631 : i32
      %mul3A_654 = arith.constant 42 : i32
      %mul3A_655 = arith.muli %select_n3A_653, %mul3A_654 : i32
      %sub3A_656 = arith.subi %while3A_629, %mul3A_655 : i32
      %add3A_657 = arith.constant 0 : i32
      %add3A_658 = arith.addi %add3A_657, %sub3A_656 : i32
      %mul3A_659 = arith.constant 384 : i32
      %mul3A_660 = arith.muli %select_n3A_653, %mul3A_659 : i32
      %add3A_661 = arith.addi %mul3A_660, %add3A_658 : i32
      "tpu.region"() ({
        %run_scoped3A = tpu.sem_alloc : memref<!tpu.dma_semaphore, #tpu.memory_space<semaphore_mem>>
        %dma_start3A = arith.constant 256 : i32
        %dma_start3A_662 = tpu.memref_slice %arg4[%dma_start3A] : memref<50688xf32, #tpu.memory_space<vmem>> -> memref<50176xf32, #tpu.memory_space<vmem>>
        %dma_start3A_663 = arith.constant 0 : i32
        %dma_start3A_664 = tpu.memref_slice %arg2[%add3A_661, %dma_start3A_663] : memref<768x50176xf32, #tpu.memory_space<hbm>> -> memref<1x50176xf32, #tpu.memory_space<hbm>>
        %dma_start3A_665 = tpu.memref_squeeze %dma_start3A_664 : memref<1x50176xf32, #tpu.memory_space<hbm>> -> memref<50176xf32, #tpu.memory_space<hbm>>
        %dma_start3A_666 = arith.constant 256 : i32
        %dma_start3A_667 = tpu.memref_slice %arg4[%dma_start3A_666] : memref<50688xf32, #tpu.memory_space<vmem>> -> memref<50176xf32, #tpu.memory_space<vmem>>
        %dma_start3A_668 = arith.constant 0 : i32
        %dma_start3A_669 = tpu.memref_slice %arg2[%add3A_661, %dma_start3A_668] : memref<768x50176xf32, #tpu.memory_space<hbm>> -> memref<1x50176xf32, #tpu.memory_space<hbm>>
        %dma_start3A_670 = tpu.memref_squeeze %dma_start3A_669 : memref<1x50176xf32, #tpu.memory_space<hbm>> -> memref<50176xf32, #tpu.memory_space<hbm>>
        tpu.enqueue_dma source(%dma_start3A_670 : memref<50176xf32, #tpu.memory_space<hbm>>) target(%dma_start3A_667 : memref<50176xf32, #tpu.memory_space<vmem>>) target_semaphore(%run_scoped3A : memref<!tpu.dma_semaphore, #tpu.memory_space<semaphore_mem>>)
        %dma_wait3A_671 = arith.constant 256 : i32
        %dma_wait3A_672 = tpu.memref_slice %arg4[%dma_wait3A_671] : memref<50688xf32, #tpu.memory_space<vmem>> -> memref<50176xf32, #tpu.memory_space<vmem>>
        %dma_wait3A_673 = arith.constant 0 : i32
        %dma_wait3A_674 = tpu.memref_slice %arg2[%add3A_661, %dma_wait3A_673] : memref<768x50176xf32, #tpu.memory_space<hbm>> -> memref<1x50176xf32, #tpu.memory_space<hbm>>
        %dma_wait3A_675 = tpu.memref_squeeze %dma_wait3A_674 : memref<1x50176xf32, #tpu.memory_space<hbm>> -> memref<50176xf32, #tpu.memory_space<hbm>>
        %dma_wait3A_676 = arith.constant 256 : i32
        %dma_wait3A_677 = tpu.memref_slice %arg4[%dma_wait3A_676] : memref<50688xf32, #tpu.memory_space<vmem>> -> memref<50176xf32, #tpu.memory_space<vmem>>
        %dma_wait3A_678 = arith.constant 0 : i32
        %dma_wait3A_679 = tpu.memref_slice %arg2[%add3A_661, %dma_wait3A_678] : memref<768x50176xf32, #tpu.memory_space<hbm>> -> memref<1x50176xf32, #tpu.memory_space<hbm>>
        %dma_wait3A_680 = tpu.memref_squeeze %dma_wait3A_679 : memref<1x50176xf32, #tpu.memory_space<hbm>> -> memref<50176xf32, #tpu.memory_space<hbm>>
        tpu.wait_dma2 semaphore(%run_scoped3A : memref<!tpu.dma_semaphore, #tpu.memory_space<semaphore_mem>>) src(%dma_wait3A_680 : memref<50176xf32, #tpu.memory_space<hbm>>) dst(%dma_wait3A_677 : memref<50176xf32, #tpu.memory_space<vmem>>)
        tpu.yield
      }) : () -> ()
      "tpu.region"() ({
        %run_scoped3A = tpu.sem_alloc : memref<!tpu.dma_semaphore, #tpu.memory_space<semaphore_mem>>
        %dma_start3A = arith.constant 256 : i32
        %dma_start3A_662 = tpu.memref_slice %arg4[%dma_start3A] : memref<50688xf32, #tpu.memory_space<vmem>> -> memref<50176xf32, #tpu.memory_space<vmem>>
        %dma_start3A_663 = arith.constant 0 : i32
        %dma_start3A_664 = tpu.memref_slice %arg3[%add3A_661, %dma_start3A_663] : memref<768x50176xf32, #tpu.memory_space<hbm>> -> memref<1x50176xf32, #tpu.memory_space<hbm>>
        %dma_start3A_665 = tpu.memref_squeeze %dma_start3A_664 : memref<1x50176xf32, #tpu.memory_space<hbm>> -> memref<50176xf32, #tpu.memory_space<hbm>>
        %dma_start3A_666 = arith.constant 0 : i32
        %dma_start3A_667 = tpu.memref_slice %arg3[%add3A_661, %dma_start3A_666] : memref<768x50176xf32, #tpu.memory_space<hbm>> -> memref<1x50176xf32, #tpu.memory_space<hbm>>
        %dma_start3A_668 = tpu.memref_squeeze %dma_start3A_667 : memref<1x50176xf32, #tpu.memory_space<hbm>> -> memref<50176xf32, #tpu.memory_space<hbm>>
        %dma_start3A_669 = arith.constant 256 : i32
        %dma_start3A_670 = tpu.memref_slice %arg4[%dma_start3A_669] : memref<50688xf32, #tpu.memory_space<vmem>> -> memref<50176xf32, #tpu.memory_space<vmem>>
        tpu.enqueue_dma source(%dma_start3A_670 : memref<50176xf32, #tpu.memory_space<vmem>>) target(%dma_start3A_668 : memref<50176xf32, #tpu.memory_space<hbm>>) target_semaphore(%run_scoped3A : memref<!tpu.dma_semaphore, #tpu.memory_space<semaphore_mem>>)
        %dma_wait3A_671 = arith.constant 256 : i32
        %dma_wait3A_672 = tpu.memref_slice %arg4[%dma_wait3A_671] : memref<50688xf32, #tpu.memory_space<vmem>> -> memref<50176xf32, #tpu.memory_space<vmem>>
        %dma_wait3A_673 = arith.constant 0 : i32
        %dma_wait3A_674 = tpu.memref_slice %arg3[%add3A_661, %dma_wait3A_673] : memref<768x50176xf32, #tpu.memory_space<hbm>> -> memref<1x50176xf32, #tpu.memory_space<hbm>>
        %dma_wait3A_675 = tpu.memref_squeeze %dma_wait3A_674 : memref<1x50176xf32, #tpu.memory_space<hbm>> -> memref<50176xf32, #tpu.memory_space<hbm>>
        %dma_wait3A_676 = arith.constant 0 : i32
        %dma_wait3A_677 = tpu.memref_slice %arg3[%add3A_661, %dma_wait3A_676] : memref<768x50176xf32, #tpu.memory_space<hbm>> -> memref<1x50176xf32, #tpu.memory_space<hbm>>
        %dma_wait3A_678 = tpu.memref_squeeze %dma_wait3A_677 : memref<1x50176xf32, #tpu.memory_space<hbm>> -> memref<50176xf32, #tpu.memory_space<hbm>>
        %dma_wait3A_679 = arith.constant 256 : i32
        %dma_wait3A_680 = tpu.memref_slice %arg4[%dma_wait3A_679] : memref<50688xf32, #tpu.memory_space<vmem>> -> memref<50176xf32, #tpu.memory_space<vmem>>
        tpu.wait_dma2 semaphore(%run_scoped3A : memref<!tpu.dma_semaphore, #tpu.memory_space<semaphore_mem>>) src(%dma_wait3A_680 : memref<50176xf32, #tpu.memory_space<vmem>>) dst(%dma_wait3A_678 : memref<50176xf32, #tpu.memory_space<hbm>>)
        tpu.yield
      }) : () -> ()
    }
    %mul3A_56 = arith.constant 84 : i32
    %mul3A_57 = arith.muli %add3A, %mul3A_56 : i32
    %jit3A_58 = arith.constant 32 : i32
    %div3A_59 = arith.divsi %mul3A_57, %jit3A_58 : i32
    %sign3A_60 = arith.constant 0 : i32
    %sign3A_61 = arith.cmpi sgt, %mul3A_57, %sign3A_60 : i32
    %sign3A_62 = arith.extui %sign3A_61 : i1 to i32
    %sign3A_63 = arith.constant 0 : i32
    %sign3A_64 = arith.cmpi slt, %mul3A_57, %sign3A_63 : i32
    %sign3A_65 = arith.extui %sign3A_64 : i1 to i32
    %sign3A_66 = arith.subi %sign3A_62, %sign3A_65 : i32
    %sign3A_67 = arith.constant 0 : i32
    %sign3A_68 = arith.cmpi sgt, %jit3A_58, %sign3A_67 : i32
    %sign3A_69 = arith.extui %sign3A_68 : i1 to i32
    %sign3A_70 = arith.constant 0 : i32
    %sign3A_71 = arith.cmpi slt, %jit3A_58, %sign3A_70 : i32
    %sign3A_72 = arith.extui %sign3A_71 : i1 to i32
    %sign3A_73 = arith.subi %sign3A_69, %sign3A_72 : i32
    %ne3A_74 = arith.cmpi ne, %sign3A_66, %sign3A_73 : i32
    %rem3A_75 = arith.remsi %mul3A_57, %jit3A_58 : i32
    %ne3A_76 = arith.constant 0 : i32
    %ne3A_77 = arith.cmpi ne, %rem3A_75, %ne3A_76 : i32
    %and3A_78 = arith.andi %ne3A_74, %ne3A_77 : i1
    %sub3A_79 = arith.constant 1 : i32
    %sub3A_80 = arith.subi %div3A_59, %sub3A_79 : i32
    %select_n3A_81 = arith.select %and3A_78, %sub3A_80, %div3A_59 : i32
    %add3A_82 = arith.constant 1 : i32
    %add3A_83 = arith.addi %add3A, %add3A_82 : i32
    %mul3A_84 = arith.constant 84 : i32
    %mul3A_85 = arith.muli %add3A_83, %mul3A_84 : i32
    %jit3A_86 = arith.constant 32 : i32
    %div3A_87 = arith.divsi %mul3A_85, %jit3A_86 : i32
    %sign3A_88 = arith.constant 0 : i32
    %sign3A_89 = arith.cmpi sgt, %mul3A_85, %sign3A_88 : i32
    %sign3A_90 = arith.extui %sign3A_89 : i1 to i32
    %sign3A_91 = arith.constant 0 : i32
    %sign3A_92 = arith.cmpi slt, %mul3A_85, %sign3A_91 : i32
    %sign3A_93 = arith.extui %sign3A_92 : i1 to i32
    %sign3A_94 = arith.subi %sign3A_90, %sign3A_93 : i32
    %sign3A_95 = arith.constant 0 : i32
    %sign3A_96 = arith.cmpi sgt, %jit3A_86, %sign3A_95 : i32
    %sign3A_97 = arith.extui %sign3A_96 : i1 to i32
    %sign3A_98 = arith.constant 0 : i32
    %sign3A_99 = arith.cmpi slt, %jit3A_86, %sign3A_98 : i32
    %sign3A_100 = arith.extui %sign3A_99 : i1 to i32
    %sign3A_101 = arith.subi %sign3A_97, %sign3A_100 : i32
    %ne3A_102 = arith.cmpi ne, %sign3A_94, %sign3A_101 : i32
    %rem3A_103 = arith.remsi %mul3A_85, %jit3A_86 : i32
    %ne3A_104 = arith.constant 0 : i32
    %ne3A_105 = arith.cmpi ne, %rem3A_103, %ne3A_104 : i32
    %and3A_106 = arith.andi %ne3A_102, %ne3A_105 : i1
    %sub3A_107 = arith.constant 1 : i32
    %sub3A_108 = arith.subi %div3A_87, %sub3A_107 : i32
    %select_n3A_109 = arith.select %and3A_106, %sub3A_108, %div3A_87 : i32
    %while3A_110 = arith.constant 0 : i32
    %while3A_111 = arith.subi %select_n3A_109, %select_n3A_81 : i32
    %while3A_112 = arith.addi %select_n3A_81, %while3A_111 : i32
    %while3A_113 = arith.constant 1 : i32
    %while3A_114 = arith.divsi %while3A_111, %while3A_113 : i32
    %while3A_115 = arith.muli %while3A_114, %while3A_113 : i32
    %while3A_116 = arith.addi %select_n3A_81, %while3A_115 : i32
    %while3A_117 = arith.constant 1 : i32
    scf.for %while3A_629 = %select_n3A_81 to %while3A_116 step %while3A_117  : i32 {
      %jit3A_630 = arith.constant 42 : i32
      %div3A_631 = arith.divsi %while3A_629, %jit3A_630 : i32
      %sign3A_632 = arith.constant 0 : i32
      %sign3A_633 = arith.cmpi sgt, %while3A_629, %sign3A_632 : i32
      %sign3A_634 = arith.extui %sign3A_633 : i1 to i32
      %sign3A_635 = arith.constant 0 : i32
      %sign3A_636 = arith.cmpi slt, %while3A_629, %sign3A_635 : i32
      %sign3A_637 = arith.extui %sign3A_636 : i1 to i32
      %sign3A_638 = arith.subi %sign3A_634, %sign3A_637 : i32
      %sign3A_639 = arith.constant 0 : i32
      %sign3A_640 = arith.cmpi sgt, %jit3A_630, %sign3A_639 : i32
      %sign3A_641 = arith.extui %sign3A_640 : i1 to i32
      %sign3A_642 = arith.constant 0 : i32
      %sign3A_643 = arith.cmpi slt, %jit3A_630, %sign3A_642 : i32
      %sign3A_644 = arith.extui %sign3A_643 : i1 to i32
      %sign3A_645 = arith.subi %sign3A_641, %sign3A_644 : i32
      %ne3A_646 = arith.cmpi ne, %sign3A_638, %sign3A_645 : i32
      %rem3A_647 = arith.remsi %while3A_629, %jit3A_630 : i32
      %ne3A_648 = arith.constant 0 : i32
      %ne3A_649 = arith.cmpi ne, %rem3A_647, %ne3A_648 : i32
      %and3A_650 = arith.andi %ne3A_646, %ne3A_649 : i1
      %sub3A_651 = arith.constant 1 : i32
      %sub3A_652 = arith.subi %div3A_631, %sub3A_651 : i32
      %select_n3A_653 = arith.select %and3A_650, %sub3A_652, %div3A_631 : i32
      %mul3A_654 = arith.constant 42 : i32
      %mul3A_655 = arith.muli %select_n3A_653, %mul3A_654 : i32
      %sub3A_656 = arith.subi %while3A_629, %mul3A_655 : i32
      %add3A_657 = arith.constant 126 : i32
      %add3A_658 = arith.addi %add3A_657, %sub3A_656 : i32
      %mul3A_659 = arith.constant 384 : i32
      %mul3A_660 = arith.muli %select_n3A_653, %mul3A_659 : i32
      %add3A_661 = arith.addi %mul3A_660, %add3A_658 : i32
      "tpu.region"() ({
        %run_scoped3A = tpu.sem_alloc : memref<!tpu.dma_semaphore, #tpu.memory_space<semaphore_mem>>
        %dma_start3A = arith.constant 32 : i32
        %dma_start3A_667 = tpu.memref_slice %arg4[%dma_start3A] : memref<50688xf32, #tpu.memory_space<vmem>> -> memref<50176xf32, #tpu.memory_space<vmem>>
        %dma_start3A_668 = arith.constant 0 : i32
        %dma_start3A_669 = tpu.memref_slice %arg2[%add3A_661, %dma_start3A_668] : memref<768x50176xf32, #tpu.memory_space<hbm>> -> memref<1x50176xf32, #tpu.memory_space<hbm>>
        %dma_start3A_670 = tpu.memref_squeeze %dma_start3A_669 : memref<1x50176xf32, #tpu.memory_space<hbm>> -> memref<50176xf32, #tpu.memory_space<hbm>>
        %dma_start3A_671 = arith.constant 32 : i32
        %dma_start3A_672 = tpu.memref_slice %arg4[%dma_start3A_671] : memref<50688xf32, #tpu.memory_space<vmem>> -> memref<50176xf32, #tpu.memory_space<vmem>>
        %dma_start3A_673 = arith.constant 0 : i32
        %dma_start3A_674 = tpu.memref_slice %arg2[%add3A_661, %dma_start3A_673] : memref<768x50176xf32, #tpu.memory_space<hbm>> -> memref<1x50176xf32, #tpu.memory_space<hbm>>
        %dma_start3A_675 = tpu.memref_squeeze %dma_start3A_674 : memref<1x50176xf32, #tpu.memory_space<hbm>> -> memref<50176xf32, #tpu.memory_space<hbm>>
        tpu.enqueue_dma source(%dma_start3A_675 : memref<50176xf32, #tpu.memory_space<hbm>>) target(%dma_start3A_672 : memref<50176xf32, #tpu.memory_space<vmem>>) target_semaphore(%run_scoped3A : memref<!tpu.dma_semaphore, #tpu.memory_space<semaphore_mem>>)
        %dma_wait3A_676 = arith.constant 32 : i32
        %dma_wait3A_677 = tpu.memref_slice %arg4[%dma_wait3A_676] : memref<50688xf32, #tpu.memory_space<vmem>> -> memref<50176xf32, #tpu.memory_space<vmem>>
        %dma_wait3A_678 = arith.constant 0 : i32
        %dma_wait3A_679 = tpu.memref_slice %arg2[%add3A_661, %dma_wait3A_678] : memref<768x50176xf32, #tpu.memory_space<hbm>> -> memref<1x50176xf32, #tpu.memory_space<hbm>>
        %dma_wait3A_680 = tpu.memref_squeeze %dma_wait3A_679 : memref<1x50176xf32, #tpu.memory_space<hbm>> -> memref<50176xf32, #tpu.memory_space<hbm>>
        %dma_wait3A_681 = arith.constant 32 : i32
        %dma_wait3A_682 = tpu.memref_slice %arg4[%dma_wait3A_681] : memref<50688xf32, #tpu.memory_space<vmem>> -> memref<50176xf32, #tpu.memory_space<vmem>>
        %dma_wait3A_683 = arith.constant 0 : i32
        %dma_wait3A_684 = tpu.memref_slice %arg2[%add3A_661, %dma_wait3A_683] : memref<768x50176xf32, #tpu.memory_space<hbm>> -> memref<1x50176xf32, #tpu.memory_space<hbm>>
        %dma_wait3A_685 = tpu.memref_squeeze %dma_wait3A_684 : memref<1x50176xf32, #tpu.memory_space<hbm>> -> memref<50176xf32, #tpu.memory_space<hbm>>
        tpu.wait_dma2 semaphore(%run_scoped3A : memref<!tpu.dma_semaphore, #tpu.memory_space<semaphore_mem>>) src(%dma_wait3A_685 : memref<50176xf32, #tpu.memory_space<hbm>>) dst(%dma_wait3A_682 : memref<50176xf32, #tpu.memory_space<vmem>>)
        tpu.yield
      }) : () -> ()
      %scan3A = arith.constant 0 : i32
      %scan3A_662 = arith.constant 0 : i32
      %scan3A_663 = arith.constant 14 : i32
      %scan3A_664 = arith.addi %scan3A_662, %scan3A_663 : i32
      %scan3A_665 = arith.constant 1 : i32
      scf.for %scan3A_667 = %scan3A_662 to %scan3A_664 step %scan3A_665  : i32 {
        %mul3A_668 = arith.constant 16 : i32
        %mul3A_669 = arith.muli %scan3A_667, %mul3A_668 : i32
        %add3A_670 = arith.constant 50208 : i32
        %add3A_671 = arith.addi %add3A_670, %mul3A_669 : i32
        %swap3A = arith.index_cast %add3A_671 : i32 to index
        %swap3A_672 = tpu.vector_load %arg4[%swap3A] {strides = array<i32>} : memref<50688xf32, #tpu.memory_space<vmem>>, vector<16xf32>,
        %swap3A_673 = vector.shape_cast %swap3A_672 : vector<16xf32> to vector<16xf32>
        %swap3A_674 = vector.shape_cast %broadcast_in_dim3A_1 : vector<16xf32> to vector<16xf32>
        tpu.vector_store %arg4[%swap3A], %swap3A_674 {strides = array<i32>} : memref<50688xf32, #tpu.memory_space<vmem>>, vector<16xf32>,
      }
      %scan3A_666 = arith.constant 14 : i32
      "tpu.region"() ({
        %run_scoped3A = tpu.sem_alloc : memref<!tpu.dma_semaphore, #tpu.memory_space<semaphore_mem>>
        %dma_start3A = arith.constant 256 : i32
        %dma_start3A_667 = tpu.memref_slice %arg4[%dma_start3A] : memref<50688xf32, #tpu.memory_space<vmem>> -> memref<50176xf32, #tpu.memory_space<vmem>>
        %dma_start3A_668 = arith.constant 0 : i32
        %dma_start3A_669 = tpu.memref_slice %arg3[%add3A_661, %dma_start3A_668] : memref<768x50176xf32, #tpu.memory_space<hbm>> -> memref<1x50176xf32, #tpu.memory_space<hbm>>
        %dma_start3A_670 = tpu.memref_squeeze %dma_start3A_669 : memref<1x50176xf32, #tpu.memory_space<hbm>> -> memref<50176xf32, #tpu.memory_space<hbm>>
        %dma_start3A_671 = arith.constant 0 : i32
        %dma_start3A_672 = tpu.memref_slice %arg3[%add3A_661, %dma_start3A_671] : memref<768x50176xf32, #tpu.memory_space<hbm>> -> memref<1x50176xf32, #tpu.memory_space<hbm>>
        %dma_start3A_673 = tpu.memref_squeeze %dma_start3A_672 : memref<1x50176xf32, #tpu.memory_space<hbm>> -> memref<50176xf32, #tpu.memory_space<hbm>>
        %dma_start3A_674 = arith.constant 256 : i32
        %dma_start3A_675 = tpu.memref_slice %arg4[%dma_start3A_674] : memref<50688xf32, #tpu.memory_space<vmem>> -> memref<50176xf32, #tpu.memory_space<vmem>>
        tpu.enqueue_dma source(%dma_start3A_675 : memref<50176xf32, #tpu.memory_space<vmem>>) target(%dma_start3A_673 : memref<50176xf32, #tpu.memory_space<hbm>>) target_semaphore(%run_scoped3A : memref<!tpu.dma_semaphore, #tpu.memory_space<semaphore_mem>>)
        %dma_wait3A_676 = arith.constant 256 : i32
        %dma_wait3A_677 = tpu.memref_slice %arg4[%dma_wait3A_676] : memref<50688xf32, #tpu.memory_space<vmem>> -> memref<50176xf32, #tpu.memory_space<vmem>>
        %dma_wait3A_678 = arith.constant 0 : i32
        %dma_wait3A_679 = tpu.memref_slice %arg3[%add3A_661, %dma_wait3A_678] : memref<768x50176xf32, #tpu.memory_space<hbm>> -> memref<1x50176xf32, #tpu.memory_space<hbm>>
        %dma_wait3A_680 = tpu.memref_squeeze %dma_wait3A_679 : memref<1x50176xf32, #tpu.memory_space<hbm>> -> memref<50176xf32, #tpu.memory_space<hbm>>
        %dma_wait3A_681 = arith.constant 0 : i32
        %dma_wait3A_682 = tpu.memref_slice %arg3[%add3A_661, %dma_wait3A_681] : memref<768x50176xf32, #tpu.memory_space<hbm>> -> memref<1x50176xf32, #tpu.memory_space<hbm>>
        %dma_wait3A_683 = tpu.memref_squeeze %dma_wait3A_682 : memref<1x50176xf32, #tpu.memory_space<hbm>> -> memref<50176xf32, #tpu.memory_space<hbm>>
        %dma_wait3A_684 = arith.constant 256 : i32
        %dma_wait3A_685 = tpu.memref_slice %arg4[%dma_wait3A_684] : memref<50688xf32, #tpu.memory_space<vmem>> -> memref<50176xf32, #tpu.memory_space<vmem>>
        tpu.wait_dma2 semaphore(%run_scoped3A : memref<!tpu.dma_semaphore, #tpu.memory_space<semaphore_mem>>) src(%dma_wait3A_685 : memref<50176xf32, #tpu.memory_space<vmem>>) dst(%dma_wait3A_683 : memref<50176xf32, #tpu.memory_space<hbm>>)
        tpu.yield
      }) : () -> ()
    }
    %while3A_118 = arith.constant 1 : i32
    scf.for %while3A_629 = %while3A_116 to %while3A_112 step %while3A_118  : i32 {
      %jit3A_630 = arith.constant 42 : i32
      %div3A_631 = arith.divsi %while3A_629, %jit3A_630 : i32
      %sign3A_632 = arith.constant 0 : i32
      %sign3A_633 = arith.cmpi sgt, %while3A_629, %sign3A_632 : i32
      %sign3A_634 = arith.extui %sign3A_633 : i1 to i32
      %sign3A_635 = arith.constant 0 : i32
      %sign3A_636 = arith.cmpi slt, %while3A_629, %sign3A_635 : i32
      %sign3A_637 = arith.extui %sign3A_636 : i1 to i32
      %sign3A_638 = arith.subi %sign3A_634, %sign3A_637 : i32
      %sign3A_639 = arith.constant 0 : i32
      %sign3A_640 = arith.cmpi sgt, %jit3A_630, %sign3A_639 : i32
      %sign3A_641 = arith.extui %sign3A_640 : i1 to i32
      %sign3A_642 = arith.constant 0 : i32
      %sign3A_643 = arith.cmpi slt, %jit3A_630, %sign3A_642 : i32
      %sign3A_644 = arith.extui %sign3A_643 : i1 to i32
      %sign3A_645 = arith.subi %sign3A_641, %sign3A_644 : i32
      %ne3A_646 = arith.cmpi ne, %sign3A_638, %sign3A_645 : i32
      %rem3A_647 = arith.remsi %while3A_629, %jit3A_630 : i32
      %ne3A_648 = arith.constant 0 : i32
      %ne3A_649 = arith.cmpi ne, %rem3A_647, %ne3A_648 : i32
      %and3A_650 = arith.andi %ne3A_646, %ne3A_649 : i1
      %sub3A_651 = arith.constant 1 : i32
      %sub3A_652 = arith.subi %div3A_631, %sub3A_651 : i32
      %select_n3A_653 = arith.select %and3A_650, %sub3A_652, %div3A_631 : i32
      %mul3A_654 = arith.constant 42 : i32
      %mul3A_655 = arith.muli %select_n3A_653, %mul3A_654 : i32
      %sub3A_656 = arith.subi %while3A_629, %mul3A_655 : i32
      %add3A_657 = arith.constant 126 : i32
      %add3A_658 = arith.addi %add3A_657, %sub3A_656 : i32
      %mul3A_659 = arith.constant 384 : i32
      %mul3A_660 = arith.muli %select_n3A_653, %mul3A_659 : i32
      %add3A_661 = arith.addi %mul3A_660, %add3A_658 : i32
      "tpu.region"() ({
        %run_scoped3A = tpu.sem_alloc : memref<!tpu.dma_semaphore, #tpu.memory_space<semaphore_mem>>
        %dma_start3A = arith.constant 32 : i32
        %dma_start3A_667 = tpu.memref_slice %arg4[%dma_start3A] : memref<50688xf32, #tpu.memory_space<vmem>> -> memref<50176xf32, #tpu.memory_space<vmem>>
        %dma_start3A_668 = arith.constant 0 : i32
        %dma_start3A_669 = tpu.memref_slice %arg2[%add3A_661, %dma_start3A_668] : memref<768x50176xf32, #tpu.memory_space<hbm>> -> memref<1x50176xf32, #tpu.memory_space<hbm>>
        %dma_start3A_670 = tpu.memref_squeeze %dma_start3A_669 : memref<1x50176xf32, #tpu.memory_space<hbm>> -> memref<50176xf32, #tpu.memory_space<hbm>>
        %dma_start3A_671 = arith.constant 32 : i32
        %dma_start3A_672 = tpu.memref_slice %arg4[%dma_start3A_671] : memref<50688xf32, #tpu.memory_space<vmem>> -> memref<50176xf32, #tpu.memory_space<vmem>>
        %dma_start3A_673 = arith.constant 0 : i32
        %dma_start3A_674 = tpu.memref_slice %arg2[%add3A_661, %dma_start3A_673] : memref<768x50176xf32, #tpu.memory_space<hbm>> -> memref<1x50176xf32, #tpu.memory_space<hbm>>
        %dma_start3A_675 = tpu.memref_squeeze %dma_start3A_674 : memref<1x50176xf32, #tpu.memory_space<hbm>> -> memref<50176xf32, #tpu.memory_space<hbm>>
        tpu.enqueue_dma source(%dma_start3A_675 : memref<50176xf32, #tpu.memory_space<hbm>>) target(%dma_start3A_672 : memref<50176xf32, #tpu.memory_space<vmem>>) target_semaphore(%run_scoped3A : memref<!tpu.dma_semaphore, #tpu.memory_space<semaphore_mem>>)
        %dma_wait3A_676 = arith.constant 32 : i32
        %dma_wait3A_677 = tpu.memref_slice %arg4[%dma_wait3A_676] : memref<50688xf32, #tpu.memory_space<vmem>> -> memref<50176xf32, #tpu.memory_space<vmem>>
        %dma_wait3A_678 = arith.constant 0 : i32
        %dma_wait3A_679 = tpu.memref_slice %arg2[%add3A_661, %dma_wait3A_678] : memref<768x50176xf32, #tpu.memory_space<hbm>> -> memref<1x50176xf32, #tpu.memory_space<hbm>>
        %dma_wait3A_680 = tpu.memref_squeeze %dma_wait3A_679 : memref<1x50176xf32, #tpu.memory_space<hbm>> -> memref<50176xf32, #tpu.memory_space<hbm>>
        %dma_wait3A_681 = arith.constant 32 : i32
        %dma_wait3A_682 = tpu.memref_slice %arg4[%dma_wait3A_681] : memref<50688xf32, #tpu.memory_space<vmem>> -> memref<50176xf32, #tpu.memory_space<vmem>>
        %dma_wait3A_683 = arith.constant 0 : i32
        %dma_wait3A_684 = tpu.memref_slice %arg2[%add3A_661, %dma_wait3A_683] : memref<768x50176xf32, #tpu.memory_space<hbm>> -> memref<1x50176xf32, #tpu.memory_space<hbm>>
        %dma_wait3A_685 = tpu.memref_squeeze %dma_wait3A_684 : memref<1x50176xf32, #tpu.memory_space<hbm>> -> memref<50176xf32, #tpu.memory_space<hbm>>
        tpu.wait_dma2 semaphore(%run_scoped3A : memref<!tpu.dma_semaphore, #tpu.memory_space<semaphore_mem>>) src(%dma_wait3A_685 : memref<50176xf32, #tpu.memory_space<hbm>>) dst(%dma_wait3A_682 : memref<50176xf32, #tpu.memory_space<vmem>>)
        tpu.yield
      }) : () -> ()
      %scan3A = arith.constant 0 : i32
      %scan3A_662 = arith.constant 0 : i32
      %scan3A_663 = arith.constant 14 : i32
      %scan3A_664 = arith.addi %scan3A_662, %scan3A_663 : i32
      %scan3A_665 = arith.constant 1 : i32
      scf.for %scan3A_667 = %scan3A_662 to %scan3A_664 step %scan3A_665  : i32 {
        %mul3A_668 = arith.constant 16 : i32
        %mul3A_669 = arith.muli %scan3A_667, %mul3A_668 : i32
        %add3A_670 = arith.constant 50208 : i32
        %add3A_671 = arith.addi %add3A_670, %mul3A_669 : i32
        %swap3A = arith.index_cast %add3A_671 : i32 to index
        %swap3A_672 = tpu.vector_load %arg4[%swap3A] {strides = array<i32>} : memref<50688xf32, #tpu.memory_space<vmem>>, vector<16xf32>,
        %swap3A_673 = vector.shape_cast %swap3A_672 : vector<16xf32> to vector<16xf32>
        %swap3A_674 = vector.shape_cast %broadcast_in_dim3A_1 : vector<16xf32> to vector<16xf32>
        tpu.vector_store %arg4[%swap3A], %swap3A_674 {strides = array<i32>} : memref<50688xf32, #tpu.memory_space<vmem>>, vector<16xf32>,
      }
      %scan3A_666 = arith.constant 14 : i32
      "tpu.region"() ({
        %run_scoped3A = tpu.sem_alloc : memref<!tpu.dma_semaphore, #tpu.memory_space<semaphore_mem>>
        %dma_start3A = arith.constant 256 : i32
        %dma_start3A_667 = tpu.memref_slice %arg4[%dma_start3A] : memref<50688xf32, #tpu.memory_space<vmem>> -> memref<50176xf32, #tpu.memory_space<vmem>>
        %dma_start3A_668 = arith.constant 0 : i32
        %dma_start3A_669 = tpu.memref_slice %arg3[%add3A_661, %dma_start3A_668] : memref<768x50176xf32, #tpu.memory_space<hbm>> -> memref<1x50176xf32, #tpu.memory_space<hbm>>
        %dma_start3A_670 = tpu.memref_squeeze %dma_start3A_669 : memref<1x50176xf32, #tpu.memory_space<hbm>> -> memref<50176xf32, #tpu.memory_space<hbm>>
        %dma_start3A_671 = arith.constant 0 : i32
        %dma_start3A_672 = tpu.memref_slice %arg3[%add3A_661, %dma_start3A_671] : memref<768x50176xf32, #tpu.memory_space<hbm>> -> memref<1x50176xf32, #tpu.memory_space<hbm>>
        %dma_start3A_673 = tpu.memref_squeeze %dma_start3A_672 : memref<1x50176xf32, #tpu.memory_space<hbm>> -> memref<50176xf32, #tpu.memory_space<hbm>>
        %dma_start3A_674 = arith.constant 256 : i32
        %dma_start3A_675 = tpu.memref_slice %arg4[%dma_start3A_674] : memref<50688xf32, #tpu.memory_space<vmem>> -> memref<50176xf32, #tpu.memory_space<vmem>>
        tpu.enqueue_dma source(%dma_start3A_675 : memref<50176xf32, #tpu.memory_space<vmem>>) target(%dma_start3A_673 : memref<50176xf32, #tpu.memory_space<hbm>>) target_semaphore(%run_scoped3A : memref<!tpu.dma_semaphore, #tpu.memory_space<semaphore_mem>>)
        %dma_wait3A_676 = arith.constant 256 : i32
        %dma_wait3A_677 = tpu.memref_slice %arg4[%dma_wait3A_676] : memref<50688xf32, #tpu.memory_space<vmem>> -> memref<50176xf32, #tpu.memory_space<vmem>>
        %dma_wait3A_678 = arith.constant 0 : i32
        %dma_wait3A_679 = tpu.memref_slice %arg3[%add3A_661, %dma_wait3A_678] : memref<768x50176xf32, #tpu.memory_space<hbm>> -> memref<1x50176xf32, #tpu.memory_space<hbm>>
        %dma_wait3A_680 = tpu.memref_squeeze %dma_wait3A_679 : memref<1x50176xf32, #tpu.memory_space<hbm>> -> memref<50176xf32, #tpu.memory_space<hbm>>
        %dma_wait3A_681 = arith.constant 0 : i32
        %dma_wait3A_682 = tpu.memref_slice %arg3[%add3A_661, %dma_wait3A_681] : memref<768x50176xf32, #tpu.memory_space<hbm>> -> memref<1x50176xf32, #tpu.memory_space<hbm>>
        %dma_wait3A_683 = tpu.memref_squeeze %dma_wait3A_682 : memref<1x50176xf32, #tpu.memory_space<hbm>> -> memref<50176xf32, #tpu.memory_space<hbm>>
        %dma_wait3A_684 = arith.constant 256 : i32
        %dma_wait3A_685 = tpu.memref_slice %arg4[%dma_wait3A_684] : memref<50688xf32, #tpu.memory_space<vmem>> -> memref<50176xf32, #tpu.memory_space<vmem>>
        tpu.wait_dma2 semaphore(%run_scoped3A : memref<!tpu.dma_semaphore, #tpu.memory_space<semaphore_mem>>) src(%dma_wait3A_685 : memref<50176xf32, #tpu.memory_space<vmem>>) dst(%dma_wait3A_683 : memref<50176xf32, #tpu.memory_space<hbm>>)
        tpu.yield
      }) : () -> ()
    }
    %mul3A_119 = arith.constant 84 : i32
    %mul3A_120 = arith.muli %add3A, %mul3A_119 : i32
    %jit3A_121 = arith.constant 32 : i32
    %div3A_122 = arith.divsi %mul3A_120, %jit3A_121 : i32
    %sign3A_123 = arith.constant 0 : i32
    %sign3A_124 = arith.cmpi sgt, %mul3A_120, %sign3A_123 : i32
    %sign3A_125 = arith.extui %sign3A_124 : i1 to i32
    %sign3A_126 = arith.constant 0 : i32
    %sign3A_127 = arith.cmpi slt, %mul3A_120, %sign3A_126 : i32
    %sign3A_128 = arith.extui %sign3A_127 : i1 to i32
    %sign3A_129 = arith.subi %sign3A_125, %sign3A_128 : i32
    %sign3A_130 = arith.constant 0 : i32
    %sign3A_131 = arith.cmpi sgt, %jit3A_121, %sign3A_130 : i32
    %sign3A_132 = arith.extui %sign3A_131 : i1 to i32
    %sign3A_133 = arith.constant 0 : i32
    %sign3A_134 = arith.cmpi slt, %jit3A_121, %sign3A_133 : i32
    %sign3A_135 = arith.extui %sign3A_134 : i1 to i32
    %sign3A_136 = arith.subi %sign3A_132, %sign3A_135 : i32
    %ne3A_137 = arith.cmpi ne, %sign3A_129, %sign3A_136 : i32
    %rem3A_138 = arith.remsi %mul3A_120, %jit3A_121 : i32
    %ne3A_139 = arith.constant 0 : i32
    %ne3A_140 = arith.cmpi ne, %rem3A_138, %ne3A_139 : i32
    %and3A_141 = arith.andi %ne3A_137, %ne3A_140 : i1
    %sub3A_142 = arith.constant 1 : i32
    %sub3A_143 = arith.subi %div3A_122, %sub3A_142 : i32
    %select_n3A_144 = arith.select %and3A_141, %sub3A_143, %div3A_122 : i32
    %add3A_145 = arith.constant 1 : i32
    %add3A_146 = arith.addi %add3A, %add3A_145 : i32
    %mul3A_147 = arith.constant 84 : i32
    %mul3A_148 = arith.muli %add3A_146, %mul3A_147 : i32
    %jit3A_149 = arith.constant 32 : i32
    %div3A_150 = arith.divsi %mul3A_148, %jit3A_149 : i32
    %sign3A_151 = arith.constant 0 : i32
    %sign3A_152 = arith.cmpi sgt, %mul3A_148, %sign3A_151 : i32
    %sign3A_153 = arith.extui %sign3A_152 : i1 to i32
    %sign3A_154 = arith.constant 0 : i32
    %sign3A_155 = arith.cmpi slt, %mul3A_148, %sign3A_154 : i32
    %sign3A_156 = arith.extui %sign3A_155 : i1 to i32
    %sign3A_157 = arith.subi %sign3A_153, %sign3A_156 : i32
    %sign3A_158 = arith.constant 0 : i32
    %sign3A_159 = arith.cmpi sgt, %jit3A_149, %sign3A_158 : i32
    %sign3A_160 = arith.extui %sign3A_159 : i1 to i32
    %sign3A_161 = arith.constant 0 : i32
    %sign3A_162 = arith.cmpi slt, %jit3A_149, %sign3A_161 : i32
    %sign3A_163 = arith.extui %sign3A_162 : i1 to i32
    %sign3A_164 = arith.subi %sign3A_160, %sign3A_163 : i32
    %ne3A_165 = arith.cmpi ne, %sign3A_157, %sign3A_164 : i32
    %rem3A_166 = arith.remsi %mul3A_148, %jit3A_149 : i32
    %ne3A_167 = arith.constant 0 : i32
    %ne3A_168 = arith.cmpi ne, %rem3A_166, %ne3A_167 : i32
    %and3A_169 = arith.andi %ne3A_165, %ne3A_168 : i1
    %sub3A_170 = arith.constant 1 : i32
    %sub3A_171 = arith.subi %div3A_150, %sub3A_170 : i32
    %select_n3A_172 = arith.select %and3A_169, %sub3A_171, %div3A_150 : i32
    %while3A_173 = arith.constant 0 : i32
    %while3A_174 = arith.subi %select_n3A_172, %select_n3A_144 : i32
    %while3A_175 = arith.addi %select_n3A_144, %while3A_174 : i32
    %while3A_176 = arith.constant 1 : i32
    %while3A_177 = arith.divsi %while3A_174, %while3A_176 : i32
    %while3A_178 = arith.muli %while3A_177, %while3A_176 : i32
    %while3A_179 = arith.addi %select_n3A_144, %while3A_178 : i32
    %while3A_180 = arith.constant 1 : i32
    scf.for %while3A_629 = %select_n3A_144 to %while3A_179 step %while3A_180  : i32 {
      %jit3A_630 = arith.constant 42 : i32
      %div3A_631 = arith.divsi %while3A_629, %jit3A_630 : i32
      %sign3A_632 = arith.constant 0 : i32
      %sign3A_633 = arith.cmpi sgt, %while3A_629, %sign3A_632 : i32
      %sign3A_634 = arith.extui %sign3A_633 : i1 to i32
      %sign3A_635 = arith.constant 0 : i32
      %sign3A_636 = arith.cmpi slt, %while3A_629, %sign3A_635 : i32
      %sign3A_637 = arith.extui %sign3A_636 : i1 to i32
      %sign3A_638 = arith.subi %sign3A_634, %sign3A_637 : i32
      %sign3A_639 = arith.constant 0 : i32
      %sign3A_640 = arith.cmpi sgt, %jit3A_630, %sign3A_639 : i32
      %sign3A_641 = arith.extui %sign3A_640 : i1 to i32
      %sign3A_642 = arith.constant 0 : i32
      %sign3A_643 = arith.cmpi slt, %jit3A_630, %sign3A_642 : i32
      %sign3A_644 = arith.extui %sign3A_643 : i1 to i32
      %sign3A_645 = arith.subi %sign3A_641, %sign3A_644 : i32
      %ne3A_646 = arith.cmpi ne, %sign3A_638, %sign3A_645 : i32
      %rem3A_647 = arith.remsi %while3A_629, %jit3A_630 : i32
      %ne3A_648 = arith.constant 0 : i32
      %ne3A_649 = arith.cmpi ne, %rem3A_647, %ne3A_648 : i32
      %and3A_650 = arith.andi %ne3A_646, %ne3A_649 : i1
      %sub3A_651 = arith.constant 1 : i32
      %sub3A_652 = arith.subi %div3A_631, %sub3A_651 : i32
      %select_n3A_653 = arith.select %and3A_650, %sub3A_652, %div3A_631 : i32
      %mul3A_654 = arith.constant 42 : i32
      %mul3A_655 = arith.muli %select_n3A_653, %mul3A_654 : i32
      %sub3A_656 = arith.subi %while3A_629, %mul3A_655 : i32
      %add3A_657 = arith.constant 168 : i32
      %add3A_658 = arith.addi %add3A_657, %sub3A_656 : i32
      %mul3A_659 = arith.constant 384 : i32
      %mul3A_660 = arith.muli %select_n3A_653, %mul3A_659 : i32
      %add3A_661 = arith.addi %mul3A_660, %add3A_658 : i32
      "tpu.region"() ({
        %run_scoped3A = tpu.sem_alloc : memref<!tpu.dma_semaphore, #tpu.memory_space<semaphore_mem>>
        %dma_start3A = arith.constant 480 : i32
        %dma_start3A_667 = tpu.memref_slice %arg4[%dma_start3A] : memref<50688xf32, #tpu.memory_space<vmem>> -> memref<50176xf32, #tpu.memory_space<vmem>>
        %dma_start3A_668 = arith.constant 0 : i32
        %dma_start3A_669 = tpu.memref_slice %arg2[%add3A_661, %dma_start3A_668] : memref<768x50176xf32, #tpu.memory_space<hbm>> -> memref<1x50176xf32, #tpu.memory_space<hbm>>
        %dma_start3A_670 = tpu.memref_squeeze %dma_start3A_669 : memref<1x50176xf32, #tpu.memory_space<hbm>> -> memref<50176xf32, #tpu.memory_space<hbm>>
        %dma_start3A_671 = arith.constant 480 : i32
        %dma_start3A_672 = tpu.memref_slice %arg4[%dma_start3A_671] : memref<50688xf32, #tpu.memory_space<vmem>> -> memref<50176xf32, #tpu.memory_space<vmem>>
        %dma_start3A_673 = arith.constant 0 : i32
        %dma_start3A_674 = tpu.memref_slice %arg2[%add3A_661, %dma_start3A_673] : memref<768x50176xf32, #tpu.memory_space<hbm>> -> memref<1x50176xf32, #tpu.memory_space<hbm>>
        %dma_start3A_675 = tpu.memref_squeeze %dma_start3A_674 : memref<1x50176xf32, #tpu.memory_space<hbm>> -> memref<50176xf32, #tpu.memory_space<hbm>>
        tpu.enqueue_dma source(%dma_start3A_675 : memref<50176xf32, #tpu.memory_space<hbm>>) target(%dma_start3A_672 : memref<50176xf32, #tpu.memory_space<vmem>>) target_semaphore(%run_scoped3A : memref<!tpu.dma_semaphore, #tpu.memory_space<semaphore_mem>>)
        %dma_wait3A_676 = arith.constant 480 : i32
        %dma_wait3A_677 = tpu.memref_slice %arg4[%dma_wait3A_676] : memref<50688xf32, #tpu.memory_space<vmem>> -> memref<50176xf32, #tpu.memory_space<vmem>>
        %dma_wait3A_678 = arith.constant 0 : i32
        %dma_wait3A_679 = tpu.memref_slice %arg2[%add3A_661, %dma_wait3A_678] : memref<768x50176xf32, #tpu.memory_space<hbm>> -> memref<1x50176xf32, #tpu.memory_space<hbm>>
        %dma_wait3A_680 = tpu.memref_squeeze %dma_wait3A_679 : memref<1x50176xf32, #tpu.memory_space<hbm>> -> memref<50176xf32, #tpu.memory_space<hbm>>
        %dma_wait3A_681 = arith.constant 480 : i32
        %dma_wait3A_682 = tpu.memref_slice %arg4[%dma_wait3A_681] : memref<50688xf32, #tpu.memory_space<vmem>> -> memref<50176xf32, #tpu.memory_space<vmem>>
        %dma_wait3A_683 = arith.constant 0 : i32
        %dma_wait3A_684 = tpu.memref_slice %arg2[%add3A_661, %dma_wait3A_683] : memref<768x50176xf32, #tpu.memory_space<hbm>> -> memref<1x50176xf32, #tpu.memory_space<hbm>>
        %dma_wait3A_685 = tpu.memref_squeeze %dma_wait3A_684 : memref<1x50176xf32, #tpu.memory_space<hbm>> -> memref<50176xf32, #tpu.memory_space<hbm>>
        tpu.wait_dma2 semaphore(%run_scoped3A : memref<!tpu.dma_semaphore, #tpu.memory_space<semaphore_mem>>) src(%dma_wait3A_685 : memref<50176xf32, #tpu.memory_space<hbm>>) dst(%dma_wait3A_682 : memref<50176xf32, #tpu.memory_space<vmem>>)
        tpu.yield
      }) : () -> ()
      %scan3A = arith.constant 0 : i32
      %scan3A_662 = arith.constant 0 : i32
      %scan3A_663 = arith.constant 14 : i32
      %scan3A_664 = arith.addi %scan3A_662, %scan3A_663 : i32
      %scan3A_665 = arith.constant 1 : i32
      scf.for %scan3A_667 = %scan3A_662 to %scan3A_664 step %scan3A_665  : i32 {
        %mul3A_668 = arith.constant 16 : i32
        %mul3A_669 = arith.muli %scan3A_667, %mul3A_668 : i32
        %add3A_670 = arith.constant 256 : i32
        %add3A_671 = arith.addi %add3A_670, %mul3A_669 : i32
        %swap3A = arith.index_cast %add3A_671 : i32 to index
        %swap3A_672 = tpu.vector_load %arg4[%swap3A] {strides = array<i32>} : memref<50688xf32, #tpu.memory_space<vmem>>, vector<16xf32>,
        %swap3A_673 = vector.shape_cast %swap3A_672 : vector<16xf32> to vector<16xf32>
        %swap3A_674 = vector.shape_cast %broadcast_in_dim3A_1 : vector<16xf32> to vector<16xf32>
        tpu.vector_store %arg4[%swap3A], %swap3A_674 {strides = array<i32>} : memref<50688xf32, #tpu.memory_space<vmem>>, vector<16xf32>,
      }
      %scan3A_666 = arith.constant 14 : i32
      "tpu.region"() ({
        %run_scoped3A = tpu.sem_alloc : memref<!tpu.dma_semaphore, #tpu.memory_space<semaphore_mem>>
        %dma_start3A = arith.constant 256 : i32
        %dma_start3A_667 = tpu.memref_slice %arg4[%dma_start3A] : memref<50688xf32, #tpu.memory_space<vmem>> -> memref<50176xf32, #tpu.memory_space<vmem>>
        %dma_start3A_668 = arith.constant 0 : i32
        %dma_start3A_669 = tpu.memref_slice %arg3[%add3A_661, %dma_start3A_668] : memref<768x50176xf32, #tpu.memory_space<hbm>> -> memref<1x50176xf32, #tpu.memory_space<hbm>>
        %dma_start3A_670 = tpu.memref_squeeze %dma_start3A_669 : memref<1x50176xf32, #tpu.memory_space<hbm>> -> memref<50176xf32, #tpu.memory_space<hbm>>
        %dma_start3A_671 = arith.constant 0 : i32
        %dma_start3A_672 = tpu.memref_slice %arg3[%add3A_661, %dma_start3A_671] : memref<768x50176xf32, #tpu.memory_space<hbm>> -> memref<1x50176xf32, #tpu.memory_space<hbm>>
        %dma_start3A_673 = tpu.memref_squeeze %dma_start3A_672 : memref<1x50176xf32, #tpu.memory_space<hbm>> -> memref<50176xf32, #tpu.memory_space<hbm>>
        %dma_start3A_674 = arith.constant 256 : i32
        %dma_start3A_675 = tpu.memref_slice %arg4[%dma_start3A_674] : memref<50688xf32, #tpu.memory_space<vmem>> -> memref<50176xf32, #tpu.memory_space<vmem>>
        tpu.enqueue_dma source(%dma_start3A_675 : memref<50176xf32, #tpu.memory_space<vmem>>) target(%dma_start3A_673 : memref<50176xf32, #tpu.memory_space<hbm>>) target_semaphore(%run_scoped3A : memref<!tpu.dma_semaphore, #tpu.memory_space<semaphore_mem>>)
        %dma_wait3A_676 = arith.constant 256 : i32
        %dma_wait3A_677 = tpu.memref_slice %arg4[%dma_wait3A_676] : memref<50688xf32, #tpu.memory_space<vmem>> -> memref<50176xf32, #tpu.memory_space<vmem>>
        %dma_wait3A_678 = arith.constant 0 : i32
        %dma_wait3A_679 = tpu.memref_slice %arg3[%add3A_661, %dma_wait3A_678] : memref<768x50176xf32, #tpu.memory_space<hbm>> -> memref<1x50176xf32, #tpu.memory_space<hbm>>
        %dma_wait3A_680 = tpu.memref_squeeze %dma_wait3A_679 : memref<1x50176xf32, #tpu.memory_space<hbm>> -> memref<50176xf32, #tpu.memory_space<hbm>>
        %dma_wait3A_681 = arith.constant 0 : i32
        %dma_wait3A_682 = tpu.memref_slice %arg3[%add3A_661, %dma_wait3A_681] : memref<768x50176xf32, #tpu.memory_space<hbm>> -> memref<1x50176xf32, #tpu.memory_space<hbm>>
        %dma_wait3A_683 = tpu.memref_squeeze %dma_wait3A_682 : memref<1x50176xf32, #tpu.memory_space<hbm>> -> memref<50176xf32, #tpu.memory_space<hbm>>
        %dma_wait3A_684 = arith.constant 256 : i32
        %dma_wait3A_685 = tpu.memref_slice %arg4[%dma_wait3A_684] : memref<50688xf32, #tpu.memory_space<vmem>> -> memref<50176xf32, #tpu.memory_space<vmem>>
        tpu.wait_dma2 semaphore(%run_scoped3A : memref<!tpu.dma_semaphore, #tpu.memory_space<semaphore_mem>>) src(%dma_wait3A_685 : memref<50176xf32, #tpu.memory_space<vmem>>) dst(%dma_wait3A_683 : memref<50176xf32, #tpu.memory_space<hbm>>)
        tpu.yield
      }) : () -> ()
    }
    %while3A_181 = arith.constant 1 : i32
    scf.for %while3A_629 = %while3A_179 to %while3A_175 step %while3A_181  : i32 {
      %jit3A_630 = arith.constant 42 : i32
      %div3A_631 = arith.divsi %while3A_629, %jit3A_630 : i32
      %sign3A_632 = arith.constant 0 : i32
      %sign3A_633 = arith.cmpi sgt, %while3A_629, %sign3A_632 : i32
      %sign3A_634 = arith.extui %sign3A_633 : i1 to i32
      %sign3A_635 = arith.constant 0 : i32
      %sign3A_636 = arith.cmpi slt, %while3A_629, %sign3A_635 : i32
      %sign3A_637 = arith.extui %sign3A_636 : i1 to i32
      %sign3A_638 = arith.subi %sign3A_634, %sign3A_637 : i32
      %sign3A_639 = arith.constant 0 : i32
      %sign3A_640 = arith.cmpi sgt, %jit3A_630, %sign3A_639 : i32
      %sign3A_641 = arith.extui %sign3A_640 : i1 to i32
      %sign3A_642 = arith.constant 0 : i32
      %sign3A_643 = arith.cmpi slt, %jit3A_630, %sign3A_642 : i32
      %sign3A_644 = arith.extui %sign3A_643 : i1 to i32
      %sign3A_645 = arith.subi %sign3A_641, %sign3A_644 : i32
      %ne3A_646 = arith.cmpi ne, %sign3A_638, %sign3A_645 : i32
      %rem3A_647 = arith.remsi %while3A_629, %jit3A_630 : i32
      %ne3A_648 = arith.constant 0 : i32
      %ne3A_649 = arith.cmpi ne, %rem3A_647, %ne3A_648 : i32
      %and3A_650 = arith.andi %ne3A_646, %ne3A_649 : i1
      %sub3A_651 = arith.constant 1 : i32
      %sub3A_652 = arith.subi %div3A_631, %sub3A_651 : i32
      %select_n3A_653 = arith.select %and3A_650, %sub3A_652, %div3A_631 : i32
      %mul3A_654 = arith.constant 42 : i32
      %mul3A_655 = arith.muli %select_n3A_653, %mul3A_654 : i32
      %sub3A_656 = arith.subi %while3A_629, %mul3A_655 : i32
      %add3A_657 = arith.constant 168 : i32
      %add3A_658 = arith.addi %add3A_657, %sub3A_656 : i32
      %mul3A_659 = arith.constant 384 : i32
      %mul3A_660 = arith.muli %select_n3A_653, %mul3A_659 : i32
      %add3A_661 = arith.addi %mul3A_660, %add3A_658 : i32
      "tpu.region"() ({
        %run_scoped3A = tpu.sem_alloc : memref<!tpu.dma_semaphore, #tpu.memory_space<semaphore_mem>>
        %dma_start3A = arith.constant 480 : i32
        %dma_start3A_667 = tpu.memref_slice %arg4[%dma_start3A] : memref<50688xf32, #tpu.memory_space<vmem>> -> memref<50176xf32, #tpu.memory_space<vmem>>
        %dma_start3A_668 = arith.constant 0 : i32
        %dma_start3A_669 = tpu.memref_slice %arg2[%add3A_661, %dma_start3A_668] : memref<768x50176xf32, #tpu.memory_space<hbm>> -> memref<1x50176xf32, #tpu.memory_space<hbm>>
        %dma_start3A_670 = tpu.memref_squeeze %dma_start3A_669 : memref<1x50176xf32, #tpu.memory_space<hbm>> -> memref<50176xf32, #tpu.memory_space<hbm>>
        %dma_start3A_671 = arith.constant 480 : i32
        %dma_start3A_672 = tpu.memref_slice %arg4[%dma_start3A_671] : memref<50688xf32, #tpu.memory_space<vmem>> -> memref<50176xf32, #tpu.memory_space<vmem>>
        %dma_start3A_673 = arith.constant 0 : i32
        %dma_start3A_674 = tpu.memref_slice %arg2[%add3A_661, %dma_start3A_673] : memref<768x50176xf32, #tpu.memory_space<hbm>> -> memref<1x50176xf32, #tpu.memory_space<hbm>>
        %dma_start3A_675 = tpu.memref_squeeze %dma_start3A_674 : memref<1x50176xf32, #tpu.memory_space<hbm>> -> memref<50176xf32, #tpu.memory_space<hbm>>
        tpu.enqueue_dma source(%dma_start3A_675 : memref<50176xf32, #tpu.memory_space<hbm>>) target(%dma_start3A_672 : memref<50176xf32, #tpu.memory_space<vmem>>) target_semaphore(%run_scoped3A : memref<!tpu.dma_semaphore, #tpu.memory_space<semaphore_mem>>)
        %dma_wait3A_676 = arith.constant 480 : i32
        %dma_wait3A_677 = tpu.memref_slice %arg4[%dma_wait3A_676] : memref<50688xf32, #tpu.memory_space<vmem>> -> memref<50176xf32, #tpu.memory_space<vmem>>
        %dma_wait3A_678 = arith.constant 0 : i32
        %dma_wait3A_679 = tpu.memref_slice %arg2[%add3A_661, %dma_wait3A_678] : memref<768x50176xf32, #tpu.memory_space<hbm>> -> memref<1x50176xf32, #tpu.memory_space<hbm>>
        %dma_wait3A_680 = tpu.memref_squeeze %dma_wait3A_679 : memref<1x50176xf32, #tpu.memory_space<hbm>> -> memref<50176xf32, #tpu.memory_space<hbm>>
        %dma_wait3A_681 = arith.constant 480 : i32
        %dma_wait3A_682 = tpu.memref_slice %arg4[%dma_wait3A_681] : memref<50688xf32, #tpu.memory_space<vmem>> -> memref<50176xf32, #tpu.memory_space<vmem>>
        %dma_wait3A_683 = arith.constant 0 : i32
        %dma_wait3A_684 = tpu.memref_slice %arg2[%add3A_661, %dma_wait3A_683] : memref<768x50176xf32, #tpu.memory_space<hbm>> -> memref<1x50176xf32, #tpu.memory_space<hbm>>
        %dma_wait3A_685 = tpu.memref_squeeze %dma_wait3A_684 : memref<1x50176xf32, #tpu.memory_space<hbm>> -> memref<50176xf32, #tpu.memory_space<hbm>>
        tpu.wait_dma2 semaphore(%run_scoped3A : memref<!tpu.dma_semaphore, #tpu.memory_space<semaphore_mem>>) src(%dma_wait3A_685 : memref<50176xf32, #tpu.memory_space<hbm>>) dst(%dma_wait3A_682 : memref<50176xf32, #tpu.memory_space<vmem>>)
        tpu.yield
      }) : () -> ()
      %scan3A = arith.constant 0 : i32
      %scan3A_662 = arith.constant 0 : i32
      %scan3A_663 = arith.constant 14 : i32
      %scan3A_664 = arith.addi %scan3A_662, %scan3A_663 : i32
      %scan3A_665 = arith.constant 1 : i32
      scf.for %scan3A_667 = %scan3A_662 to %scan3A_664 step %scan3A_665  : i32 {
        %mul3A_668 = arith.constant 16 : i32
        %mul3A_669 = arith.muli %scan3A_667, %mul3A_668 : i32
        %add3A_670 = arith.constant 256 : i32
        %add3A_671 = arith.addi %add3A_670, %mul3A_669 : i32
        %swap3A = arith.index_cast %add3A_671 : i32 to index
        %swap3A_672 = tpu.vector_load %arg4[%swap3A] {strides = array<i32>} : memref<50688xf32, #tpu.memory_space<vmem>>, vector<16xf32>,
        %swap3A_673 = vector.shape_cast %swap3A_672 : vector<16xf32> to vector<16xf32>
        %swap3A_674 = vector.shape_cast %broadcast_in_dim3A_1 : vector<16xf32> to vector<16xf32>
        tpu.vector_store %arg4[%swap3A], %swap3A_674 {strides = array<i32>} : memref<50688xf32, #tpu.memory_space<vmem>>, vector<16xf32>,
      }
      %scan3A_666 = arith.constant 14 : i32
      "tpu.region"() ({
        %run_scoped3A = tpu.sem_alloc : memref<!tpu.dma_semaphore, #tpu.memory_space<semaphore_mem>>
        %dma_start3A = arith.constant 256 : i32
        %dma_start3A_667 = tpu.memref_slice %arg4[%dma_start3A] : memref<50688xf32, #tpu.memory_space<vmem>> -> memref<50176xf32, #tpu.memory_space<vmem>>
        %dma_start3A_668 = arith.constant 0 : i32
        %dma_start3A_669 = tpu.memref_slice %arg3[%add3A_661, %dma_start3A_668] : memref<768x50176xf32, #tpu.memory_space<hbm>> -> memref<1x50176xf32, #tpu.memory_space<hbm>>
        %dma_start3A_670 = tpu.memref_squeeze %dma_start3A_669 : memref<1x50176xf32, #tpu.memory_space<hbm>> -> memref<50176xf32, #tpu.memory_space<hbm>>
        %dma_start3A_671 = arith.constant 0 : i32
        %dma_start3A_672 = tpu.memref_slice %arg3[%add3A_661, %dma_start3A_671] : memref<768x50176xf32, #tpu.memory_space<hbm>> -> memref<1x50176xf32, #tpu.memory_space<hbm>>
        %dma_start3A_673 = tpu.memref_squeeze %dma_start3A_672 : memref<1x50176xf32, #tpu.memory_space<hbm>> -> memref<50176xf32, #tpu.memory_space<hbm>>
        %dma_start3A_674 = arith.constant 256 : i32
        %dma_start3A_675 = tpu.memref_slice %arg4[%dma_start3A_674] : memref<50688xf32, #tpu.memory_space<vmem>> -> memref<50176xf32, #tpu.memory_space<vmem>>
        tpu.enqueue_dma source(%dma_start3A_675 : memref<50176xf32, #tpu.memory_space<vmem>>) target(%dma_start3A_673 : memref<50176xf32, #tpu.memory_space<hbm>>) target_semaphore(%run_scoped3A : memref<!tpu.dma_semaphore, #tpu.memory_space<semaphore_mem>>)
        %dma_wait3A_676 = arith.constant 256 : i32
        %dma_wait3A_677 = tpu.memref_slice %arg4[%dma_wait3A_676] : memref<50688xf32, #tpu.memory_space<vmem>> -> memref<50176xf32, #tpu.memory_space<vmem>>
        %dma_wait3A_678 = arith.constant 0 : i32
        %dma_wait3A_679 = tpu.memref_slice %arg3[%add3A_661, %dma_wait3A_678] : memref<768x50176xf32, #tpu.memory_space<hbm>> -> memref<1x50176xf32, #tpu.memory_space<hbm>>
        %dma_wait3A_680 = tpu.memref_squeeze %dma_wait3A_679 : memref<1x50176xf32, #tpu.memory_space<hbm>> -> memref<50176xf32, #tpu.memory_space<hbm>>
        %dma_wait3A_681 = arith.constant 0 : i32
        %dma_wait3A_682 = tpu.memref_slice %arg3[%add3A_661, %dma_wait3A_681] : memref<768x50176xf32, #tpu.memory_space<hbm>> -> memref<1x50176xf32, #tpu.memory_space<hbm>>
        %dma_wait3A_683 = tpu.memref_squeeze %dma_wait3A_682 : memref<1x50176xf32, #tpu.memory_space<hbm>> -> memref<50176xf32, #tpu.memory_space<hbm>>
        %dma_wait3A_684 = arith.constant 256 : i32
        %dma_wait3A_685 = tpu.memref_slice %arg4[%dma_wait3A_684] : memref<50688xf32, #tpu.memory_space<vmem>> -> memref<50176xf32, #tpu.memory_space<vmem>>
        tpu.wait_dma2 semaphore(%run_scoped3A : memref<!tpu.dma_semaphore, #tpu.memory_space<semaphore_mem>>) src(%dma_wait3A_685 : memref<50176xf32, #tpu.memory_space<vmem>>) dst(%dma_wait3A_683 : memref<50176xf32, #tpu.memory_space<hbm>>)
        tpu.yield
      }) : () -> ()
    }
    %mul3A_182 = arith.constant 12 : i32
    %mul3A_183 = arith.muli %add3A, %mul3A_182 : i32
    %jit3A_184 = arith.constant 32 : i32
    %div3A_185 = arith.divsi %mul3A_183, %jit3A_184 : i32
    %sign3A_186 = arith.constant 0 : i32
    %sign3A_187 = arith.cmpi sgt, %mul3A_183, %sign3A_186 : i32
    %sign3A_188 = arith.extui %sign3A_187 : i1 to i32
    %sign3A_189 = arith.constant 0 : i32
    %sign3A_190 = arith.cmpi slt, %mul3A_183, %sign3A_189 : i32
    %sign3A_191 = arith.extui %sign3A_190 : i1 to i32
    %sign3A_192 = arith.subi %sign3A_188, %sign3A_191 : i32
    %sign3A_193 = arith.constant 0 : i32
    %sign3A_194 = arith.cmpi sgt, %jit3A_184, %sign3A_193 : i32
    %sign3A_195 = arith.extui %sign3A_194 : i1 to i32
    %sign3A_196 = arith.constant 0 : i32
    %sign3A_197 = arith.cmpi slt, %jit3A_184, %sign3A_196 : i32
    %sign3A_198 = arith.extui %sign3A_197 : i1 to i32
    %sign3A_199 = arith.subi %sign3A_195, %sign3A_198 : i32
    %ne3A_200 = arith.cmpi ne, %sign3A_192, %sign3A_199 : i32
    %rem3A_201 = arith.remsi %mul3A_183, %jit3A_184 : i32
    %ne3A_202 = arith.constant 0 : i32
    %ne3A_203 = arith.cmpi ne, %rem3A_201, %ne3A_202 : i32
    %and3A_204 = arith.andi %ne3A_200, %ne3A_203 : i1
    %sub3A_205 = arith.constant 1 : i32
    %sub3A_206 = arith.subi %div3A_185, %sub3A_205 : i32
    %select_n3A_207 = arith.select %and3A_204, %sub3A_206, %div3A_185 : i32
    %add3A_208 = arith.constant 1 : i32
    %add3A_209 = arith.addi %add3A, %add3A_208 : i32
    %mul3A_210 = arith.constant 12 : i32
    %mul3A_211 = arith.muli %add3A_209, %mul3A_210 : i32
    %jit3A_212 = arith.constant 32 : i32
    %div3A_213 = arith.divsi %mul3A_211, %jit3A_212 : i32
    %sign3A_214 = arith.constant 0 : i32
    %sign3A_215 = arith.cmpi sgt, %mul3A_211, %sign3A_214 : i32
    %sign3A_216 = arith.extui %sign3A_215 : i1 to i32
    %sign3A_217 = arith.constant 0 : i32
    %sign3A_218 = arith.cmpi slt, %mul3A_211, %sign3A_217 : i32
    %sign3A_219 = arith.extui %sign3A_218 : i1 to i32
    %sign3A_220 = arith.subi %sign3A_216, %sign3A_219 : i32
    %sign3A_221 = arith.constant 0 : i32
    %sign3A_222 = arith.cmpi sgt, %jit3A_212, %sign3A_221 : i32
    %sign3A_223 = arith.extui %sign3A_222 : i1 to i32
    %sign3A_224 = arith.constant 0 : i32
    %sign3A_225 = arith.cmpi slt, %jit3A_212, %sign3A_224 : i32
    %sign3A_226 = arith.extui %sign3A_225 : i1 to i32
    %sign3A_227 = arith.subi %sign3A_223, %sign3A_226 : i32
    %ne3A_228 = arith.cmpi ne, %sign3A_220, %sign3A_227 : i32
    %rem3A_229 = arith.remsi %mul3A_211, %jit3A_212 : i32
    %ne3A_230 = arith.constant 0 : i32
    %ne3A_231 = arith.cmpi ne, %rem3A_229, %ne3A_230 : i32
    %and3A_232 = arith.andi %ne3A_228, %ne3A_231 : i1
    %sub3A_233 = arith.constant 1 : i32
    %sub3A_234 = arith.subi %div3A_213, %sub3A_233 : i32
    %select_n3A_235 = arith.select %and3A_232, %sub3A_234, %div3A_213 : i32
    %while3A_236 = arith.constant 0 : i32
    %while3A_237 = arith.subi %select_n3A_235, %select_n3A_207 : i32
    %while3A_238 = arith.addi %select_n3A_207, %while3A_237 : i32
    %while3A_239 = arith.constant 1 : i32
    %while3A_240 = arith.divsi %while3A_237, %while3A_239 : i32
    %while3A_241 = arith.muli %while3A_240, %while3A_239 : i32
    %while3A_242 = arith.addi %select_n3A_207, %while3A_241 : i32
    %while3A_243 = arith.constant 1 : i32
    scf.for %while3A_629 = %select_n3A_207 to %while3A_242 step %while3A_243  : i32 {
      %jit3A_630 = arith.constant 6 : i32
      %div3A_631 = arith.divsi %while3A_629, %jit3A_630 : i32
      %sign3A_632 = arith.constant 0 : i32
      %sign3A_633 = arith.cmpi sgt, %while3A_629, %sign3A_632 : i32
      %sign3A_634 = arith.extui %sign3A_633 : i1 to i32
      %sign3A_635 = arith.constant 0 : i32
      %sign3A_636 = arith.cmpi slt, %while3A_629, %sign3A_635 : i32
      %sign3A_637 = arith.extui %sign3A_636 : i1 to i32
      %sign3A_638 = arith.subi %sign3A_634, %sign3A_637 : i32
      %sign3A_639 = arith.constant 0 : i32
      %sign3A_640 = arith.cmpi sgt, %jit3A_630, %sign3A_639 : i32
      %sign3A_641 = arith.extui %sign3A_640 : i1 to i32
      %sign3A_642 = arith.constant 0 : i32
      %sign3A_643 = arith.cmpi slt, %jit3A_630, %sign3A_642 : i32
      %sign3A_644 = arith.extui %sign3A_643 : i1 to i32
      %sign3A_645 = arith.subi %sign3A_641, %sign3A_644 : i32
      %ne3A_646 = arith.cmpi ne, %sign3A_638, %sign3A_645 : i32
      %rem3A_647 = arith.remsi %while3A_629, %jit3A_630 : i32
      %ne3A_648 = arith.constant 0 : i32
      %ne3A_649 = arith.cmpi ne, %rem3A_647, %ne3A_648 : i32
      %and3A_650 = arith.andi %ne3A_646, %ne3A_649 : i1
      %sub3A_651 = arith.constant 1 : i32
      %sub3A_652 = arith.subi %div3A_631, %sub3A_651 : i32
      %select_n3A_653 = arith.select %and3A_650, %sub3A_652, %div3A_631 : i32
      %mul3A_654 = arith.constant 6 : i32
      %mul3A_655 = arith.muli %select_n3A_653, %mul3A_654 : i32
      %sub3A_656 = arith.subi %while3A_629, %mul3A_655 : i32
      %add3A_657 = arith.constant 378 : i32
      %add3A_658 = arith.addi %add3A_657, %sub3A_656 : i32
      %mul3A_659 = arith.constant 384 : i32
      %mul3A_660 = arith.muli %select_n3A_653, %mul3A_659 : i32
      %add3A_661 = arith.addi %mul3A_660, %add3A_658 : i32
      "tpu.region"() ({
        %run_scoped3A = tpu.sem_alloc : memref<!tpu.dma_semaphore, #tpu.memory_space<semaphore_mem>>
        %dma_start3A = arith.constant 256 : i32
        %dma_start3A_662 = tpu.memref_slice %arg4[%dma_start3A] : memref<50688xf32, #tpu.memory_space<vmem>> -> memref<50176xf32, #tpu.memory_space<vmem>>
        %dma_start3A_663 = arith.constant 0 : i32
        %dma_start3A_664 = tpu.memref_slice %arg2[%add3A_661, %dma_start3A_663] : memref<768x50176xf32, #tpu.memory_space<hbm>> -> memref<1x50176xf32, #tpu.memory_space<hbm>>
        %dma_start3A_665 = tpu.memref_squeeze %dma_start3A_664 : memref<1x50176xf32, #tpu.memory_space<hbm>> -> memref<50176xf32, #tpu.memory_space<hbm>>
        %dma_start3A_666 = arith.constant 256 : i32
        %dma_start3A_667 = tpu.memref_slice %arg4[%dma_start3A_666] : memref<50688xf32, #tpu.memory_space<vmem>> -> memref<50176xf32, #tpu.memory_space<vmem>>
        %dma_start3A_668 = arith.constant 0 : i32
        %dma_start3A_669 = tpu.memref_slice %arg2[%add3A_661, %dma_start3A_668] : memref<768x50176xf32, #tpu.memory_space<hbm>> -> memref<1x50176xf32, #tpu.memory_space<hbm>>
        %dma_start3A_670 = tpu.memref_squeeze %dma_start3A_669 : memref<1x50176xf32, #tpu.memory_space<hbm>> -> memref<50176xf32, #tpu.memory_space<hbm>>
        tpu.enqueue_dma source(%dma_start3A_670 : memref<50176xf32, #tpu.memory_space<hbm>>) target(%dma_start3A_667 : memref<50176xf32, #tpu.memory_space<vmem>>) target_semaphore(%run_scoped3A : memref<!tpu.dma_semaphore, #tpu.memory_space<semaphore_mem>>)
        %dma_wait3A_671 = arith.constant 256 : i32
        %dma_wait3A_672 = tpu.memref_slice %arg4[%dma_wait3A_671] : memref<50688xf32, #tpu.memory_space<vmem>> -> memref<50176xf32, #tpu.memory_space<vmem>>
        %dma_wait3A_673 = arith.constant 0 : i32
        %dma_wait3A_674 = tpu.memref_slice %arg2[%add3A_661, %dma_wait3A_673] : memref<768x50176xf32, #tpu.memory_space<hbm>> -> memref<1x50176xf32, #tpu.memory_space<hbm>>
        %dma_wait3A_675 = tpu.memref_squeeze %dma_wait3A_674 : memref<1x50176xf32, #tpu.memory_space<hbm>> -> memref<50176xf32, #tpu.memory_space<hbm>>
        %dma_wait3A_676 = arith.constant 256 : i32
        %dma_wait3A_677 = tpu.memref_slice %arg4[%dma_wait3A_676] : memref<50688xf32, #tpu.memory_space<vmem>> -> memref<50176xf32, #tpu.memory_space<vmem>>
        %dma_wait3A_678 = arith.constant 0 : i32
        %dma_wait3A_679 = tpu.memref_slice %arg2[%add3A_661, %dma_wait3A_678] : memref<768x50176xf32, #tpu.memory_space<hbm>> -> memref<1x50176xf32, #tpu.memory_space<hbm>>
        %dma_wait3A_680 = tpu.memref_squeeze %dma_wait3A_679 : memref<1x50176xf32, #tpu.memory_space<hbm>> -> memref<50176xf32, #tpu.memory_space<hbm>>
        tpu.wait_dma2 semaphore(%run_scoped3A : memref<!tpu.dma_semaphore, #tpu.memory_space<semaphore_mem>>) src(%dma_wait3A_680 : memref<50176xf32, #tpu.memory_space<hbm>>) dst(%dma_wait3A_677 : memref<50176xf32, #tpu.memory_space<vmem>>)
        tpu.yield
      }) : () -> ()
      "tpu.region"() ({
        %run_scoped3A = tpu.sem_alloc : memref<!tpu.dma_semaphore, #tpu.memory_space<semaphore_mem>>
        %dma_start3A = arith.constant 256 : i32
        %dma_start3A_662 = tpu.memref_slice %arg4[%dma_start3A] : memref<50688xf32, #tpu.memory_space<vmem>> -> memref<50176xf32, #tpu.memory_space<vmem>>
        %dma_start3A_663 = arith.constant 0 : i32
        %dma_start3A_664 = tpu.memref_slice %arg3[%add3A_661, %dma_start3A_663] : memref<768x50176xf32, #tpu.memory_space<hbm>> -> memref<1x50176xf32, #tpu.memory_space<hbm>>
        %dma_start3A_665 = tpu.memref_squeeze %dma_start3A_664 : memref<1x50176xf32, #tpu.memory_space<hbm>> -> memref<50176xf32, #tpu.memory_space<hbm>>
        %dma_start3A_666 = arith.constant 0 : i32
        %dma_start3A_667 = tpu.memref_slice %arg3[%add3A_661, %dma_start3A_666] : memref<768x50176xf32, #tpu.memory_space<hbm>> -> memref<1x50176xf32, #tpu.memory_space<hbm>>
        %dma_start3A_668 = tpu.memref_squeeze %dma_start3A_667 : memref<1x50176xf32, #tpu.memory_space<hbm>> -> memref<50176xf32, #tpu.memory_space<hbm>>
        %dma_start3A_669 = arith.constant 256 : i32
        %dma_start3A_670 = tpu.memref_slice %arg4[%dma_start3A_669] : memref<50688xf32, #tpu.memory_space<vmem>> -> memref<50176xf32, #tpu.memory_space<vmem>>
        tpu.enqueue_dma source(%dma_start3A_670 : memref<50176xf32, #tpu.memory_space<vmem>>) target(%dma_start3A_668 : memref<50176xf32, #tpu.memory_space<hbm>>) target_semaphore(%run_scoped3A : memref<!tpu.dma_semaphore, #tpu.memory_space<semaphore_mem>>)
        %dma_wait3A_671 = arith.constant 256 : i32
        %dma_wait3A_672 = tpu.memref_slice %arg4[%dma_wait3A_671] : memref<50688xf32, #tpu.memory_space<vmem>> -> memref<50176xf32, #tpu.memory_space<vmem>>
        %dma_wait3A_673 = arith.constant 0 : i32
        %dma_wait3A_674 = tpu.memref_slice %arg3[%add3A_661, %dma_wait3A_673] : memref<768x50176xf32, #tpu.memory_space<hbm>> -> memref<1x50176xf32, #tpu.memory_space<hbm>>
        %dma_wait3A_675 = tpu.memref_squeeze %dma_wait3A_674 : memref<1x50176xf32, #tpu.memory_space<hbm>> -> memref<50176xf32, #tpu.memory_space<hbm>>
        %dma_wait3A_676 = arith.constant 0 : i32
        %dma_wait3A_677 = tpu.memref_slice %arg3[%add3A_661, %dma_wait3A_676] : memref<768x50176xf32, #tpu.memory_space<hbm>> -> memref<1x50176xf32, #tpu.memory_space<hbm>>
        %dma_wait3A_678 = tpu.memref_squeeze %dma_wait3A_677 : memref<1x50176xf32, #tpu.memory_space<hbm>> -> memref<50176xf32, #tpu.memory_space<hbm>>
        %dma_wait3A_679 = arith.constant 256 : i32
        %dma_wait3A_680 = tpu.memref_slice %arg4[%dma_wait3A_679] : memref<50688xf32, #tpu.memory_space<vmem>> -> memref<50176xf32, #tpu.memory_space<vmem>>
        tpu.wait_dma2 semaphore(%run_scoped3A : memref<!tpu.dma_semaphore, #tpu.memory_space<semaphore_mem>>) src(%dma_wait3A_680 : memref<50176xf32, #tpu.memory_space<vmem>>) dst(%dma_wait3A_678 : memref<50176xf32, #tpu.memory_space<hbm>>)
        tpu.yield
      }) : () -> ()
    }
    %while3A_244 = arith.constant 1 : i32
    scf.for %while3A_629 = %while3A_242 to %while3A_238 step %while3A_244  : i32 {
      %jit3A_630 = arith.constant 6 : i32
      %div3A_631 = arith.divsi %while3A_629, %jit3A_630 : i32
      %sign3A_632 = arith.constant 0 : i32
      %sign3A_633 = arith.cmpi sgt, %while3A_629, %sign3A_632 : i32
      %sign3A_634 = arith.extui %sign3A_633 : i1 to i32
      %sign3A_635 = arith.constant 0 : i32
      %sign3A_636 = arith.cmpi slt, %while3A_629, %sign3A_635 : i32
      %sign3A_637 = arith.extui %sign3A_636 : i1 to i32
      %sign3A_638 = arith.subi %sign3A_634, %sign3A_637 : i32
      %sign3A_639 = arith.constant 0 : i32
      %sign3A_640 = arith.cmpi sgt, %jit3A_630, %sign3A_639 : i32
      %sign3A_641 = arith.extui %sign3A_640 : i1 to i32
      %sign3A_642 = arith.constant 0 : i32
      %sign3A_643 = arith.cmpi slt, %jit3A_630, %sign3A_642 : i32
      %sign3A_644 = arith.extui %sign3A_643 : i1 to i32
      %sign3A_645 = arith.subi %sign3A_641, %sign3A_644 : i32
      %ne3A_646 = arith.cmpi ne, %sign3A_638, %sign3A_645 : i32
      %rem3A_647 = arith.remsi %while3A_629, %jit3A_630 : i32
      %ne3A_648 = arith.constant 0 : i32
      %ne3A_649 = arith.cmpi ne, %rem3A_647, %ne3A_648 : i32
      %and3A_650 = arith.andi %ne3A_646, %ne3A_649 : i1
      %sub3A_651 = arith.constant 1 : i32
      %sub3A_652 = arith.subi %div3A_631, %sub3A_651 : i32
      %select_n3A_653 = arith.select %and3A_650, %sub3A_652, %div3A_631 : i32
      %mul3A_654 = arith.constant 6 : i32
      %mul3A_655 = arith.muli %select_n3A_653, %mul3A_654 : i32
      %sub3A_656 = arith.subi %while3A_629, %mul3A_655 : i32
      %add3A_657 = arith.constant 378 : i32
      %add3A_658 = arith.addi %add3A_657, %sub3A_656 : i32
      %mul3A_659 = arith.constant 384 : i32
      %mul3A_660 = arith.muli %select_n3A_653, %mul3A_659 : i32
      %add3A_661 = arith.addi %mul3A_660, %add3A_658 : i32
      "tpu.region"() ({
        %run_scoped3A = tpu.sem_alloc : memref<!tpu.dma_semaphore, #tpu.memory_space<semaphore_mem>>
        %dma_start3A = arith.constant 256 : i32
        %dma_start3A_662 = tpu.memref_slice %arg4[%dma_start3A] : memref<50688xf32, #tpu.memory_space<vmem>> -> memref<50176xf32, #tpu.memory_space<vmem>>
        %dma_start3A_663 = arith.constant 0 : i32
        %dma_start3A_664 = tpu.memref_slice %arg2[%add3A_661, %dma_start3A_663] : memref<768x50176xf32, #tpu.memory_space<hbm>> -> memref<1x50176xf32, #tpu.memory_space<hbm>>
        %dma_start3A_665 = tpu.memref_squeeze %dma_start3A_664 : memref<1x50176xf32, #tpu.memory_space<hbm>> -> memref<50176xf32, #tpu.memory_space<hbm>>
        %dma_start3A_666 = arith.constant 256 : i32
        %dma_start3A_667 = tpu.memref_slice %arg4[%dma_start3A_666] : memref<50688xf32, #tpu.memory_space<vmem>> -> memref<50176xf32, #tpu.memory_space<vmem>>
        %dma_start3A_668 = arith.constant 0 : i32
        %dma_start3A_669 = tpu.memref_slice %arg2[%add3A_661, %dma_start3A_668] : memref<768x50176xf32, #tpu.memory_space<hbm>> -> memref<1x50176xf32, #tpu.memory_space<hbm>>
        %dma_start3A_670 = tpu.memref_squeeze %dma_start3A_669 : memref<1x50176xf32, #tpu.memory_space<hbm>> -> memref<50176xf32, #tpu.memory_space<hbm>>
        tpu.enqueue_dma source(%dma_start3A_670 : memref<50176xf32, #tpu.memory_space<hbm>>) target(%dma_start3A_667 : memref<50176xf32, #tpu.memory_space<vmem>>) target_semaphore(%run_scoped3A : memref<!tpu.dma_semaphore, #tpu.memory_space<semaphore_mem>>)
        %dma_wait3A_671 = arith.constant 256 : i32
        %dma_wait3A_672 = tpu.memref_slice %arg4[%dma_wait3A_671] : memref<50688xf32, #tpu.memory_space<vmem>> -> memref<50176xf32, #tpu.memory_space<vmem>>
        %dma_wait3A_673 = arith.constant 0 : i32
        %dma_wait3A_674 = tpu.memref_slice %arg2[%add3A_661, %dma_wait3A_673] : memref<768x50176xf32, #tpu.memory_space<hbm>> -> memref<1x50176xf32, #tpu.memory_space<hbm>>
        %dma_wait3A_675 = tpu.memref_squeeze %dma_wait3A_674 : memref<1x50176xf32, #tpu.memory_space<hbm>> -> memref<50176xf32, #tpu.memory_space<hbm>>
        %dma_wait3A_676 = arith.constant 256 : i32
        %dma_wait3A_677 = tpu.memref_slice %arg4[%dma_wait3A_676] : memref<50688xf32, #tpu.memory_space<vmem>> -> memref<50176xf32, #tpu.memory_space<vmem>>
        %dma_wait3A_678 = arith.constant 0 : i32
        %dma_wait3A_679 = tpu.memref_slice %arg2[%add3A_661, %dma_wait3A_678] : memref<768x50176xf32, #tpu.memory_space<hbm>> -> memref<1x50176xf32, #tpu.memory_space<hbm>>
        %dma_wait3A_680 = tpu.memref_squeeze %dma_wait3A_679 : memref<1x50176xf32, #tpu.memory_space<hbm>> -> memref<50176xf32, #tpu.memory_space<hbm>>
        tpu.wait_dma2 semaphore(%run_scoped3A : memref<!tpu.dma_semaphore, #tpu.memory_space<semaphore_mem>>) src(%dma_wait3A_680 : memref<50176xf32, #tpu.memory_space<hbm>>) dst(%dma_wait3A_677 : memref<50176xf32, #tpu.memory_space<vmem>>)
        tpu.yield
      }) : () -> ()
      "tpu.region"() ({
        %run_scoped3A = tpu.sem_alloc : memref<!tpu.dma_semaphore, #tpu.memory_space<semaphore_mem>>
        %dma_start3A = arith.constant 256 : i32
        %dma_start3A_662 = tpu.memref_slice %arg4[%dma_start3A] : memref<50688xf32, #tpu.memory_space<vmem>> -> memref<50176xf32, #tpu.memory_space<vmem>>
        %dma_start3A_663 = arith.constant 0 : i32
        %dma_start3A_664 = tpu.memref_slice %arg3[%add3A_661, %dma_start3A_663] : memref<768x50176xf32, #tpu.memory_space<hbm>> -> memref<1x50176xf32, #tpu.memory_space<hbm>>
        %dma_start3A_665 = tpu.memref_squeeze %dma_start3A_664 : memref<1x50176xf32, #tpu.memory_space<hbm>> -> memref<50176xf32, #tpu.memory_space<hbm>>
        %dma_start3A_666 = arith.constant 0 : i32
        %dma_start3A_667 = tpu.memref_slice %arg3[%add3A_661, %dma_start3A_666] : memref<768x50176xf32, #tpu.memory_space<hbm>> -> memref<1x50176xf32, #tpu.memory_space<hbm>>
        %dma_start3A_668 = tpu.memref_squeeze %dma_start3A_667 : memref<1x50176xf32, #tpu.memory_space<hbm>> -> memref<50176xf32, #tpu.memory_space<hbm>>
        %dma_start3A_669 = arith.constant 256 : i32
        %dma_start3A_670 = tpu.memref_slice %arg4[%dma_start3A_669] : memref<50688xf32, #tpu.memory_space<vmem>> -> memref<50176xf32, #tpu.memory_space<vmem>>
        tpu.enqueue_dma source(%dma_start3A_670 : memref<50176xf32, #tpu.memory_space<vmem>>) target(%dma_start3A_668 : memref<50176xf32, #tpu.memory_space<hbm>>) target_semaphore(%run_scoped3A : memref<!tpu.dma_semaphore, #tpu.memory_space<semaphore_mem>>)
        %dma_wait3A_671 = arith.constant 256 : i32
        %dma_wait3A_672 = tpu.memref_slice %arg4[%dma_wait3A_671] : memref<50688xf32, #tpu.memory_space<vmem>> -> memref<50176xf32, #tpu.memory_space<vmem>>
        %dma_wait3A_673 = arith.constant 0 : i32
        %dma_wait3A_674 = tpu.memref_slice %arg3[%add3A_661, %dma_wait3A_673] : memref<768x50176xf32, #tpu.memory_space<hbm>> -> memref<1x50176xf32, #tpu.memory_space<hbm>>
        %dma_wait3A_675 = tpu.memref_squeeze %dma_wait3A_674 : memref<1x50176xf32, #tpu.memory_space<hbm>> -> memref<50176xf32, #tpu.memory_space<hbm>>
        %dma_wait3A_676 = arith.constant 0 : i32
        %dma_wait3A_677 = tpu.memref_slice %arg3[%add3A_661, %dma_wait3A_676] : memref<768x50176xf32, #tpu.memory_space<hbm>> -> memref<1x50176xf32, #tpu.memory_space<hbm>>
        %dma_wait3A_678 = tpu.memref_squeeze %dma_wait3A_677 : memref<1x50176xf32, #tpu.memory_space<hbm>> -> memref<50176xf32, #tpu.memory_space<hbm>>
        %dma_wait3A_679 = arith.constant 256 : i32
        %dma_wait3A_680 = tpu.memref_slice %arg4[%dma_wait3A_679] : memref<50688xf32, #tpu.memory_space<vmem>> -> memref<50176xf32, #tpu.memory_space<vmem>>
        tpu.wait_dma2 semaphore(%run_scoped3A : memref<!tpu.dma_semaphore, #tpu.memory_space<semaphore_mem>>) src(%dma_wait3A_680 : memref<50176xf32, #tpu.memory_space<vmem>>) dst(%dma_wait3A_678 : memref<50176xf32, #tpu.memory_space<hbm>>)
        tpu.yield
      }) : () -> ()
    }
    %mul3A_245 = arith.constant 84 : i32
    %mul3A_246 = arith.muli %add3A, %mul3A_245 : i32
    %jit3A_247 = arith.constant 32 : i32
    %div3A_248 = arith.divsi %mul3A_246, %jit3A_247 : i32
    %sign3A_249 = arith.constant 0 : i32
    %sign3A_250 = arith.cmpi sgt, %mul3A_246, %sign3A_249 : i32
    %sign3A_251 = arith.extui %sign3A_250 : i1 to i32
    %sign3A_252 = arith.constant 0 : i32
    %sign3A_253 = arith.cmpi slt, %mul3A_246, %sign3A_252 : i32
    %sign3A_254 = arith.extui %sign3A_253 : i1 to i32
    %sign3A_255 = arith.subi %sign3A_251, %sign3A_254 : i32
    %sign3A_256 = arith.constant 0 : i32
    %sign3A_257 = arith.cmpi sgt, %jit3A_247, %sign3A_256 : i32
    %sign3A_258 = arith.extui %sign3A_257 : i1 to i32
    %sign3A_259 = arith.constant 0 : i32
    %sign3A_260 = arith.cmpi slt, %jit3A_247, %sign3A_259 : i32
    %sign3A_261 = arith.extui %sign3A_260 : i1 to i32
    %sign3A_262 = arith.subi %sign3A_258, %sign3A_261 : i32
    %ne3A_263 = arith.cmpi ne, %sign3A_255, %sign3A_262 : i32
    %rem3A_264 = arith.remsi %mul3A_246, %jit3A_247 : i32
    %ne3A_265 = arith.constant 0 : i32
    %ne3A_266 = arith.cmpi ne, %rem3A_264, %ne3A_265 : i32
    %and3A_267 = arith.andi %ne3A_263, %ne3A_266 : i1
    %sub3A_268 = arith.constant 1 : i32
    %sub3A_269 = arith.subi %div3A_248, %sub3A_268 : i32
    %select_n3A_270 = arith.select %and3A_267, %sub3A_269, %div3A_248 : i32
    %add3A_271 = arith.constant 1 : i32
    %add3A_272 = arith.addi %add3A, %add3A_271 : i32
    %mul3A_273 = arith.constant 84 : i32
    %mul3A_274 = arith.muli %add3A_272, %mul3A_273 : i32
    %jit3A_275 = arith.constant 32 : i32
    %div3A_276 = arith.divsi %mul3A_274, %jit3A_275 : i32
    %sign3A_277 = arith.constant 0 : i32
    %sign3A_278 = arith.cmpi sgt, %mul3A_274, %sign3A_277 : i32
    %sign3A_279 = arith.extui %sign3A_278 : i1 to i32
    %sign3A_280 = arith.constant 0 : i32
    %sign3A_281 = arith.cmpi slt, %mul3A_274, %sign3A_280 : i32
    %sign3A_282 = arith.extui %sign3A_281 : i1 to i32
    %sign3A_283 = arith.subi %sign3A_279, %sign3A_282 : i32
    %sign3A_284 = arith.constant 0 : i32
    %sign3A_285 = arith.cmpi sgt, %jit3A_275, %sign3A_284 : i32
    %sign3A_286 = arith.extui %sign3A_285 : i1 to i32
    %sign3A_287 = arith.constant 0 : i32
    %sign3A_288 = arith.cmpi slt, %jit3A_275, %sign3A_287 : i32
    %sign3A_289 = arith.extui %sign3A_288 : i1 to i32
    %sign3A_290 = arith.subi %sign3A_286, %sign3A_289 : i32
    %ne3A_291 = arith.cmpi ne, %sign3A_283, %sign3A_290 : i32
    %rem3A_292 = arith.remsi %mul3A_274, %jit3A_275 : i32
    %ne3A_293 = arith.constant 0 : i32
    %ne3A_294 = arith.cmpi ne, %rem3A_292, %ne3A_293 : i32
    %and3A_295 = arith.andi %ne3A_291, %ne3A_294 : i1
    %sub3A_296 = arith.constant 1 : i32
    %sub3A_297 = arith.subi %div3A_276, %sub3A_296 : i32
    %select_n3A_298 = arith.select %and3A_295, %sub3A_297, %div3A_276 : i32
    %while3A_299 = arith.constant 0 : i32
    %while3A_300 = arith.subi %select_n3A_298, %select_n3A_270 : i32
    %while3A_301 = arith.addi %select_n3A_270, %while3A_300 : i32
    %while3A_302 = arith.constant 1 : i32
    %while3A_303 = arith.divsi %while3A_300, %while3A_302 : i32
    %while3A_304 = arith.muli %while3A_303, %while3A_302 : i32
    %while3A_305 = arith.addi %select_n3A_270, %while3A_304 : i32
    %while3A_306 = arith.constant 1 : i32
    scf.for %while3A_629 = %select_n3A_270 to %while3A_305 step %while3A_306  : i32 {
      %jit3A_630 = arith.constant 42 : i32
      %div3A_631 = arith.divsi %while3A_629, %jit3A_630 : i32
      %sign3A_632 = arith.constant 0 : i32
      %sign3A_633 = arith.cmpi sgt, %while3A_629, %sign3A_632 : i32
      %sign3A_634 = arith.extui %sign3A_633 : i1 to i32
      %sign3A_635 = arith.constant 0 : i32
      %sign3A_636 = arith.cmpi slt, %while3A_629, %sign3A_635 : i32
      %sign3A_637 = arith.extui %sign3A_636 : i1 to i32
      %sign3A_638 = arith.subi %sign3A_634, %sign3A_637 : i32
      %sign3A_639 = arith.constant 0 : i32
      %sign3A_640 = arith.cmpi sgt, %jit3A_630, %sign3A_639 : i32
      %sign3A_641 = arith.extui %sign3A_640 : i1 to i32
      %sign3A_642 = arith.constant 0 : i32
      %sign3A_643 = arith.cmpi slt, %jit3A_630, %sign3A_642 : i32
      %sign3A_644 = arith.extui %sign3A_643 : i1 to i32
      %sign3A_645 = arith.subi %sign3A_641, %sign3A_644 : i32
      %ne3A_646 = arith.cmpi ne, %sign3A_638, %sign3A_645 : i32
      %rem3A_647 = arith.remsi %while3A_629, %jit3A_630 : i32
      %ne3A_648 = arith.constant 0 : i32
      %ne3A_649 = arith.cmpi ne, %rem3A_647, %ne3A_648 : i32
      %and3A_650 = arith.andi %ne3A_646, %ne3A_649 : i1
      %sub3A_651 = arith.constant 1 : i32
      %sub3A_652 = arith.subi %div3A_631, %sub3A_651 : i32
      %select_n3A_653 = arith.select %and3A_650, %sub3A_652, %div3A_631 : i32
      %mul3A_654 = arith.constant 42 : i32
      %mul3A_655 = arith.muli %select_n3A_653, %mul3A_654 : i32
      %sub3A_656 = arith.subi %while3A_629, %mul3A_655 : i32
      %add3A_657 = arith.constant 42 : i32
      %add3A_658 = arith.addi %add3A_657, %sub3A_656 : i32
      %mul3A_659 = arith.constant 384 : i32
      %mul3A_660 = arith.muli %select_n3A_653, %mul3A_659 : i32
      %add3A_661 = arith.addi %mul3A_660, %add3A_658 : i32
      "tpu.region"() ({
        %run_scoped3A = tpu.sem_alloc : memref<!tpu.dma_semaphore, #tpu.memory_space<semaphore_mem>>
        %dma_start3A_675 = arith.constant 256 : i32
        %dma_start3A_676 = tpu.memref_slice %arg4[%dma_start3A_675] : memref<50688xf32, #tpu.memory_space<vmem>> -> memref<50176xf32, #tpu.memory_space<vmem>>
        %dma_start3A_677 = arith.constant 0 : i32
        %dma_start3A_678 = tpu.memref_slice %arg2[%add3A_661, %dma_start3A_677] : memref<768x50176xf32, #tpu.memory_space<hbm>> -> memref<1x50176xf32, #tpu.memory_space<hbm>>
        %dma_start3A_679 = tpu.memref_squeeze %dma_start3A_678 : memref<1x50176xf32, #tpu.memory_space<hbm>> -> memref<50176xf32, #tpu.memory_space<hbm>>
        %dma_start3A_680 = arith.constant 256 : i32
        %dma_start3A_681 = tpu.memref_slice %arg4[%dma_start3A_680] : memref<50688xf32, #tpu.memory_space<vmem>> -> memref<50176xf32, #tpu.memory_space<vmem>>
        %dma_start3A_682 = arith.constant 0 : i32
        %dma_start3A_683 = tpu.memref_slice %arg2[%add3A_661, %dma_start3A_682] : memref<768x50176xf32, #tpu.memory_space<hbm>> -> memref<1x50176xf32, #tpu.memory_space<hbm>>
        %dma_start3A_684 = tpu.memref_squeeze %dma_start3A_683 : memref<1x50176xf32, #tpu.memory_space<hbm>> -> memref<50176xf32, #tpu.memory_space<hbm>>
        tpu.enqueue_dma source(%dma_start3A_684 : memref<50176xf32, #tpu.memory_space<hbm>>) target(%dma_start3A_681 : memref<50176xf32, #tpu.memory_space<vmem>>) target_semaphore(%run_scoped3A : memref<!tpu.dma_semaphore, #tpu.memory_space<semaphore_mem>>)
        %dma_wait3A_685 = arith.constant 256 : i32
        %dma_wait3A_686 = tpu.memref_slice %arg4[%dma_wait3A_685] : memref<50688xf32, #tpu.memory_space<vmem>> -> memref<50176xf32, #tpu.memory_space<vmem>>
        %dma_wait3A_687 = arith.constant 0 : i32
        %dma_wait3A_688 = tpu.memref_slice %arg2[%add3A_661, %dma_wait3A_687] : memref<768x50176xf32, #tpu.memory_space<hbm>> -> memref<1x50176xf32, #tpu.memory_space<hbm>>
        %dma_wait3A_689 = tpu.memref_squeeze %dma_wait3A_688 : memref<1x50176xf32, #tpu.memory_space<hbm>> -> memref<50176xf32, #tpu.memory_space<hbm>>
        %dma_wait3A_690 = arith.constant 256 : i32
        %dma_wait3A_691 = tpu.memref_slice %arg4[%dma_wait3A_690] : memref<50688xf32, #tpu.memory_space<vmem>> -> memref<50176xf32, #tpu.memory_space<vmem>>
        %dma_wait3A_692 = arith.constant 0 : i32
        %dma_wait3A_693 = tpu.memref_slice %arg2[%add3A_661, %dma_wait3A_692] : memref<768x50176xf32, #tpu.memory_space<hbm>> -> memref<1x50176xf32, #tpu.memory_space<hbm>>
        %dma_wait3A_694 = tpu.memref_squeeze %dma_wait3A_693 : memref<1x50176xf32, #tpu.memory_space<hbm>> -> memref<50176xf32, #tpu.memory_space<hbm>>
        tpu.wait_dma2 semaphore(%run_scoped3A : memref<!tpu.dma_semaphore, #tpu.memory_space<semaphore_mem>>) src(%dma_wait3A_694 : memref<50176xf32, #tpu.memory_space<hbm>>) dst(%dma_wait3A_691 : memref<50176xf32, #tpu.memory_space<vmem>>)
        tpu.yield
      }) : () -> ()
      %gt3A = arith.cmpi sgt, %while3A_629, %select_n3A_270 : i32
      %convert_element_type3A = arith.extui %gt3A : i1 to i32
      %cond3A = arith.constant 0 : i32
      %cond3A_662 = arith.cmpi ne, %convert_element_type3A, %cond3A : i32
      scf.if %cond3A_662 {
        %dma_wait3A_675 = arith.constant 0 : i32
        %dma_wait3A_676 = tpu.memref_slice %arg3[%add3A_661, %dma_wait3A_675] : memref<768x50176xf32, #tpu.memory_space<hbm>> -> memref<1x50176xf32, #tpu.memory_space<hbm>>
        %dma_wait3A_677 = tpu.memref_squeeze %dma_wait3A_676 : memref<1x50176xf32, #tpu.memory_space<hbm>> -> memref<50176xf32, #tpu.memory_space<hbm>>
        %dma_wait3A_678 = arith.constant 0 : i32
        %dma_wait3A_679 = tpu.memref_slice %arg3[%add3A_661, %dma_wait3A_678] : memref<768x50176xf32, #tpu.memory_space<hbm>> -> memref<1x50176xf32, #tpu.memory_space<hbm>>
        %dma_wait3A_680 = tpu.memref_squeeze %dma_wait3A_679 : memref<1x50176xf32, #tpu.memory_space<hbm>> -> memref<50176xf32, #tpu.memory_space<hbm>>
        tpu.wait_dma2 semaphore(%arg6 : memref<!tpu.dma_semaphore, #tpu.memory_space<semaphore_mem>>) src(%arg5 : memref<50176xf32, #tpu.memory_space<vmem>>) dst(%dma_wait3A_680 : memref<50176xf32, #tpu.memory_space<hbm>>)
      } else {
      }
      %eq3A = arith.constant 15 : i32
      %eq3A_663 = vector.broadcast %eq3A : i32 to vector<16xi32>
      %eq3A_664 = arith.cmpi eq, %iota3A, %eq3A_663 : vector<16xi32>
      %scan3A = arith.constant 0 : i32
      %scan3A_665 = arith.constant 0 : i32
      %scan3A_666 = arith.constant 224 : i32
      %scan3A_667 = arith.addi %scan3A_665, %scan3A_666 : i32
      %scan3A_668 = arith.constant 1 : i32
      scf.for %scan3A_675 = %scan3A_665 to %scan3A_667 step %scan3A_668  : i32 {
        %mul3A_676 = arith.constant 224 : i32
        %mul3A_677 = arith.muli %scan3A_675, %mul3A_676 : i32
        %add3A_678 = arith.constant 257 : i32
        %add3A_679 = arith.addi %add3A_678, %mul3A_677 : i32
        %add3A_680 = arith.constant 0 : i32
        %add3A_681 = arith.addi %add3A_679, %add3A_680 : i32
        %get3A = arith.index_cast %add3A_681 : i32 to index
        %get3A_682 = tpu.vector_load %arg4[%get3A] {strides = array<i32>} : memref<50688xf32, #tpu.memory_space<vmem>>, vector<16xf32>,
        %get3A_683 = vector.shape_cast %get3A_682 : vector<16xf32> to vector<16xf32>
        %add3A_684 = arith.constant 0 : i32
        %add3A_685 = arith.addi %mul3A_677, %add3A_684 : i32
        %swap3A = arith.index_cast %add3A_685 : i32 to index
        %swap3A_686 = tpu.vector_load %arg5[%swap3A] {strides = array<i32>} : memref<50176xf32, #tpu.memory_space<vmem>>, vector<16xf32>,
        %swap3A_687 = vector.shape_cast %swap3A_686 : vector<16xf32> to vector<16xf32>
        %swap3A_688 = vector.shape_cast %get3A_683 : vector<16xf32> to vector<16xf32>
        tpu.vector_store %arg5[%swap3A], %swap3A_688 {strides = array<i32>} : memref<50176xf32, #tpu.memory_space<vmem>>, vector<16xf32>,
        %add3A_689 = arith.constant 257 : i32
        %add3A_690 = arith.addi %add3A_689, %mul3A_677 : i32
        %add3A_691 = arith.constant 16 : i32
        %add3A_692 = arith.addi %add3A_690, %add3A_691 : i32
        %get3A_693 = arith.index_cast %add3A_692 : i32 to index
        %get3A_694 = tpu.vector_load %arg4[%get3A_693] {strides = array<i32>} : memref<50688xf32, #tpu.memory_space<vmem>>, vector<16xf32>,
        %get3A_695 = vector.shape_cast %get3A_694 : vector<16xf32> to vector<16xf32>
        %add3A_696 = arith.constant 16 : i32
        %add3A_697 = arith.addi %mul3A_677, %add3A_696 : i32
        %swap3A_698 = arith.index_cast %add3A_697 : i32 to index
        %swap3A_699 = tpu.vector_load %arg5[%swap3A_698] {strides = array<i32>} : memref<50176xf32, #tpu.memory_space<vmem>>, vector<16xf32>,
        %swap3A_700 = vector.shape_cast %swap3A_699 : vector<16xf32> to vector<16xf32>
        %swap3A_701 = vector.shape_cast %get3A_695 : vector<16xf32> to vector<16xf32>
        tpu.vector_store %arg5[%swap3A_698], %swap3A_701 {strides = array<i32>} : memref<50176xf32, #tpu.memory_space<vmem>>, vector<16xf32>,
        %add3A_702 = arith.constant 257 : i32
        %add3A_703 = arith.addi %add3A_702, %mul3A_677 : i32
        %add3A_704 = arith.constant 32 : i32
        %add3A_705 = arith.addi %add3A_703, %add3A_704 : i32
        %get3A_706 = arith.index_cast %add3A_705 : i32 to index
        %get3A_707 = tpu.vector_load %arg4[%get3A_706] {strides = array<i32>} : memref<50688xf32, #tpu.memory_space<vmem>>, vector<16xf32>,
        %get3A_708 = vector.shape_cast %get3A_707 : vector<16xf32> to vector<16xf32>
        %add3A_709 = arith.constant 32 : i32
        %add3A_710 = arith.addi %mul3A_677, %add3A_709 : i32
        %swap3A_711 = arith.index_cast %add3A_710 : i32 to index
        %swap3A_712 = tpu.vector_load %arg5[%swap3A_711] {strides = array<i32>} : memref<50176xf32, #tpu.memory_space<vmem>>, vector<16xf32>,
        %swap3A_713 = vector.shape_cast %swap3A_712 : vector<16xf32> to vector<16xf32>
        %swap3A_714 = vector.shape_cast %get3A_708 : vector<16xf32> to vector<16xf32>
        tpu.vector_store %arg5[%swap3A_711], %swap3A_714 {strides = array<i32>} : memref<50176xf32, #tpu.memory_space<vmem>>, vector<16xf32>,
        %add3A_715 = arith.constant 257 : i32
        %add3A_716 = arith.addi %add3A_715, %mul3A_677 : i32
        %add3A_717 = arith.constant 48 : i32
        %add3A_718 = arith.addi %add3A_716, %add3A_717 : i32
        %get3A_719 = arith.index_cast %add3A_718 : i32 to index
        %get3A_720 = tpu.vector_load %arg4[%get3A_719] {strides = array<i32>} : memref<50688xf32, #tpu.memory_space<vmem>>, vector<16xf32>,
        %get3A_721 = vector.shape_cast %get3A_720 : vector<16xf32> to vector<16xf32>
        %add3A_722 = arith.constant 48 : i32
        %add3A_723 = arith.addi %mul3A_677, %add3A_722 : i32
        %swap3A_724 = arith.index_cast %add3A_723 : i32 to index
        %swap3A_725 = tpu.vector_load %arg5[%swap3A_724] {strides = array<i32>} : memref<50176xf32, #tpu.memory_space<vmem>>, vector<16xf32>,
        %swap3A_726 = vector.shape_cast %swap3A_725 : vector<16xf32> to vector<16xf32>
        %swap3A_727 = vector.shape_cast %get3A_721 : vector<16xf32> to vector<16xf32>
        tpu.vector_store %arg5[%swap3A_724], %swap3A_727 {strides = array<i32>} : memref<50176xf32, #tpu.memory_space<vmem>>, vector<16xf32>,
        %add3A_728 = arith.constant 257 : i32
        %add3A_729 = arith.addi %add3A_728, %mul3A_677 : i32
        %add3A_730 = arith.constant 64 : i32
        %add3A_731 = arith.addi %add3A_729, %add3A_730 : i32
        %get3A_732 = arith.index_cast %add3A_731 : i32 to index
        %get3A_733 = tpu.vector_load %arg4[%get3A_732] {strides = array<i32>} : memref<50688xf32, #tpu.memory_space<vmem>>, vector<16xf32>,
        %get3A_734 = vector.shape_cast %get3A_733 : vector<16xf32> to vector<16xf32>
        %add3A_735 = arith.constant 64 : i32
        %add3A_736 = arith.addi %mul3A_677, %add3A_735 : i32
        %swap3A_737 = arith.index_cast %add3A_736 : i32 to index
        %swap3A_738 = tpu.vector_load %arg5[%swap3A_737] {strides = array<i32>} : memref<50176xf32, #tpu.memory_space<vmem>>, vector<16xf32>,
        %swap3A_739 = vector.shape_cast %swap3A_738 : vector<16xf32> to vector<16xf32>
        %swap3A_740 = vector.shape_cast %get3A_734 : vector<16xf32> to vector<16xf32>
        tpu.vector_store %arg5[%swap3A_737], %swap3A_740 {strides = array<i32>} : memref<50176xf32, #tpu.memory_space<vmem>>, vector<16xf32>,
        %add3A_741 = arith.constant 257 : i32
        %add3A_742 = arith.addi %add3A_741, %mul3A_677 : i32
        %add3A_743 = arith.constant 80 : i32
        %add3A_744 = arith.addi %add3A_742, %add3A_743 : i32
        %get3A_745 = arith.index_cast %add3A_744 : i32 to index
        %get3A_746 = tpu.vector_load %arg4[%get3A_745] {strides = array<i32>} : memref<50688xf32, #tpu.memory_space<vmem>>, vector<16xf32>,
        %get3A_747 = vector.shape_cast %get3A_746 : vector<16xf32> to vector<16xf32>
        %add3A_748 = arith.constant 80 : i32
        %add3A_749 = arith.addi %mul3A_677, %add3A_748 : i32
        %swap3A_750 = arith.index_cast %add3A_749 : i32 to index
        %swap3A_751 = tpu.vector_load %arg5[%swap3A_750] {strides = array<i32>} : memref<50176xf32, #tpu.memory_space<vmem>>, vector<16xf32>,
        %swap3A_752 = vector.shape_cast %swap3A_751 : vector<16xf32> to vector<16xf32>
        %swap3A_753 = vector.shape_cast %get3A_747 : vector<16xf32> to vector<16xf32>
        tpu.vector_store %arg5[%swap3A_750], %swap3A_753 {strides = array<i32>} : memref<50176xf32, #tpu.memory_space<vmem>>, vector<16xf32>,
        %add3A_754 = arith.constant 257 : i32
        %add3A_755 = arith.addi %add3A_754, %mul3A_677 : i32
        %add3A_756 = arith.constant 96 : i32
        %add3A_757 = arith.addi %add3A_755, %add3A_756 : i32
        %get3A_758 = arith.index_cast %add3A_757 : i32 to index
        %get3A_759 = tpu.vector_load %arg4[%get3A_758] {strides = array<i32>} : memref<50688xf32, #tpu.memory_space<vmem>>, vector<16xf32>,
        %get3A_760 = vector.shape_cast %get3A_759 : vector<16xf32> to vector<16xf32>
        %add3A_761 = arith.constant 96 : i32
        %add3A_762 = arith.addi %mul3A_677, %add3A_761 : i32
        %swap3A_763 = arith.index_cast %add3A_762 : i32 to index
        %swap3A_764 = tpu.vector_load %arg5[%swap3A_763] {strides = array<i32>} : memref<50176xf32, #tpu.memory_space<vmem>>, vector<16xf32>,
        %swap3A_765 = vector.shape_cast %swap3A_764 : vector<16xf32> to vector<16xf32>
        %swap3A_766 = vector.shape_cast %get3A_760 : vector<16xf32> to vector<16xf32>
        tpu.vector_store %arg5[%swap3A_763], %swap3A_766 {strides = array<i32>} : memref<50176xf32, #tpu.memory_space<vmem>>, vector<16xf32>,
        %add3A_767 = arith.constant 257 : i32
        %add3A_768 = arith.addi %add3A_767, %mul3A_677 : i32
        %add3A_769 = arith.constant 112 : i32
        %add3A_770 = arith.addi %add3A_768, %add3A_769 : i32
        %get3A_771 = arith.index_cast %add3A_770 : i32 to index
        %get3A_772 = tpu.vector_load %arg4[%get3A_771] {strides = array<i32>} : memref<50688xf32, #tpu.memory_space<vmem>>, vector<16xf32>,
        %get3A_773 = vector.shape_cast %get3A_772 : vector<16xf32> to vector<16xf32>
        %add3A_774 = arith.constant 112 : i32
        %add3A_775 = arith.addi %mul3A_677, %add3A_774 : i32
        %swap3A_776 = arith.index_cast %add3A_775 : i32 to index
        %swap3A_777 = tpu.vector_load %arg5[%swap3A_776] {strides = array<i32>} : memref<50176xf32, #tpu.memory_space<vmem>>, vector<16xf32>,
        %swap3A_778 = vector.shape_cast %swap3A_777 : vector<16xf32> to vector<16xf32>
        %swap3A_779 = vector.shape_cast %get3A_773 : vector<16xf32> to vector<16xf32>
        tpu.vector_store %arg5[%swap3A_776], %swap3A_779 {strides = array<i32>} : memref<50176xf32, #tpu.memory_space<vmem>>, vector<16xf32>,
        %add3A_780 = arith.constant 257 : i32
        %add3A_781 = arith.addi %add3A_780, %mul3A_677 : i32
        %add3A_782 = arith.constant 128 : i32
        %add3A_783 = arith.addi %add3A_781, %add3A_782 : i32
        %get3A_784 = arith.index_cast %add3A_783 : i32 to index
        %get3A_785 = tpu.vector_load %arg4[%get3A_784] {strides = array<i32>} : memref<50688xf32, #tpu.memory_space<vmem>>, vector<16xf32>,
        %get3A_786 = vector.shape_cast %get3A_785 : vector<16xf32> to vector<16xf32>
        %add3A_787 = arith.constant 128 : i32
        %add3A_788 = arith.addi %mul3A_677, %add3A_787 : i32
        %swap3A_789 = arith.index_cast %add3A_788 : i32 to index
        %swap3A_790 = tpu.vector_load %arg5[%swap3A_789] {strides = array<i32>} : memref<50176xf32, #tpu.memory_space<vmem>>, vector<16xf32>,
        %swap3A_791 = vector.shape_cast %swap3A_790 : vector<16xf32> to vector<16xf32>
        %swap3A_792 = vector.shape_cast %get3A_786 : vector<16xf32> to vector<16xf32>
        tpu.vector_store %arg5[%swap3A_789], %swap3A_792 {strides = array<i32>} : memref<50176xf32, #tpu.memory_space<vmem>>, vector<16xf32>,
        %add3A_793 = arith.constant 257 : i32
        %add3A_794 = arith.addi %add3A_793, %mul3A_677 : i32
        %add3A_795 = arith.constant 144 : i32
        %add3A_796 = arith.addi %add3A_794, %add3A_795 : i32
        %get3A_797 = arith.index_cast %add3A_796 : i32 to index
        %get3A_798 = tpu.vector_load %arg4[%get3A_797] {strides = array<i32>} : memref<50688xf32, #tpu.memory_space<vmem>>, vector<16xf32>,
        %get3A_799 = vector.shape_cast %get3A_798 : vector<16xf32> to vector<16xf32>
        %add3A_800 = arith.constant 144 : i32
        %add3A_801 = arith.addi %mul3A_677, %add3A_800 : i32
        %swap3A_802 = arith.index_cast %add3A_801 : i32 to index
        %swap3A_803 = tpu.vector_load %arg5[%swap3A_802] {strides = array<i32>} : memref<50176xf32, #tpu.memory_space<vmem>>, vector<16xf32>,
        %swap3A_804 = vector.shape_cast %swap3A_803 : vector<16xf32> to vector<16xf32>
        %swap3A_805 = vector.shape_cast %get3A_799 : vector<16xf32> to vector<16xf32>
        tpu.vector_store %arg5[%swap3A_802], %swap3A_805 {strides = array<i32>} : memref<50176xf32, #tpu.memory_space<vmem>>, vector<16xf32>,
        %add3A_806 = arith.constant 257 : i32
        %add3A_807 = arith.addi %add3A_806, %mul3A_677 : i32
        %add3A_808 = arith.constant 160 : i32
        %add3A_809 = arith.addi %add3A_807, %add3A_808 : i32
        %get3A_810 = arith.index_cast %add3A_809 : i32 to index
        %get3A_811 = tpu.vector_load %arg4[%get3A_810] {strides = array<i32>} : memref<50688xf32, #tpu.memory_space<vmem>>, vector<16xf32>,
        %get3A_812 = vector.shape_cast %get3A_811 : vector<16xf32> to vector<16xf32>
        %add3A_813 = arith.constant 160 : i32
        %add3A_814 = arith.addi %mul3A_677, %add3A_813 : i32
        %swap3A_815 = arith.index_cast %add3A_814 : i32 to index
        %swap3A_816 = tpu.vector_load %arg5[%swap3A_815] {strides = array<i32>} : memref<50176xf32, #tpu.memory_space<vmem>>, vector<16xf32>,
        %swap3A_817 = vector.shape_cast %swap3A_816 : vector<16xf32> to vector<16xf32>
        %swap3A_818 = vector.shape_cast %get3A_812 : vector<16xf32> to vector<16xf32>
        tpu.vector_store %arg5[%swap3A_815], %swap3A_818 {strides = array<i32>} : memref<50176xf32, #tpu.memory_space<vmem>>, vector<16xf32>,
        %add3A_819 = arith.constant 257 : i32
        %add3A_820 = arith.addi %add3A_819, %mul3A_677 : i32
        %add3A_821 = arith.constant 176 : i32
        %add3A_822 = arith.addi %add3A_820, %add3A_821 : i32
        %get3A_823 = arith.index_cast %add3A_822 : i32 to index
        %get3A_824 = tpu.vector_load %arg4[%get3A_823] {strides = array<i32>} : memref<50688xf32, #tpu.memory_space<vmem>>, vector<16xf32>,
        %get3A_825 = vector.shape_cast %get3A_824 : vector<16xf32> to vector<16xf32>
        %add3A_826 = arith.constant 176 : i32
        %add3A_827 = arith.addi %mul3A_677, %add3A_826 : i32
        %swap3A_828 = arith.index_cast %add3A_827 : i32 to index
        %swap3A_829 = tpu.vector_load %arg5[%swap3A_828] {strides = array<i32>} : memref<50176xf32, #tpu.memory_space<vmem>>, vector<16xf32>,
        %swap3A_830 = vector.shape_cast %swap3A_829 : vector<16xf32> to vector<16xf32>
        %swap3A_831 = vector.shape_cast %get3A_825 : vector<16xf32> to vector<16xf32>
        tpu.vector_store %arg5[%swap3A_828], %swap3A_831 {strides = array<i32>} : memref<50176xf32, #tpu.memory_space<vmem>>, vector<16xf32>,
        %add3A_832 = arith.constant 257 : i32
        %add3A_833 = arith.addi %add3A_832, %mul3A_677 : i32
        %add3A_834 = arith.constant 192 : i32
        %add3A_835 = arith.addi %add3A_833, %add3A_834 : i32
        %get3A_836 = arith.index_cast %add3A_835 : i32 to index
        %get3A_837 = tpu.vector_load %arg4[%get3A_836] {strides = array<i32>} : memref<50688xf32, #tpu.memory_space<vmem>>, vector<16xf32>,
        %get3A_838 = vector.shape_cast %get3A_837 : vector<16xf32> to vector<16xf32>
        %add3A_839 = arith.constant 192 : i32
        %add3A_840 = arith.addi %mul3A_677, %add3A_839 : i32
        %swap3A_841 = arith.index_cast %add3A_840 : i32 to index
        %swap3A_842 = tpu.vector_load %arg5[%swap3A_841] {strides = array<i32>} : memref<50176xf32, #tpu.memory_space<vmem>>, vector<16xf32>,
        %swap3A_843 = vector.shape_cast %swap3A_842 : vector<16xf32> to vector<16xf32>
        %swap3A_844 = vector.shape_cast %get3A_838 : vector<16xf32> to vector<16xf32>
        tpu.vector_store %arg5[%swap3A_841], %swap3A_844 {strides = array<i32>} : memref<50176xf32, #tpu.memory_space<vmem>>, vector<16xf32>,
        %add3A_845 = arith.constant 257 : i32
        %add3A_846 = arith.addi %add3A_845, %mul3A_677 : i32
        %add3A_847 = arith.constant 208 : i32
        %add3A_848 = arith.addi %add3A_846, %add3A_847 : i32
        %get3A_849 = arith.index_cast %add3A_848 : i32 to index
        %get3A_850 = tpu.vector_load %arg4[%get3A_849] {strides = array<i32>} : memref<50688xf32, #tpu.memory_space<vmem>>, vector<16xf32>,
        %get3A_851 = vector.shape_cast %get3A_850 : vector<16xf32> to vector<16xf32>
        %jit3A_852 = arith.constant 0.000000e+00 : f32
        %broadcast_in_dim3A_853 = vector.broadcast %jit3A_852 : f32 to vector<16xf32>
        %select_n3A_854 = arith.select %eq3A_664, %broadcast_in_dim3A_853, %get3A_851 : vector<16xi1>, vector<16xf32>
        %add3A_855 = arith.constant 208 : i32
        %add3A_856 = arith.addi %mul3A_677, %add3A_855 : i32
        %swap3A_857 = arith.index_cast %add3A_856 : i32 to index
        %swap3A_858 = tpu.vector_load %arg5[%swap3A_857] {strides = array<i32>} : memref<50176xf32, #tpu.memory_space<vmem>>, vector<16xf32>,
        %swap3A_859 = vector.shape_cast %swap3A_858 : vector<16xf32> to vector<16xf32>
        %swap3A_860 = vector.shape_cast %select_n3A_854 : vector<16xf32> to vector<16xf32>
        tpu.vector_store %arg5[%swap3A_857], %swap3A_860 {strides = array<i32>} : memref<50176xf32, #tpu.memory_space<vmem>>, vector<16xf32>,
      }
      %scan3A_669 = arith.constant 224 : i32
      %dma_start3A = arith.constant 0 : i32
      %dma_start3A_670 = tpu.memref_slice %arg3[%add3A_661, %dma_start3A] : memref<768x50176xf32, #tpu.memory_space<hbm>> -> memref<1x50176xf32, #tpu.memory_space<hbm>>
      %dma_start3A_671 = tpu.memref_squeeze %dma_start3A_670 : memref<1x50176xf32, #tpu.memory_space<hbm>> -> memref<50176xf32, #tpu.memory_space<hbm>>
      %dma_start3A_672 = arith.constant 0 : i32
      %dma_start3A_673 = tpu.memref_slice %arg3[%add3A_661, %dma_start3A_672] : memref<768x50176xf32, #tpu.memory_space<hbm>> -> memref<1x50176xf32, #tpu.memory_space<hbm>>
      %dma_start3A_674 = tpu.memref_squeeze %dma_start3A_673 : memref<1x50176xf32, #tpu.memory_space<hbm>> -> memref<50176xf32, #tpu.memory_space<hbm>>
      tpu.enqueue_dma source(%arg5 : memref<50176xf32, #tpu.memory_space<vmem>>) target(%dma_start3A_674 : memref<50176xf32, #tpu.memory_space<hbm>>) target_semaphore(%arg6 : memref<!tpu.dma_semaphore, #tpu.memory_space<semaphore_mem>>)
    }
    %while3A_307 = arith.constant 1 : i32
    scf.for %while3A_629 = %while3A_305 to %while3A_301 step %while3A_307  : i32 {
      %jit3A_630 = arith.constant 42 : i32
      %div3A_631 = arith.divsi %while3A_629, %jit3A_630 : i32
      %sign3A_632 = arith.constant 0 : i32
      %sign3A_633 = arith.cmpi sgt, %while3A_629, %sign3A_632 : i32
      %sign3A_634 = arith.extui %sign3A_633 : i1 to i32
      %sign3A_635 = arith.constant 0 : i32
      %sign3A_636 = arith.cmpi slt, %while3A_629, %sign3A_635 : i32
      %sign3A_637 = arith.extui %sign3A_636 : i1 to i32
      %sign3A_638 = arith.subi %sign3A_634, %sign3A_637 : i32
      %sign3A_639 = arith.constant 0 : i32
      %sign3A_640 = arith.cmpi sgt, %jit3A_630, %sign3A_639 : i32
      %sign3A_641 = arith.extui %sign3A_640 : i1 to i32
      %sign3A_642 = arith.constant 0 : i32
      %sign3A_643 = arith.cmpi slt, %jit3A_630, %sign3A_642 : i32
      %sign3A_644 = arith.extui %sign3A_643 : i1 to i32
      %sign3A_645 = arith.subi %sign3A_641, %sign3A_644 : i32
      %ne3A_646 = arith.cmpi ne, %sign3A_638, %sign3A_645 : i32
      %rem3A_647 = arith.remsi %while3A_629, %jit3A_630 : i32
      %ne3A_648 = arith.constant 0 : i32
      %ne3A_649 = arith.cmpi ne, %rem3A_647, %ne3A_648 : i32
      %and3A_650 = arith.andi %ne3A_646, %ne3A_649 : i1
      %sub3A_651 = arith.constant 1 : i32
      %sub3A_652 = arith.subi %div3A_631, %sub3A_651 : i32
      %select_n3A_653 = arith.select %and3A_650, %sub3A_652, %div3A_631 : i32
      %mul3A_654 = arith.constant 42 : i32
      %mul3A_655 = arith.muli %select_n3A_653, %mul3A_654 : i32
      %sub3A_656 = arith.subi %while3A_629, %mul3A_655 : i32
      %add3A_657 = arith.constant 42 : i32
      %add3A_658 = arith.addi %add3A_657, %sub3A_656 : i32
      %mul3A_659 = arith.constant 384 : i32
      %mul3A_660 = arith.muli %select_n3A_653, %mul3A_659 : i32
      %add3A_661 = arith.addi %mul3A_660, %add3A_658 : i32
      "tpu.region"() ({
        %run_scoped3A = tpu.sem_alloc : memref<!tpu.dma_semaphore, #tpu.memory_space<semaphore_mem>>
        %dma_start3A_675 = arith.constant 256 : i32
        %dma_start3A_676 = tpu.memref_slice %arg4[%dma_start3A_675] : memref<50688xf32, #tpu.memory_space<vmem>> -> memref<50176xf32, #tpu.memory_space<vmem>>
        %dma_start3A_677 = arith.constant 0 : i32
        %dma_start3A_678 = tpu.memref_slice %arg2[%add3A_661, %dma_start3A_677] : memref<768x50176xf32, #tpu.memory_space<hbm>> -> memref<1x50176xf32, #tpu.memory_space<hbm>>
        %dma_start3A_679 = tpu.memref_squeeze %dma_start3A_678 : memref<1x50176xf32, #tpu.memory_space<hbm>> -> memref<50176xf32, #tpu.memory_space<hbm>>
        %dma_start3A_680 = arith.constant 256 : i32
        %dma_start3A_681 = tpu.memref_slice %arg4[%dma_start3A_680] : memref<50688xf32, #tpu.memory_space<vmem>> -> memref<50176xf32, #tpu.memory_space<vmem>>
        %dma_start3A_682 = arith.constant 0 : i32
        %dma_start3A_683 = tpu.memref_slice %arg2[%add3A_661, %dma_start3A_682] : memref<768x50176xf32, #tpu.memory_space<hbm>> -> memref<1x50176xf32, #tpu.memory_space<hbm>>
        %dma_start3A_684 = tpu.memref_squeeze %dma_start3A_683 : memref<1x50176xf32, #tpu.memory_space<hbm>> -> memref<50176xf32, #tpu.memory_space<hbm>>
        tpu.enqueue_dma source(%dma_start3A_684 : memref<50176xf32, #tpu.memory_space<hbm>>) target(%dma_start3A_681 : memref<50176xf32, #tpu.memory_space<vmem>>) target_semaphore(%run_scoped3A : memref<!tpu.dma_semaphore, #tpu.memory_space<semaphore_mem>>)
        %dma_wait3A_685 = arith.constant 256 : i32
        %dma_wait3A_686 = tpu.memref_slice %arg4[%dma_wait3A_685] : memref<50688xf32, #tpu.memory_space<vmem>> -> memref<50176xf32, #tpu.memory_space<vmem>>
        %dma_wait3A_687 = arith.constant 0 : i32
        %dma_wait3A_688 = tpu.memref_slice %arg2[%add3A_661, %dma_wait3A_687] : memref<768x50176xf32, #tpu.memory_space<hbm>> -> memref<1x50176xf32, #tpu.memory_space<hbm>>
        %dma_wait3A_689 = tpu.memref_squeeze %dma_wait3A_688 : memref<1x50176xf32, #tpu.memory_space<hbm>> -> memref<50176xf32, #tpu.memory_space<hbm>>
        %dma_wait3A_690 = arith.constant 256 : i32
        %dma_wait3A_691 = tpu.memref_slice %arg4[%dma_wait3A_690] : memref<50688xf32, #tpu.memory_space<vmem>> -> memref<50176xf32, #tpu.memory_space<vmem>>
        %dma_wait3A_692 = arith.constant 0 : i32
        %dma_wait3A_693 = tpu.memref_slice %arg2[%add3A_661, %dma_wait3A_692] : memref<768x50176xf32, #tpu.memory_space<hbm>> -> memref<1x50176xf32, #tpu.memory_space<hbm>>
        %dma_wait3A_694 = tpu.memref_squeeze %dma_wait3A_693 : memref<1x50176xf32, #tpu.memory_space<hbm>> -> memref<50176xf32, #tpu.memory_space<hbm>>
        tpu.wait_dma2 semaphore(%run_scoped3A : memref<!tpu.dma_semaphore, #tpu.memory_space<semaphore_mem>>) src(%dma_wait3A_694 : memref<50176xf32, #tpu.memory_space<hbm>>) dst(%dma_wait3A_691 : memref<50176xf32, #tpu.memory_space<vmem>>)
        tpu.yield
      }) : () -> ()
      %gt3A = arith.cmpi sgt, %while3A_629, %select_n3A_270 : i32
      %convert_element_type3A = arith.extui %gt3A : i1 to i32
      %cond3A = arith.constant 0 : i32
      %cond3A_662 = arith.cmpi ne, %convert_element_type3A, %cond3A : i32
      scf.if %cond3A_662 {
        %dma_wait3A_675 = arith.constant 0 : i32
        %dma_wait3A_676 = tpu.memref_slice %arg3[%add3A_661, %dma_wait3A_675] : memref<768x50176xf32, #tpu.memory_space<hbm>> -> memref<1x50176xf32, #tpu.memory_space<hbm>>
        %dma_wait3A_677 = tpu.memref_squeeze %dma_wait3A_676 : memref<1x50176xf32, #tpu.memory_space<hbm>> -> memref<50176xf32, #tpu.memory_space<hbm>>
        %dma_wait3A_678 = arith.constant 0 : i32
        %dma_wait3A_679 = tpu.memref_slice %arg3[%add3A_661, %dma_wait3A_678] : memref<768x50176xf32, #tpu.memory_space<hbm>> -> memref<1x50176xf32, #tpu.memory_space<hbm>>
        %dma_wait3A_680 = tpu.memref_squeeze %dma_wait3A_679 : memref<1x50176xf32, #tpu.memory_space<hbm>> -> memref<50176xf32, #tpu.memory_space<hbm>>
        tpu.wait_dma2 semaphore(%arg6 : memref<!tpu.dma_semaphore, #tpu.memory_space<semaphore_mem>>) src(%arg5 : memref<50176xf32, #tpu.memory_space<vmem>>) dst(%dma_wait3A_680 : memref<50176xf32, #tpu.memory_space<hbm>>)
      } else {
      }
      %eq3A = arith.constant 15 : i32
      %eq3A_663 = vector.broadcast %eq3A : i32 to vector<16xi32>
      %eq3A_664 = arith.cmpi eq, %iota3A, %eq3A_663 : vector<16xi32>
      %scan3A = arith.constant 0 : i32
      %scan3A_665 = arith.constant 0 : i32
      %scan3A_666 = arith.constant 224 : i32
      %scan3A_667 = arith.addi %scan3A_665, %scan3A_666 : i32
      %scan3A_668 = arith.constant 1 : i32
      scf.for %scan3A_675 = %scan3A_665 to %scan3A_667 step %scan3A_668  : i32 {
        %mul3A_676 = arith.constant 224 : i32
        %mul3A_677 = arith.muli %scan3A_675, %mul3A_676 : i32
        %add3A_678 = arith.constant 257 : i32
        %add3A_679 = arith.addi %add3A_678, %mul3A_677 : i32
        %add3A_680 = arith.constant 0 : i32
        %add3A_681 = arith.addi %add3A_679, %add3A_680 : i32
        %get3A = arith.index_cast %add3A_681 : i32 to index
        %get3A_682 = tpu.vector_load %arg4[%get3A] {strides = array<i32>} : memref<50688xf32, #tpu.memory_space<vmem>>, vector<16xf32>,
        %get3A_683 = vector.shape_cast %get3A_682 : vector<16xf32> to vector<16xf32>
        %add3A_684 = arith.constant 0 : i32
        %add3A_685 = arith.addi %mul3A_677, %add3A_684 : i32
        %swap3A = arith.index_cast %add3A_685 : i32 to index
        %swap3A_686 = tpu.vector_load %arg5[%swap3A] {strides = array<i32>} : memref<50176xf32, #tpu.memory_space<vmem>>, vector<16xf32>,
        %swap3A_687 = vector.shape_cast %swap3A_686 : vector<16xf32> to vector<16xf32>
        %swap3A_688 = vector.shape_cast %get3A_683 : vector<16xf32> to vector<16xf32>
        tpu.vector_store %arg5[%swap3A], %swap3A_688 {strides = array<i32>} : memref<50176xf32, #tpu.memory_space<vmem>>, vector<16xf32>,
        %add3A_689 = arith.constant 257 : i32
        %add3A_690 = arith.addi %add3A_689, %mul3A_677 : i32
        %add3A_691 = arith.constant 16 : i32
        %add3A_692 = arith.addi %add3A_690, %add3A_691 : i32
        %get3A_693 = arith.index_cast %add3A_692 : i32 to index
        %get3A_694 = tpu.vector_load %arg4[%get3A_693] {strides = array<i32>} : memref<50688xf32, #tpu.memory_space<vmem>>, vector<16xf32>,
        %get3A_695 = vector.shape_cast %get3A_694 : vector<16xf32> to vector<16xf32>
        %add3A_696 = arith.constant 16 : i32
        %add3A_697 = arith.addi %mul3A_677, %add3A_696 : i32
        %swap3A_698 = arith.index_cast %add3A_697 : i32 to index
        %swap3A_699 = tpu.vector_load %arg5[%swap3A_698] {strides = array<i32>} : memref<50176xf32, #tpu.memory_space<vmem>>, vector<16xf32>,
        %swap3A_700 = vector.shape_cast %swap3A_699 : vector<16xf32> to vector<16xf32>
        %swap3A_701 = vector.shape_cast %get3A_695 : vector<16xf32> to vector<16xf32>
        tpu.vector_store %arg5[%swap3A_698], %swap3A_701 {strides = array<i32>} : memref<50176xf32, #tpu.memory_space<vmem>>, vector<16xf32>,
        %add3A_702 = arith.constant 257 : i32
        %add3A_703 = arith.addi %add3A_702, %mul3A_677 : i32
        %add3A_704 = arith.constant 32 : i32
        %add3A_705 = arith.addi %add3A_703, %add3A_704 : i32
        %get3A_706 = arith.index_cast %add3A_705 : i32 to index
        %get3A_707 = tpu.vector_load %arg4[%get3A_706] {strides = array<i32>} : memref<50688xf32, #tpu.memory_space<vmem>>, vector<16xf32>,
        %get3A_708 = vector.shape_cast %get3A_707 : vector<16xf32> to vector<16xf32>
        %add3A_709 = arith.constant 32 : i32
        %add3A_710 = arith.addi %mul3A_677, %add3A_709 : i32
        %swap3A_711 = arith.index_cast %add3A_710 : i32 to index
        %swap3A_712 = tpu.vector_load %arg5[%swap3A_711] {strides = array<i32>} : memref<50176xf32, #tpu.memory_space<vmem>>, vector<16xf32>,
        %swap3A_713 = vector.shape_cast %swap3A_712 : vector<16xf32> to vector<16xf32>
        %swap3A_714 = vector.shape_cast %get3A_708 : vector<16xf32> to vector<16xf32>
        tpu.vector_store %arg5[%swap3A_711], %swap3A_714 {strides = array<i32>} : memref<50176xf32, #tpu.memory_space<vmem>>, vector<16xf32>,
        %add3A_715 = arith.constant 257 : i32
        %add3A_716 = arith.addi %add3A_715, %mul3A_677 : i32
        %add3A_717 = arith.constant 48 : i32
        %add3A_718 = arith.addi %add3A_716, %add3A_717 : i32
        %get3A_719 = arith.index_cast %add3A_718 : i32 to index
        %get3A_720 = tpu.vector_load %arg4[%get3A_719] {strides = array<i32>} : memref<50688xf32, #tpu.memory_space<vmem>>, vector<16xf32>,
        %get3A_721 = vector.shape_cast %get3A_720 : vector<16xf32> to vector<16xf32>
        %add3A_722 = arith.constant 48 : i32
        %add3A_723 = arith.addi %mul3A_677, %add3A_722 : i32
        %swap3A_724 = arith.index_cast %add3A_723 : i32 to index
        %swap3A_725 = tpu.vector_load %arg5[%swap3A_724] {strides = array<i32>} : memref<50176xf32, #tpu.memory_space<vmem>>, vector<16xf32>,
        %swap3A_726 = vector.shape_cast %swap3A_725 : vector<16xf32> to vector<16xf32>
        %swap3A_727 = vector.shape_cast %get3A_721 : vector<16xf32> to vector<16xf32>
        tpu.vector_store %arg5[%swap3A_724], %swap3A_727 {strides = array<i32>} : memref<50176xf32, #tpu.memory_space<vmem>>, vector<16xf32>,
        %add3A_728 = arith.constant 257 : i32
        %add3A_729 = arith.addi %add3A_728, %mul3A_677 : i32
        %add3A_730 = arith.constant 64 : i32
        %add3A_731 = arith.addi %add3A_729, %add3A_730 : i32
        %get3A_732 = arith.index_cast %add3A_731 : i32 to index
        %get3A_733 = tpu.vector_load %arg4[%get3A_732] {strides = array<i32>} : memref<50688xf32, #tpu.memory_space<vmem>>, vector<16xf32>,
        %get3A_734 = vector.shape_cast %get3A_733 : vector<16xf32> to vector<16xf32>
        %add3A_735 = arith.constant 64 : i32
        %add3A_736 = arith.addi %mul3A_677, %add3A_735 : i32
        %swap3A_737 = arith.index_cast %add3A_736 : i32 to index
        %swap3A_738 = tpu.vector_load %arg5[%swap3A_737] {strides = array<i32>} : memref<50176xf32, #tpu.memory_space<vmem>>, vector<16xf32>,
        %swap3A_739 = vector.shape_cast %swap3A_738 : vector<16xf32> to vector<16xf32>
        %swap3A_740 = vector.shape_cast %get3A_734 : vector<16xf32> to vector<16xf32>
        tpu.vector_store %arg5[%swap3A_737], %swap3A_740 {strides = array<i32>} : memref<50176xf32, #tpu.memory_space<vmem>>, vector<16xf32>,
        %add3A_741 = arith.constant 257 : i32
        %add3A_742 = arith.addi %add3A_741, %mul3A_677 : i32
        %add3A_743 = arith.constant 80 : i32
        %add3A_744 = arith.addi %add3A_742, %add3A_743 : i32
        %get3A_745 = arith.index_cast %add3A_744 : i32 to index
        %get3A_746 = tpu.vector_load %arg4[%get3A_745] {strides = array<i32>} : memref<50688xf32, #tpu.memory_space<vmem>>, vector<16xf32>,
        %get3A_747 = vector.shape_cast %get3A_746 : vector<16xf32> to vector<16xf32>
        %add3A_748 = arith.constant 80 : i32
        %add3A_749 = arith.addi %mul3A_677, %add3A_748 : i32
        %swap3A_750 = arith.index_cast %add3A_749 : i32 to index
        %swap3A_751 = tpu.vector_load %arg5[%swap3A_750] {strides = array<i32>} : memref<50176xf32, #tpu.memory_space<vmem>>, vector<16xf32>,
        %swap3A_752 = vector.shape_cast %swap3A_751 : vector<16xf32> to vector<16xf32>
        %swap3A_753 = vector.shape_cast %get3A_747 : vector<16xf32> to vector<16xf32>
        tpu.vector_store %arg5[%swap3A_750], %swap3A_753 {strides = array<i32>} : memref<50176xf32, #tpu.memory_space<vmem>>, vector<16xf32>,
        %add3A_754 = arith.constant 257 : i32
        %add3A_755 = arith.addi %add3A_754, %mul3A_677 : i32
        %add3A_756 = arith.constant 96 : i32
        %add3A_757 = arith.addi %add3A_755, %add3A_756 : i32
        %get3A_758 = arith.index_cast %add3A_757 : i32 to index
        %get3A_759 = tpu.vector_load %arg4[%get3A_758] {strides = array<i32>} : memref<50688xf32, #tpu.memory_space<vmem>>, vector<16xf32>,
        %get3A_760 = vector.shape_cast %get3A_759 : vector<16xf32> to vector<16xf32>
        %add3A_761 = arith.constant 96 : i32
        %add3A_762 = arith.addi %mul3A_677, %add3A_761 : i32
        %swap3A_763 = arith.index_cast %add3A_762 : i32 to index
        %swap3A_764 = tpu.vector_load %arg5[%swap3A_763] {strides = array<i32>} : memref<50176xf32, #tpu.memory_space<vmem>>, vector<16xf32>,
        %swap3A_765 = vector.shape_cast %swap3A_764 : vector<16xf32> to vector<16xf32>
        %swap3A_766 = vector.shape_cast %get3A_760 : vector<16xf32> to vector<16xf32>
        tpu.vector_store %arg5[%swap3A_763], %swap3A_766 {strides = array<i32>} : memref<50176xf32, #tpu.memory_space<vmem>>, vector<16xf32>,
        %add3A_767 = arith.constant 257 : i32
        %add3A_768 = arith.addi %add3A_767, %mul3A_677 : i32
        %add3A_769 = arith.constant 112 : i32
        %add3A_770 = arith.addi %add3A_768, %add3A_769 : i32
        %get3A_771 = arith.index_cast %add3A_770 : i32 to index
        %get3A_772 = tpu.vector_load %arg4[%get3A_771] {strides = array<i32>} : memref<50688xf32, #tpu.memory_space<vmem>>, vector<16xf32>,
        %get3A_773 = vector.shape_cast %get3A_772 : vector<16xf32> to vector<16xf32>
        %add3A_774 = arith.constant 112 : i32
        %add3A_775 = arith.addi %mul3A_677, %add3A_774 : i32
        %swap3A_776 = arith.index_cast %add3A_775 : i32 to index
        %swap3A_777 = tpu.vector_load %arg5[%swap3A_776] {strides = array<i32>} : memref<50176xf32, #tpu.memory_space<vmem>>, vector<16xf32>,
        %swap3A_778 = vector.shape_cast %swap3A_777 : vector<16xf32> to vector<16xf32>
        %swap3A_779 = vector.shape_cast %get3A_773 : vector<16xf32> to vector<16xf32>
        tpu.vector_store %arg5[%swap3A_776], %swap3A_779 {strides = array<i32>} : memref<50176xf32, #tpu.memory_space<vmem>>, vector<16xf32>,
        %add3A_780 = arith.constant 257 : i32
        %add3A_781 = arith.addi %add3A_780, %mul3A_677 : i32
        %add3A_782 = arith.constant 128 : i32
        %add3A_783 = arith.addi %add3A_781, %add3A_782 : i32
        %get3A_784 = arith.index_cast %add3A_783 : i32 to index
        %get3A_785 = tpu.vector_load %arg4[%get3A_784] {strides = array<i32>} : memref<50688xf32, #tpu.memory_space<vmem>>, vector<16xf32>,
        %get3A_786 = vector.shape_cast %get3A_785 : vector<16xf32> to vector<16xf32>
        %add3A_787 = arith.constant 128 : i32
        %add3A_788 = arith.addi %mul3A_677, %add3A_787 : i32
        %swap3A_789 = arith.index_cast %add3A_788 : i32 to index
        %swap3A_790 = tpu.vector_load %arg5[%swap3A_789] {strides = array<i32>} : memref<50176xf32, #tpu.memory_space<vmem>>, vector<16xf32>,
        %swap3A_791 = vector.shape_cast %swap3A_790 : vector<16xf32> to vector<16xf32>
        %swap3A_792 = vector.shape_cast %get3A_786 : vector<16xf32> to vector<16xf32>
        tpu.vector_store %arg5[%swap3A_789], %swap3A_792 {strides = array<i32>} : memref<50176xf32, #tpu.memory_space<vmem>>, vector<16xf32>,
        %add3A_793 = arith.constant 257 : i32
        %add3A_794 = arith.addi %add3A_793, %mul3A_677 : i32
        %add3A_795 = arith.constant 144 : i32
        %add3A_796 = arith.addi %add3A_794, %add3A_795 : i32
        %get3A_797 = arith.index_cast %add3A_796 : i32 to index
        %get3A_798 = tpu.vector_load %arg4[%get3A_797] {strides = array<i32>} : memref<50688xf32, #tpu.memory_space<vmem>>, vector<16xf32>,
        %get3A_799 = vector.shape_cast %get3A_798 : vector<16xf32> to vector<16xf32>
        %add3A_800 = arith.constant 144 : i32
        %add3A_801 = arith.addi %mul3A_677, %add3A_800 : i32
        %swap3A_802 = arith.index_cast %add3A_801 : i32 to index
        %swap3A_803 = tpu.vector_load %arg5[%swap3A_802] {strides = array<i32>} : memref<50176xf32, #tpu.memory_space<vmem>>, vector<16xf32>,
        %swap3A_804 = vector.shape_cast %swap3A_803 : vector<16xf32> to vector<16xf32>
        %swap3A_805 = vector.shape_cast %get3A_799 : vector<16xf32> to vector<16xf32>
        tpu.vector_store %arg5[%swap3A_802], %swap3A_805 {strides = array<i32>} : memref<50176xf32, #tpu.memory_space<vmem>>, vector<16xf32>,
        %add3A_806 = arith.constant 257 : i32
        %add3A_807 = arith.addi %add3A_806, %mul3A_677 : i32
        %add3A_808 = arith.constant 160 : i32
        %add3A_809 = arith.addi %add3A_807, %add3A_808 : i32
        %get3A_810 = arith.index_cast %add3A_809 : i32 to index
        %get3A_811 = tpu.vector_load %arg4[%get3A_810] {strides = array<i32>} : memref<50688xf32, #tpu.memory_space<vmem>>, vector<16xf32>,
        %get3A_812 = vector.shape_cast %get3A_811 : vector<16xf32> to vector<16xf32>
        %add3A_813 = arith.constant 160 : i32
        %add3A_814 = arith.addi %mul3A_677, %add3A_813 : i32
        %swap3A_815 = arith.index_cast %add3A_814 : i32 to index
        %swap3A_816 = tpu.vector_load %arg5[%swap3A_815] {strides = array<i32>} : memref<50176xf32, #tpu.memory_space<vmem>>, vector<16xf32>,
        %swap3A_817 = vector.shape_cast %swap3A_816 : vector<16xf32> to vector<16xf32>
        %swap3A_818 = vector.shape_cast %get3A_812 : vector<16xf32> to vector<16xf32>
        tpu.vector_store %arg5[%swap3A_815], %swap3A_818 {strides = array<i32>} : memref<50176xf32, #tpu.memory_space<vmem>>, vector<16xf32>,
        %add3A_819 = arith.constant 257 : i32
        %add3A_820 = arith.addi %add3A_819, %mul3A_677 : i32
        %add3A_821 = arith.constant 176 : i32
        %add3A_822 = arith.addi %add3A_820, %add3A_821 : i32
        %get3A_823 = arith.index_cast %add3A_822 : i32 to index
        %get3A_824 = tpu.vector_load %arg4[%get3A_823] {strides = array<i32>} : memref<50688xf32, #tpu.memory_space<vmem>>, vector<16xf32>,
        %get3A_825 = vector.shape_cast %get3A_824 : vector<16xf32> to vector<16xf32>
        %add3A_826 = arith.constant 176 : i32
        %add3A_827 = arith.addi %mul3A_677, %add3A_826 : i32
        %swap3A_828 = arith.index_cast %add3A_827 : i32 to index
        %swap3A_829 = tpu.vector_load %arg5[%swap3A_828] {strides = array<i32>} : memref<50176xf32, #tpu.memory_space<vmem>>, vector<16xf32>,
        %swap3A_830 = vector.shape_cast %swap3A_829 : vector<16xf32> to vector<16xf32>
        %swap3A_831 = vector.shape_cast %get3A_825 : vector<16xf32> to vector<16xf32>
        tpu.vector_store %arg5[%swap3A_828], %swap3A_831 {strides = array<i32>} : memref<50176xf32, #tpu.memory_space<vmem>>, vector<16xf32>,
        %add3A_832 = arith.constant 257 : i32
        %add3A_833 = arith.addi %add3A_832, %mul3A_677 : i32
        %add3A_834 = arith.constant 192 : i32
        %add3A_835 = arith.addi %add3A_833, %add3A_834 : i32
        %get3A_836 = arith.index_cast %add3A_835 : i32 to index
        %get3A_837 = tpu.vector_load %arg4[%get3A_836] {strides = array<i32>} : memref<50688xf32, #tpu.memory_space<vmem>>, vector<16xf32>,
        %get3A_838 = vector.shape_cast %get3A_837 : vector<16xf32> to vector<16xf32>
        %add3A_839 = arith.constant 192 : i32
        %add3A_840 = arith.addi %mul3A_677, %add3A_839 : i32
        %swap3A_841 = arith.index_cast %add3A_840 : i32 to index
        %swap3A_842 = tpu.vector_load %arg5[%swap3A_841] {strides = array<i32>} : memref<50176xf32, #tpu.memory_space<vmem>>, vector<16xf32>,
        %swap3A_843 = vector.shape_cast %swap3A_842 : vector<16xf32> to vector<16xf32>
        %swap3A_844 = vector.shape_cast %get3A_838 : vector<16xf32> to vector<16xf32>
        tpu.vector_store %arg5[%swap3A_841], %swap3A_844 {strides = array<i32>} : memref<50176xf32, #tpu.memory_space<vmem>>, vector<16xf32>,
        %add3A_845 = arith.constant 257 : i32
        %add3A_846 = arith.addi %add3A_845, %mul3A_677 : i32
        %add3A_847 = arith.constant 208 : i32
        %add3A_848 = arith.addi %add3A_846, %add3A_847 : i32
        %get3A_849 = arith.index_cast %add3A_848 : i32 to index
        %get3A_850 = tpu.vector_load %arg4[%get3A_849] {strides = array<i32>} : memref<50688xf32, #tpu.memory_space<vmem>>, vector<16xf32>,
        %get3A_851 = vector.shape_cast %get3A_850 : vector<16xf32> to vector<16xf32>
        %jit3A_852 = arith.constant 0.000000e+00 : f32
        %broadcast_in_dim3A_853 = vector.broadcast %jit3A_852 : f32 to vector<16xf32>
        %select_n3A_854 = arith.select %eq3A_664, %broadcast_in_dim3A_853, %get3A_851 : vector<16xi1>, vector<16xf32>
        %add3A_855 = arith.constant 208 : i32
        %add3A_856 = arith.addi %mul3A_677, %add3A_855 : i32
        %swap3A_857 = arith.index_cast %add3A_856 : i32 to index
        %swap3A_858 = tpu.vector_load %arg5[%swap3A_857] {strides = array<i32>} : memref<50176xf32, #tpu.memory_space<vmem>>, vector<16xf32>,
        %swap3A_859 = vector.shape_cast %swap3A_858 : vector<16xf32> to vector<16xf32>
        %swap3A_860 = vector.shape_cast %select_n3A_854 : vector<16xf32> to vector<16xf32>
        tpu.vector_store %arg5[%swap3A_857], %swap3A_860 {strides = array<i32>} : memref<50176xf32, #tpu.memory_space<vmem>>, vector<16xf32>,
      }
      %scan3A_669 = arith.constant 224 : i32
      %dma_start3A = arith.constant 0 : i32
      %dma_start3A_670 = tpu.memref_slice %arg3[%add3A_661, %dma_start3A] : memref<768x50176xf32, #tpu.memory_space<hbm>> -> memref<1x50176xf32, #tpu.memory_space<hbm>>
      %dma_start3A_671 = tpu.memref_squeeze %dma_start3A_670 : memref<1x50176xf32, #tpu.memory_space<hbm>> -> memref<50176xf32, #tpu.memory_space<hbm>>
      %dma_start3A_672 = arith.constant 0 : i32
      %dma_start3A_673 = tpu.memref_slice %arg3[%add3A_661, %dma_start3A_672] : memref<768x50176xf32, #tpu.memory_space<hbm>> -> memref<1x50176xf32, #tpu.memory_space<hbm>>
      %dma_start3A_674 = tpu.memref_squeeze %dma_start3A_673 : memref<1x50176xf32, #tpu.memory_space<hbm>> -> memref<50176xf32, #tpu.memory_space<hbm>>
      tpu.enqueue_dma source(%arg5 : memref<50176xf32, #tpu.memory_space<vmem>>) target(%dma_start3A_674 : memref<50176xf32, #tpu.memory_space<hbm>>) target_semaphore(%arg6 : memref<!tpu.dma_semaphore, #tpu.memory_space<semaphore_mem>>)
    }
    %mul3A_308 = arith.constant 84 : i32
    %mul3A_309 = arith.muli %add3A, %mul3A_308 : i32
    %jit3A_310 = arith.constant 32 : i32
    %div3A_311 = arith.divsi %mul3A_309, %jit3A_310 : i32
    %sign3A_312 = arith.constant 0 : i32
    %sign3A_313 = arith.cmpi sgt, %mul3A_309, %sign3A_312 : i32
    %sign3A_314 = arith.extui %sign3A_313 : i1 to i32
    %sign3A_315 = arith.constant 0 : i32
    %sign3A_316 = arith.cmpi slt, %mul3A_309, %sign3A_315 : i32
    %sign3A_317 = arith.extui %sign3A_316 : i1 to i32
    %sign3A_318 = arith.subi %sign3A_314, %sign3A_317 : i32
    %sign3A_319 = arith.constant 0 : i32
    %sign3A_320 = arith.cmpi sgt, %jit3A_310, %sign3A_319 : i32
    %sign3A_321 = arith.extui %sign3A_320 : i1 to i32
    %sign3A_322 = arith.constant 0 : i32
    %sign3A_323 = arith.cmpi slt, %jit3A_310, %sign3A_322 : i32
    %sign3A_324 = arith.extui %sign3A_323 : i1 to i32
    %sign3A_325 = arith.subi %sign3A_321, %sign3A_324 : i32
    %ne3A_326 = arith.cmpi ne, %sign3A_318, %sign3A_325 : i32
    %rem3A_327 = arith.remsi %mul3A_309, %jit3A_310 : i32
    %ne3A_328 = arith.constant 0 : i32
    %ne3A_329 = arith.cmpi ne, %rem3A_327, %ne3A_328 : i32
    %and3A_330 = arith.andi %ne3A_326, %ne3A_329 : i1
    %sub3A_331 = arith.constant 1 : i32
    %sub3A_332 = arith.subi %div3A_311, %sub3A_331 : i32
    %select_n3A_333 = arith.select %and3A_330, %sub3A_332, %div3A_311 : i32
    %add3A_334 = arith.constant 1 : i32
    %add3A_335 = arith.addi %add3A, %add3A_334 : i32
    %mul3A_336 = arith.constant 84 : i32
    %mul3A_337 = arith.muli %add3A_335, %mul3A_336 : i32
    %jit3A_338 = arith.constant 32 : i32
    %div3A_339 = arith.divsi %mul3A_337, %jit3A_338 : i32
    %sign3A_340 = arith.constant 0 : i32
    %sign3A_341 = arith.cmpi sgt, %mul3A_337, %sign3A_340 : i32
    %sign3A_342 = arith.extui %sign3A_341 : i1 to i32
    %sign3A_343 = arith.constant 0 : i32
    %sign3A_344 = arith.cmpi slt, %mul3A_337, %sign3A_343 : i32
    %sign3A_345 = arith.extui %sign3A_344 : i1 to i32
    %sign3A_346 = arith.subi %sign3A_342, %sign3A_345 : i32
    %sign3A_347 = arith.constant 0 : i32
    %sign3A_348 = arith.cmpi sgt, %jit3A_338, %sign3A_347 : i32
    %sign3A_349 = arith.extui %sign3A_348 : i1 to i32
    %sign3A_350 = arith.constant 0 : i32
    %sign3A_351 = arith.cmpi slt, %jit3A_338, %sign3A_350 : i32
    %sign3A_352 = arith.extui %sign3A_351 : i1 to i32
    %sign3A_353 = arith.subi %sign3A_349, %sign3A_352 : i32
    %ne3A_354 = arith.cmpi ne, %sign3A_346, %sign3A_353 : i32
    %rem3A_355 = arith.remsi %mul3A_337, %jit3A_338 : i32
    %ne3A_356 = arith.constant 0 : i32
    %ne3A_357 = arith.cmpi ne, %rem3A_355, %ne3A_356 : i32
    %and3A_358 = arith.andi %ne3A_354, %ne3A_357 : i1
    %sub3A_359 = arith.constant 1 : i32
    %sub3A_360 = arith.subi %div3A_339, %sub3A_359 : i32
    %select_n3A_361 = arith.select %and3A_358, %sub3A_360, %div3A_339 : i32
    %while3A_362 = arith.constant 0 : i32
    %while3A_363 = arith.subi %select_n3A_361, %select_n3A_333 : i32
    %while3A_364 = arith.addi %select_n3A_333, %while3A_363 : i32
    %while3A_365 = arith.constant 1 : i32
    %while3A_366 = arith.divsi %while3A_363, %while3A_365 : i32
    %while3A_367 = arith.muli %while3A_366, %while3A_365 : i32
    %while3A_368 = arith.addi %select_n3A_333, %while3A_367 : i32
    %while3A_369 = arith.constant 1 : i32
    scf.for %while3A_629 = %select_n3A_333 to %while3A_368 step %while3A_369  : i32 {
      %jit3A_630 = arith.constant 42 : i32
      %div3A_631 = arith.divsi %while3A_629, %jit3A_630 : i32
      %sign3A_632 = arith.constant 0 : i32
      %sign3A_633 = arith.cmpi sgt, %while3A_629, %sign3A_632 : i32
      %sign3A_634 = arith.extui %sign3A_633 : i1 to i32
      %sign3A_635 = arith.constant 0 : i32
      %sign3A_636 = arith.cmpi slt, %while3A_629, %sign3A_635 : i32
      %sign3A_637 = arith.extui %sign3A_636 : i1 to i32
      %sign3A_638 = arith.subi %sign3A_634, %sign3A_637 : i32
      %sign3A_639 = arith.constant 0 : i32
      %sign3A_640 = arith.cmpi sgt, %jit3A_630, %sign3A_639 : i32
      %sign3A_641 = arith.extui %sign3A_640 : i1 to i32
      %sign3A_642 = arith.constant 0 : i32
      %sign3A_643 = arith.cmpi slt, %jit3A_630, %sign3A_642 : i32
      %sign3A_644 = arith.extui %sign3A_643 : i1 to i32
      %sign3A_645 = arith.subi %sign3A_641, %sign3A_644 : i32
      %ne3A_646 = arith.cmpi ne, %sign3A_638, %sign3A_645 : i32
      %rem3A_647 = arith.remsi %while3A_629, %jit3A_630 : i32
      %ne3A_648 = arith.constant 0 : i32
      %ne3A_649 = arith.cmpi ne, %rem3A_647, %ne3A_648 : i32
      %and3A_650 = arith.andi %ne3A_646, %ne3A_649 : i1
      %sub3A_651 = arith.constant 1 : i32
      %sub3A_652 = arith.subi %div3A_631, %sub3A_651 : i32
      %select_n3A_653 = arith.select %and3A_650, %sub3A_652, %div3A_631 : i32
      %mul3A_654 = arith.constant 42 : i32
      %mul3A_655 = arith.muli %select_n3A_653, %mul3A_654 : i32
      %sub3A_656 = arith.subi %while3A_629, %mul3A_655 : i32
      %add3A_657 = arith.constant 84 : i32
      %add3A_658 = arith.addi %add3A_657, %sub3A_656 : i32
      %mul3A_659 = arith.constant 384 : i32
      %mul3A_660 = arith.muli %select_n3A_653, %mul3A_659 : i32
      %add3A_661 = arith.addi %mul3A_660, %add3A_658 : i32
      "tpu.region"() ({
        %run_scoped3A = tpu.sem_alloc : memref<!tpu.dma_semaphore, #tpu.memory_space<semaphore_mem>>
        %dma_start3A_680 = arith.constant 256 : i32
        %dma_start3A_681 = tpu.memref_slice %arg4[%dma_start3A_680] : memref<50688xf32, #tpu.memory_space<vmem>> -> memref<50176xf32, #tpu.memory_space<vmem>>
        %dma_start3A_682 = arith.constant 0 : i32
        %dma_start3A_683 = tpu.memref_slice %arg2[%add3A_661, %dma_start3A_682] : memref<768x50176xf32, #tpu.memory_space<hbm>> -> memref<1x50176xf32, #tpu.memory_space<hbm>>
        %dma_start3A_684 = tpu.memref_squeeze %dma_start3A_683 : memref<1x50176xf32, #tpu.memory_space<hbm>> -> memref<50176xf32, #tpu.memory_space<hbm>>
        %dma_start3A_685 = arith.constant 256 : i32
        %dma_start3A_686 = tpu.memref_slice %arg4[%dma_start3A_685] : memref<50688xf32, #tpu.memory_space<vmem>> -> memref<50176xf32, #tpu.memory_space<vmem>>
        %dma_start3A_687 = arith.constant 0 : i32
        %dma_start3A_688 = tpu.memref_slice %arg2[%add3A_661, %dma_start3A_687] : memref<768x50176xf32, #tpu.memory_space<hbm>> -> memref<1x50176xf32, #tpu.memory_space<hbm>>
        %dma_start3A_689 = tpu.memref_squeeze %dma_start3A_688 : memref<1x50176xf32, #tpu.memory_space<hbm>> -> memref<50176xf32, #tpu.memory_space<hbm>>
        tpu.enqueue_dma source(%dma_start3A_689 : memref<50176xf32, #tpu.memory_space<hbm>>) target(%dma_start3A_686 : memref<50176xf32, #tpu.memory_space<vmem>>) target_semaphore(%run_scoped3A : memref<!tpu.dma_semaphore, #tpu.memory_space<semaphore_mem>>)
        %dma_wait3A_690 = arith.constant 256 : i32
        %dma_wait3A_691 = tpu.memref_slice %arg4[%dma_wait3A_690] : memref<50688xf32, #tpu.memory_space<vmem>> -> memref<50176xf32, #tpu.memory_space<vmem>>
        %dma_wait3A_692 = arith.constant 0 : i32
        %dma_wait3A_693 = tpu.memref_slice %arg2[%add3A_661, %dma_wait3A_692] : memref<768x50176xf32, #tpu.memory_space<hbm>> -> memref<1x50176xf32, #tpu.memory_space<hbm>>
        %dma_wait3A_694 = tpu.memref_squeeze %dma_wait3A_693 : memref<1x50176xf32, #tpu.memory_space<hbm>> -> memref<50176xf32, #tpu.memory_space<hbm>>
        %dma_wait3A_695 = arith.constant 256 : i32
        %dma_wait3A_696 = tpu.memref_slice %arg4[%dma_wait3A_695] : memref<50688xf32, #tpu.memory_space<vmem>> -> memref<50176xf32, #tpu.memory_space<vmem>>
        %dma_wait3A_697 = arith.constant 0 : i32
        %dma_wait3A_698 = tpu.memref_slice %arg2[%add3A_661, %dma_wait3A_697] : memref<768x50176xf32, #tpu.memory_space<hbm>> -> memref<1x50176xf32, #tpu.memory_space<hbm>>
        %dma_wait3A_699 = tpu.memref_squeeze %dma_wait3A_698 : memref<1x50176xf32, #tpu.memory_space<hbm>> -> memref<50176xf32, #tpu.memory_space<hbm>>
        tpu.wait_dma2 semaphore(%run_scoped3A : memref<!tpu.dma_semaphore, #tpu.memory_space<semaphore_mem>>) src(%dma_wait3A_699 : memref<50176xf32, #tpu.memory_space<hbm>>) dst(%dma_wait3A_696 : memref<50176xf32, #tpu.memory_space<vmem>>)
        tpu.yield
      }) : () -> ()
      %dma_wait3A_662 = arith.constant 0 : i32
      %dma_wait3A_663 = tpu.memref_slice %arg3[%add3A_661, %dma_wait3A_662] : memref<768x50176xf32, #tpu.memory_space<hbm>> -> memref<1x50176xf32, #tpu.memory_space<hbm>>
      %dma_wait3A_664 = tpu.memref_squeeze %dma_wait3A_663 : memref<1x50176xf32, #tpu.memory_space<hbm>> -> memref<50176xf32, #tpu.memory_space<hbm>>
      %dma_wait3A_665 = arith.constant 0 : i32
      %dma_wait3A_666 = tpu.memref_slice %arg3[%add3A_661, %dma_wait3A_665] : memref<768x50176xf32, #tpu.memory_space<hbm>> -> memref<1x50176xf32, #tpu.memory_space<hbm>>
      %dma_wait3A_667 = tpu.memref_squeeze %dma_wait3A_666 : memref<1x50176xf32, #tpu.memory_space<hbm>> -> memref<50176xf32, #tpu.memory_space<hbm>>
      tpu.wait_dma2 semaphore(%arg6 : memref<!tpu.dma_semaphore, #tpu.memory_space<semaphore_mem>>) src(%arg5 : memref<50176xf32, #tpu.memory_space<vmem>>) dst(%dma_wait3A_667 : memref<50176xf32, #tpu.memory_space<hbm>>)
      %eq3A = arith.constant 0 : i32
      %eq3A_668 = vector.broadcast %eq3A : i32 to vector<16xi32>
      %eq3A_669 = arith.cmpi eq, %iota3A, %eq3A_668 : vector<16xi32>
      %scan3A = arith.constant 0 : i32
      %scan3A_670 = arith.constant 0 : i32
      %scan3A_671 = arith.constant 224 : i32
      %scan3A_672 = arith.addi %scan3A_670, %scan3A_671 : i32
      %scan3A_673 = arith.constant 1 : i32
      scf.for %scan3A_680 = %scan3A_670 to %scan3A_672 step %scan3A_673  : i32 {
        %mul3A_681 = arith.constant 224 : i32
        %mul3A_682 = arith.muli %scan3A_680, %mul3A_681 : i32
        %add3A_683 = arith.constant 255 : i32
        %add3A_684 = arith.addi %add3A_683, %mul3A_682 : i32
        %add3A_685 = arith.constant 0 : i32
        %add3A_686 = arith.addi %add3A_684, %add3A_685 : i32
        %get3A = arith.index_cast %add3A_686 : i32 to index
        %get3A_687 = tpu.vector_load %arg4[%get3A] {strides = array<i32>} : memref<50688xf32, #tpu.memory_space<vmem>>, vector<16xf32>,
        %get3A_688 = vector.shape_cast %get3A_687 : vector<16xf32> to vector<16xf32>
        %jit3A_689 = arith.constant 0.000000e+00 : f32
        %broadcast_in_dim3A_690 = vector.broadcast %jit3A_689 : f32 to vector<16xf32>
        %select_n3A_691 = arith.select %eq3A_669, %broadcast_in_dim3A_690, %get3A_688 : vector<16xi1>, vector<16xf32>
        %add3A_692 = arith.constant 0 : i32
        %add3A_693 = arith.addi %mul3A_682, %add3A_692 : i32
        %swap3A = arith.index_cast %add3A_693 : i32 to index
        %swap3A_694 = tpu.vector_load %arg5[%swap3A] {strides = array<i32>} : memref<50176xf32, #tpu.memory_space<vmem>>, vector<16xf32>,
        %swap3A_695 = vector.shape_cast %swap3A_694 : vector<16xf32> to vector<16xf32>
        %swap3A_696 = vector.shape_cast %select_n3A_691 : vector<16xf32> to vector<16xf32>
        tpu.vector_store %arg5[%swap3A], %swap3A_696 {strides = array<i32>} : memref<50176xf32, #tpu.memory_space<vmem>>, vector<16xf32>,
        %add3A_697 = arith.constant 255 : i32
        %add3A_698 = arith.addi %add3A_697, %mul3A_682 : i32
        %add3A_699 = arith.constant 16 : i32
        %add3A_700 = arith.addi %add3A_698, %add3A_699 : i32
        %get3A_701 = arith.index_cast %add3A_700 : i32 to index
        %get3A_702 = tpu.vector_load %arg4[%get3A_701] {strides = array<i32>} : memref<50688xf32, #tpu.memory_space<vmem>>, vector<16xf32>,
        %get3A_703 = vector.shape_cast %get3A_702 : vector<16xf32> to vector<16xf32>
        %add3A_704 = arith.constant 16 : i32
        %add3A_705 = arith.addi %mul3A_682, %add3A_704 : i32
        %swap3A_706 = arith.index_cast %add3A_705 : i32 to index
        %swap3A_707 = tpu.vector_load %arg5[%swap3A_706] {strides = array<i32>} : memref<50176xf32, #tpu.memory_space<vmem>>, vector<16xf32>,
        %swap3A_708 = vector.shape_cast %swap3A_707 : vector<16xf32> to vector<16xf32>
        %swap3A_709 = vector.shape_cast %get3A_703 : vector<16xf32> to vector<16xf32>
        tpu.vector_store %arg5[%swap3A_706], %swap3A_709 {strides = array<i32>} : memref<50176xf32, #tpu.memory_space<vmem>>, vector<16xf32>,
        %add3A_710 = arith.constant 255 : i32
        %add3A_711 = arith.addi %add3A_710, %mul3A_682 : i32
        %add3A_712 = arith.constant 32 : i32
        %add3A_713 = arith.addi %add3A_711, %add3A_712 : i32
        %get3A_714 = arith.index_cast %add3A_713 : i32 to index
        %get3A_715 = tpu.vector_load %arg4[%get3A_714] {strides = array<i32>} : memref<50688xf32, #tpu.memory_space<vmem>>, vector<16xf32>,
        %get3A_716 = vector.shape_cast %get3A_715 : vector<16xf32> to vector<16xf32>
        %add3A_717 = arith.constant 32 : i32
        %add3A_718 = arith.addi %mul3A_682, %add3A_717 : i32
        %swap3A_719 = arith.index_cast %add3A_718 : i32 to index
        %swap3A_720 = tpu.vector_load %arg5[%swap3A_719] {strides = array<i32>} : memref<50176xf32, #tpu.memory_space<vmem>>, vector<16xf32>,
        %swap3A_721 = vector.shape_cast %swap3A_720 : vector<16xf32> to vector<16xf32>
        %swap3A_722 = vector.shape_cast %get3A_716 : vector<16xf32> to vector<16xf32>
        tpu.vector_store %arg5[%swap3A_719], %swap3A_722 {strides = array<i32>} : memref<50176xf32, #tpu.memory_space<vmem>>, vector<16xf32>,
        %add3A_723 = arith.constant 255 : i32
        %add3A_724 = arith.addi %add3A_723, %mul3A_682 : i32
        %add3A_725 = arith.constant 48 : i32
        %add3A_726 = arith.addi %add3A_724, %add3A_725 : i32
        %get3A_727 = arith.index_cast %add3A_726 : i32 to index
        %get3A_728 = tpu.vector_load %arg4[%get3A_727] {strides = array<i32>} : memref<50688xf32, #tpu.memory_space<vmem>>, vector<16xf32>,
        %get3A_729 = vector.shape_cast %get3A_728 : vector<16xf32> to vector<16xf32>
        %add3A_730 = arith.constant 48 : i32
        %add3A_731 = arith.addi %mul3A_682, %add3A_730 : i32
        %swap3A_732 = arith.index_cast %add3A_731 : i32 to index
        %swap3A_733 = tpu.vector_load %arg5[%swap3A_732] {strides = array<i32>} : memref<50176xf32, #tpu.memory_space<vmem>>, vector<16xf32>,
        %swap3A_734 = vector.shape_cast %swap3A_733 : vector<16xf32> to vector<16xf32>
        %swap3A_735 = vector.shape_cast %get3A_729 : vector<16xf32> to vector<16xf32>
        tpu.vector_store %arg5[%swap3A_732], %swap3A_735 {strides = array<i32>} : memref<50176xf32, #tpu.memory_space<vmem>>, vector<16xf32>,
        %add3A_736 = arith.constant 255 : i32
        %add3A_737 = arith.addi %add3A_736, %mul3A_682 : i32
        %add3A_738 = arith.constant 64 : i32
        %add3A_739 = arith.addi %add3A_737, %add3A_738 : i32
        %get3A_740 = arith.index_cast %add3A_739 : i32 to index
        %get3A_741 = tpu.vector_load %arg4[%get3A_740] {strides = array<i32>} : memref<50688xf32, #tpu.memory_space<vmem>>, vector<16xf32>,
        %get3A_742 = vector.shape_cast %get3A_741 : vector<16xf32> to vector<16xf32>
        %add3A_743 = arith.constant 64 : i32
        %add3A_744 = arith.addi %mul3A_682, %add3A_743 : i32
        %swap3A_745 = arith.index_cast %add3A_744 : i32 to index
        %swap3A_746 = tpu.vector_load %arg5[%swap3A_745] {strides = array<i32>} : memref<50176xf32, #tpu.memory_space<vmem>>, vector<16xf32>,
        %swap3A_747 = vector.shape_cast %swap3A_746 : vector<16xf32> to vector<16xf32>
        %swap3A_748 = vector.shape_cast %get3A_742 : vector<16xf32> to vector<16xf32>
        tpu.vector_store %arg5[%swap3A_745], %swap3A_748 {strides = array<i32>} : memref<50176xf32, #tpu.memory_space<vmem>>, vector<16xf32>,
        %add3A_749 = arith.constant 255 : i32
        %add3A_750 = arith.addi %add3A_749, %mul3A_682 : i32
        %add3A_751 = arith.constant 80 : i32
        %add3A_752 = arith.addi %add3A_750, %add3A_751 : i32
        %get3A_753 = arith.index_cast %add3A_752 : i32 to index
        %get3A_754 = tpu.vector_load %arg4[%get3A_753] {strides = array<i32>} : memref<50688xf32, #tpu.memory_space<vmem>>, vector<16xf32>,
        %get3A_755 = vector.shape_cast %get3A_754 : vector<16xf32> to vector<16xf32>
        %add3A_756 = arith.constant 80 : i32
        %add3A_757 = arith.addi %mul3A_682, %add3A_756 : i32
        %swap3A_758 = arith.index_cast %add3A_757 : i32 to index
        %swap3A_759 = tpu.vector_load %arg5[%swap3A_758] {strides = array<i32>} : memref<50176xf32, #tpu.memory_space<vmem>>, vector<16xf32>,
        %swap3A_760 = vector.shape_cast %swap3A_759 : vector<16xf32> to vector<16xf32>
        %swap3A_761 = vector.shape_cast %get3A_755 : vector<16xf32> to vector<16xf32>
        tpu.vector_store %arg5[%swap3A_758], %swap3A_761 {strides = array<i32>} : memref<50176xf32, #tpu.memory_space<vmem>>, vector<16xf32>,
        %add3A_762 = arith.constant 255 : i32
        %add3A_763 = arith.addi %add3A_762, %mul3A_682 : i32
        %add3A_764 = arith.constant 96 : i32
        %add3A_765 = arith.addi %add3A_763, %add3A_764 : i32
        %get3A_766 = arith.index_cast %add3A_765 : i32 to index
        %get3A_767 = tpu.vector_load %arg4[%get3A_766] {strides = array<i32>} : memref<50688xf32, #tpu.memory_space<vmem>>, vector<16xf32>,
        %get3A_768 = vector.shape_cast %get3A_767 : vector<16xf32> to vector<16xf32>
        %add3A_769 = arith.constant 96 : i32
        %add3A_770 = arith.addi %mul3A_682, %add3A_769 : i32
        %swap3A_771 = arith.index_cast %add3A_770 : i32 to index
        %swap3A_772 = tpu.vector_load %arg5[%swap3A_771] {strides = array<i32>} : memref<50176xf32, #tpu.memory_space<vmem>>, vector<16xf32>,
        %swap3A_773 = vector.shape_cast %swap3A_772 : vector<16xf32> to vector<16xf32>
        %swap3A_774 = vector.shape_cast %get3A_768 : vector<16xf32> to vector<16xf32>
        tpu.vector_store %arg5[%swap3A_771], %swap3A_774 {strides = array<i32>} : memref<50176xf32, #tpu.memory_space<vmem>>, vector<16xf32>,
        %add3A_775 = arith.constant 255 : i32
        %add3A_776 = arith.addi %add3A_775, %mul3A_682 : i32
        %add3A_777 = arith.constant 112 : i32
        %add3A_778 = arith.addi %add3A_776, %add3A_777 : i32
        %get3A_779 = arith.index_cast %add3A_778 : i32 to index
        %get3A_780 = tpu.vector_load %arg4[%get3A_779] {strides = array<i32>} : memref<50688xf32, #tpu.memory_space<vmem>>, vector<16xf32>,
        %get3A_781 = vector.shape_cast %get3A_780 : vector<16xf32> to vector<16xf32>
        %add3A_782 = arith.constant 112 : i32
        %add3A_783 = arith.addi %mul3A_682, %add3A_782 : i32
        %swap3A_784 = arith.index_cast %add3A_783 : i32 to index
        %swap3A_785 = tpu.vector_load %arg5[%swap3A_784] {strides = array<i32>} : memref<50176xf32, #tpu.memory_space<vmem>>, vector<16xf32>,
        %swap3A_786 = vector.shape_cast %swap3A_785 : vector<16xf32> to vector<16xf32>
        %swap3A_787 = vector.shape_cast %get3A_781 : vector<16xf32> to vector<16xf32>
        tpu.vector_store %arg5[%swap3A_784], %swap3A_787 {strides = array<i32>} : memref<50176xf32, #tpu.memory_space<vmem>>, vector<16xf32>,
        %add3A_788 = arith.constant 255 : i32
        %add3A_789 = arith.addi %add3A_788, %mul3A_682 : i32
        %add3A_790 = arith.constant 128 : i32
        %add3A_791 = arith.addi %add3A_789, %add3A_790 : i32
        %get3A_792 = arith.index_cast %add3A_791 : i32 to index
        %get3A_793 = tpu.vector_load %arg4[%get3A_792] {strides = array<i32>} : memref<50688xf32, #tpu.memory_space<vmem>>, vector<16xf32>,
        %get3A_794 = vector.shape_cast %get3A_793 : vector<16xf32> to vector<16xf32>
        %add3A_795 = arith.constant 128 : i32
        %add3A_796 = arith.addi %mul3A_682, %add3A_795 : i32
        %swap3A_797 = arith.index_cast %add3A_796 : i32 to index
        %swap3A_798 = tpu.vector_load %arg5[%swap3A_797] {strides = array<i32>} : memref<50176xf32, #tpu.memory_space<vmem>>, vector<16xf32>,
        %swap3A_799 = vector.shape_cast %swap3A_798 : vector<16xf32> to vector<16xf32>
        %swap3A_800 = vector.shape_cast %get3A_794 : vector<16xf32> to vector<16xf32>
        tpu.vector_store %arg5[%swap3A_797], %swap3A_800 {strides = array<i32>} : memref<50176xf32, #tpu.memory_space<vmem>>, vector<16xf32>,
        %add3A_801 = arith.constant 255 : i32
        %add3A_802 = arith.addi %add3A_801, %mul3A_682 : i32
        %add3A_803 = arith.constant 144 : i32
        %add3A_804 = arith.addi %add3A_802, %add3A_803 : i32
        %get3A_805 = arith.index_cast %add3A_804 : i32 to index
        %get3A_806 = tpu.vector_load %arg4[%get3A_805] {strides = array<i32>} : memref<50688xf32, #tpu.memory_space<vmem>>, vector<16xf32>,
        %get3A_807 = vector.shape_cast %get3A_806 : vector<16xf32> to vector<16xf32>
        %add3A_808 = arith.constant 144 : i32
        %add3A_809 = arith.addi %mul3A_682, %add3A_808 : i32
        %swap3A_810 = arith.index_cast %add3A_809 : i32 to index
        %swap3A_811 = tpu.vector_load %arg5[%swap3A_810] {strides = array<i32>} : memref<50176xf32, #tpu.memory_space<vmem>>, vector<16xf32>,
        %swap3A_812 = vector.shape_cast %swap3A_811 : vector<16xf32> to vector<16xf32>
        %swap3A_813 = vector.shape_cast %get3A_807 : vector<16xf32> to vector<16xf32>
        tpu.vector_store %arg5[%swap3A_810], %swap3A_813 {strides = array<i32>} : memref<50176xf32, #tpu.memory_space<vmem>>, vector<16xf32>,
        %add3A_814 = arith.constant 255 : i32
        %add3A_815 = arith.addi %add3A_814, %mul3A_682 : i32
        %add3A_816 = arith.constant 160 : i32
        %add3A_817 = arith.addi %add3A_815, %add3A_816 : i32
        %get3A_818 = arith.index_cast %add3A_817 : i32 to index
        %get3A_819 = tpu.vector_load %arg4[%get3A_818] {strides = array<i32>} : memref<50688xf32, #tpu.memory_space<vmem>>, vector<16xf32>,
        %get3A_820 = vector.shape_cast %get3A_819 : vector<16xf32> to vector<16xf32>
        %add3A_821 = arith.constant 160 : i32
        %add3A_822 = arith.addi %mul3A_682, %add3A_821 : i32
        %swap3A_823 = arith.index_cast %add3A_822 : i32 to index
        %swap3A_824 = tpu.vector_load %arg5[%swap3A_823] {strides = array<i32>} : memref<50176xf32, #tpu.memory_space<vmem>>, vector<16xf32>,
        %swap3A_825 = vector.shape_cast %swap3A_824 : vector<16xf32> to vector<16xf32>
        %swap3A_826 = vector.shape_cast %get3A_820 : vector<16xf32> to vector<16xf32>
        tpu.vector_store %arg5[%swap3A_823], %swap3A_826 {strides = array<i32>} : memref<50176xf32, #tpu.memory_space<vmem>>, vector<16xf32>,
        %add3A_827 = arith.constant 255 : i32
        %add3A_828 = arith.addi %add3A_827, %mul3A_682 : i32
        %add3A_829 = arith.constant 176 : i32
        %add3A_830 = arith.addi %add3A_828, %add3A_829 : i32
        %get3A_831 = arith.index_cast %add3A_830 : i32 to index
        %get3A_832 = tpu.vector_load %arg4[%get3A_831] {strides = array<i32>} : memref<50688xf32, #tpu.memory_space<vmem>>, vector<16xf32>,
        %get3A_833 = vector.shape_cast %get3A_832 : vector<16xf32> to vector<16xf32>
        %add3A_834 = arith.constant 176 : i32
        %add3A_835 = arith.addi %mul3A_682, %add3A_834 : i32
        %swap3A_836 = arith.index_cast %add3A_835 : i32 to index
        %swap3A_837 = tpu.vector_load %arg5[%swap3A_836] {strides = array<i32>} : memref<50176xf32, #tpu.memory_space<vmem>>, vector<16xf32>,
        %swap3A_838 = vector.shape_cast %swap3A_837 : vector<16xf32> to vector<16xf32>
        %swap3A_839 = vector.shape_cast %get3A_833 : vector<16xf32> to vector<16xf32>
        tpu.vector_store %arg5[%swap3A_836], %swap3A_839 {strides = array<i32>} : memref<50176xf32, #tpu.memory_space<vmem>>, vector<16xf32>,
        %add3A_840 = arith.constant 255 : i32
        %add3A_841 = arith.addi %add3A_840, %mul3A_682 : i32
        %add3A_842 = arith.constant 192 : i32
        %add3A_843 = arith.addi %add3A_841, %add3A_842 : i32
        %get3A_844 = arith.index_cast %add3A_843 : i32 to index
        %get3A_845 = tpu.vector_load %arg4[%get3A_844] {strides = array<i32>} : memref<50688xf32, #tpu.memory_space<vmem>>, vector<16xf32>,
        %get3A_846 = vector.shape_cast %get3A_845 : vector<16xf32> to vector<16xf32>
        %add3A_847 = arith.constant 192 : i32
        %add3A_848 = arith.addi %mul3A_682, %add3A_847 : i32
        %swap3A_849 = arith.index_cast %add3A_848 : i32 to index
        %swap3A_850 = tpu.vector_load %arg5[%swap3A_849] {strides = array<i32>} : memref<50176xf32, #tpu.memory_space<vmem>>, vector<16xf32>,
        %swap3A_851 = vector.shape_cast %swap3A_850 : vector<16xf32> to vector<16xf32>
        %swap3A_852 = vector.shape_cast %get3A_846 : vector<16xf32> to vector<16xf32>
        tpu.vector_store %arg5[%swap3A_849], %swap3A_852 {strides = array<i32>} : memref<50176xf32, #tpu.memory_space<vmem>>, vector<16xf32>,
        %add3A_853 = arith.constant 255 : i32
        %add3A_854 = arith.addi %add3A_853, %mul3A_682 : i32
        %add3A_855 = arith.constant 208 : i32
        %add3A_856 = arith.addi %add3A_854, %add3A_855 : i32
        %get3A_857 = arith.index_cast %add3A_856 : i32 to index
        %get3A_858 = tpu.vector_load %arg4[%get3A_857] {strides = array<i32>} : memref<50688xf32, #tpu.memory_space<vmem>>, vector<16xf32>,
        %get3A_859 = vector.shape_cast %get3A_858 : vector<16xf32> to vector<16xf32>
        %add3A_860 = arith.constant 208 : i32
        %add3A_861 = arith.addi %mul3A_682, %add3A_860 : i32
        %swap3A_862 = arith.index_cast %add3A_861 : i32 to index
        %swap3A_863 = tpu.vector_load %arg5[%swap3A_862] {strides = array<i32>} : memref<50176xf32, #tpu.memory_space<vmem>>, vector<16xf32>,
        %swap3A_864 = vector.shape_cast %swap3A_863 : vector<16xf32> to vector<16xf32>
        %swap3A_865 = vector.shape_cast %get3A_859 : vector<16xf32> to vector<16xf32>
        tpu.vector_store %arg5[%swap3A_862], %swap3A_865 {strides = array<i32>} : memref<50176xf32, #tpu.memory_space<vmem>>, vector<16xf32>,
      }
      %scan3A_674 = arith.constant 224 : i32
      %dma_start3A = arith.constant 0 : i32
      %dma_start3A_675 = tpu.memref_slice %arg3[%add3A_661, %dma_start3A] : memref<768x50176xf32, #tpu.memory_space<hbm>> -> memref<1x50176xf32, #tpu.memory_space<hbm>>
      %dma_start3A_676 = tpu.memref_squeeze %dma_start3A_675 : memref<1x50176xf32, #tpu.memory_space<hbm>> -> memref<50176xf32, #tpu.memory_space<hbm>>
      %dma_start3A_677 = arith.constant 0 : i32
      %dma_start3A_678 = tpu.memref_slice %arg3[%add3A_661, %dma_start3A_677] : memref<768x50176xf32, #tpu.memory_space<hbm>> -> memref<1x50176xf32, #tpu.memory_space<hbm>>
      %dma_start3A_679 = tpu.memref_squeeze %dma_start3A_678 : memref<1x50176xf32, #tpu.memory_space<hbm>> -> memref<50176xf32, #tpu.memory_space<hbm>>
      tpu.enqueue_dma source(%arg5 : memref<50176xf32, #tpu.memory_space<vmem>>) target(%dma_start3A_679 : memref<50176xf32, #tpu.memory_space<hbm>>) target_semaphore(%arg6 : memref<!tpu.dma_semaphore, #tpu.memory_space<semaphore_mem>>)
    }
    %while3A_370 = arith.constant 1 : i32
    scf.for %while3A_629 = %while3A_368 to %while3A_364 step %while3A_370  : i32 {
      %jit3A_630 = arith.constant 42 : i32
      %div3A_631 = arith.divsi %while3A_629, %jit3A_630 : i32
      %sign3A_632 = arith.constant 0 : i32
      %sign3A_633 = arith.cmpi sgt, %while3A_629, %sign3A_632 : i32
      %sign3A_634 = arith.extui %sign3A_633 : i1 to i32
      %sign3A_635 = arith.constant 0 : i32
      %sign3A_636 = arith.cmpi slt, %while3A_629, %sign3A_635 : i32
      %sign3A_637 = arith.extui %sign3A_636 : i1 to i32
      %sign3A_638 = arith.subi %sign3A_634, %sign3A_637 : i32
      %sign3A_639 = arith.constant 0 : i32
      %sign3A_640 = arith.cmpi sgt, %jit3A_630, %sign3A_639 : i32
      %sign3A_641 = arith.extui %sign3A_640 : i1 to i32
      %sign3A_642 = arith.constant 0 : i32
      %sign3A_643 = arith.cmpi slt, %jit3A_630, %sign3A_642 : i32
      %sign3A_644 = arith.extui %sign3A_643 : i1 to i32
      %sign3A_645 = arith.subi %sign3A_641, %sign3A_644 : i32
      %ne3A_646 = arith.cmpi ne, %sign3A_638, %sign3A_645 : i32
      %rem3A_647 = arith.remsi %while3A_629, %jit3A_630 : i32
      %ne3A_648 = arith.constant 0 : i32
      %ne3A_649 = arith.cmpi ne, %rem3A_647, %ne3A_648 : i32
      %and3A_650 = arith.andi %ne3A_646, %ne3A_649 : i1
      %sub3A_651 = arith.constant 1 : i32
      %sub3A_652 = arith.subi %div3A_631, %sub3A_651 : i32
      %select_n3A_653 = arith.select %and3A_650, %sub3A_652, %div3A_631 : i32
      %mul3A_654 = arith.constant 42 : i32
      %mul3A_655 = arith.muli %select_n3A_653, %mul3A_654 : i32
      %sub3A_656 = arith.subi %while3A_629, %mul3A_655 : i32
      %add3A_657 = arith.constant 84 : i32
      %add3A_658 = arith.addi %add3A_657, %sub3A_656 : i32
      %mul3A_659 = arith.constant 384 : i32
      %mul3A_660 = arith.muli %select_n3A_653, %mul3A_659 : i32
      %add3A_661 = arith.addi %mul3A_660, %add3A_658 : i32
      "tpu.region"() ({
        %run_scoped3A = tpu.sem_alloc : memref<!tpu.dma_semaphore, #tpu.memory_space<semaphore_mem>>
        %dma_start3A_680 = arith.constant 256 : i32
        %dma_start3A_681 = tpu.memref_slice %arg4[%dma_start3A_680] : memref<50688xf32, #tpu.memory_space<vmem>> -> memref<50176xf32, #tpu.memory_space<vmem>>
        %dma_start3A_682 = arith.constant 0 : i32
        %dma_start3A_683 = tpu.memref_slice %arg2[%add3A_661, %dma_start3A_682] : memref<768x50176xf32, #tpu.memory_space<hbm>> -> memref<1x50176xf32, #tpu.memory_space<hbm>>
        %dma_start3A_684 = tpu.memref_squeeze %dma_start3A_683 : memref<1x50176xf32, #tpu.memory_space<hbm>> -> memref<50176xf32, #tpu.memory_space<hbm>>
        %dma_start3A_685 = arith.constant 256 : i32
        %dma_start3A_686 = tpu.memref_slice %arg4[%dma_start3A_685] : memref<50688xf32, #tpu.memory_space<vmem>> -> memref<50176xf32, #tpu.memory_space<vmem>>
        %dma_start3A_687 = arith.constant 0 : i32
        %dma_start3A_688 = tpu.memref_slice %arg2[%add3A_661, %dma_start3A_687] : memref<768x50176xf32, #tpu.memory_space<hbm>> -> memref<1x50176xf32, #tpu.memory_space<hbm>>
        %dma_start3A_689 = tpu.memref_squeeze %dma_start3A_688 : memref<1x50176xf32, #tpu.memory_space<hbm>> -> memref<50176xf32, #tpu.memory_space<hbm>>
        tpu.enqueue_dma source(%dma_start3A_689 : memref<50176xf32, #tpu.memory_space<hbm>>) target(%dma_start3A_686 : memref<50176xf32, #tpu.memory_space<vmem>>) target_semaphore(%run_scoped3A : memref<!tpu.dma_semaphore, #tpu.memory_space<semaphore_mem>>)
        %dma_wait3A_690 = arith.constant 256 : i32
        %dma_wait3A_691 = tpu.memref_slice %arg4[%dma_wait3A_690] : memref<50688xf32, #tpu.memory_space<vmem>> -> memref<50176xf32, #tpu.memory_space<vmem>>
        %dma_wait3A_692 = arith.constant 0 : i32
        %dma_wait3A_693 = tpu.memref_slice %arg2[%add3A_661, %dma_wait3A_692] : memref<768x50176xf32, #tpu.memory_space<hbm>> -> memref<1x50176xf32, #tpu.memory_space<hbm>>
        %dma_wait3A_694 = tpu.memref_squeeze %dma_wait3A_693 : memref<1x50176xf32, #tpu.memory_space<hbm>> -> memref<50176xf32, #tpu.memory_space<hbm>>
        %dma_wait3A_695 = arith.constant 256 : i32
        %dma_wait3A_696 = tpu.memref_slice %arg4[%dma_wait3A_695] : memref<50688xf32, #tpu.memory_space<vmem>> -> memref<50176xf32, #tpu.memory_space<vmem>>
        %dma_wait3A_697 = arith.constant 0 : i32
        %dma_wait3A_698 = tpu.memref_slice %arg2[%add3A_661, %dma_wait3A_697] : memref<768x50176xf32, #tpu.memory_space<hbm>> -> memref<1x50176xf32, #tpu.memory_space<hbm>>
        %dma_wait3A_699 = tpu.memref_squeeze %dma_wait3A_698 : memref<1x50176xf32, #tpu.memory_space<hbm>> -> memref<50176xf32, #tpu.memory_space<hbm>>
        tpu.wait_dma2 semaphore(%run_scoped3A : memref<!tpu.dma_semaphore, #tpu.memory_space<semaphore_mem>>) src(%dma_wait3A_699 : memref<50176xf32, #tpu.memory_space<hbm>>) dst(%dma_wait3A_696 : memref<50176xf32, #tpu.memory_space<vmem>>)
        tpu.yield
      }) : () -> ()
      %dma_wait3A_662 = arith.constant 0 : i32
      %dma_wait3A_663 = tpu.memref_slice %arg3[%add3A_661, %dma_wait3A_662] : memref<768x50176xf32, #tpu.memory_space<hbm>> -> memref<1x50176xf32, #tpu.memory_space<hbm>>
      %dma_wait3A_664 = tpu.memref_squeeze %dma_wait3A_663 : memref<1x50176xf32, #tpu.memory_space<hbm>> -> memref<50176xf32, #tpu.memory_space<hbm>>
      %dma_wait3A_665 = arith.constant 0 : i32
      %dma_wait3A_666 = tpu.memref_slice %arg3[%add3A_661, %dma_wait3A_665] : memref<768x50176xf32, #tpu.memory_space<hbm>> -> memref<1x50176xf32, #tpu.memory_space<hbm>>
      %dma_wait3A_667 = tpu.memref_squeeze %dma_wait3A_666 : memref<1x50176xf32, #tpu.memory_space<hbm>> -> memref<50176xf32, #tpu.memory_space<hbm>>
      tpu.wait_dma2 semaphore(%arg6 : memref<!tpu.dma_semaphore, #tpu.memory_space<semaphore_mem>>) src(%arg5 : memref<50176xf32, #tpu.memory_space<vmem>>) dst(%dma_wait3A_667 : memref<50176xf32, #tpu.memory_space<hbm>>)
      %eq3A = arith.constant 0 : i32
      %eq3A_668 = vector.broadcast %eq3A : i32 to vector<16xi32>
      %eq3A_669 = arith.cmpi eq, %iota3A, %eq3A_668 : vector<16xi32>
      %scan3A = arith.constant 0 : i32
      %scan3A_670 = arith.constant 0 : i32
      %scan3A_671 = arith.constant 224 : i32
      %scan3A_672 = arith.addi %scan3A_670, %scan3A_671 : i32
      %scan3A_673 = arith.constant 1 : i32
      scf.for %scan3A_680 = %scan3A_670 to %scan3A_672 step %scan3A_673  : i32 {
        %mul3A_681 = arith.constant 224 : i32
        %mul3A_682 = arith.muli %scan3A_680, %mul3A_681 : i32
        %add3A_683 = arith.constant 255 : i32
        %add3A_684 = arith.addi %add3A_683, %mul3A_682 : i32
        %add3A_685 = arith.constant 0 : i32
        %add3A_686 = arith.addi %add3A_684, %add3A_685 : i32
        %get3A = arith.index_cast %add3A_686 : i32 to index
        %get3A_687 = tpu.vector_load %arg4[%get3A] {strides = array<i32>} : memref<50688xf32, #tpu.memory_space<vmem>>, vector<16xf32>,
        %get3A_688 = vector.shape_cast %get3A_687 : vector<16xf32> to vector<16xf32>
        %jit3A_689 = arith.constant 0.000000e+00 : f32
        %broadcast_in_dim3A_690 = vector.broadcast %jit3A_689 : f32 to vector<16xf32>
        %select_n3A_691 = arith.select %eq3A_669, %broadcast_in_dim3A_690, %get3A_688 : vector<16xi1>, vector<16xf32>
        %add3A_692 = arith.constant 0 : i32
        %add3A_693 = arith.addi %mul3A_682, %add3A_692 : i32
        %swap3A = arith.index_cast %add3A_693 : i32 to index
        %swap3A_694 = tpu.vector_load %arg5[%swap3A] {strides = array<i32>} : memref<50176xf32, #tpu.memory_space<vmem>>, vector<16xf32>,
        %swap3A_695 = vector.shape_cast %swap3A_694 : vector<16xf32> to vector<16xf32>
        %swap3A_696 = vector.shape_cast %select_n3A_691 : vector<16xf32> to vector<16xf32>
        tpu.vector_store %arg5[%swap3A], %swap3A_696 {strides = array<i32>} : memref<50176xf32, #tpu.memory_space<vmem>>, vector<16xf32>,
        %add3A_697 = arith.constant 255 : i32
        %add3A_698 = arith.addi %add3A_697, %mul3A_682 : i32
        %add3A_699 = arith.constant 16 : i32
        %add3A_700 = arith.addi %add3A_698, %add3A_699 : i32
        %get3A_701 = arith.index_cast %add3A_700 : i32 to index
        %get3A_702 = tpu.vector_load %arg4[%get3A_701] {strides = array<i32>} : memref<50688xf32, #tpu.memory_space<vmem>>, vector<16xf32>,
        %get3A_703 = vector.shape_cast %get3A_702 : vector<16xf32> to vector<16xf32>
        %add3A_704 = arith.constant 16 : i32
        %add3A_705 = arith.addi %mul3A_682, %add3A_704 : i32
        %swap3A_706 = arith.index_cast %add3A_705 : i32 to index
        %swap3A_707 = tpu.vector_load %arg5[%swap3A_706] {strides = array<i32>} : memref<50176xf32, #tpu.memory_space<vmem>>, vector<16xf32>,
        %swap3A_708 = vector.shape_cast %swap3A_707 : vector<16xf32> to vector<16xf32>
        %swap3A_709 = vector.shape_cast %get3A_703 : vector<16xf32> to vector<16xf32>
        tpu.vector_store %arg5[%swap3A_706], %swap3A_709 {strides = array<i32>} : memref<50176xf32, #tpu.memory_space<vmem>>, vector<16xf32>,
        %add3A_710 = arith.constant 255 : i32
        %add3A_711 = arith.addi %add3A_710, %mul3A_682 : i32
        %add3A_712 = arith.constant 32 : i32
        %add3A_713 = arith.addi %add3A_711, %add3A_712 : i32
        %get3A_714 = arith.index_cast %add3A_713 : i32 to index
        %get3A_715 = tpu.vector_load %arg4[%get3A_714] {strides = array<i32>} : memref<50688xf32, #tpu.memory_space<vmem>>, vector<16xf32>,
        %get3A_716 = vector.shape_cast %get3A_715 : vector<16xf32> to vector<16xf32>
        %add3A_717 = arith.constant 32 : i32
        %add3A_718 = arith.addi %mul3A_682, %add3A_717 : i32
        %swap3A_719 = arith.index_cast %add3A_718 : i32 to index
        %swap3A_720 = tpu.vector_load %arg5[%swap3A_719] {strides = array<i32>} : memref<50176xf32, #tpu.memory_space<vmem>>, vector<16xf32>,
        %swap3A_721 = vector.shape_cast %swap3A_720 : vector<16xf32> to vector<16xf32>
        %swap3A_722 = vector.shape_cast %get3A_716 : vector<16xf32> to vector<16xf32>
        tpu.vector_store %arg5[%swap3A_719], %swap3A_722 {strides = array<i32>} : memref<50176xf32, #tpu.memory_space<vmem>>, vector<16xf32>,
        %add3A_723 = arith.constant 255 : i32
        %add3A_724 = arith.addi %add3A_723, %mul3A_682 : i32
        %add3A_725 = arith.constant 48 : i32
        %add3A_726 = arith.addi %add3A_724, %add3A_725 : i32
        %get3A_727 = arith.index_cast %add3A_726 : i32 to index
        %get3A_728 = tpu.vector_load %arg4[%get3A_727] {strides = array<i32>} : memref<50688xf32, #tpu.memory_space<vmem>>, vector<16xf32>,
        %get3A_729 = vector.shape_cast %get3A_728 : vector<16xf32> to vector<16xf32>
        %add3A_730 = arith.constant 48 : i32
        %add3A_731 = arith.addi %mul3A_682, %add3A_730 : i32
        %swap3A_732 = arith.index_cast %add3A_731 : i32 to index
        %swap3A_733 = tpu.vector_load %arg5[%swap3A_732] {strides = array<i32>} : memref<50176xf32, #tpu.memory_space<vmem>>, vector<16xf32>,
        %swap3A_734 = vector.shape_cast %swap3A_733 : vector<16xf32> to vector<16xf32>
        %swap3A_735 = vector.shape_cast %get3A_729 : vector<16xf32> to vector<16xf32>
        tpu.vector_store %arg5[%swap3A_732], %swap3A_735 {strides = array<i32>} : memref<50176xf32, #tpu.memory_space<vmem>>, vector<16xf32>,
        %add3A_736 = arith.constant 255 : i32
        %add3A_737 = arith.addi %add3A_736, %mul3A_682 : i32
        %add3A_738 = arith.constant 64 : i32
        %add3A_739 = arith.addi %add3A_737, %add3A_738 : i32
        %get3A_740 = arith.index_cast %add3A_739 : i32 to index
        %get3A_741 = tpu.vector_load %arg4[%get3A_740] {strides = array<i32>} : memref<50688xf32, #tpu.memory_space<vmem>>, vector<16xf32>,
        %get3A_742 = vector.shape_cast %get3A_741 : vector<16xf32> to vector<16xf32>
        %add3A_743 = arith.constant 64 : i32
        %add3A_744 = arith.addi %mul3A_682, %add3A_743 : i32
        %swap3A_745 = arith.index_cast %add3A_744 : i32 to index
        %swap3A_746 = tpu.vector_load %arg5[%swap3A_745] {strides = array<i32>} : memref<50176xf32, #tpu.memory_space<vmem>>, vector<16xf32>,
        %swap3A_747 = vector.shape_cast %swap3A_746 : vector<16xf32> to vector<16xf32>
        %swap3A_748 = vector.shape_cast %get3A_742 : vector<16xf32> to vector<16xf32>
        tpu.vector_store %arg5[%swap3A_745], %swap3A_748 {strides = array<i32>} : memref<50176xf32, #tpu.memory_space<vmem>>, vector<16xf32>,
        %add3A_749 = arith.constant 255 : i32
        %add3A_750 = arith.addi %add3A_749, %mul3A_682 : i32
        %add3A_751 = arith.constant 80 : i32
        %add3A_752 = arith.addi %add3A_750, %add3A_751 : i32
        %get3A_753 = arith.index_cast %add3A_752 : i32 to index
        %get3A_754 = tpu.vector_load %arg4[%get3A_753] {strides = array<i32>} : memref<50688xf32, #tpu.memory_space<vmem>>, vector<16xf32>,
        %get3A_755 = vector.shape_cast %get3A_754 : vector<16xf32> to vector<16xf32>
        %add3A_756 = arith.constant 80 : i32
        %add3A_757 = arith.addi %mul3A_682, %add3A_756 : i32
        %swap3A_758 = arith.index_cast %add3A_757 : i32 to index
        %swap3A_759 = tpu.vector_load %arg5[%swap3A_758] {strides = array<i32>} : memref<50176xf32, #tpu.memory_space<vmem>>, vector<16xf32>,
        %swap3A_760 = vector.shape_cast %swap3A_759 : vector<16xf32> to vector<16xf32>
        %swap3A_761 = vector.shape_cast %get3A_755 : vector<16xf32> to vector<16xf32>
        tpu.vector_store %arg5[%swap3A_758], %swap3A_761 {strides = array<i32>} : memref<50176xf32, #tpu.memory_space<vmem>>, vector<16xf32>,
        %add3A_762 = arith.constant 255 : i32
        %add3A_763 = arith.addi %add3A_762, %mul3A_682 : i32
        %add3A_764 = arith.constant 96 : i32
        %add3A_765 = arith.addi %add3A_763, %add3A_764 : i32
        %get3A_766 = arith.index_cast %add3A_765 : i32 to index
        %get3A_767 = tpu.vector_load %arg4[%get3A_766] {strides = array<i32>} : memref<50688xf32, #tpu.memory_space<vmem>>, vector<16xf32>,
        %get3A_768 = vector.shape_cast %get3A_767 : vector<16xf32> to vector<16xf32>
        %add3A_769 = arith.constant 96 : i32
        %add3A_770 = arith.addi %mul3A_682, %add3A_769 : i32
        %swap3A_771 = arith.index_cast %add3A_770 : i32 to index
        %swap3A_772 = tpu.vector_load %arg5[%swap3A_771] {strides = array<i32>} : memref<50176xf32, #tpu.memory_space<vmem>>, vector<16xf32>,
        %swap3A_773 = vector.shape_cast %swap3A_772 : vector<16xf32> to vector<16xf32>
        %swap3A_774 = vector.shape_cast %get3A_768 : vector<16xf32> to vector<16xf32>
        tpu.vector_store %arg5[%swap3A_771], %swap3A_774 {strides = array<i32>} : memref<50176xf32, #tpu.memory_space<vmem>>, vector<16xf32>,
        %add3A_775 = arith.constant 255 : i32
        %add3A_776 = arith.addi %add3A_775, %mul3A_682 : i32
        %add3A_777 = arith.constant 112 : i32
        %add3A_778 = arith.addi %add3A_776, %add3A_777 : i32
        %get3A_779 = arith.index_cast %add3A_778 : i32 to index
        %get3A_780 = tpu.vector_load %arg4[%get3A_779] {strides = array<i32>} : memref<50688xf32, #tpu.memory_space<vmem>>, vector<16xf32>,
        %get3A_781 = vector.shape_cast %get3A_780 : vector<16xf32> to vector<16xf32>
        %add3A_782 = arith.constant 112 : i32
        %add3A_783 = arith.addi %mul3A_682, %add3A_782 : i32
        %swap3A_784 = arith.index_cast %add3A_783 : i32 to index
        %swap3A_785 = tpu.vector_load %arg5[%swap3A_784] {strides = array<i32>} : memref<50176xf32, #tpu.memory_space<vmem>>, vector<16xf32>,
        %swap3A_786 = vector.shape_cast %swap3A_785 : vector<16xf32> to vector<16xf32>
        %swap3A_787 = vector.shape_cast %get3A_781 : vector<16xf32> to vector<16xf32>
        tpu.vector_store %arg5[%swap3A_784], %swap3A_787 {strides = array<i32>} : memref<50176xf32, #tpu.memory_space<vmem>>, vector<16xf32>,
        %add3A_788 = arith.constant 255 : i32
        %add3A_789 = arith.addi %add3A_788, %mul3A_682 : i32
        %add3A_790 = arith.constant 128 : i32
        %add3A_791 = arith.addi %add3A_789, %add3A_790 : i32
        %get3A_792 = arith.index_cast %add3A_791 : i32 to index
        %get3A_793 = tpu.vector_load %arg4[%get3A_792] {strides = array<i32>} : memref<50688xf32, #tpu.memory_space<vmem>>, vector<16xf32>,
        %get3A_794 = vector.shape_cast %get3A_793 : vector<16xf32> to vector<16xf32>
        %add3A_795 = arith.constant 128 : i32
        %add3A_796 = arith.addi %mul3A_682, %add3A_795 : i32
        %swap3A_797 = arith.index_cast %add3A_796 : i32 to index
        %swap3A_798 = tpu.vector_load %arg5[%swap3A_797] {strides = array<i32>} : memref<50176xf32, #tpu.memory_space<vmem>>, vector<16xf32>,
        %swap3A_799 = vector.shape_cast %swap3A_798 : vector<16xf32> to vector<16xf32>
        %swap3A_800 = vector.shape_cast %get3A_794 : vector<16xf32> to vector<16xf32>
        tpu.vector_store %arg5[%swap3A_797], %swap3A_800 {strides = array<i32>} : memref<50176xf32, #tpu.memory_space<vmem>>, vector<16xf32>,
        %add3A_801 = arith.constant 255 : i32
        %add3A_802 = arith.addi %add3A_801, %mul3A_682 : i32
        %add3A_803 = arith.constant 144 : i32
        %add3A_804 = arith.addi %add3A_802, %add3A_803 : i32
        %get3A_805 = arith.index_cast %add3A_804 : i32 to index
        %get3A_806 = tpu.vector_load %arg4[%get3A_805] {strides = array<i32>} : memref<50688xf32, #tpu.memory_space<vmem>>, vector<16xf32>,
        %get3A_807 = vector.shape_cast %get3A_806 : vector<16xf32> to vector<16xf32>
        %add3A_808 = arith.constant 144 : i32
        %add3A_809 = arith.addi %mul3A_682, %add3A_808 : i32
        %swap3A_810 = arith.index_cast %add3A_809 : i32 to index
        %swap3A_811 = tpu.vector_load %arg5[%swap3A_810] {strides = array<i32>} : memref<50176xf32, #tpu.memory_space<vmem>>, vector<16xf32>,
        %swap3A_812 = vector.shape_cast %swap3A_811 : vector<16xf32> to vector<16xf32>
        %swap3A_813 = vector.shape_cast %get3A_807 : vector<16xf32> to vector<16xf32>
        tpu.vector_store %arg5[%swap3A_810], %swap3A_813 {strides = array<i32>} : memref<50176xf32, #tpu.memory_space<vmem>>, vector<16xf32>,
        %add3A_814 = arith.constant 255 : i32
        %add3A_815 = arith.addi %add3A_814, %mul3A_682 : i32
        %add3A_816 = arith.constant 160 : i32
        %add3A_817 = arith.addi %add3A_815, %add3A_816 : i32
        %get3A_818 = arith.index_cast %add3A_817 : i32 to index
        %get3A_819 = tpu.vector_load %arg4[%get3A_818] {strides = array<i32>} : memref<50688xf32, #tpu.memory_space<vmem>>, vector<16xf32>,
        %get3A_820 = vector.shape_cast %get3A_819 : vector<16xf32> to vector<16xf32>
        %add3A_821 = arith.constant 160 : i32
        %add3A_822 = arith.addi %mul3A_682, %add3A_821 : i32
        %swap3A_823 = arith.index_cast %add3A_822 : i32 to index
        %swap3A_824 = tpu.vector_load %arg5[%swap3A_823] {strides = array<i32>} : memref<50176xf32, #tpu.memory_space<vmem>>, vector<16xf32>,
        %swap3A_825 = vector.shape_cast %swap3A_824 : vector<16xf32> to vector<16xf32>
        %swap3A_826 = vector.shape_cast %get3A_820 : vector<16xf32> to vector<16xf32>
        tpu.vector_store %arg5[%swap3A_823], %swap3A_826 {strides = array<i32>} : memref<50176xf32, #tpu.memory_space<vmem>>, vector<16xf32>,
        %add3A_827 = arith.constant 255 : i32
        %add3A_828 = arith.addi %add3A_827, %mul3A_682 : i32
        %add3A_829 = arith.constant 176 : i32
        %add3A_830 = arith.addi %add3A_828, %add3A_829 : i32
        %get3A_831 = arith.index_cast %add3A_830 : i32 to index
        %get3A_832 = tpu.vector_load %arg4[%get3A_831] {strides = array<i32>} : memref<50688xf32, #tpu.memory_space<vmem>>, vector<16xf32>,
        %get3A_833 = vector.shape_cast %get3A_832 : vector<16xf32> to vector<16xf32>
        %add3A_834 = arith.constant 176 : i32
        %add3A_835 = arith.addi %mul3A_682, %add3A_834 : i32
        %swap3A_836 = arith.index_cast %add3A_835 : i32 to index
        %swap3A_837 = tpu.vector_load %arg5[%swap3A_836] {strides = array<i32>} : memref<50176xf32, #tpu.memory_space<vmem>>, vector<16xf32>,
        %swap3A_838 = vector.shape_cast %swap3A_837 : vector<16xf32> to vector<16xf32>
        %swap3A_839 = vector.shape_cast %get3A_833 : vector<16xf32> to vector<16xf32>
        tpu.vector_store %arg5[%swap3A_836], %swap3A_839 {strides = array<i32>} : memref<50176xf32, #tpu.memory_space<vmem>>, vector<16xf32>,
        %add3A_840 = arith.constant 255 : i32
        %add3A_841 = arith.addi %add3A_840, %mul3A_682 : i32
        %add3A_842 = arith.constant 192 : i32
        %add3A_843 = arith.addi %add3A_841, %add3A_842 : i32
        %get3A_844 = arith.index_cast %add3A_843 : i32 to index
        %get3A_845 = tpu.vector_load %arg4[%get3A_844] {strides = array<i32>} : memref<50688xf32, #tpu.memory_space<vmem>>, vector<16xf32>,
        %get3A_846 = vector.shape_cast %get3A_845 : vector<16xf32> to vector<16xf32>
        %add3A_847 = arith.constant 192 : i32
        %add3A_848 = arith.addi %mul3A_682, %add3A_847 : i32
        %swap3A_849 = arith.index_cast %add3A_848 : i32 to index
        %swap3A_850 = tpu.vector_load %arg5[%swap3A_849] {strides = array<i32>} : memref<50176xf32, #tpu.memory_space<vmem>>, vector<16xf32>,
        %swap3A_851 = vector.shape_cast %swap3A_850 : vector<16xf32> to vector<16xf32>
        %swap3A_852 = vector.shape_cast %get3A_846 : vector<16xf32> to vector<16xf32>
        tpu.vector_store %arg5[%swap3A_849], %swap3A_852 {strides = array<i32>} : memref<50176xf32, #tpu.memory_space<vmem>>, vector<16xf32>,
        %add3A_853 = arith.constant 255 : i32
        %add3A_854 = arith.addi %add3A_853, %mul3A_682 : i32
        %add3A_855 = arith.constant 208 : i32
        %add3A_856 = arith.addi %add3A_854, %add3A_855 : i32
        %get3A_857 = arith.index_cast %add3A_856 : i32 to index
        %get3A_858 = tpu.vector_load %arg4[%get3A_857] {strides = array<i32>} : memref<50688xf32, #tpu.memory_space<vmem>>, vector<16xf32>,
        %get3A_859 = vector.shape_cast %get3A_858 : vector<16xf32> to vector<16xf32>
        %add3A_860 = arith.constant 208 : i32
        %add3A_861 = arith.addi %mul3A_682, %add3A_860 : i32
        %swap3A_862 = arith.index_cast %add3A_861 : i32 to index
        %swap3A_863 = tpu.vector_load %arg5[%swap3A_862] {strides = array<i32>} : memref<50176xf32, #tpu.memory_space<vmem>>, vector<16xf32>,
        %swap3A_864 = vector.shape_cast %swap3A_863 : vector<16xf32> to vector<16xf32>
        %swap3A_865 = vector.shape_cast %get3A_859 : vector<16xf32> to vector<16xf32>
        tpu.vector_store %arg5[%swap3A_862], %swap3A_865 {strides = array<i32>} : memref<50176xf32, #tpu.memory_space<vmem>>, vector<16xf32>,
      }
      %scan3A_674 = arith.constant 224 : i32
      %dma_start3A = arith.constant 0 : i32
      %dma_start3A_675 = tpu.memref_slice %arg3[%add3A_661, %dma_start3A] : memref<768x50176xf32, #tpu.memory_space<hbm>> -> memref<1x50176xf32, #tpu.memory_space<hbm>>
      %dma_start3A_676 = tpu.memref_squeeze %dma_start3A_675 : memref<1x50176xf32, #tpu.memory_space<hbm>> -> memref<50176xf32, #tpu.memory_space<hbm>>
      %dma_start3A_677 = arith.constant 0 : i32
      %dma_start3A_678 = tpu.memref_slice %arg3[%add3A_661, %dma_start3A_677] : memref<768x50176xf32, #tpu.memory_space<hbm>> -> memref<1x50176xf32, #tpu.memory_space<hbm>>
      %dma_start3A_679 = tpu.memref_squeeze %dma_start3A_678 : memref<1x50176xf32, #tpu.memory_space<hbm>> -> memref<50176xf32, #tpu.memory_space<hbm>>
      tpu.enqueue_dma source(%arg5 : memref<50176xf32, #tpu.memory_space<vmem>>) target(%dma_start3A_679 : memref<50176xf32, #tpu.memory_space<hbm>>) target_semaphore(%arg6 : memref<!tpu.dma_semaphore, #tpu.memory_space<semaphore_mem>>)
    }
    %mul3A_371 = arith.constant 84 : i32
    %mul3A_372 = arith.muli %add3A, %mul3A_371 : i32
    %jit3A_373 = arith.constant 32 : i32
    %div3A_374 = arith.divsi %mul3A_372, %jit3A_373 : i32
    %sign3A_375 = arith.constant 0 : i32
    %sign3A_376 = arith.cmpi sgt, %mul3A_372, %sign3A_375 : i32
    %sign3A_377 = arith.extui %sign3A_376 : i1 to i32
    %sign3A_378 = arith.constant 0 : i32
    %sign3A_379 = arith.cmpi slt, %mul3A_372, %sign3A_378 : i32
    %sign3A_380 = arith.extui %sign3A_379 : i1 to i32
    %sign3A_381 = arith.subi %sign3A_377, %sign3A_380 : i32
    %sign3A_382 = arith.constant 0 : i32
    %sign3A_383 = arith.cmpi sgt, %jit3A_373, %sign3A_382 : i32
    %sign3A_384 = arith.extui %sign3A_383 : i1 to i32
    %sign3A_385 = arith.constant 0 : i32
    %sign3A_386 = arith.cmpi slt, %jit3A_373, %sign3A_385 : i32
    %sign3A_387 = arith.extui %sign3A_386 : i1 to i32
    %sign3A_388 = arith.subi %sign3A_384, %sign3A_387 : i32
    %ne3A_389 = arith.cmpi ne, %sign3A_381, %sign3A_388 : i32
    %rem3A_390 = arith.remsi %mul3A_372, %jit3A_373 : i32
    %ne3A_391 = arith.constant 0 : i32
    %ne3A_392 = arith.cmpi ne, %rem3A_390, %ne3A_391 : i32
    %and3A_393 = arith.andi %ne3A_389, %ne3A_392 : i1
    %sub3A_394 = arith.constant 1 : i32
    %sub3A_395 = arith.subi %div3A_374, %sub3A_394 : i32
    %select_n3A_396 = arith.select %and3A_393, %sub3A_395, %div3A_374 : i32
    %add3A_397 = arith.constant 1 : i32
    %add3A_398 = arith.addi %add3A, %add3A_397 : i32
    %mul3A_399 = arith.constant 84 : i32
    %mul3A_400 = arith.muli %add3A_398, %mul3A_399 : i32
    %jit3A_401 = arith.constant 32 : i32
    %div3A_402 = arith.divsi %mul3A_400, %jit3A_401 : i32
    %sign3A_403 = arith.constant 0 : i32
    %sign3A_404 = arith.cmpi sgt, %mul3A_400, %sign3A_403 : i32
    %sign3A_405 = arith.extui %sign3A_404 : i1 to i32
    %sign3A_406 = arith.constant 0 : i32
    %sign3A_407 = arith.cmpi slt, %mul3A_400, %sign3A_406 : i32
    %sign3A_408 = arith.extui %sign3A_407 : i1 to i32
    %sign3A_409 = arith.subi %sign3A_405, %sign3A_408 : i32
    %sign3A_410 = arith.constant 0 : i32
    %sign3A_411 = arith.cmpi sgt, %jit3A_401, %sign3A_410 : i32
    %sign3A_412 = arith.extui %sign3A_411 : i1 to i32
    %sign3A_413 = arith.constant 0 : i32
    %sign3A_414 = arith.cmpi slt, %jit3A_401, %sign3A_413 : i32
    %sign3A_415 = arith.extui %sign3A_414 : i1 to i32
    %sign3A_416 = arith.subi %sign3A_412, %sign3A_415 : i32
    %ne3A_417 = arith.cmpi ne, %sign3A_409, %sign3A_416 : i32
    %rem3A_418 = arith.remsi %mul3A_400, %jit3A_401 : i32
    %ne3A_419 = arith.constant 0 : i32
    %ne3A_420 = arith.cmpi ne, %rem3A_418, %ne3A_419 : i32
    %and3A_421 = arith.andi %ne3A_417, %ne3A_420 : i1
    %sub3A_422 = arith.constant 1 : i32
    %sub3A_423 = arith.subi %div3A_402, %sub3A_422 : i32
    %select_n3A_424 = arith.select %and3A_421, %sub3A_423, %div3A_402 : i32
    %while3A_425 = arith.constant 0 : i32
    %while3A_426 = arith.subi %select_n3A_424, %select_n3A_396 : i32
    %while3A_427 = arith.addi %select_n3A_396, %while3A_426 : i32
    %while3A_428 = arith.constant 1 : i32
    %while3A_429 = arith.divsi %while3A_426, %while3A_428 : i32
    %while3A_430 = arith.muli %while3A_429, %while3A_428 : i32
    %while3A_431 = arith.addi %select_n3A_396, %while3A_430 : i32
    %while3A_432 = arith.constant 1 : i32
    scf.for %while3A_629 = %select_n3A_396 to %while3A_431 step %while3A_432  : i32 {
      %jit3A_630 = arith.constant 42 : i32
      %div3A_631 = arith.divsi %while3A_629, %jit3A_630 : i32
      %sign3A_632 = arith.constant 0 : i32
      %sign3A_633 = arith.cmpi sgt, %while3A_629, %sign3A_632 : i32
      %sign3A_634 = arith.extui %sign3A_633 : i1 to i32
      %sign3A_635 = arith.constant 0 : i32
      %sign3A_636 = arith.cmpi slt, %while3A_629, %sign3A_635 : i32
      %sign3A_637 = arith.extui %sign3A_636 : i1 to i32
      %sign3A_638 = arith.subi %sign3A_634, %sign3A_637 : i32
      %sign3A_639 = arith.constant 0 : i32
      %sign3A_640 = arith.cmpi sgt, %jit3A_630, %sign3A_639 : i32
      %sign3A_641 = arith.extui %sign3A_640 : i1 to i32
      %sign3A_642 = arith.constant 0 : i32
      %sign3A_643 = arith.cmpi slt, %jit3A_630, %sign3A_642 : i32
      %sign3A_644 = arith.extui %sign3A_643 : i1 to i32
      %sign3A_645 = arith.subi %sign3A_641, %sign3A_644 : i32
      %ne3A_646 = arith.cmpi ne, %sign3A_638, %sign3A_645 : i32
      %rem3A_647 = arith.remsi %while3A_629, %jit3A_630 : i32
      %ne3A_648 = arith.constant 0 : i32
      %ne3A_649 = arith.cmpi ne, %rem3A_647, %ne3A_648 : i32
      %and3A_650 = arith.andi %ne3A_646, %ne3A_649 : i1
      %sub3A_651 = arith.constant 1 : i32
      %sub3A_652 = arith.subi %div3A_631, %sub3A_651 : i32
      %select_n3A_653 = arith.select %and3A_650, %sub3A_652, %div3A_631 : i32
      %mul3A_654 = arith.constant 42 : i32
      %mul3A_655 = arith.muli %select_n3A_653, %mul3A_654 : i32
      %sub3A_656 = arith.subi %while3A_629, %mul3A_655 : i32
      %add3A_657 = arith.constant 210 : i32
      %add3A_658 = arith.addi %add3A_657, %sub3A_656 : i32
      %mul3A_659 = arith.constant 384 : i32
      %mul3A_660 = arith.muli %select_n3A_653, %mul3A_659 : i32
      %add3A_661 = arith.addi %mul3A_660, %add3A_658 : i32
      "tpu.region"() ({
        %run_scoped3A = tpu.sem_alloc : memref<!tpu.dma_semaphore, #tpu.memory_space<semaphore_mem>>
        %dma_start3A_686 = arith.constant 32 : i32
        %dma_start3A_687 = tpu.memref_slice %arg4[%dma_start3A_686] : memref<50688xf32, #tpu.memory_space<vmem>> -> memref<50176xf32, #tpu.memory_space<vmem>>
        %dma_start3A_688 = arith.constant 0 : i32
        %dma_start3A_689 = tpu.memref_slice %arg2[%add3A_661, %dma_start3A_688] : memref<768x50176xf32, #tpu.memory_space<hbm>> -> memref<1x50176xf32, #tpu.memory_space<hbm>>
        %dma_start3A_690 = tpu.memref_squeeze %dma_start3A_689 : memref<1x50176xf32, #tpu.memory_space<hbm>> -> memref<50176xf32, #tpu.memory_space<hbm>>
        %dma_start3A_691 = arith.constant 32 : i32
        %dma_start3A_692 = tpu.memref_slice %arg4[%dma_start3A_691] : memref<50688xf32, #tpu.memory_space<vmem>> -> memref<50176xf32, #tpu.memory_space<vmem>>
        %dma_start3A_693 = arith.constant 0 : i32
        %dma_start3A_694 = tpu.memref_slice %arg2[%add3A_661, %dma_start3A_693] : memref<768x50176xf32, #tpu.memory_space<hbm>> -> memref<1x50176xf32, #tpu.memory_space<hbm>>
        %dma_start3A_695 = tpu.memref_squeeze %dma_start3A_694 : memref<1x50176xf32, #tpu.memory_space<hbm>> -> memref<50176xf32, #tpu.memory_space<hbm>>
        tpu.enqueue_dma source(%dma_start3A_695 : memref<50176xf32, #tpu.memory_space<hbm>>) target(%dma_start3A_692 : memref<50176xf32, #tpu.memory_space<vmem>>) target_semaphore(%run_scoped3A : memref<!tpu.dma_semaphore, #tpu.memory_space<semaphore_mem>>)
        %dma_wait3A_696 = arith.constant 32 : i32
        %dma_wait3A_697 = tpu.memref_slice %arg4[%dma_wait3A_696] : memref<50688xf32, #tpu.memory_space<vmem>> -> memref<50176xf32, #tpu.memory_space<vmem>>
        %dma_wait3A_698 = arith.constant 0 : i32
        %dma_wait3A_699 = tpu.memref_slice %arg2[%add3A_661, %dma_wait3A_698] : memref<768x50176xf32, #tpu.memory_space<hbm>> -> memref<1x50176xf32, #tpu.memory_space<hbm>>
        %dma_wait3A_700 = tpu.memref_squeeze %dma_wait3A_699 : memref<1x50176xf32, #tpu.memory_space<hbm>> -> memref<50176xf32, #tpu.memory_space<hbm>>
        %dma_wait3A_701 = arith.constant 32 : i32
        %dma_wait3A_702 = tpu.memref_slice %arg4[%dma_wait3A_701] : memref<50688xf32, #tpu.memory_space<vmem>> -> memref<50176xf32, #tpu.memory_space<vmem>>
        %dma_wait3A_703 = arith.constant 0 : i32
        %dma_wait3A_704 = tpu.memref_slice %arg2[%add3A_661, %dma_wait3A_703] : memref<768x50176xf32, #tpu.memory_space<hbm>> -> memref<1x50176xf32, #tpu.memory_space<hbm>>
        %dma_wait3A_705 = tpu.memref_squeeze %dma_wait3A_704 : memref<1x50176xf32, #tpu.memory_space<hbm>> -> memref<50176xf32, #tpu.memory_space<hbm>>
        tpu.wait_dma2 semaphore(%run_scoped3A : memref<!tpu.dma_semaphore, #tpu.memory_space<semaphore_mem>>) src(%dma_wait3A_705 : memref<50176xf32, #tpu.memory_space<hbm>>) dst(%dma_wait3A_702 : memref<50176xf32, #tpu.memory_space<vmem>>)
        tpu.yield
      }) : () -> ()
      %dma_wait3A_662 = arith.constant 0 : i32
      %dma_wait3A_663 = tpu.memref_slice %arg3[%add3A_661, %dma_wait3A_662] : memref<768x50176xf32, #tpu.memory_space<hbm>> -> memref<1x50176xf32, #tpu.memory_space<hbm>>
      %dma_wait3A_664 = tpu.memref_squeeze %dma_wait3A_663 : memref<1x50176xf32, #tpu.memory_space<hbm>> -> memref<50176xf32, #tpu.memory_space<hbm>>
      %dma_wait3A_665 = arith.constant 0 : i32
      %dma_wait3A_666 = tpu.memref_slice %arg3[%add3A_661, %dma_wait3A_665] : memref<768x50176xf32, #tpu.memory_space<hbm>> -> memref<1x50176xf32, #tpu.memory_space<hbm>>
      %dma_wait3A_667 = tpu.memref_squeeze %dma_wait3A_666 : memref<1x50176xf32, #tpu.memory_space<hbm>> -> memref<50176xf32, #tpu.memory_space<hbm>>
      tpu.wait_dma2 semaphore(%arg6 : memref<!tpu.dma_semaphore, #tpu.memory_space<semaphore_mem>>) src(%arg5 : memref<50176xf32, #tpu.memory_space<vmem>>) dst(%dma_wait3A_667 : memref<50176xf32, #tpu.memory_space<hbm>>)
      %eq3A = arith.constant 15 : i32
      %eq3A_668 = vector.broadcast %eq3A : i32 to vector<16xi32>
      %eq3A_669 = arith.cmpi eq, %iota3A, %eq3A_668 : vector<16xi32>
      %scan3A = arith.constant 0 : i32
      %scan3A_670 = arith.constant 0 : i32
      %scan3A_671 = arith.constant 224 : i32
      %scan3A_672 = arith.addi %scan3A_670, %scan3A_671 : i32
      %scan3A_673 = arith.constant 1 : i32
      scf.for %scan3A_686 = %scan3A_670 to %scan3A_672 step %scan3A_673  : i32 {
        %mul3A_687 = arith.constant 224 : i32
        %mul3A_688 = arith.muli %scan3A_686, %mul3A_687 : i32
        %add3A_689 = arith.constant 257 : i32
        %add3A_690 = arith.addi %add3A_689, %mul3A_688 : i32
        %add3A_691 = arith.constant 0 : i32
        %add3A_692 = arith.addi %add3A_690, %add3A_691 : i32
        %get3A = arith.index_cast %add3A_692 : i32 to index
        %get3A_693 = tpu.vector_load %arg4[%get3A] {strides = array<i32>} : memref<50688xf32, #tpu.memory_space<vmem>>, vector<16xf32>,
        %get3A_694 = vector.shape_cast %get3A_693 : vector<16xf32> to vector<16xf32>
        %add3A_695 = arith.constant 0 : i32
        %add3A_696 = arith.addi %mul3A_688, %add3A_695 : i32
        %swap3A = arith.index_cast %add3A_696 : i32 to index
        %swap3A_697 = tpu.vector_load %arg5[%swap3A] {strides = array<i32>} : memref<50176xf32, #tpu.memory_space<vmem>>, vector<16xf32>,
        %swap3A_698 = vector.shape_cast %swap3A_697 : vector<16xf32> to vector<16xf32>
        %swap3A_699 = vector.shape_cast %get3A_694 : vector<16xf32> to vector<16xf32>
        tpu.vector_store %arg5[%swap3A], %swap3A_699 {strides = array<i32>} : memref<50176xf32, #tpu.memory_space<vmem>>, vector<16xf32>,
        %add3A_700 = arith.constant 257 : i32
        %add3A_701 = arith.addi %add3A_700, %mul3A_688 : i32
        %add3A_702 = arith.constant 16 : i32
        %add3A_703 = arith.addi %add3A_701, %add3A_702 : i32
        %get3A_704 = arith.index_cast %add3A_703 : i32 to index
        %get3A_705 = tpu.vector_load %arg4[%get3A_704] {strides = array<i32>} : memref<50688xf32, #tpu.memory_space<vmem>>, vector<16xf32>,
        %get3A_706 = vector.shape_cast %get3A_705 : vector<16xf32> to vector<16xf32>
        %add3A_707 = arith.constant 16 : i32
        %add3A_708 = arith.addi %mul3A_688, %add3A_707 : i32
        %swap3A_709 = arith.index_cast %add3A_708 : i32 to index
        %swap3A_710 = tpu.vector_load %arg5[%swap3A_709] {strides = array<i32>} : memref<50176xf32, #tpu.memory_space<vmem>>, vector<16xf32>,
        %swap3A_711 = vector.shape_cast %swap3A_710 : vector<16xf32> to vector<16xf32>
        %swap3A_712 = vector.shape_cast %get3A_706 : vector<16xf32> to vector<16xf32>
        tpu.vector_store %arg5[%swap3A_709], %swap3A_712 {strides = array<i32>} : memref<50176xf32, #tpu.memory_space<vmem>>, vector<16xf32>,
        %add3A_713 = arith.constant 257 : i32
        %add3A_714 = arith.addi %add3A_713, %mul3A_688 : i32
        %add3A_715 = arith.constant 32 : i32
        %add3A_716 = arith.addi %add3A_714, %add3A_715 : i32
        %get3A_717 = arith.index_cast %add3A_716 : i32 to index
        %get3A_718 = tpu.vector_load %arg4[%get3A_717] {strides = array<i32>} : memref<50688xf32, #tpu.memory_space<vmem>>, vector<16xf32>,
        %get3A_719 = vector.shape_cast %get3A_718 : vector<16xf32> to vector<16xf32>
        %add3A_720 = arith.constant 32 : i32
        %add3A_721 = arith.addi %mul3A_688, %add3A_720 : i32
        %swap3A_722 = arith.index_cast %add3A_721 : i32 to index
        %swap3A_723 = tpu.vector_load %arg5[%swap3A_722] {strides = array<i32>} : memref<50176xf32, #tpu.memory_space<vmem>>, vector<16xf32>,
        %swap3A_724 = vector.shape_cast %swap3A_723 : vector<16xf32> to vector<16xf32>
        %swap3A_725 = vector.shape_cast %get3A_719 : vector<16xf32> to vector<16xf32>
        tpu.vector_store %arg5[%swap3A_722], %swap3A_725 {strides = array<i32>} : memref<50176xf32, #tpu.memory_space<vmem>>, vector<16xf32>,
        %add3A_726 = arith.constant 257 : i32
        %add3A_727 = arith.addi %add3A_726, %mul3A_688 : i32
        %add3A_728 = arith.constant 48 : i32
        %add3A_729 = arith.addi %add3A_727, %add3A_728 : i32
        %get3A_730 = arith.index_cast %add3A_729 : i32 to index
        %get3A_731 = tpu.vector_load %arg4[%get3A_730] {strides = array<i32>} : memref<50688xf32, #tpu.memory_space<vmem>>, vector<16xf32>,
        %get3A_732 = vector.shape_cast %get3A_731 : vector<16xf32> to vector<16xf32>
        %add3A_733 = arith.constant 48 : i32
        %add3A_734 = arith.addi %mul3A_688, %add3A_733 : i32
        %swap3A_735 = arith.index_cast %add3A_734 : i32 to index
        %swap3A_736 = tpu.vector_load %arg5[%swap3A_735] {strides = array<i32>} : memref<50176xf32, #tpu.memory_space<vmem>>, vector<16xf32>,
        %swap3A_737 = vector.shape_cast %swap3A_736 : vector<16xf32> to vector<16xf32>
        %swap3A_738 = vector.shape_cast %get3A_732 : vector<16xf32> to vector<16xf32>
        tpu.vector_store %arg5[%swap3A_735], %swap3A_738 {strides = array<i32>} : memref<50176xf32, #tpu.memory_space<vmem>>, vector<16xf32>,
        %add3A_739 = arith.constant 257 : i32
        %add3A_740 = arith.addi %add3A_739, %mul3A_688 : i32
        %add3A_741 = arith.constant 64 : i32
        %add3A_742 = arith.addi %add3A_740, %add3A_741 : i32
        %get3A_743 = arith.index_cast %add3A_742 : i32 to index
        %get3A_744 = tpu.vector_load %arg4[%get3A_743] {strides = array<i32>} : memref<50688xf32, #tpu.memory_space<vmem>>, vector<16xf32>,
        %get3A_745 = vector.shape_cast %get3A_744 : vector<16xf32> to vector<16xf32>
        %add3A_746 = arith.constant 64 : i32
        %add3A_747 = arith.addi %mul3A_688, %add3A_746 : i32
        %swap3A_748 = arith.index_cast %add3A_747 : i32 to index
        %swap3A_749 = tpu.vector_load %arg5[%swap3A_748] {strides = array<i32>} : memref<50176xf32, #tpu.memory_space<vmem>>, vector<16xf32>,
        %swap3A_750 = vector.shape_cast %swap3A_749 : vector<16xf32> to vector<16xf32>
        %swap3A_751 = vector.shape_cast %get3A_745 : vector<16xf32> to vector<16xf32>
        tpu.vector_store %arg5[%swap3A_748], %swap3A_751 {strides = array<i32>} : memref<50176xf32, #tpu.memory_space<vmem>>, vector<16xf32>,
        %add3A_752 = arith.constant 257 : i32
        %add3A_753 = arith.addi %add3A_752, %mul3A_688 : i32
        %add3A_754 = arith.constant 80 : i32
        %add3A_755 = arith.addi %add3A_753, %add3A_754 : i32
        %get3A_756 = arith.index_cast %add3A_755 : i32 to index
        %get3A_757 = tpu.vector_load %arg4[%get3A_756] {strides = array<i32>} : memref<50688xf32, #tpu.memory_space<vmem>>, vector<16xf32>,
        %get3A_758 = vector.shape_cast %get3A_757 : vector<16xf32> to vector<16xf32>
        %add3A_759 = arith.constant 80 : i32
        %add3A_760 = arith.addi %mul3A_688, %add3A_759 : i32
        %swap3A_761 = arith.index_cast %add3A_760 : i32 to index
        %swap3A_762 = tpu.vector_load %arg5[%swap3A_761] {strides = array<i32>} : memref<50176xf32, #tpu.memory_space<vmem>>, vector<16xf32>,
        %swap3A_763 = vector.shape_cast %swap3A_762 : vector<16xf32> to vector<16xf32>
        %swap3A_764 = vector.shape_cast %get3A_758 : vector<16xf32> to vector<16xf32>
        tpu.vector_store %arg5[%swap3A_761], %swap3A_764 {strides = array<i32>} : memref<50176xf32, #tpu.memory_space<vmem>>, vector<16xf32>,
        %add3A_765 = arith.constant 257 : i32
        %add3A_766 = arith.addi %add3A_765, %mul3A_688 : i32
        %add3A_767 = arith.constant 96 : i32
        %add3A_768 = arith.addi %add3A_766, %add3A_767 : i32
        %get3A_769 = arith.index_cast %add3A_768 : i32 to index
        %get3A_770 = tpu.vector_load %arg4[%get3A_769] {strides = array<i32>} : memref<50688xf32, #tpu.memory_space<vmem>>, vector<16xf32>,
        %get3A_771 = vector.shape_cast %get3A_770 : vector<16xf32> to vector<16xf32>
        %add3A_772 = arith.constant 96 : i32
        %add3A_773 = arith.addi %mul3A_688, %add3A_772 : i32
        %swap3A_774 = arith.index_cast %add3A_773 : i32 to index
        %swap3A_775 = tpu.vector_load %arg5[%swap3A_774] {strides = array<i32>} : memref<50176xf32, #tpu.memory_space<vmem>>, vector<16xf32>,
        %swap3A_776 = vector.shape_cast %swap3A_775 : vector<16xf32> to vector<16xf32>
        %swap3A_777 = vector.shape_cast %get3A_771 : vector<16xf32> to vector<16xf32>
        tpu.vector_store %arg5[%swap3A_774], %swap3A_777 {strides = array<i32>} : memref<50176xf32, #tpu.memory_space<vmem>>, vector<16xf32>,
        %add3A_778 = arith.constant 257 : i32
        %add3A_779 = arith.addi %add3A_778, %mul3A_688 : i32
        %add3A_780 = arith.constant 112 : i32
        %add3A_781 = arith.addi %add3A_779, %add3A_780 : i32
        %get3A_782 = arith.index_cast %add3A_781 : i32 to index
        %get3A_783 = tpu.vector_load %arg4[%get3A_782] {strides = array<i32>} : memref<50688xf32, #tpu.memory_space<vmem>>, vector<16xf32>,
        %get3A_784 = vector.shape_cast %get3A_783 : vector<16xf32> to vector<16xf32>
        %add3A_785 = arith.constant 112 : i32
        %add3A_786 = arith.addi %mul3A_688, %add3A_785 : i32
        %swap3A_787 = arith.index_cast %add3A_786 : i32 to index
        %swap3A_788 = tpu.vector_load %arg5[%swap3A_787] {strides = array<i32>} : memref<50176xf32, #tpu.memory_space<vmem>>, vector<16xf32>,
        %swap3A_789 = vector.shape_cast %swap3A_788 : vector<16xf32> to vector<16xf32>
        %swap3A_790 = vector.shape_cast %get3A_784 : vector<16xf32> to vector<16xf32>
        tpu.vector_store %arg5[%swap3A_787], %swap3A_790 {strides = array<i32>} : memref<50176xf32, #tpu.memory_space<vmem>>, vector<16xf32>,
        %add3A_791 = arith.constant 257 : i32
        %add3A_792 = arith.addi %add3A_791, %mul3A_688 : i32
        %add3A_793 = arith.constant 128 : i32
        %add3A_794 = arith.addi %add3A_792, %add3A_793 : i32
        %get3A_795 = arith.index_cast %add3A_794 : i32 to index
        %get3A_796 = tpu.vector_load %arg4[%get3A_795] {strides = array<i32>} : memref<50688xf32, #tpu.memory_space<vmem>>, vector<16xf32>,
        %get3A_797 = vector.shape_cast %get3A_796 : vector<16xf32> to vector<16xf32>
        %add3A_798 = arith.constant 128 : i32
        %add3A_799 = arith.addi %mul3A_688, %add3A_798 : i32
        %swap3A_800 = arith.index_cast %add3A_799 : i32 to index
        %swap3A_801 = tpu.vector_load %arg5[%swap3A_800] {strides = array<i32>} : memref<50176xf32, #tpu.memory_space<vmem>>, vector<16xf32>,
        %swap3A_802 = vector.shape_cast %swap3A_801 : vector<16xf32> to vector<16xf32>
        %swap3A_803 = vector.shape_cast %get3A_797 : vector<16xf32> to vector<16xf32>
        tpu.vector_store %arg5[%swap3A_800], %swap3A_803 {strides = array<i32>} : memref<50176xf32, #tpu.memory_space<vmem>>, vector<16xf32>,
        %add3A_804 = arith.constant 257 : i32
        %add3A_805 = arith.addi %add3A_804, %mul3A_688 : i32
        %add3A_806 = arith.constant 144 : i32
        %add3A_807 = arith.addi %add3A_805, %add3A_806 : i32
        %get3A_808 = arith.index_cast %add3A_807 : i32 to index
        %get3A_809 = tpu.vector_load %arg4[%get3A_808] {strides = array<i32>} : memref<50688xf32, #tpu.memory_space<vmem>>, vector<16xf32>,
        %get3A_810 = vector.shape_cast %get3A_809 : vector<16xf32> to vector<16xf32>
        %add3A_811 = arith.constant 144 : i32
        %add3A_812 = arith.addi %mul3A_688, %add3A_811 : i32
        %swap3A_813 = arith.index_cast %add3A_812 : i32 to index
        %swap3A_814 = tpu.vector_load %arg5[%swap3A_813] {strides = array<i32>} : memref<50176xf32, #tpu.memory_space<vmem>>, vector<16xf32>,
        %swap3A_815 = vector.shape_cast %swap3A_814 : vector<16xf32> to vector<16xf32>
        %swap3A_816 = vector.shape_cast %get3A_810 : vector<16xf32> to vector<16xf32>
        tpu.vector_store %arg5[%swap3A_813], %swap3A_816 {strides = array<i32>} : memref<50176xf32, #tpu.memory_space<vmem>>, vector<16xf32>,
        %add3A_817 = arith.constant 257 : i32
        %add3A_818 = arith.addi %add3A_817, %mul3A_688 : i32
        %add3A_819 = arith.constant 160 : i32
        %add3A_820 = arith.addi %add3A_818, %add3A_819 : i32
        %get3A_821 = arith.index_cast %add3A_820 : i32 to index
        %get3A_822 = tpu.vector_load %arg4[%get3A_821] {strides = array<i32>} : memref<50688xf32, #tpu.memory_space<vmem>>, vector<16xf32>,
        %get3A_823 = vector.shape_cast %get3A_822 : vector<16xf32> to vector<16xf32>
        %add3A_824 = arith.constant 160 : i32
        %add3A_825 = arith.addi %mul3A_688, %add3A_824 : i32
        %swap3A_826 = arith.index_cast %add3A_825 : i32 to index
        %swap3A_827 = tpu.vector_load %arg5[%swap3A_826] {strides = array<i32>} : memref<50176xf32, #tpu.memory_space<vmem>>, vector<16xf32>,
        %swap3A_828 = vector.shape_cast %swap3A_827 : vector<16xf32> to vector<16xf32>
        %swap3A_829 = vector.shape_cast %get3A_823 : vector<16xf32> to vector<16xf32>
        tpu.vector_store %arg5[%swap3A_826], %swap3A_829 {strides = array<i32>} : memref<50176xf32, #tpu.memory_space<vmem>>, vector<16xf32>,
        %add3A_830 = arith.constant 257 : i32
        %add3A_831 = arith.addi %add3A_830, %mul3A_688 : i32
        %add3A_832 = arith.constant 176 : i32
        %add3A_833 = arith.addi %add3A_831, %add3A_832 : i32
        %get3A_834 = arith.index_cast %add3A_833 : i32 to index
        %get3A_835 = tpu.vector_load %arg4[%get3A_834] {strides = array<i32>} : memref<50688xf32, #tpu.memory_space<vmem>>, vector<16xf32>,
        %get3A_836 = vector.shape_cast %get3A_835 : vector<16xf32> to vector<16xf32>
        %add3A_837 = arith.constant 176 : i32
        %add3A_838 = arith.addi %mul3A_688, %add3A_837 : i32
        %swap3A_839 = arith.index_cast %add3A_838 : i32 to index
        %swap3A_840 = tpu.vector_load %arg5[%swap3A_839] {strides = array<i32>} : memref<50176xf32, #tpu.memory_space<vmem>>, vector<16xf32>,
        %swap3A_841 = vector.shape_cast %swap3A_840 : vector<16xf32> to vector<16xf32>
        %swap3A_842 = vector.shape_cast %get3A_836 : vector<16xf32> to vector<16xf32>
        tpu.vector_store %arg5[%swap3A_839], %swap3A_842 {strides = array<i32>} : memref<50176xf32, #tpu.memory_space<vmem>>, vector<16xf32>,
        %add3A_843 = arith.constant 257 : i32
        %add3A_844 = arith.addi %add3A_843, %mul3A_688 : i32
        %add3A_845 = arith.constant 192 : i32
        %add3A_846 = arith.addi %add3A_844, %add3A_845 : i32
        %get3A_847 = arith.index_cast %add3A_846 : i32 to index
        %get3A_848 = tpu.vector_load %arg4[%get3A_847] {strides = array<i32>} : memref<50688xf32, #tpu.memory_space<vmem>>, vector<16xf32>,
        %get3A_849 = vector.shape_cast %get3A_848 : vector<16xf32> to vector<16xf32>
        %add3A_850 = arith.constant 192 : i32
        %add3A_851 = arith.addi %mul3A_688, %add3A_850 : i32
        %swap3A_852 = arith.index_cast %add3A_851 : i32 to index
        %swap3A_853 = tpu.vector_load %arg5[%swap3A_852] {strides = array<i32>} : memref<50176xf32, #tpu.memory_space<vmem>>, vector<16xf32>,
        %swap3A_854 = vector.shape_cast %swap3A_853 : vector<16xf32> to vector<16xf32>
        %swap3A_855 = vector.shape_cast %get3A_849 : vector<16xf32> to vector<16xf32>
        tpu.vector_store %arg5[%swap3A_852], %swap3A_855 {strides = array<i32>} : memref<50176xf32, #tpu.memory_space<vmem>>, vector<16xf32>,
        %add3A_856 = arith.constant 257 : i32
        %add3A_857 = arith.addi %add3A_856, %mul3A_688 : i32
        %add3A_858 = arith.constant 208 : i32
        %add3A_859 = arith.addi %add3A_857, %add3A_858 : i32
        %get3A_860 = arith.index_cast %add3A_859 : i32 to index
        %get3A_861 = tpu.vector_load %arg4[%get3A_860] {strides = array<i32>} : memref<50688xf32, #tpu.memory_space<vmem>>, vector<16xf32>,
        %get3A_862 = vector.shape_cast %get3A_861 : vector<16xf32> to vector<16xf32>
        %jit3A_863 = arith.constant 0.000000e+00 : f32
        %broadcast_in_dim3A_864 = vector.broadcast %jit3A_863 : f32 to vector<16xf32>
        %select_n3A_865 = arith.select %eq3A_669, %broadcast_in_dim3A_864, %get3A_862 : vector<16xi1>, vector<16xf32>
        %add3A_866 = arith.constant 208 : i32
        %add3A_867 = arith.addi %mul3A_688, %add3A_866 : i32
        %swap3A_868 = arith.index_cast %add3A_867 : i32 to index
        %swap3A_869 = tpu.vector_load %arg5[%swap3A_868] {strides = array<i32>} : memref<50176xf32, #tpu.memory_space<vmem>>, vector<16xf32>,
        %swap3A_870 = vector.shape_cast %swap3A_869 : vector<16xf32> to vector<16xf32>
        %swap3A_871 = vector.shape_cast %select_n3A_865 : vector<16xf32> to vector<16xf32>
        tpu.vector_store %arg5[%swap3A_868], %swap3A_871 {strides = array<i32>} : memref<50176xf32, #tpu.memory_space<vmem>>, vector<16xf32>,
      }
      %scan3A_674 = arith.constant 224 : i32
      %scan3A_675 = arith.constant 0 : i32
      %scan3A_676 = arith.constant 0 : i32
      %scan3A_677 = arith.constant 14 : i32
      %scan3A_678 = arith.addi %scan3A_676, %scan3A_677 : i32
      %scan3A_679 = arith.constant 1 : i32
      scf.for %scan3A_686 = %scan3A_676 to %scan3A_678 step %scan3A_679  : i32 {
        %mul3A_687 = arith.constant 16 : i32
        %mul3A_688 = arith.muli %scan3A_686, %mul3A_687 : i32
        %add3A_689 = arith.constant 49952 : i32
        %add3A_690 = arith.addi %add3A_689, %mul3A_688 : i32
        %swap3A = arith.index_cast %add3A_690 : i32 to index
        %swap3A_691 = tpu.vector_load %arg5[%swap3A] {strides = array<i32>} : memref<50176xf32, #tpu.memory_space<vmem>>, vector<16xf32>,
        %swap3A_692 = vector.shape_cast %swap3A_691 : vector<16xf32> to vector<16xf32>
        %swap3A_693 = vector.shape_cast %broadcast_in_dim3A_1 : vector<16xf32> to vector<16xf32>
        tpu.vector_store %arg5[%swap3A], %swap3A_693 {strides = array<i32>} : memref<50176xf32, #tpu.memory_space<vmem>>, vector<16xf32>,
      }
      %scan3A_680 = arith.constant 14 : i32
      %dma_start3A = arith.constant 0 : i32
      %dma_start3A_681 = tpu.memref_slice %arg3[%add3A_661, %dma_start3A] : memref<768x50176xf32, #tpu.memory_space<hbm>> -> memref<1x50176xf32, #tpu.memory_space<hbm>>
      %dma_start3A_682 = tpu.memref_squeeze %dma_start3A_681 : memref<1x50176xf32, #tpu.memory_space<hbm>> -> memref<50176xf32, #tpu.memory_space<hbm>>
      %dma_start3A_683 = arith.constant 0 : i32
      %dma_start3A_684 = tpu.memref_slice %arg3[%add3A_661, %dma_start3A_683] : memref<768x50176xf32, #tpu.memory_space<hbm>> -> memref<1x50176xf32, #tpu.memory_space<hbm>>
      %dma_start3A_685 = tpu.memref_squeeze %dma_start3A_684 : memref<1x50176xf32, #tpu.memory_space<hbm>> -> memref<50176xf32, #tpu.memory_space<hbm>>
      tpu.enqueue_dma source(%arg5 : memref<50176xf32, #tpu.memory_space<vmem>>) target(%dma_start3A_685 : memref<50176xf32, #tpu.memory_space<hbm>>) target_semaphore(%arg6 : memref<!tpu.dma_semaphore, #tpu.memory_space<semaphore_mem>>)
    }
    %while3A_433 = arith.constant 1 : i32
    scf.for %while3A_629 = %while3A_431 to %while3A_427 step %while3A_433  : i32 {
      %jit3A_630 = arith.constant 42 : i32
      %div3A_631 = arith.divsi %while3A_629, %jit3A_630 : i32
      %sign3A_632 = arith.constant 0 : i32
      %sign3A_633 = arith.cmpi sgt, %while3A_629, %sign3A_632 : i32
      %sign3A_634 = arith.extui %sign3A_633 : i1 to i32
      %sign3A_635 = arith.constant 0 : i32
      %sign3A_636 = arith.cmpi slt, %while3A_629, %sign3A_635 : i32
      %sign3A_637 = arith.extui %sign3A_636 : i1 to i32
      %sign3A_638 = arith.subi %sign3A_634, %sign3A_637 : i32
      %sign3A_639 = arith.constant 0 : i32
      %sign3A_640 = arith.cmpi sgt, %jit3A_630, %sign3A_639 : i32
      %sign3A_641 = arith.extui %sign3A_640 : i1 to i32
      %sign3A_642 = arith.constant 0 : i32
      %sign3A_643 = arith.cmpi slt, %jit3A_630, %sign3A_642 : i32
      %sign3A_644 = arith.extui %sign3A_643 : i1 to i32
      %sign3A_645 = arith.subi %sign3A_641, %sign3A_644 : i32
      %ne3A_646 = arith.cmpi ne, %sign3A_638, %sign3A_645 : i32
      %rem3A_647 = arith.remsi %while3A_629, %jit3A_630 : i32
      %ne3A_648 = arith.constant 0 : i32
      %ne3A_649 = arith.cmpi ne, %rem3A_647, %ne3A_648 : i32
      %and3A_650 = arith.andi %ne3A_646, %ne3A_649 : i1
      %sub3A_651 = arith.constant 1 : i32
      %sub3A_652 = arith.subi %div3A_631, %sub3A_651 : i32
      %select_n3A_653 = arith.select %and3A_650, %sub3A_652, %div3A_631 : i32
      %mul3A_654 = arith.constant 42 : i32
      %mul3A_655 = arith.muli %select_n3A_653, %mul3A_654 : i32
      %sub3A_656 = arith.subi %while3A_629, %mul3A_655 : i32
      %add3A_657 = arith.constant 210 : i32
      %add3A_658 = arith.addi %add3A_657, %sub3A_656 : i32
      %mul3A_659 = arith.constant 384 : i32
      %mul3A_660 = arith.muli %select_n3A_653, %mul3A_659 : i32
      %add3A_661 = arith.addi %mul3A_660, %add3A_658 : i32
      "tpu.region"() ({
        %run_scoped3A = tpu.sem_alloc : memref<!tpu.dma_semaphore, #tpu.memory_space<semaphore_mem>>
        %dma_start3A_686 = arith.constant 32 : i32
        %dma_start3A_687 = tpu.memref_slice %arg4[%dma_start3A_686] : memref<50688xf32, #tpu.memory_space<vmem>> -> memref<50176xf32, #tpu.memory_space<vmem>>
        %dma_start3A_688 = arith.constant 0 : i32
        %dma_start3A_689 = tpu.memref_slice %arg2[%add3A_661, %dma_start3A_688] : memref<768x50176xf32, #tpu.memory_space<hbm>> -> memref<1x50176xf32, #tpu.memory_space<hbm>>
        %dma_start3A_690 = tpu.memref_squeeze %dma_start3A_689 : memref<1x50176xf32, #tpu.memory_space<hbm>> -> memref<50176xf32, #tpu.memory_space<hbm>>
        %dma_start3A_691 = arith.constant 32 : i32
        %dma_start3A_692 = tpu.memref_slice %arg4[%dma_start3A_691] : memref<50688xf32, #tpu.memory_space<vmem>> -> memref<50176xf32, #tpu.memory_space<vmem>>
        %dma_start3A_693 = arith.constant 0 : i32
        %dma_start3A_694 = tpu.memref_slice %arg2[%add3A_661, %dma_start3A_693] : memref<768x50176xf32, #tpu.memory_space<hbm>> -> memref<1x50176xf32, #tpu.memory_space<hbm>>
        %dma_start3A_695 = tpu.memref_squeeze %dma_start3A_694 : memref<1x50176xf32, #tpu.memory_space<hbm>> -> memref<50176xf32, #tpu.memory_space<hbm>>
        tpu.enqueue_dma source(%dma_start3A_695 : memref<50176xf32, #tpu.memory_space<hbm>>) target(%dma_start3A_692 : memref<50176xf32, #tpu.memory_space<vmem>>) target_semaphore(%run_scoped3A : memref<!tpu.dma_semaphore, #tpu.memory_space<semaphore_mem>>)
        %dma_wait3A_696 = arith.constant 32 : i32
        %dma_wait3A_697 = tpu.memref_slice %arg4[%dma_wait3A_696] : memref<50688xf32, #tpu.memory_space<vmem>> -> memref<50176xf32, #tpu.memory_space<vmem>>
        %dma_wait3A_698 = arith.constant 0 : i32
        %dma_wait3A_699 = tpu.memref_slice %arg2[%add3A_661, %dma_wait3A_698] : memref<768x50176xf32, #tpu.memory_space<hbm>> -> memref<1x50176xf32, #tpu.memory_space<hbm>>
        %dma_wait3A_700 = tpu.memref_squeeze %dma_wait3A_699 : memref<1x50176xf32, #tpu.memory_space<hbm>> -> memref<50176xf32, #tpu.memory_space<hbm>>
        %dma_wait3A_701 = arith.constant 32 : i32
        %dma_wait3A_702 = tpu.memref_slice %arg4[%dma_wait3A_701] : memref<50688xf32, #tpu.memory_space<vmem>> -> memref<50176xf32, #tpu.memory_space<vmem>>
        %dma_wait3A_703 = arith.constant 0 : i32
        %dma_wait3A_704 = tpu.memref_slice %arg2[%add3A_661, %dma_wait3A_703] : memref<768x50176xf32, #tpu.memory_space<hbm>> -> memref<1x50176xf32, #tpu.memory_space<hbm>>
        %dma_wait3A_705 = tpu.memref_squeeze %dma_wait3A_704 : memref<1x50176xf32, #tpu.memory_space<hbm>> -> memref<50176xf32, #tpu.memory_space<hbm>>
        tpu.wait_dma2 semaphore(%run_scoped3A : memref<!tpu.dma_semaphore, #tpu.memory_space<semaphore_mem>>) src(%dma_wait3A_705 : memref<50176xf32, #tpu.memory_space<hbm>>) dst(%dma_wait3A_702 : memref<50176xf32, #tpu.memory_space<vmem>>)
        tpu.yield
      }) : () -> ()
      %dma_wait3A_662 = arith.constant 0 : i32
      %dma_wait3A_663 = tpu.memref_slice %arg3[%add3A_661, %dma_wait3A_662] : memref<768x50176xf32, #tpu.memory_space<hbm>> -> memref<1x50176xf32, #tpu.memory_space<hbm>>
      %dma_wait3A_664 = tpu.memref_squeeze %dma_wait3A_663 : memref<1x50176xf32, #tpu.memory_space<hbm>> -> memref<50176xf32, #tpu.memory_space<hbm>>
      %dma_wait3A_665 = arith.constant 0 : i32
      %dma_wait3A_666 = tpu.memref_slice %arg3[%add3A_661, %dma_wait3A_665] : memref<768x50176xf32, #tpu.memory_space<hbm>> -> memref<1x50176xf32, #tpu.memory_space<hbm>>
      %dma_wait3A_667 = tpu.memref_squeeze %dma_wait3A_666 : memref<1x50176xf32, #tpu.memory_space<hbm>> -> memref<50176xf32, #tpu.memory_space<hbm>>
      tpu.wait_dma2 semaphore(%arg6 : memref<!tpu.dma_semaphore, #tpu.memory_space<semaphore_mem>>) src(%arg5 : memref<50176xf32, #tpu.memory_space<vmem>>) dst(%dma_wait3A_667 : memref<50176xf32, #tpu.memory_space<hbm>>)
      %eq3A = arith.constant 15 : i32
      %eq3A_668 = vector.broadcast %eq3A : i32 to vector<16xi32>
      %eq3A_669 = arith.cmpi eq, %iota3A, %eq3A_668 : vector<16xi32>
      %scan3A = arith.constant 0 : i32
      %scan3A_670 = arith.constant 0 : i32
      %scan3A_671 = arith.constant 224 : i32
      %scan3A_672 = arith.addi %scan3A_670, %scan3A_671 : i32
      %scan3A_673 = arith.constant 1 : i32
      scf.for %scan3A_686 = %scan3A_670 to %scan3A_672 step %scan3A_673  : i32 {
        %mul3A_687 = arith.constant 224 : i32
        %mul3A_688 = arith.muli %scan3A_686, %mul3A_687 : i32
        %add3A_689 = arith.constant 257 : i32
        %add3A_690 = arith.addi %add3A_689, %mul3A_688 : i32
        %add3A_691 = arith.constant 0 : i32
        %add3A_692 = arith.addi %add3A_690, %add3A_691 : i32
        %get3A = arith.index_cast %add3A_692 : i32 to index
        %get3A_693 = tpu.vector_load %arg4[%get3A] {strides = array<i32>} : memref<50688xf32, #tpu.memory_space<vmem>>, vector<16xf32>,
        %get3A_694 = vector.shape_cast %get3A_693 : vector<16xf32> to vector<16xf32>
        %add3A_695 = arith.constant 0 : i32
        %add3A_696 = arith.addi %mul3A_688, %add3A_695 : i32
        %swap3A = arith.index_cast %add3A_696 : i32 to index
        %swap3A_697 = tpu.vector_load %arg5[%swap3A] {strides = array<i32>} : memref<50176xf32, #tpu.memory_space<vmem>>, vector<16xf32>,
        %swap3A_698 = vector.shape_cast %swap3A_697 : vector<16xf32> to vector<16xf32>
        %swap3A_699 = vector.shape_cast %get3A_694 : vector<16xf32> to vector<16xf32>
        tpu.vector_store %arg5[%swap3A], %swap3A_699 {strides = array<i32>} : memref<50176xf32, #tpu.memory_space<vmem>>, vector<16xf32>,
        %add3A_700 = arith.constant 257 : i32
        %add3A_701 = arith.addi %add3A_700, %mul3A_688 : i32
        %add3A_702 = arith.constant 16 : i32
        %add3A_703 = arith.addi %add3A_701, %add3A_702 : i32
        %get3A_704 = arith.index_cast %add3A_703 : i32 to index
        %get3A_705 = tpu.vector_load %arg4[%get3A_704] {strides = array<i32>} : memref<50688xf32, #tpu.memory_space<vmem>>, vector<16xf32>,
        %get3A_706 = vector.shape_cast %get3A_705 : vector<16xf32> to vector<16xf32>
        %add3A_707 = arith.constant 16 : i32
        %add3A_708 = arith.addi %mul3A_688, %add3A_707 : i32
        %swap3A_709 = arith.index_cast %add3A_708 : i32 to index
        %swap3A_710 = tpu.vector_load %arg5[%swap3A_709] {strides = array<i32>} : memref<50176xf32, #tpu.memory_space<vmem>>, vector<16xf32>,
        %swap3A_711 = vector.shape_cast %swap3A_710 : vector<16xf32> to vector<16xf32>
        %swap3A_712 = vector.shape_cast %get3A_706 : vector<16xf32> to vector<16xf32>
        tpu.vector_store %arg5[%swap3A_709], %swap3A_712 {strides = array<i32>} : memref<50176xf32, #tpu.memory_space<vmem>>, vector<16xf32>,
        %add3A_713 = arith.constant 257 : i32
        %add3A_714 = arith.addi %add3A_713, %mul3A_688 : i32
        %add3A_715 = arith.constant 32 : i32
        %add3A_716 = arith.addi %add3A_714, %add3A_715 : i32
        %get3A_717 = arith.index_cast %add3A_716 : i32 to index
        %get3A_718 = tpu.vector_load %arg4[%get3A_717] {strides = array<i32>} : memref<50688xf32, #tpu.memory_space<vmem>>, vector<16xf32>,
        %get3A_719 = vector.shape_cast %get3A_718 : vector<16xf32> to vector<16xf32>
        %add3A_720 = arith.constant 32 : i32
        %add3A_721 = arith.addi %mul3A_688, %add3A_720 : i32
        %swap3A_722 = arith.index_cast %add3A_721 : i32 to index
        %swap3A_723 = tpu.vector_load %arg5[%swap3A_722] {strides = array<i32>} : memref<50176xf32, #tpu.memory_space<vmem>>, vector<16xf32>,
        %swap3A_724 = vector.shape_cast %swap3A_723 : vector<16xf32> to vector<16xf32>
        %swap3A_725 = vector.shape_cast %get3A_719 : vector<16xf32> to vector<16xf32>
        tpu.vector_store %arg5[%swap3A_722], %swap3A_725 {strides = array<i32>} : memref<50176xf32, #tpu.memory_space<vmem>>, vector<16xf32>,
        %add3A_726 = arith.constant 257 : i32
        %add3A_727 = arith.addi %add3A_726, %mul3A_688 : i32
        %add3A_728 = arith.constant 48 : i32
        %add3A_729 = arith.addi %add3A_727, %add3A_728 : i32
        %get3A_730 = arith.index_cast %add3A_729 : i32 to index
        %get3A_731 = tpu.vector_load %arg4[%get3A_730] {strides = array<i32>} : memref<50688xf32, #tpu.memory_space<vmem>>, vector<16xf32>,
        %get3A_732 = vector.shape_cast %get3A_731 : vector<16xf32> to vector<16xf32>
        %add3A_733 = arith.constant 48 : i32
        %add3A_734 = arith.addi %mul3A_688, %add3A_733 : i32
        %swap3A_735 = arith.index_cast %add3A_734 : i32 to index
        %swap3A_736 = tpu.vector_load %arg5[%swap3A_735] {strides = array<i32>} : memref<50176xf32, #tpu.memory_space<vmem>>, vector<16xf32>,
        %swap3A_737 = vector.shape_cast %swap3A_736 : vector<16xf32> to vector<16xf32>
        %swap3A_738 = vector.shape_cast %get3A_732 : vector<16xf32> to vector<16xf32>
        tpu.vector_store %arg5[%swap3A_735], %swap3A_738 {strides = array<i32>} : memref<50176xf32, #tpu.memory_space<vmem>>, vector<16xf32>,
        %add3A_739 = arith.constant 257 : i32
        %add3A_740 = arith.addi %add3A_739, %mul3A_688 : i32
        %add3A_741 = arith.constant 64 : i32
        %add3A_742 = arith.addi %add3A_740, %add3A_741 : i32
        %get3A_743 = arith.index_cast %add3A_742 : i32 to index
        %get3A_744 = tpu.vector_load %arg4[%get3A_743] {strides = array<i32>} : memref<50688xf32, #tpu.memory_space<vmem>>, vector<16xf32>,
        %get3A_745 = vector.shape_cast %get3A_744 : vector<16xf32> to vector<16xf32>
        %add3A_746 = arith.constant 64 : i32
        %add3A_747 = arith.addi %mul3A_688, %add3A_746 : i32
        %swap3A_748 = arith.index_cast %add3A_747 : i32 to index
        %swap3A_749 = tpu.vector_load %arg5[%swap3A_748] {strides = array<i32>} : memref<50176xf32, #tpu.memory_space<vmem>>, vector<16xf32>,
        %swap3A_750 = vector.shape_cast %swap3A_749 : vector<16xf32> to vector<16xf32>
        %swap3A_751 = vector.shape_cast %get3A_745 : vector<16xf32> to vector<16xf32>
        tpu.vector_store %arg5[%swap3A_748], %swap3A_751 {strides = array<i32>} : memref<50176xf32, #tpu.memory_space<vmem>>, vector<16xf32>,
        %add3A_752 = arith.constant 257 : i32
        %add3A_753 = arith.addi %add3A_752, %mul3A_688 : i32
        %add3A_754 = arith.constant 80 : i32
        %add3A_755 = arith.addi %add3A_753, %add3A_754 : i32
        %get3A_756 = arith.index_cast %add3A_755 : i32 to index
        %get3A_757 = tpu.vector_load %arg4[%get3A_756] {strides = array<i32>} : memref<50688xf32, #tpu.memory_space<vmem>>, vector<16xf32>,
        %get3A_758 = vector.shape_cast %get3A_757 : vector<16xf32> to vector<16xf32>
        %add3A_759 = arith.constant 80 : i32
        %add3A_760 = arith.addi %mul3A_688, %add3A_759 : i32
        %swap3A_761 = arith.index_cast %add3A_760 : i32 to index
        %swap3A_762 = tpu.vector_load %arg5[%swap3A_761] {strides = array<i32>} : memref<50176xf32, #tpu.memory_space<vmem>>, vector<16xf32>,
        %swap3A_763 = vector.shape_cast %swap3A_762 : vector<16xf32> to vector<16xf32>
        %swap3A_764 = vector.shape_cast %get3A_758 : vector<16xf32> to vector<16xf32>
        tpu.vector_store %arg5[%swap3A_761], %swap3A_764 {strides = array<i32>} : memref<50176xf32, #tpu.memory_space<vmem>>, vector<16xf32>,
        %add3A_765 = arith.constant 257 : i32
        %add3A_766 = arith.addi %add3A_765, %mul3A_688 : i32
        %add3A_767 = arith.constant 96 : i32
        %add3A_768 = arith.addi %add3A_766, %add3A_767 : i32
        %get3A_769 = arith.index_cast %add3A_768 : i32 to index
        %get3A_770 = tpu.vector_load %arg4[%get3A_769] {strides = array<i32>} : memref<50688xf32, #tpu.memory_space<vmem>>, vector<16xf32>,
        %get3A_771 = vector.shape_cast %get3A_770 : vector<16xf32> to vector<16xf32>
        %add3A_772 = arith.constant 96 : i32
        %add3A_773 = arith.addi %mul3A_688, %add3A_772 : i32
        %swap3A_774 = arith.index_cast %add3A_773 : i32 to index
        %swap3A_775 = tpu.vector_load %arg5[%swap3A_774] {strides = array<i32>} : memref<50176xf32, #tpu.memory_space<vmem>>, vector<16xf32>,
        %swap3A_776 = vector.shape_cast %swap3A_775 : vector<16xf32> to vector<16xf32>
        %swap3A_777 = vector.shape_cast %get3A_771 : vector<16xf32> to vector<16xf32>
        tpu.vector_store %arg5[%swap3A_774], %swap3A_777 {strides = array<i32>} : memref<50176xf32, #tpu.memory_space<vmem>>, vector<16xf32>,
        %add3A_778 = arith.constant 257 : i32
        %add3A_779 = arith.addi %add3A_778, %mul3A_688 : i32
        %add3A_780 = arith.constant 112 : i32
        %add3A_781 = arith.addi %add3A_779, %add3A_780 : i32
        %get3A_782 = arith.index_cast %add3A_781 : i32 to index
        %get3A_783 = tpu.vector_load %arg4[%get3A_782] {strides = array<i32>} : memref<50688xf32, #tpu.memory_space<vmem>>, vector<16xf32>,
        %get3A_784 = vector.shape_cast %get3A_783 : vector<16xf32> to vector<16xf32>
        %add3A_785 = arith.constant 112 : i32
        %add3A_786 = arith.addi %mul3A_688, %add3A_785 : i32
        %swap3A_787 = arith.index_cast %add3A_786 : i32 to index
        %swap3A_788 = tpu.vector_load %arg5[%swap3A_787] {strides = array<i32>} : memref<50176xf32, #tpu.memory_space<vmem>>, vector<16xf32>,
        %swap3A_789 = vector.shape_cast %swap3A_788 : vector<16xf32> to vector<16xf32>
        %swap3A_790 = vector.shape_cast %get3A_784 : vector<16xf32> to vector<16xf32>
        tpu.vector_store %arg5[%swap3A_787], %swap3A_790 {strides = array<i32>} : memref<50176xf32, #tpu.memory_space<vmem>>, vector<16xf32>,
        %add3A_791 = arith.constant 257 : i32
        %add3A_792 = arith.addi %add3A_791, %mul3A_688 : i32
        %add3A_793 = arith.constant 128 : i32
        %add3A_794 = arith.addi %add3A_792, %add3A_793 : i32
        %get3A_795 = arith.index_cast %add3A_794 : i32 to index
        %get3A_796 = tpu.vector_load %arg4[%get3A_795] {strides = array<i32>} : memref<50688xf32, #tpu.memory_space<vmem>>, vector<16xf32>,
        %get3A_797 = vector.shape_cast %get3A_796 : vector<16xf32> to vector<16xf32>
        %add3A_798 = arith.constant 128 : i32
        %add3A_799 = arith.addi %mul3A_688, %add3A_798 : i32
        %swap3A_800 = arith.index_cast %add3A_799 : i32 to index
        %swap3A_801 = tpu.vector_load %arg5[%swap3A_800] {strides = array<i32>} : memref<50176xf32, #tpu.memory_space<vmem>>, vector<16xf32>,
        %swap3A_802 = vector.shape_cast %swap3A_801 : vector<16xf32> to vector<16xf32>
        %swap3A_803 = vector.shape_cast %get3A_797 : vector<16xf32> to vector<16xf32>
        tpu.vector_store %arg5[%swap3A_800], %swap3A_803 {strides = array<i32>} : memref<50176xf32, #tpu.memory_space<vmem>>, vector<16xf32>,
        %add3A_804 = arith.constant 257 : i32
        %add3A_805 = arith.addi %add3A_804, %mul3A_688 : i32
        %add3A_806 = arith.constant 144 : i32
        %add3A_807 = arith.addi %add3A_805, %add3A_806 : i32
        %get3A_808 = arith.index_cast %add3A_807 : i32 to index
        %get3A_809 = tpu.vector_load %arg4[%get3A_808] {strides = array<i32>} : memref<50688xf32, #tpu.memory_space<vmem>>, vector<16xf32>,
        %get3A_810 = vector.shape_cast %get3A_809 : vector<16xf32> to vector<16xf32>
        %add3A_811 = arith.constant 144 : i32
        %add3A_812 = arith.addi %mul3A_688, %add3A_811 : i32
        %swap3A_813 = arith.index_cast %add3A_812 : i32 to index
        %swap3A_814 = tpu.vector_load %arg5[%swap3A_813] {strides = array<i32>} : memref<50176xf32, #tpu.memory_space<vmem>>, vector<16xf32>,
        %swap3A_815 = vector.shape_cast %swap3A_814 : vector<16xf32> to vector<16xf32>
        %swap3A_816 = vector.shape_cast %get3A_810 : vector<16xf32> to vector<16xf32>
        tpu.vector_store %arg5[%swap3A_813], %swap3A_816 {strides = array<i32>} : memref<50176xf32, #tpu.memory_space<vmem>>, vector<16xf32>,
        %add3A_817 = arith.constant 257 : i32
        %add3A_818 = arith.addi %add3A_817, %mul3A_688 : i32
        %add3A_819 = arith.constant 160 : i32
        %add3A_820 = arith.addi %add3A_818, %add3A_819 : i32
        %get3A_821 = arith.index_cast %add3A_820 : i32 to index
        %get3A_822 = tpu.vector_load %arg4[%get3A_821] {strides = array<i32>} : memref<50688xf32, #tpu.memory_space<vmem>>, vector<16xf32>,
        %get3A_823 = vector.shape_cast %get3A_822 : vector<16xf32> to vector<16xf32>
        %add3A_824 = arith.constant 160 : i32
        %add3A_825 = arith.addi %mul3A_688, %add3A_824 : i32
        %swap3A_826 = arith.index_cast %add3A_825 : i32 to index
        %swap3A_827 = tpu.vector_load %arg5[%swap3A_826] {strides = array<i32>} : memref<50176xf32, #tpu.memory_space<vmem>>, vector<16xf32>,
        %swap3A_828 = vector.shape_cast %swap3A_827 : vector<16xf32> to vector<16xf32>
        %swap3A_829 = vector.shape_cast %get3A_823 : vector<16xf32> to vector<16xf32>
        tpu.vector_store %arg5[%swap3A_826], %swap3A_829 {strides = array<i32>} : memref<50176xf32, #tpu.memory_space<vmem>>, vector<16xf32>,
        %add3A_830 = arith.constant 257 : i32
        %add3A_831 = arith.addi %add3A_830, %mul3A_688 : i32
        %add3A_832 = arith.constant 176 : i32
        %add3A_833 = arith.addi %add3A_831, %add3A_832 : i32
        %get3A_834 = arith.index_cast %add3A_833 : i32 to index
        %get3A_835 = tpu.vector_load %arg4[%get3A_834] {strides = array<i32>} : memref<50688xf32, #tpu.memory_space<vmem>>, vector<16xf32>,
        %get3A_836 = vector.shape_cast %get3A_835 : vector<16xf32> to vector<16xf32>
        %add3A_837 = arith.constant 176 : i32
        %add3A_838 = arith.addi %mul3A_688, %add3A_837 : i32
        %swap3A_839 = arith.index_cast %add3A_838 : i32 to index
        %swap3A_840 = tpu.vector_load %arg5[%swap3A_839] {strides = array<i32>} : memref<50176xf32, #tpu.memory_space<vmem>>, vector<16xf32>,
        %swap3A_841 = vector.shape_cast %swap3A_840 : vector<16xf32> to vector<16xf32>
        %swap3A_842 = vector.shape_cast %get3A_836 : vector<16xf32> to vector<16xf32>
        tpu.vector_store %arg5[%swap3A_839], %swap3A_842 {strides = array<i32>} : memref<50176xf32, #tpu.memory_space<vmem>>, vector<16xf32>,
        %add3A_843 = arith.constant 257 : i32
        %add3A_844 = arith.addi %add3A_843, %mul3A_688 : i32
        %add3A_845 = arith.constant 192 : i32
        %add3A_846 = arith.addi %add3A_844, %add3A_845 : i32
        %get3A_847 = arith.index_cast %add3A_846 : i32 to index
        %get3A_848 = tpu.vector_load %arg4[%get3A_847] {strides = array<i32>} : memref<50688xf32, #tpu.memory_space<vmem>>, vector<16xf32>,
        %get3A_849 = vector.shape_cast %get3A_848 : vector<16xf32> to vector<16xf32>
        %add3A_850 = arith.constant 192 : i32
        %add3A_851 = arith.addi %mul3A_688, %add3A_850 : i32
        %swap3A_852 = arith.index_cast %add3A_851 : i32 to index
        %swap3A_853 = tpu.vector_load %arg5[%swap3A_852] {strides = array<i32>} : memref<50176xf32, #tpu.memory_space<vmem>>, vector<16xf32>,
        %swap3A_854 = vector.shape_cast %swap3A_853 : vector<16xf32> to vector<16xf32>
        %swap3A_855 = vector.shape_cast %get3A_849 : vector<16xf32> to vector<16xf32>
        tpu.vector_store %arg5[%swap3A_852], %swap3A_855 {strides = array<i32>} : memref<50176xf32, #tpu.memory_space<vmem>>, vector<16xf32>,
        %add3A_856 = arith.constant 257 : i32
        %add3A_857 = arith.addi %add3A_856, %mul3A_688 : i32
        %add3A_858 = arith.constant 208 : i32
        %add3A_859 = arith.addi %add3A_857, %add3A_858 : i32
        %get3A_860 = arith.index_cast %add3A_859 : i32 to index
        %get3A_861 = tpu.vector_load %arg4[%get3A_860] {strides = array<i32>} : memref<50688xf32, #tpu.memory_space<vmem>>, vector<16xf32>,
        %get3A_862 = vector.shape_cast %get3A_861 : vector<16xf32> to vector<16xf32>
        %jit3A_863 = arith.constant 0.000000e+00 : f32
        %broadcast_in_dim3A_864 = vector.broadcast %jit3A_863 : f32 to vector<16xf32>
        %select_n3A_865 = arith.select %eq3A_669, %broadcast_in_dim3A_864, %get3A_862 : vector<16xi1>, vector<16xf32>
        %add3A_866 = arith.constant 208 : i32
        %add3A_867 = arith.addi %mul3A_688, %add3A_866 : i32
        %swap3A_868 = arith.index_cast %add3A_867 : i32 to index
        %swap3A_869 = tpu.vector_load %arg5[%swap3A_868] {strides = array<i32>} : memref<50176xf32, #tpu.memory_space<vmem>>, vector<16xf32>,
        %swap3A_870 = vector.shape_cast %swap3A_869 : vector<16xf32> to vector<16xf32>
        %swap3A_871 = vector.shape_cast %select_n3A_865 : vector<16xf32> to vector<16xf32>
        tpu.vector_store %arg5[%swap3A_868], %swap3A_871 {strides = array<i32>} : memref<50176xf32, #tpu.memory_space<vmem>>, vector<16xf32>,
      }
      %scan3A_674 = arith.constant 224 : i32
      %scan3A_675 = arith.constant 0 : i32
      %scan3A_676 = arith.constant 0 : i32
      %scan3A_677 = arith.constant 14 : i32
      %scan3A_678 = arith.addi %scan3A_676, %scan3A_677 : i32
      %scan3A_679 = arith.constant 1 : i32
      scf.for %scan3A_686 = %scan3A_676 to %scan3A_678 step %scan3A_679  : i32 {
        %mul3A_687 = arith.constant 16 : i32
        %mul3A_688 = arith.muli %scan3A_686, %mul3A_687 : i32
        %add3A_689 = arith.constant 49952 : i32
        %add3A_690 = arith.addi %add3A_689, %mul3A_688 : i32
        %swap3A = arith.index_cast %add3A_690 : i32 to index
        %swap3A_691 = tpu.vector_load %arg5[%swap3A] {strides = array<i32>} : memref<50176xf32, #tpu.memory_space<vmem>>, vector<16xf32>,
        %swap3A_692 = vector.shape_cast %swap3A_691 : vector<16xf32> to vector<16xf32>
        %swap3A_693 = vector.shape_cast %broadcast_in_dim3A_1 : vector<16xf32> to vector<16xf32>
        tpu.vector_store %arg5[%swap3A], %swap3A_693 {strides = array<i32>} : memref<50176xf32, #tpu.memory_space<vmem>>, vector<16xf32>,
      }
      %scan3A_680 = arith.constant 14 : i32
      %dma_start3A = arith.constant 0 : i32
      %dma_start3A_681 = tpu.memref_slice %arg3[%add3A_661, %dma_start3A] : memref<768x50176xf32, #tpu.memory_space<hbm>> -> memref<1x50176xf32, #tpu.memory_space<hbm>>
      %dma_start3A_682 = tpu.memref_squeeze %dma_start3A_681 : memref<1x50176xf32, #tpu.memory_space<hbm>> -> memref<50176xf32, #tpu.memory_space<hbm>>
      %dma_start3A_683 = arith.constant 0 : i32
      %dma_start3A_684 = tpu.memref_slice %arg3[%add3A_661, %dma_start3A_683] : memref<768x50176xf32, #tpu.memory_space<hbm>> -> memref<1x50176xf32, #tpu.memory_space<hbm>>
      %dma_start3A_685 = tpu.memref_squeeze %dma_start3A_684 : memref<1x50176xf32, #tpu.memory_space<hbm>> -> memref<50176xf32, #tpu.memory_space<hbm>>
      tpu.enqueue_dma source(%arg5 : memref<50176xf32, #tpu.memory_space<vmem>>) target(%dma_start3A_685 : memref<50176xf32, #tpu.memory_space<hbm>>) target_semaphore(%arg6 : memref<!tpu.dma_semaphore, #tpu.memory_space<semaphore_mem>>)
    }
    %mul3A_434 = arith.constant 84 : i32
    %mul3A_435 = arith.muli %add3A, %mul3A_434 : i32
    %jit3A_436 = arith.constant 32 : i32
    %div3A_437 = arith.divsi %mul3A_435, %jit3A_436 : i32
    %sign3A_438 = arith.constant 0 : i32
    %sign3A_439 = arith.cmpi sgt, %mul3A_435, %sign3A_438 : i32
    %sign3A_440 = arith.extui %sign3A_439 : i1 to i32
    %sign3A_441 = arith.constant 0 : i32
    %sign3A_442 = arith.cmpi slt, %mul3A_435, %sign3A_441 : i32
    %sign3A_443 = arith.extui %sign3A_442 : i1 to i32
    %sign3A_444 = arith.subi %sign3A_440, %sign3A_443 : i32
    %sign3A_445 = arith.constant 0 : i32
    %sign3A_446 = arith.cmpi sgt, %jit3A_436, %sign3A_445 : i32
    %sign3A_447 = arith.extui %sign3A_446 : i1 to i32
    %sign3A_448 = arith.constant 0 : i32
    %sign3A_449 = arith.cmpi slt, %jit3A_436, %sign3A_448 : i32
    %sign3A_450 = arith.extui %sign3A_449 : i1 to i32
    %sign3A_451 = arith.subi %sign3A_447, %sign3A_450 : i32
    %ne3A_452 = arith.cmpi ne, %sign3A_444, %sign3A_451 : i32
    %rem3A_453 = arith.remsi %mul3A_435, %jit3A_436 : i32
    %ne3A_454 = arith.constant 0 : i32
    %ne3A_455 = arith.cmpi ne, %rem3A_453, %ne3A_454 : i32
    %and3A_456 = arith.andi %ne3A_452, %ne3A_455 : i1
    %sub3A_457 = arith.constant 1 : i32
    %sub3A_458 = arith.subi %div3A_437, %sub3A_457 : i32
    %select_n3A_459 = arith.select %and3A_456, %sub3A_458, %div3A_437 : i32
    %add3A_460 = arith.constant 1 : i32
    %add3A_461 = arith.addi %add3A, %add3A_460 : i32
    %mul3A_462 = arith.constant 84 : i32
    %mul3A_463 = arith.muli %add3A_461, %mul3A_462 : i32
    %jit3A_464 = arith.constant 32 : i32
    %div3A_465 = arith.divsi %mul3A_463, %jit3A_464 : i32
    %sign3A_466 = arith.constant 0 : i32
    %sign3A_467 = arith.cmpi sgt, %mul3A_463, %sign3A_466 : i32
    %sign3A_468 = arith.extui %sign3A_467 : i1 to i32
    %sign3A_469 = arith.constant 0 : i32
    %sign3A_470 = arith.cmpi slt, %mul3A_463, %sign3A_469 : i32
    %sign3A_471 = arith.extui %sign3A_470 : i1 to i32
    %sign3A_472 = arith.subi %sign3A_468, %sign3A_471 : i32
    %sign3A_473 = arith.constant 0 : i32
    %sign3A_474 = arith.cmpi sgt, %jit3A_464, %sign3A_473 : i32
    %sign3A_475 = arith.extui %sign3A_474 : i1 to i32
    %sign3A_476 = arith.constant 0 : i32
    %sign3A_477 = arith.cmpi slt, %jit3A_464, %sign3A_476 : i32
    %sign3A_478 = arith.extui %sign3A_477 : i1 to i32
    %sign3A_479 = arith.subi %sign3A_475, %sign3A_478 : i32
    %ne3A_480 = arith.cmpi ne, %sign3A_472, %sign3A_479 : i32
    %rem3A_481 = arith.remsi %mul3A_463, %jit3A_464 : i32
    %ne3A_482 = arith.constant 0 : i32
    %ne3A_483 = arith.cmpi ne, %rem3A_481, %ne3A_482 : i32
    %and3A_484 = arith.andi %ne3A_480, %ne3A_483 : i1
    %sub3A_485 = arith.constant 1 : i32
    %sub3A_486 = arith.subi %div3A_465, %sub3A_485 : i32
    %select_n3A_487 = arith.select %and3A_484, %sub3A_486, %div3A_465 : i32
    %while3A_488 = arith.constant 0 : i32
    %while3A_489 = arith.subi %select_n3A_487, %select_n3A_459 : i32
    %while3A_490 = arith.addi %select_n3A_459, %while3A_489 : i32
    %while3A_491 = arith.constant 1 : i32
    %while3A_492 = arith.divsi %while3A_489, %while3A_491 : i32
    %while3A_493 = arith.muli %while3A_492, %while3A_491 : i32
    %while3A_494 = arith.addi %select_n3A_459, %while3A_493 : i32
    %while3A_495 = arith.constant 1 : i32
    scf.for %while3A_629 = %select_n3A_459 to %while3A_494 step %while3A_495  : i32 {
      %jit3A_630 = arith.constant 42 : i32
      %div3A_631 = arith.divsi %while3A_629, %jit3A_630 : i32
      %sign3A_632 = arith.constant 0 : i32
      %sign3A_633 = arith.cmpi sgt, %while3A_629, %sign3A_632 : i32
      %sign3A_634 = arith.extui %sign3A_633 : i1 to i32
      %sign3A_635 = arith.constant 0 : i32
      %sign3A_636 = arith.cmpi slt, %while3A_629, %sign3A_635 : i32
      %sign3A_637 = arith.extui %sign3A_636 : i1 to i32
      %sign3A_638 = arith.subi %sign3A_634, %sign3A_637 : i32
      %sign3A_639 = arith.constant 0 : i32
      %sign3A_640 = arith.cmpi sgt, %jit3A_630, %sign3A_639 : i32
      %sign3A_641 = arith.extui %sign3A_640 : i1 to i32
      %sign3A_642 = arith.constant 0 : i32
      %sign3A_643 = arith.cmpi slt, %jit3A_630, %sign3A_642 : i32
      %sign3A_644 = arith.extui %sign3A_643 : i1 to i32
      %sign3A_645 = arith.subi %sign3A_641, %sign3A_644 : i32
      %ne3A_646 = arith.cmpi ne, %sign3A_638, %sign3A_645 : i32
      %rem3A_647 = arith.remsi %while3A_629, %jit3A_630 : i32
      %ne3A_648 = arith.constant 0 : i32
      %ne3A_649 = arith.cmpi ne, %rem3A_647, %ne3A_648 : i32
      %and3A_650 = arith.andi %ne3A_646, %ne3A_649 : i1
      %sub3A_651 = arith.constant 1 : i32
      %sub3A_652 = arith.subi %div3A_631, %sub3A_651 : i32
      %select_n3A_653 = arith.select %and3A_650, %sub3A_652, %div3A_631 : i32
      %mul3A_654 = arith.constant 42 : i32
      %mul3A_655 = arith.muli %select_n3A_653, %mul3A_654 : i32
      %sub3A_656 = arith.subi %while3A_629, %mul3A_655 : i32
      %add3A_657 = arith.constant 252 : i32
      %add3A_658 = arith.addi %add3A_657, %sub3A_656 : i32
      %mul3A_659 = arith.constant 384 : i32
      %mul3A_660 = arith.muli %select_n3A_653, %mul3A_659 : i32
      %add3A_661 = arith.addi %mul3A_660, %add3A_658 : i32
      "tpu.region"() ({
        %run_scoped3A = tpu.sem_alloc : memref<!tpu.dma_semaphore, #tpu.memory_space<semaphore_mem>>
        %dma_start3A_686 = arith.constant 32 : i32
        %dma_start3A_687 = tpu.memref_slice %arg4[%dma_start3A_686] : memref<50688xf32, #tpu.memory_space<vmem>> -> memref<50176xf32, #tpu.memory_space<vmem>>
        %dma_start3A_688 = arith.constant 0 : i32
        %dma_start3A_689 = tpu.memref_slice %arg2[%add3A_661, %dma_start3A_688] : memref<768x50176xf32, #tpu.memory_space<hbm>> -> memref<1x50176xf32, #tpu.memory_space<hbm>>
        %dma_start3A_690 = tpu.memref_squeeze %dma_start3A_689 : memref<1x50176xf32, #tpu.memory_space<hbm>> -> memref<50176xf32, #tpu.memory_space<hbm>>
        %dma_start3A_691 = arith.constant 32 : i32
        %dma_start3A_692 = tpu.memref_slice %arg4[%dma_start3A_691] : memref<50688xf32, #tpu.memory_space<vmem>> -> memref<50176xf32, #tpu.memory_space<vmem>>
        %dma_start3A_693 = arith.constant 0 : i32
        %dma_start3A_694 = tpu.memref_slice %arg2[%add3A_661, %dma_start3A_693] : memref<768x50176xf32, #tpu.memory_space<hbm>> -> memref<1x50176xf32, #tpu.memory_space<hbm>>
        %dma_start3A_695 = tpu.memref_squeeze %dma_start3A_694 : memref<1x50176xf32, #tpu.memory_space<hbm>> -> memref<50176xf32, #tpu.memory_space<hbm>>
        tpu.enqueue_dma source(%dma_start3A_695 : memref<50176xf32, #tpu.memory_space<hbm>>) target(%dma_start3A_692 : memref<50176xf32, #tpu.memory_space<vmem>>) target_semaphore(%run_scoped3A : memref<!tpu.dma_semaphore, #tpu.memory_space<semaphore_mem>>)
        %dma_wait3A_696 = arith.constant 32 : i32
        %dma_wait3A_697 = tpu.memref_slice %arg4[%dma_wait3A_696] : memref<50688xf32, #tpu.memory_space<vmem>> -> memref<50176xf32, #tpu.memory_space<vmem>>
        %dma_wait3A_698 = arith.constant 0 : i32
        %dma_wait3A_699 = tpu.memref_slice %arg2[%add3A_661, %dma_wait3A_698] : memref<768x50176xf32, #tpu.memory_space<hbm>> -> memref<1x50176xf32, #tpu.memory_space<hbm>>
        %dma_wait3A_700 = tpu.memref_squeeze %dma_wait3A_699 : memref<1x50176xf32, #tpu.memory_space<hbm>> -> memref<50176xf32, #tpu.memory_space<hbm>>
        %dma_wait3A_701 = arith.constant 32 : i32
        %dma_wait3A_702 = tpu.memref_slice %arg4[%dma_wait3A_701] : memref<50688xf32, #tpu.memory_space<vmem>> -> memref<50176xf32, #tpu.memory_space<vmem>>
        %dma_wait3A_703 = arith.constant 0 : i32
        %dma_wait3A_704 = tpu.memref_slice %arg2[%add3A_661, %dma_wait3A_703] : memref<768x50176xf32, #tpu.memory_space<hbm>> -> memref<1x50176xf32, #tpu.memory_space<hbm>>
        %dma_wait3A_705 = tpu.memref_squeeze %dma_wait3A_704 : memref<1x50176xf32, #tpu.memory_space<hbm>> -> memref<50176xf32, #tpu.memory_space<hbm>>
        tpu.wait_dma2 semaphore(%run_scoped3A : memref<!tpu.dma_semaphore, #tpu.memory_space<semaphore_mem>>) src(%dma_wait3A_705 : memref<50176xf32, #tpu.memory_space<hbm>>) dst(%dma_wait3A_702 : memref<50176xf32, #tpu.memory_space<vmem>>)
        tpu.yield
      }) : () -> ()
      %dma_wait3A_662 = arith.constant 0 : i32
      %dma_wait3A_663 = tpu.memref_slice %arg3[%add3A_661, %dma_wait3A_662] : memref<768x50176xf32, #tpu.memory_space<hbm>> -> memref<1x50176xf32, #tpu.memory_space<hbm>>
      %dma_wait3A_664 = tpu.memref_squeeze %dma_wait3A_663 : memref<1x50176xf32, #tpu.memory_space<hbm>> -> memref<50176xf32, #tpu.memory_space<hbm>>
      %dma_wait3A_665 = arith.constant 0 : i32
      %dma_wait3A_666 = tpu.memref_slice %arg3[%add3A_661, %dma_wait3A_665] : memref<768x50176xf32, #tpu.memory_space<hbm>> -> memref<1x50176xf32, #tpu.memory_space<hbm>>
      %dma_wait3A_667 = tpu.memref_squeeze %dma_wait3A_666 : memref<1x50176xf32, #tpu.memory_space<hbm>> -> memref<50176xf32, #tpu.memory_space<hbm>>
      tpu.wait_dma2 semaphore(%arg6 : memref<!tpu.dma_semaphore, #tpu.memory_space<semaphore_mem>>) src(%arg5 : memref<50176xf32, #tpu.memory_space<vmem>>) dst(%dma_wait3A_667 : memref<50176xf32, #tpu.memory_space<hbm>>)
      %eq3A = arith.constant 0 : i32
      %eq3A_668 = vector.broadcast %eq3A : i32 to vector<16xi32>
      %eq3A_669 = arith.cmpi eq, %iota3A, %eq3A_668 : vector<16xi32>
      %scan3A = arith.constant 0 : i32
      %scan3A_670 = arith.constant 0 : i32
      %scan3A_671 = arith.constant 224 : i32
      %scan3A_672 = arith.addi %scan3A_670, %scan3A_671 : i32
      %scan3A_673 = arith.constant 1 : i32
      scf.for %scan3A_686 = %scan3A_670 to %scan3A_672 step %scan3A_673  : i32 {
        %mul3A_687 = arith.constant 224 : i32
        %mul3A_688 = arith.muli %scan3A_686, %mul3A_687 : i32
        %add3A_689 = arith.constant 255 : i32
        %add3A_690 = arith.addi %add3A_689, %mul3A_688 : i32
        %add3A_691 = arith.constant 0 : i32
        %add3A_692 = arith.addi %add3A_690, %add3A_691 : i32
        %get3A = arith.index_cast %add3A_692 : i32 to index
        %get3A_693 = tpu.vector_load %arg4[%get3A] {strides = array<i32>} : memref<50688xf32, #tpu.memory_space<vmem>>, vector<16xf32>,
        %get3A_694 = vector.shape_cast %get3A_693 : vector<16xf32> to vector<16xf32>
        %jit3A_695 = arith.constant 0.000000e+00 : f32
        %broadcast_in_dim3A_696 = vector.broadcast %jit3A_695 : f32 to vector<16xf32>
        %select_n3A_697 = arith.select %eq3A_669, %broadcast_in_dim3A_696, %get3A_694 : vector<16xi1>, vector<16xf32>
        %add3A_698 = arith.constant 0 : i32
        %add3A_699 = arith.addi %mul3A_688, %add3A_698 : i32
        %swap3A = arith.index_cast %add3A_699 : i32 to index
        %swap3A_700 = tpu.vector_load %arg5[%swap3A] {strides = array<i32>} : memref<50176xf32, #tpu.memory_space<vmem>>, vector<16xf32>,
        %swap3A_701 = vector.shape_cast %swap3A_700 : vector<16xf32> to vector<16xf32>
        %swap3A_702 = vector.shape_cast %select_n3A_697 : vector<16xf32> to vector<16xf32>
        tpu.vector_store %arg5[%swap3A], %swap3A_702 {strides = array<i32>} : memref<50176xf32, #tpu.memory_space<vmem>>, vector<16xf32>,
        %add3A_703 = arith.constant 255 : i32
        %add3A_704 = arith.addi %add3A_703, %mul3A_688 : i32
        %add3A_705 = arith.constant 16 : i32
        %add3A_706 = arith.addi %add3A_704, %add3A_705 : i32
        %get3A_707 = arith.index_cast %add3A_706 : i32 to index
        %get3A_708 = tpu.vector_load %arg4[%get3A_707] {strides = array<i32>} : memref<50688xf32, #tpu.memory_space<vmem>>, vector<16xf32>,
        %get3A_709 = vector.shape_cast %get3A_708 : vector<16xf32> to vector<16xf32>
        %add3A_710 = arith.constant 16 : i32
        %add3A_711 = arith.addi %mul3A_688, %add3A_710 : i32
        %swap3A_712 = arith.index_cast %add3A_711 : i32 to index
        %swap3A_713 = tpu.vector_load %arg5[%swap3A_712] {strides = array<i32>} : memref<50176xf32, #tpu.memory_space<vmem>>, vector<16xf32>,
        %swap3A_714 = vector.shape_cast %swap3A_713 : vector<16xf32> to vector<16xf32>
        %swap3A_715 = vector.shape_cast %get3A_709 : vector<16xf32> to vector<16xf32>
        tpu.vector_store %arg5[%swap3A_712], %swap3A_715 {strides = array<i32>} : memref<50176xf32, #tpu.memory_space<vmem>>, vector<16xf32>,
        %add3A_716 = arith.constant 255 : i32
        %add3A_717 = arith.addi %add3A_716, %mul3A_688 : i32
        %add3A_718 = arith.constant 32 : i32
        %add3A_719 = arith.addi %add3A_717, %add3A_718 : i32
        %get3A_720 = arith.index_cast %add3A_719 : i32 to index
        %get3A_721 = tpu.vector_load %arg4[%get3A_720] {strides = array<i32>} : memref<50688xf32, #tpu.memory_space<vmem>>, vector<16xf32>,
        %get3A_722 = vector.shape_cast %get3A_721 : vector<16xf32> to vector<16xf32>
        %add3A_723 = arith.constant 32 : i32
        %add3A_724 = arith.addi %mul3A_688, %add3A_723 : i32
        %swap3A_725 = arith.index_cast %add3A_724 : i32 to index
        %swap3A_726 = tpu.vector_load %arg5[%swap3A_725] {strides = array<i32>} : memref<50176xf32, #tpu.memory_space<vmem>>, vector<16xf32>,
        %swap3A_727 = vector.shape_cast %swap3A_726 : vector<16xf32> to vector<16xf32>
        %swap3A_728 = vector.shape_cast %get3A_722 : vector<16xf32> to vector<16xf32>
        tpu.vector_store %arg5[%swap3A_725], %swap3A_728 {strides = array<i32>} : memref<50176xf32, #tpu.memory_space<vmem>>, vector<16xf32>,
        %add3A_729 = arith.constant 255 : i32
        %add3A_730 = arith.addi %add3A_729, %mul3A_688 : i32
        %add3A_731 = arith.constant 48 : i32
        %add3A_732 = arith.addi %add3A_730, %add3A_731 : i32
        %get3A_733 = arith.index_cast %add3A_732 : i32 to index
        %get3A_734 = tpu.vector_load %arg4[%get3A_733] {strides = array<i32>} : memref<50688xf32, #tpu.memory_space<vmem>>, vector<16xf32>,
        %get3A_735 = vector.shape_cast %get3A_734 : vector<16xf32> to vector<16xf32>
        %add3A_736 = arith.constant 48 : i32
        %add3A_737 = arith.addi %mul3A_688, %add3A_736 : i32
        %swap3A_738 = arith.index_cast %add3A_737 : i32 to index
        %swap3A_739 = tpu.vector_load %arg5[%swap3A_738] {strides = array<i32>} : memref<50176xf32, #tpu.memory_space<vmem>>, vector<16xf32>,
        %swap3A_740 = vector.shape_cast %swap3A_739 : vector<16xf32> to vector<16xf32>
        %swap3A_741 = vector.shape_cast %get3A_735 : vector<16xf32> to vector<16xf32>
        tpu.vector_store %arg5[%swap3A_738], %swap3A_741 {strides = array<i32>} : memref<50176xf32, #tpu.memory_space<vmem>>, vector<16xf32>,
        %add3A_742 = arith.constant 255 : i32
        %add3A_743 = arith.addi %add3A_742, %mul3A_688 : i32
        %add3A_744 = arith.constant 64 : i32
        %add3A_745 = arith.addi %add3A_743, %add3A_744 : i32
        %get3A_746 = arith.index_cast %add3A_745 : i32 to index
        %get3A_747 = tpu.vector_load %arg4[%get3A_746] {strides = array<i32>} : memref<50688xf32, #tpu.memory_space<vmem>>, vector<16xf32>,
        %get3A_748 = vector.shape_cast %get3A_747 : vector<16xf32> to vector<16xf32>
        %add3A_749 = arith.constant 64 : i32
        %add3A_750 = arith.addi %mul3A_688, %add3A_749 : i32
        %swap3A_751 = arith.index_cast %add3A_750 : i32 to index
        %swap3A_752 = tpu.vector_load %arg5[%swap3A_751] {strides = array<i32>} : memref<50176xf32, #tpu.memory_space<vmem>>, vector<16xf32>,
        %swap3A_753 = vector.shape_cast %swap3A_752 : vector<16xf32> to vector<16xf32>
        %swap3A_754 = vector.shape_cast %get3A_748 : vector<16xf32> to vector<16xf32>
        tpu.vector_store %arg5[%swap3A_751], %swap3A_754 {strides = array<i32>} : memref<50176xf32, #tpu.memory_space<vmem>>, vector<16xf32>,
        %add3A_755 = arith.constant 255 : i32
        %add3A_756 = arith.addi %add3A_755, %mul3A_688 : i32
        %add3A_757 = arith.constant 80 : i32
        %add3A_758 = arith.addi %add3A_756, %add3A_757 : i32
        %get3A_759 = arith.index_cast %add3A_758 : i32 to index
        %get3A_760 = tpu.vector_load %arg4[%get3A_759] {strides = array<i32>} : memref<50688xf32, #tpu.memory_space<vmem>>, vector<16xf32>,
        %get3A_761 = vector.shape_cast %get3A_760 : vector<16xf32> to vector<16xf32>
        %add3A_762 = arith.constant 80 : i32
        %add3A_763 = arith.addi %mul3A_688, %add3A_762 : i32
        %swap3A_764 = arith.index_cast %add3A_763 : i32 to index
        %swap3A_765 = tpu.vector_load %arg5[%swap3A_764] {strides = array<i32>} : memref<50176xf32, #tpu.memory_space<vmem>>, vector<16xf32>,
        %swap3A_766 = vector.shape_cast %swap3A_765 : vector<16xf32> to vector<16xf32>
        %swap3A_767 = vector.shape_cast %get3A_761 : vector<16xf32> to vector<16xf32>
        tpu.vector_store %arg5[%swap3A_764], %swap3A_767 {strides = array<i32>} : memref<50176xf32, #tpu.memory_space<vmem>>, vector<16xf32>,
        %add3A_768 = arith.constant 255 : i32
        %add3A_769 = arith.addi %add3A_768, %mul3A_688 : i32
        %add3A_770 = arith.constant 96 : i32
        %add3A_771 = arith.addi %add3A_769, %add3A_770 : i32
        %get3A_772 = arith.index_cast %add3A_771 : i32 to index
        %get3A_773 = tpu.vector_load %arg4[%get3A_772] {strides = array<i32>} : memref<50688xf32, #tpu.memory_space<vmem>>, vector<16xf32>,
        %get3A_774 = vector.shape_cast %get3A_773 : vector<16xf32> to vector<16xf32>
        %add3A_775 = arith.constant 96 : i32
        %add3A_776 = arith.addi %mul3A_688, %add3A_775 : i32
        %swap3A_777 = arith.index_cast %add3A_776 : i32 to index
        %swap3A_778 = tpu.vector_load %arg5[%swap3A_777] {strides = array<i32>} : memref<50176xf32, #tpu.memory_space<vmem>>, vector<16xf32>,
        %swap3A_779 = vector.shape_cast %swap3A_778 : vector<16xf32> to vector<16xf32>
        %swap3A_780 = vector.shape_cast %get3A_774 : vector<16xf32> to vector<16xf32>
        tpu.vector_store %arg5[%swap3A_777], %swap3A_780 {strides = array<i32>} : memref<50176xf32, #tpu.memory_space<vmem>>, vector<16xf32>,
        %add3A_781 = arith.constant 255 : i32
        %add3A_782 = arith.addi %add3A_781, %mul3A_688 : i32
        %add3A_783 = arith.constant 112 : i32
        %add3A_784 = arith.addi %add3A_782, %add3A_783 : i32
        %get3A_785 = arith.index_cast %add3A_784 : i32 to index
        %get3A_786 = tpu.vector_load %arg4[%get3A_785] {strides = array<i32>} : memref<50688xf32, #tpu.memory_space<vmem>>, vector<16xf32>,
        %get3A_787 = vector.shape_cast %get3A_786 : vector<16xf32> to vector<16xf32>
        %add3A_788 = arith.constant 112 : i32
        %add3A_789 = arith.addi %mul3A_688, %add3A_788 : i32
        %swap3A_790 = arith.index_cast %add3A_789 : i32 to index
        %swap3A_791 = tpu.vector_load %arg5[%swap3A_790] {strides = array<i32>} : memref<50176xf32, #tpu.memory_space<vmem>>, vector<16xf32>,
        %swap3A_792 = vector.shape_cast %swap3A_791 : vector<16xf32> to vector<16xf32>
        %swap3A_793 = vector.shape_cast %get3A_787 : vector<16xf32> to vector<16xf32>
        tpu.vector_store %arg5[%swap3A_790], %swap3A_793 {strides = array<i32>} : memref<50176xf32, #tpu.memory_space<vmem>>, vector<16xf32>,
        %add3A_794 = arith.constant 255 : i32
        %add3A_795 = arith.addi %add3A_794, %mul3A_688 : i32
        %add3A_796 = arith.constant 128 : i32
        %add3A_797 = arith.addi %add3A_795, %add3A_796 : i32
        %get3A_798 = arith.index_cast %add3A_797 : i32 to index
        %get3A_799 = tpu.vector_load %arg4[%get3A_798] {strides = array<i32>} : memref<50688xf32, #tpu.memory_space<vmem>>, vector<16xf32>,
        %get3A_800 = vector.shape_cast %get3A_799 : vector<16xf32> to vector<16xf32>
        %add3A_801 = arith.constant 128 : i32
        %add3A_802 = arith.addi %mul3A_688, %add3A_801 : i32
        %swap3A_803 = arith.index_cast %add3A_802 : i32 to index
        %swap3A_804 = tpu.vector_load %arg5[%swap3A_803] {strides = array<i32>} : memref<50176xf32, #tpu.memory_space<vmem>>, vector<16xf32>,
        %swap3A_805 = vector.shape_cast %swap3A_804 : vector<16xf32> to vector<16xf32>
        %swap3A_806 = vector.shape_cast %get3A_800 : vector<16xf32> to vector<16xf32>
        tpu.vector_store %arg5[%swap3A_803], %swap3A_806 {strides = array<i32>} : memref<50176xf32, #tpu.memory_space<vmem>>, vector<16xf32>,
        %add3A_807 = arith.constant 255 : i32
        %add3A_808 = arith.addi %add3A_807, %mul3A_688 : i32
        %add3A_809 = arith.constant 144 : i32
        %add3A_810 = arith.addi %add3A_808, %add3A_809 : i32
        %get3A_811 = arith.index_cast %add3A_810 : i32 to index
        %get3A_812 = tpu.vector_load %arg4[%get3A_811] {strides = array<i32>} : memref<50688xf32, #tpu.memory_space<vmem>>, vector<16xf32>,
        %get3A_813 = vector.shape_cast %get3A_812 : vector<16xf32> to vector<16xf32>
        %add3A_814 = arith.constant 144 : i32
        %add3A_815 = arith.addi %mul3A_688, %add3A_814 : i32
        %swap3A_816 = arith.index_cast %add3A_815 : i32 to index
        %swap3A_817 = tpu.vector_load %arg5[%swap3A_816] {strides = array<i32>} : memref<50176xf32, #tpu.memory_space<vmem>>, vector<16xf32>,
        %swap3A_818 = vector.shape_cast %swap3A_817 : vector<16xf32> to vector<16xf32>
        %swap3A_819 = vector.shape_cast %get3A_813 : vector<16xf32> to vector<16xf32>
        tpu.vector_store %arg5[%swap3A_816], %swap3A_819 {strides = array<i32>} : memref<50176xf32, #tpu.memory_space<vmem>>, vector<16xf32>,
        %add3A_820 = arith.constant 255 : i32
        %add3A_821 = arith.addi %add3A_820, %mul3A_688 : i32
        %add3A_822 = arith.constant 160 : i32
        %add3A_823 = arith.addi %add3A_821, %add3A_822 : i32
        %get3A_824 = arith.index_cast %add3A_823 : i32 to index
        %get3A_825 = tpu.vector_load %arg4[%get3A_824] {strides = array<i32>} : memref<50688xf32, #tpu.memory_space<vmem>>, vector<16xf32>,
        %get3A_826 = vector.shape_cast %get3A_825 : vector<16xf32> to vector<16xf32>
        %add3A_827 = arith.constant 160 : i32
        %add3A_828 = arith.addi %mul3A_688, %add3A_827 : i32
        %swap3A_829 = arith.index_cast %add3A_828 : i32 to index
        %swap3A_830 = tpu.vector_load %arg5[%swap3A_829] {strides = array<i32>} : memref<50176xf32, #tpu.memory_space<vmem>>, vector<16xf32>,
        %swap3A_831 = vector.shape_cast %swap3A_830 : vector<16xf32> to vector<16xf32>
        %swap3A_832 = vector.shape_cast %get3A_826 : vector<16xf32> to vector<16xf32>
        tpu.vector_store %arg5[%swap3A_829], %swap3A_832 {strides = array<i32>} : memref<50176xf32, #tpu.memory_space<vmem>>, vector<16xf32>,
        %add3A_833 = arith.constant 255 : i32
        %add3A_834 = arith.addi %add3A_833, %mul3A_688 : i32
        %add3A_835 = arith.constant 176 : i32
        %add3A_836 = arith.addi %add3A_834, %add3A_835 : i32
        %get3A_837 = arith.index_cast %add3A_836 : i32 to index
        %get3A_838 = tpu.vector_load %arg4[%get3A_837] {strides = array<i32>} : memref<50688xf32, #tpu.memory_space<vmem>>, vector<16xf32>,
        %get3A_839 = vector.shape_cast %get3A_838 : vector<16xf32> to vector<16xf32>
        %add3A_840 = arith.constant 176 : i32
        %add3A_841 = arith.addi %mul3A_688, %add3A_840 : i32
        %swap3A_842 = arith.index_cast %add3A_841 : i32 to index
        %swap3A_843 = tpu.vector_load %arg5[%swap3A_842] {strides = array<i32>} : memref<50176xf32, #tpu.memory_space<vmem>>, vector<16xf32>,
        %swap3A_844 = vector.shape_cast %swap3A_843 : vector<16xf32> to vector<16xf32>
        %swap3A_845 = vector.shape_cast %get3A_839 : vector<16xf32> to vector<16xf32>
        tpu.vector_store %arg5[%swap3A_842], %swap3A_845 {strides = array<i32>} : memref<50176xf32, #tpu.memory_space<vmem>>, vector<16xf32>,
        %add3A_846 = arith.constant 255 : i32
        %add3A_847 = arith.addi %add3A_846, %mul3A_688 : i32
        %add3A_848 = arith.constant 192 : i32
        %add3A_849 = arith.addi %add3A_847, %add3A_848 : i32
        %get3A_850 = arith.index_cast %add3A_849 : i32 to index
        %get3A_851 = tpu.vector_load %arg4[%get3A_850] {strides = array<i32>} : memref<50688xf32, #tpu.memory_space<vmem>>, vector<16xf32>,
        %get3A_852 = vector.shape_cast %get3A_851 : vector<16xf32> to vector<16xf32>
        %add3A_853 = arith.constant 192 : i32
        %add3A_854 = arith.addi %mul3A_688, %add3A_853 : i32
        %swap3A_855 = arith.index_cast %add3A_854 : i32 to index
        %swap3A_856 = tpu.vector_load %arg5[%swap3A_855] {strides = array<i32>} : memref<50176xf32, #tpu.memory_space<vmem>>, vector<16xf32>,
        %swap3A_857 = vector.shape_cast %swap3A_856 : vector<16xf32> to vector<16xf32>
        %swap3A_858 = vector.shape_cast %get3A_852 : vector<16xf32> to vector<16xf32>
        tpu.vector_store %arg5[%swap3A_855], %swap3A_858 {strides = array<i32>} : memref<50176xf32, #tpu.memory_space<vmem>>, vector<16xf32>,
        %add3A_859 = arith.constant 255 : i32
        %add3A_860 = arith.addi %add3A_859, %mul3A_688 : i32
        %add3A_861 = arith.constant 208 : i32
        %add3A_862 = arith.addi %add3A_860, %add3A_861 : i32
        %get3A_863 = arith.index_cast %add3A_862 : i32 to index
        %get3A_864 = tpu.vector_load %arg4[%get3A_863] {strides = array<i32>} : memref<50688xf32, #tpu.memory_space<vmem>>, vector<16xf32>,
        %get3A_865 = vector.shape_cast %get3A_864 : vector<16xf32> to vector<16xf32>
        %add3A_866 = arith.constant 208 : i32
        %add3A_867 = arith.addi %mul3A_688, %add3A_866 : i32
        %swap3A_868 = arith.index_cast %add3A_867 : i32 to index
        %swap3A_869 = tpu.vector_load %arg5[%swap3A_868] {strides = array<i32>} : memref<50176xf32, #tpu.memory_space<vmem>>, vector<16xf32>,
        %swap3A_870 = vector.shape_cast %swap3A_869 : vector<16xf32> to vector<16xf32>
        %swap3A_871 = vector.shape_cast %get3A_865 : vector<16xf32> to vector<16xf32>
        tpu.vector_store %arg5[%swap3A_868], %swap3A_871 {strides = array<i32>} : memref<50176xf32, #tpu.memory_space<vmem>>, vector<16xf32>,
      }
      %scan3A_674 = arith.constant 224 : i32
      %scan3A_675 = arith.constant 0 : i32
      %scan3A_676 = arith.constant 0 : i32
      %scan3A_677 = arith.constant 14 : i32
      %scan3A_678 = arith.addi %scan3A_676, %scan3A_677 : i32
      %scan3A_679 = arith.constant 1 : i32
      scf.for %scan3A_686 = %scan3A_676 to %scan3A_678 step %scan3A_679  : i32 {
        %mul3A_687 = arith.constant 16 : i32
        %mul3A_688 = arith.muli %scan3A_686, %mul3A_687 : i32
        %add3A_689 = arith.constant 49952 : i32
        %add3A_690 = arith.addi %add3A_689, %mul3A_688 : i32
        %swap3A = arith.index_cast %add3A_690 : i32 to index
        %swap3A_691 = tpu.vector_load %arg5[%swap3A] {strides = array<i32>} : memref<50176xf32, #tpu.memory_space<vmem>>, vector<16xf32>,
        %swap3A_692 = vector.shape_cast %swap3A_691 : vector<16xf32> to vector<16xf32>
        %swap3A_693 = vector.shape_cast %broadcast_in_dim3A_1 : vector<16xf32> to vector<16xf32>
        tpu.vector_store %arg5[%swap3A], %swap3A_693 {strides = array<i32>} : memref<50176xf32, #tpu.memory_space<vmem>>, vector<16xf32>,
      }
      %scan3A_680 = arith.constant 14 : i32
      %dma_start3A = arith.constant 0 : i32
      %dma_start3A_681 = tpu.memref_slice %arg3[%add3A_661, %dma_start3A] : memref<768x50176xf32, #tpu.memory_space<hbm>> -> memref<1x50176xf32, #tpu.memory_space<hbm>>
      %dma_start3A_682 = tpu.memref_squeeze %dma_start3A_681 : memref<1x50176xf32, #tpu.memory_space<hbm>> -> memref<50176xf32, #tpu.memory_space<hbm>>
      %dma_start3A_683 = arith.constant 0 : i32
      %dma_start3A_684 = tpu.memref_slice %arg3[%add3A_661, %dma_start3A_683] : memref<768x50176xf32, #tpu.memory_space<hbm>> -> memref<1x50176xf32, #tpu.memory_space<hbm>>
      %dma_start3A_685 = tpu.memref_squeeze %dma_start3A_684 : memref<1x50176xf32, #tpu.memory_space<hbm>> -> memref<50176xf32, #tpu.memory_space<hbm>>
      tpu.enqueue_dma source(%arg5 : memref<50176xf32, #tpu.memory_space<vmem>>) target(%dma_start3A_685 : memref<50176xf32, #tpu.memory_space<hbm>>) target_semaphore(%arg6 : memref<!tpu.dma_semaphore, #tpu.memory_space<semaphore_mem>>)
    }
    %while3A_496 = arith.constant 1 : i32
    scf.for %while3A_629 = %while3A_494 to %while3A_490 step %while3A_496  : i32 {
      %jit3A_630 = arith.constant 42 : i32
      %div3A_631 = arith.divsi %while3A_629, %jit3A_630 : i32
      %sign3A_632 = arith.constant 0 : i32
      %sign3A_633 = arith.cmpi sgt, %while3A_629, %sign3A_632 : i32
      %sign3A_634 = arith.extui %sign3A_633 : i1 to i32
      %sign3A_635 = arith.constant 0 : i32
      %sign3A_636 = arith.cmpi slt, %while3A_629, %sign3A_635 : i32
      %sign3A_637 = arith.extui %sign3A_636 : i1 to i32
      %sign3A_638 = arith.subi %sign3A_634, %sign3A_637 : i32
      %sign3A_639 = arith.constant 0 : i32
      %sign3A_640 = arith.cmpi sgt, %jit3A_630, %sign3A_639 : i32
      %sign3A_641 = arith.extui %sign3A_640 : i1 to i32
      %sign3A_642 = arith.constant 0 : i32
      %sign3A_643 = arith.cmpi slt, %jit3A_630, %sign3A_642 : i32
      %sign3A_644 = arith.extui %sign3A_643 : i1 to i32
      %sign3A_645 = arith.subi %sign3A_641, %sign3A_644 : i32
      %ne3A_646 = arith.cmpi ne, %sign3A_638, %sign3A_645 : i32
      %rem3A_647 = arith.remsi %while3A_629, %jit3A_630 : i32
      %ne3A_648 = arith.constant 0 : i32
      %ne3A_649 = arith.cmpi ne, %rem3A_647, %ne3A_648 : i32
      %and3A_650 = arith.andi %ne3A_646, %ne3A_649 : i1
      %sub3A_651 = arith.constant 1 : i32
      %sub3A_652 = arith.subi %div3A_631, %sub3A_651 : i32
      %select_n3A_653 = arith.select %and3A_650, %sub3A_652, %div3A_631 : i32
      %mul3A_654 = arith.constant 42 : i32
      %mul3A_655 = arith.muli %select_n3A_653, %mul3A_654 : i32
      %sub3A_656 = arith.subi %while3A_629, %mul3A_655 : i32
      %add3A_657 = arith.constant 252 : i32
      %add3A_658 = arith.addi %add3A_657, %sub3A_656 : i32
      %mul3A_659 = arith.constant 384 : i32
      %mul3A_660 = arith.muli %select_n3A_653, %mul3A_659 : i32
      %add3A_661 = arith.addi %mul3A_660, %add3A_658 : i32
      "tpu.region"() ({
        %run_scoped3A = tpu.sem_alloc : memref<!tpu.dma_semaphore, #tpu.memory_space<semaphore_mem>>
        %dma_start3A_686 = arith.constant 32 : i32
        %dma_start3A_687 = tpu.memref_slice %arg4[%dma_start3A_686] : memref<50688xf32, #tpu.memory_space<vmem>> -> memref<50176xf32, #tpu.memory_space<vmem>>
        %dma_start3A_688 = arith.constant 0 : i32
        %dma_start3A_689 = tpu.memref_slice %arg2[%add3A_661, %dma_start3A_688] : memref<768x50176xf32, #tpu.memory_space<hbm>> -> memref<1x50176xf32, #tpu.memory_space<hbm>>
        %dma_start3A_690 = tpu.memref_squeeze %dma_start3A_689 : memref<1x50176xf32, #tpu.memory_space<hbm>> -> memref<50176xf32, #tpu.memory_space<hbm>>
        %dma_start3A_691 = arith.constant 32 : i32
        %dma_start3A_692 = tpu.memref_slice %arg4[%dma_start3A_691] : memref<50688xf32, #tpu.memory_space<vmem>> -> memref<50176xf32, #tpu.memory_space<vmem>>
        %dma_start3A_693 = arith.constant 0 : i32
        %dma_start3A_694 = tpu.memref_slice %arg2[%add3A_661, %dma_start3A_693] : memref<768x50176xf32, #tpu.memory_space<hbm>> -> memref<1x50176xf32, #tpu.memory_space<hbm>>
        %dma_start3A_695 = tpu.memref_squeeze %dma_start3A_694 : memref<1x50176xf32, #tpu.memory_space<hbm>> -> memref<50176xf32, #tpu.memory_space<hbm>>
        tpu.enqueue_dma source(%dma_start3A_695 : memref<50176xf32, #tpu.memory_space<hbm>>) target(%dma_start3A_692 : memref<50176xf32, #tpu.memory_space<vmem>>) target_semaphore(%run_scoped3A : memref<!tpu.dma_semaphore, #tpu.memory_space<semaphore_mem>>)
        %dma_wait3A_696 = arith.constant 32 : i32
        %dma_wait3A_697 = tpu.memref_slice %arg4[%dma_wait3A_696] : memref<50688xf32, #tpu.memory_space<vmem>> -> memref<50176xf32, #tpu.memory_space<vmem>>
        %dma_wait3A_698 = arith.constant 0 : i32
        %dma_wait3A_699 = tpu.memref_slice %arg2[%add3A_661, %dma_wait3A_698] : memref<768x50176xf32, #tpu.memory_space<hbm>> -> memref<1x50176xf32, #tpu.memory_space<hbm>>
        %dma_wait3A_700 = tpu.memref_squeeze %dma_wait3A_699 : memref<1x50176xf32, #tpu.memory_space<hbm>> -> memref<50176xf32, #tpu.memory_space<hbm>>
        %dma_wait3A_701 = arith.constant 32 : i32
        %dma_wait3A_702 = tpu.memref_slice %arg4[%dma_wait3A_701] : memref<50688xf32, #tpu.memory_space<vmem>> -> memref<50176xf32, #tpu.memory_space<vmem>>
        %dma_wait3A_703 = arith.constant 0 : i32
        %dma_wait3A_704 = tpu.memref_slice %arg2[%add3A_661, %dma_wait3A_703] : memref<768x50176xf32, #tpu.memory_space<hbm>> -> memref<1x50176xf32, #tpu.memory_space<hbm>>
        %dma_wait3A_705 = tpu.memref_squeeze %dma_wait3A_704 : memref<1x50176xf32, #tpu.memory_space<hbm>> -> memref<50176xf32, #tpu.memory_space<hbm>>
        tpu.wait_dma2 semaphore(%run_scoped3A : memref<!tpu.dma_semaphore, #tpu.memory_space<semaphore_mem>>) src(%dma_wait3A_705 : memref<50176xf32, #tpu.memory_space<hbm>>) dst(%dma_wait3A_702 : memref<50176xf32, #tpu.memory_space<vmem>>)
        tpu.yield
      }) : () -> ()
      %dma_wait3A_662 = arith.constant 0 : i32
      %dma_wait3A_663 = tpu.memref_slice %arg3[%add3A_661, %dma_wait3A_662] : memref<768x50176xf32, #tpu.memory_space<hbm>> -> memref<1x50176xf32, #tpu.memory_space<hbm>>
      %dma_wait3A_664 = tpu.memref_squeeze %dma_wait3A_663 : memref<1x50176xf32, #tpu.memory_space<hbm>> -> memref<50176xf32, #tpu.memory_space<hbm>>
      %dma_wait3A_665 = arith.constant 0 : i32
      %dma_wait3A_666 = tpu.memref_slice %arg3[%add3A_661, %dma_wait3A_665] : memref<768x50176xf32, #tpu.memory_space<hbm>> -> memref<1x50176xf32, #tpu.memory_space<hbm>>
      %dma_wait3A_667 = tpu.memref_squeeze %dma_wait3A_666 : memref<1x50176xf32, #tpu.memory_space<hbm>> -> memref<50176xf32, #tpu.memory_space<hbm>>
      tpu.wait_dma2 semaphore(%arg6 : memref<!tpu.dma_semaphore, #tpu.memory_space<semaphore_mem>>) src(%arg5 : memref<50176xf32, #tpu.memory_space<vmem>>) dst(%dma_wait3A_667 : memref<50176xf32, #tpu.memory_space<hbm>>)
      %eq3A = arith.constant 0 : i32
      %eq3A_668 = vector.broadcast %eq3A : i32 to vector<16xi32>
      %eq3A_669 = arith.cmpi eq, %iota3A, %eq3A_668 : vector<16xi32>
      %scan3A = arith.constant 0 : i32
      %scan3A_670 = arith.constant 0 : i32
      %scan3A_671 = arith.constant 224 : i32
      %scan3A_672 = arith.addi %scan3A_670, %scan3A_671 : i32
      %scan3A_673 = arith.constant 1 : i32
      scf.for %scan3A_686 = %scan3A_670 to %scan3A_672 step %scan3A_673  : i32 {
        %mul3A_687 = arith.constant 224 : i32
        %mul3A_688 = arith.muli %scan3A_686, %mul3A_687 : i32
        %add3A_689 = arith.constant 255 : i32
        %add3A_690 = arith.addi %add3A_689, %mul3A_688 : i32
        %add3A_691 = arith.constant 0 : i32
        %add3A_692 = arith.addi %add3A_690, %add3A_691 : i32
        %get3A = arith.index_cast %add3A_692 : i32 to index
        %get3A_693 = tpu.vector_load %arg4[%get3A] {strides = array<i32>} : memref<50688xf32, #tpu.memory_space<vmem>>, vector<16xf32>,
        %get3A_694 = vector.shape_cast %get3A_693 : vector<16xf32> to vector<16xf32>
        %jit3A_695 = arith.constant 0.000000e+00 : f32
        %broadcast_in_dim3A_696 = vector.broadcast %jit3A_695 : f32 to vector<16xf32>
        %select_n3A_697 = arith.select %eq3A_669, %broadcast_in_dim3A_696, %get3A_694 : vector<16xi1>, vector<16xf32>
        %add3A_698 = arith.constant 0 : i32
        %add3A_699 = arith.addi %mul3A_688, %add3A_698 : i32
        %swap3A = arith.index_cast %add3A_699 : i32 to index
        %swap3A_700 = tpu.vector_load %arg5[%swap3A] {strides = array<i32>} : memref<50176xf32, #tpu.memory_space<vmem>>, vector<16xf32>,
        %swap3A_701 = vector.shape_cast %swap3A_700 : vector<16xf32> to vector<16xf32>
        %swap3A_702 = vector.shape_cast %select_n3A_697 : vector<16xf32> to vector<16xf32>
        tpu.vector_store %arg5[%swap3A], %swap3A_702 {strides = array<i32>} : memref<50176xf32, #tpu.memory_space<vmem>>, vector<16xf32>,
        %add3A_703 = arith.constant 255 : i32
        %add3A_704 = arith.addi %add3A_703, %mul3A_688 : i32
        %add3A_705 = arith.constant 16 : i32
        %add3A_706 = arith.addi %add3A_704, %add3A_705 : i32
        %get3A_707 = arith.index_cast %add3A_706 : i32 to index
        %get3A_708 = tpu.vector_load %arg4[%get3A_707] {strides = array<i32>} : memref<50688xf32, #tpu.memory_space<vmem>>, vector<16xf32>,
        %get3A_709 = vector.shape_cast %get3A_708 : vector<16xf32> to vector<16xf32>
        %add3A_710 = arith.constant 16 : i32
        %add3A_711 = arith.addi %mul3A_688, %add3A_710 : i32
        %swap3A_712 = arith.index_cast %add3A_711 : i32 to index
        %swap3A_713 = tpu.vector_load %arg5[%swap3A_712] {strides = array<i32>} : memref<50176xf32, #tpu.memory_space<vmem>>, vector<16xf32>,
        %swap3A_714 = vector.shape_cast %swap3A_713 : vector<16xf32> to vector<16xf32>
        %swap3A_715 = vector.shape_cast %get3A_709 : vector<16xf32> to vector<16xf32>
        tpu.vector_store %arg5[%swap3A_712], %swap3A_715 {strides = array<i32>} : memref<50176xf32, #tpu.memory_space<vmem>>, vector<16xf32>,
        %add3A_716 = arith.constant 255 : i32
        %add3A_717 = arith.addi %add3A_716, %mul3A_688 : i32
        %add3A_718 = arith.constant 32 : i32
        %add3A_719 = arith.addi %add3A_717, %add3A_718 : i32
        %get3A_720 = arith.index_cast %add3A_719 : i32 to index
        %get3A_721 = tpu.vector_load %arg4[%get3A_720] {strides = array<i32>} : memref<50688xf32, #tpu.memory_space<vmem>>, vector<16xf32>,
        %get3A_722 = vector.shape_cast %get3A_721 : vector<16xf32> to vector<16xf32>
        %add3A_723 = arith.constant 32 : i32
        %add3A_724 = arith.addi %mul3A_688, %add3A_723 : i32
        %swap3A_725 = arith.index_cast %add3A_724 : i32 to index
        %swap3A_726 = tpu.vector_load %arg5[%swap3A_725] {strides = array<i32>} : memref<50176xf32, #tpu.memory_space<vmem>>, vector<16xf32>,
        %swap3A_727 = vector.shape_cast %swap3A_726 : vector<16xf32> to vector<16xf32>
        %swap3A_728 = vector.shape_cast %get3A_722 : vector<16xf32> to vector<16xf32>
        tpu.vector_store %arg5[%swap3A_725], %swap3A_728 {strides = array<i32>} : memref<50176xf32, #tpu.memory_space<vmem>>, vector<16xf32>,
        %add3A_729 = arith.constant 255 : i32
        %add3A_730 = arith.addi %add3A_729, %mul3A_688 : i32
        %add3A_731 = arith.constant 48 : i32
        %add3A_732 = arith.addi %add3A_730, %add3A_731 : i32
        %get3A_733 = arith.index_cast %add3A_732 : i32 to index
        %get3A_734 = tpu.vector_load %arg4[%get3A_733] {strides = array<i32>} : memref<50688xf32, #tpu.memory_space<vmem>>, vector<16xf32>,
        %get3A_735 = vector.shape_cast %get3A_734 : vector<16xf32> to vector<16xf32>
        %add3A_736 = arith.constant 48 : i32
        %add3A_737 = arith.addi %mul3A_688, %add3A_736 : i32
        %swap3A_738 = arith.index_cast %add3A_737 : i32 to index
        %swap3A_739 = tpu.vector_load %arg5[%swap3A_738] {strides = array<i32>} : memref<50176xf32, #tpu.memory_space<vmem>>, vector<16xf32>,
        %swap3A_740 = vector.shape_cast %swap3A_739 : vector<16xf32> to vector<16xf32>
        %swap3A_741 = vector.shape_cast %get3A_735 : vector<16xf32> to vector<16xf32>
        tpu.vector_store %arg5[%swap3A_738], %swap3A_741 {strides = array<i32>} : memref<50176xf32, #tpu.memory_space<vmem>>, vector<16xf32>,
        %add3A_742 = arith.constant 255 : i32
        %add3A_743 = arith.addi %add3A_742, %mul3A_688 : i32
        %add3A_744 = arith.constant 64 : i32
        %add3A_745 = arith.addi %add3A_743, %add3A_744 : i32
        %get3A_746 = arith.index_cast %add3A_745 : i32 to index
        %get3A_747 = tpu.vector_load %arg4[%get3A_746] {strides = array<i32>} : memref<50688xf32, #tpu.memory_space<vmem>>, vector<16xf32>,
        %get3A_748 = vector.shape_cast %get3A_747 : vector<16xf32> to vector<16xf32>
        %add3A_749 = arith.constant 64 : i32
        %add3A_750 = arith.addi %mul3A_688, %add3A_749 : i32
        %swap3A_751 = arith.index_cast %add3A_750 : i32 to index
        %swap3A_752 = tpu.vector_load %arg5[%swap3A_751] {strides = array<i32>} : memref<50176xf32, #tpu.memory_space<vmem>>, vector<16xf32>,
        %swap3A_753 = vector.shape_cast %swap3A_752 : vector<16xf32> to vector<16xf32>
        %swap3A_754 = vector.shape_cast %get3A_748 : vector<16xf32> to vector<16xf32>
        tpu.vector_store %arg5[%swap3A_751], %swap3A_754 {strides = array<i32>} : memref<50176xf32, #tpu.memory_space<vmem>>, vector<16xf32>,
        %add3A_755 = arith.constant 255 : i32
        %add3A_756 = arith.addi %add3A_755, %mul3A_688 : i32
        %add3A_757 = arith.constant 80 : i32
        %add3A_758 = arith.addi %add3A_756, %add3A_757 : i32
        %get3A_759 = arith.index_cast %add3A_758 : i32 to index
        %get3A_760 = tpu.vector_load %arg4[%get3A_759] {strides = array<i32>} : memref<50688xf32, #tpu.memory_space<vmem>>, vector<16xf32>,
        %get3A_761 = vector.shape_cast %get3A_760 : vector<16xf32> to vector<16xf32>
        %add3A_762 = arith.constant 80 : i32
        %add3A_763 = arith.addi %mul3A_688, %add3A_762 : i32
        %swap3A_764 = arith.index_cast %add3A_763 : i32 to index
        %swap3A_765 = tpu.vector_load %arg5[%swap3A_764] {strides = array<i32>} : memref<50176xf32, #tpu.memory_space<vmem>>, vector<16xf32>,
        %swap3A_766 = vector.shape_cast %swap3A_765 : vector<16xf32> to vector<16xf32>
        %swap3A_767 = vector.shape_cast %get3A_761 : vector<16xf32> to vector<16xf32>
        tpu.vector_store %arg5[%swap3A_764], %swap3A_767 {strides = array<i32>} : memref<50176xf32, #tpu.memory_space<vmem>>, vector<16xf32>,
        %add3A_768 = arith.constant 255 : i32
        %add3A_769 = arith.addi %add3A_768, %mul3A_688 : i32
        %add3A_770 = arith.constant 96 : i32
        %add3A_771 = arith.addi %add3A_769, %add3A_770 : i32
        %get3A_772 = arith.index_cast %add3A_771 : i32 to index
        %get3A_773 = tpu.vector_load %arg4[%get3A_772] {strides = array<i32>} : memref<50688xf32, #tpu.memory_space<vmem>>, vector<16xf32>,
        %get3A_774 = vector.shape_cast %get3A_773 : vector<16xf32> to vector<16xf32>
        %add3A_775 = arith.constant 96 : i32
        %add3A_776 = arith.addi %mul3A_688, %add3A_775 : i32
        %swap3A_777 = arith.index_cast %add3A_776 : i32 to index
        %swap3A_778 = tpu.vector_load %arg5[%swap3A_777] {strides = array<i32>} : memref<50176xf32, #tpu.memory_space<vmem>>, vector<16xf32>,
        %swap3A_779 = vector.shape_cast %swap3A_778 : vector<16xf32> to vector<16xf32>
        %swap3A_780 = vector.shape_cast %get3A_774 : vector<16xf32> to vector<16xf32>
        tpu.vector_store %arg5[%swap3A_777], %swap3A_780 {strides = array<i32>} : memref<50176xf32, #tpu.memory_space<vmem>>, vector<16xf32>,
        %add3A_781 = arith.constant 255 : i32
        %add3A_782 = arith.addi %add3A_781, %mul3A_688 : i32
        %add3A_783 = arith.constant 112 : i32
        %add3A_784 = arith.addi %add3A_782, %add3A_783 : i32
        %get3A_785 = arith.index_cast %add3A_784 : i32 to index
        %get3A_786 = tpu.vector_load %arg4[%get3A_785] {strides = array<i32>} : memref<50688xf32, #tpu.memory_space<vmem>>, vector<16xf32>,
        %get3A_787 = vector.shape_cast %get3A_786 : vector<16xf32> to vector<16xf32>
        %add3A_788 = arith.constant 112 : i32
        %add3A_789 = arith.addi %mul3A_688, %add3A_788 : i32
        %swap3A_790 = arith.index_cast %add3A_789 : i32 to index
        %swap3A_791 = tpu.vector_load %arg5[%swap3A_790] {strides = array<i32>} : memref<50176xf32, #tpu.memory_space<vmem>>, vector<16xf32>,
        %swap3A_792 = vector.shape_cast %swap3A_791 : vector<16xf32> to vector<16xf32>
        %swap3A_793 = vector.shape_cast %get3A_787 : vector<16xf32> to vector<16xf32>
        tpu.vector_store %arg5[%swap3A_790], %swap3A_793 {strides = array<i32>} : memref<50176xf32, #tpu.memory_space<vmem>>, vector<16xf32>,
        %add3A_794 = arith.constant 255 : i32
        %add3A_795 = arith.addi %add3A_794, %mul3A_688 : i32
        %add3A_796 = arith.constant 128 : i32
        %add3A_797 = arith.addi %add3A_795, %add3A_796 : i32
        %get3A_798 = arith.index_cast %add3A_797 : i32 to index
        %get3A_799 = tpu.vector_load %arg4[%get3A_798] {strides = array<i32>} : memref<50688xf32, #tpu.memory_space<vmem>>, vector<16xf32>,
        %get3A_800 = vector.shape_cast %get3A_799 : vector<16xf32> to vector<16xf32>
        %add3A_801 = arith.constant 128 : i32
        %add3A_802 = arith.addi %mul3A_688, %add3A_801 : i32
        %swap3A_803 = arith.index_cast %add3A_802 : i32 to index
        %swap3A_804 = tpu.vector_load %arg5[%swap3A_803] {strides = array<i32>} : memref<50176xf32, #tpu.memory_space<vmem>>, vector<16xf32>,
        %swap3A_805 = vector.shape_cast %swap3A_804 : vector<16xf32> to vector<16xf32>
        %swap3A_806 = vector.shape_cast %get3A_800 : vector<16xf32> to vector<16xf32>
        tpu.vector_store %arg5[%swap3A_803], %swap3A_806 {strides = array<i32>} : memref<50176xf32, #tpu.memory_space<vmem>>, vector<16xf32>,
        %add3A_807 = arith.constant 255 : i32
        %add3A_808 = arith.addi %add3A_807, %mul3A_688 : i32
        %add3A_809 = arith.constant 144 : i32
        %add3A_810 = arith.addi %add3A_808, %add3A_809 : i32
        %get3A_811 = arith.index_cast %add3A_810 : i32 to index
        %get3A_812 = tpu.vector_load %arg4[%get3A_811] {strides = array<i32>} : memref<50688xf32, #tpu.memory_space<vmem>>, vector<16xf32>,
        %get3A_813 = vector.shape_cast %get3A_812 : vector<16xf32> to vector<16xf32>
        %add3A_814 = arith.constant 144 : i32
        %add3A_815 = arith.addi %mul3A_688, %add3A_814 : i32
        %swap3A_816 = arith.index_cast %add3A_815 : i32 to index
        %swap3A_817 = tpu.vector_load %arg5[%swap3A_816] {strides = array<i32>} : memref<50176xf32, #tpu.memory_space<vmem>>, vector<16xf32>,
        %swap3A_818 = vector.shape_cast %swap3A_817 : vector<16xf32> to vector<16xf32>
        %swap3A_819 = vector.shape_cast %get3A_813 : vector<16xf32> to vector<16xf32>
        tpu.vector_store %arg5[%swap3A_816], %swap3A_819 {strides = array<i32>} : memref<50176xf32, #tpu.memory_space<vmem>>, vector<16xf32>,
        %add3A_820 = arith.constant 255 : i32
        %add3A_821 = arith.addi %add3A_820, %mul3A_688 : i32
        %add3A_822 = arith.constant 160 : i32
        %add3A_823 = arith.addi %add3A_821, %add3A_822 : i32
        %get3A_824 = arith.index_cast %add3A_823 : i32 to index
        %get3A_825 = tpu.vector_load %arg4[%get3A_824] {strides = array<i32>} : memref<50688xf32, #tpu.memory_space<vmem>>, vector<16xf32>,
        %get3A_826 = vector.shape_cast %get3A_825 : vector<16xf32> to vector<16xf32>
        %add3A_827 = arith.constant 160 : i32
        %add3A_828 = arith.addi %mul3A_688, %add3A_827 : i32
        %swap3A_829 = arith.index_cast %add3A_828 : i32 to index
        %swap3A_830 = tpu.vector_load %arg5[%swap3A_829] {strides = array<i32>} : memref<50176xf32, #tpu.memory_space<vmem>>, vector<16xf32>,
        %swap3A_831 = vector.shape_cast %swap3A_830 : vector<16xf32> to vector<16xf32>
        %swap3A_832 = vector.shape_cast %get3A_826 : vector<16xf32> to vector<16xf32>
        tpu.vector_store %arg5[%swap3A_829], %swap3A_832 {strides = array<i32>} : memref<50176xf32, #tpu.memory_space<vmem>>, vector<16xf32>,
        %add3A_833 = arith.constant 255 : i32
        %add3A_834 = arith.addi %add3A_833, %mul3A_688 : i32
        %add3A_835 = arith.constant 176 : i32
        %add3A_836 = arith.addi %add3A_834, %add3A_835 : i32
        %get3A_837 = arith.index_cast %add3A_836 : i32 to index
        %get3A_838 = tpu.vector_load %arg4[%get3A_837] {strides = array<i32>} : memref<50688xf32, #tpu.memory_space<vmem>>, vector<16xf32>,
        %get3A_839 = vector.shape_cast %get3A_838 : vector<16xf32> to vector<16xf32>
        %add3A_840 = arith.constant 176 : i32
        %add3A_841 = arith.addi %mul3A_688, %add3A_840 : i32
        %swap3A_842 = arith.index_cast %add3A_841 : i32 to index
        %swap3A_843 = tpu.vector_load %arg5[%swap3A_842] {strides = array<i32>} : memref<50176xf32, #tpu.memory_space<vmem>>, vector<16xf32>,
        %swap3A_844 = vector.shape_cast %swap3A_843 : vector<16xf32> to vector<16xf32>
        %swap3A_845 = vector.shape_cast %get3A_839 : vector<16xf32> to vector<16xf32>
        tpu.vector_store %arg5[%swap3A_842], %swap3A_845 {strides = array<i32>} : memref<50176xf32, #tpu.memory_space<vmem>>, vector<16xf32>,
        %add3A_846 = arith.constant 255 : i32
        %add3A_847 = arith.addi %add3A_846, %mul3A_688 : i32
        %add3A_848 = arith.constant 192 : i32
        %add3A_849 = arith.addi %add3A_847, %add3A_848 : i32
        %get3A_850 = arith.index_cast %add3A_849 : i32 to index
        %get3A_851 = tpu.vector_load %arg4[%get3A_850] {strides = array<i32>} : memref<50688xf32, #tpu.memory_space<vmem>>, vector<16xf32>,
        %get3A_852 = vector.shape_cast %get3A_851 : vector<16xf32> to vector<16xf32>
        %add3A_853 = arith.constant 192 : i32
        %add3A_854 = arith.addi %mul3A_688, %add3A_853 : i32
        %swap3A_855 = arith.index_cast %add3A_854 : i32 to index
        %swap3A_856 = tpu.vector_load %arg5[%swap3A_855] {strides = array<i32>} : memref<50176xf32, #tpu.memory_space<vmem>>, vector<16xf32>,
        %swap3A_857 = vector.shape_cast %swap3A_856 : vector<16xf32> to vector<16xf32>
        %swap3A_858 = vector.shape_cast %get3A_852 : vector<16xf32> to vector<16xf32>
        tpu.vector_store %arg5[%swap3A_855], %swap3A_858 {strides = array<i32>} : memref<50176xf32, #tpu.memory_space<vmem>>, vector<16xf32>,
        %add3A_859 = arith.constant 255 : i32
        %add3A_860 = arith.addi %add3A_859, %mul3A_688 : i32
        %add3A_861 = arith.constant 208 : i32
        %add3A_862 = arith.addi %add3A_860, %add3A_861 : i32
        %get3A_863 = arith.index_cast %add3A_862 : i32 to index
        %get3A_864 = tpu.vector_load %arg4[%get3A_863] {strides = array<i32>} : memref<50688xf32, #tpu.memory_space<vmem>>, vector<16xf32>,
        %get3A_865 = vector.shape_cast %get3A_864 : vector<16xf32> to vector<16xf32>
        %add3A_866 = arith.constant 208 : i32
        %add3A_867 = arith.addi %mul3A_688, %add3A_866 : i32
        %swap3A_868 = arith.index_cast %add3A_867 : i32 to index
        %swap3A_869 = tpu.vector_load %arg5[%swap3A_868] {strides = array<i32>} : memref<50176xf32, #tpu.memory_space<vmem>>, vector<16xf32>,
        %swap3A_870 = vector.shape_cast %swap3A_869 : vector<16xf32> to vector<16xf32>
        %swap3A_871 = vector.shape_cast %get3A_865 : vector<16xf32> to vector<16xf32>
        tpu.vector_store %arg5[%swap3A_868], %swap3A_871 {strides = array<i32>} : memref<50176xf32, #tpu.memory_space<vmem>>, vector<16xf32>,
      }
      %scan3A_674 = arith.constant 224 : i32
      %scan3A_675 = arith.constant 0 : i32
      %scan3A_676 = arith.constant 0 : i32
      %scan3A_677 = arith.constant 14 : i32
      %scan3A_678 = arith.addi %scan3A_676, %scan3A_677 : i32
      %scan3A_679 = arith.constant 1 : i32
      scf.for %scan3A_686 = %scan3A_676 to %scan3A_678 step %scan3A_679  : i32 {
        %mul3A_687 = arith.constant 16 : i32
        %mul3A_688 = arith.muli %scan3A_686, %mul3A_687 : i32
        %add3A_689 = arith.constant 49952 : i32
        %add3A_690 = arith.addi %add3A_689, %mul3A_688 : i32
        %swap3A = arith.index_cast %add3A_690 : i32 to index
        %swap3A_691 = tpu.vector_load %arg5[%swap3A] {strides = array<i32>} : memref<50176xf32, #tpu.memory_space<vmem>>, vector<16xf32>,
        %swap3A_692 = vector.shape_cast %swap3A_691 : vector<16xf32> to vector<16xf32>
        %swap3A_693 = vector.shape_cast %broadcast_in_dim3A_1 : vector<16xf32> to vector<16xf32>
        tpu.vector_store %arg5[%swap3A], %swap3A_693 {strides = array<i32>} : memref<50176xf32, #tpu.memory_space<vmem>>, vector<16xf32>,
      }
      %scan3A_680 = arith.constant 14 : i32
      %dma_start3A = arith.constant 0 : i32
      %dma_start3A_681 = tpu.memref_slice %arg3[%add3A_661, %dma_start3A] : memref<768x50176xf32, #tpu.memory_space<hbm>> -> memref<1x50176xf32, #tpu.memory_space<hbm>>
      %dma_start3A_682 = tpu.memref_squeeze %dma_start3A_681 : memref<1x50176xf32, #tpu.memory_space<hbm>> -> memref<50176xf32, #tpu.memory_space<hbm>>
      %dma_start3A_683 = arith.constant 0 : i32
      %dma_start3A_684 = tpu.memref_slice %arg3[%add3A_661, %dma_start3A_683] : memref<768x50176xf32, #tpu.memory_space<hbm>> -> memref<1x50176xf32, #tpu.memory_space<hbm>>
      %dma_start3A_685 = tpu.memref_squeeze %dma_start3A_684 : memref<1x50176xf32, #tpu.memory_space<hbm>> -> memref<50176xf32, #tpu.memory_space<hbm>>
      tpu.enqueue_dma source(%arg5 : memref<50176xf32, #tpu.memory_space<vmem>>) target(%dma_start3A_685 : memref<50176xf32, #tpu.memory_space<hbm>>) target_semaphore(%arg6 : memref<!tpu.dma_semaphore, #tpu.memory_space<semaphore_mem>>)
    }
    %mul3A_497 = arith.constant 84 : i32
    %mul3A_498 = arith.muli %add3A, %mul3A_497 : i32
    %jit3A_499 = arith.constant 32 : i32
    %div3A_500 = arith.divsi %mul3A_498, %jit3A_499 : i32
    %sign3A_501 = arith.constant 0 : i32
    %sign3A_502 = arith.cmpi sgt, %mul3A_498, %sign3A_501 : i32
    %sign3A_503 = arith.extui %sign3A_502 : i1 to i32
    %sign3A_504 = arith.constant 0 : i32
    %sign3A_505 = arith.cmpi slt, %mul3A_498, %sign3A_504 : i32
    %sign3A_506 = arith.extui %sign3A_505 : i1 to i32
    %sign3A_507 = arith.subi %sign3A_503, %sign3A_506 : i32
    %sign3A_508 = arith.constant 0 : i32
    %sign3A_509 = arith.cmpi sgt, %jit3A_499, %sign3A_508 : i32
    %sign3A_510 = arith.extui %sign3A_509 : i1 to i32
    %sign3A_511 = arith.constant 0 : i32
    %sign3A_512 = arith.cmpi slt, %jit3A_499, %sign3A_511 : i32
    %sign3A_513 = arith.extui %sign3A_512 : i1 to i32
    %sign3A_514 = arith.subi %sign3A_510, %sign3A_513 : i32
    %ne3A_515 = arith.cmpi ne, %sign3A_507, %sign3A_514 : i32
    %rem3A_516 = arith.remsi %mul3A_498, %jit3A_499 : i32
    %ne3A_517 = arith.constant 0 : i32
    %ne3A_518 = arith.cmpi ne, %rem3A_516, %ne3A_517 : i32
    %and3A_519 = arith.andi %ne3A_515, %ne3A_518 : i1
    %sub3A_520 = arith.constant 1 : i32
    %sub3A_521 = arith.subi %div3A_500, %sub3A_520 : i32
    %select_n3A_522 = arith.select %and3A_519, %sub3A_521, %div3A_500 : i32
    %add3A_523 = arith.constant 1 : i32
    %add3A_524 = arith.addi %add3A, %add3A_523 : i32
    %mul3A_525 = arith.constant 84 : i32
    %mul3A_526 = arith.muli %add3A_524, %mul3A_525 : i32
    %jit3A_527 = arith.constant 32 : i32
    %div3A_528 = arith.divsi %mul3A_526, %jit3A_527 : i32
    %sign3A_529 = arith.constant 0 : i32
    %sign3A_530 = arith.cmpi sgt, %mul3A_526, %sign3A_529 : i32
    %sign3A_531 = arith.extui %sign3A_530 : i1 to i32
    %sign3A_532 = arith.constant 0 : i32
    %sign3A_533 = arith.cmpi slt, %mul3A_526, %sign3A_532 : i32
    %sign3A_534 = arith.extui %sign3A_533 : i1 to i32
    %sign3A_535 = arith.subi %sign3A_531, %sign3A_534 : i32
    %sign3A_536 = arith.constant 0 : i32
    %sign3A_537 = arith.cmpi sgt, %jit3A_527, %sign3A_536 : i32
    %sign3A_538 = arith.extui %sign3A_537 : i1 to i32
    %sign3A_539 = arith.constant 0 : i32
    %sign3A_540 = arith.cmpi slt, %jit3A_527, %sign3A_539 : i32
    %sign3A_541 = arith.extui %sign3A_540 : i1 to i32
    %sign3A_542 = arith.subi %sign3A_538, %sign3A_541 : i32
    %ne3A_543 = arith.cmpi ne, %sign3A_535, %sign3A_542 : i32
    %rem3A_544 = arith.remsi %mul3A_526, %jit3A_527 : i32
    %ne3A_545 = arith.constant 0 : i32
    %ne3A_546 = arith.cmpi ne, %rem3A_544, %ne3A_545 : i32
    %and3A_547 = arith.andi %ne3A_543, %ne3A_546 : i1
    %sub3A_548 = arith.constant 1 : i32
    %sub3A_549 = arith.subi %div3A_528, %sub3A_548 : i32
    %select_n3A_550 = arith.select %and3A_547, %sub3A_549, %div3A_528 : i32
    %while3A_551 = arith.constant 0 : i32
    %while3A_552 = arith.subi %select_n3A_550, %select_n3A_522 : i32
    %while3A_553 = arith.addi %select_n3A_522, %while3A_552 : i32
    %while3A_554 = arith.constant 1 : i32
    %while3A_555 = arith.divsi %while3A_552, %while3A_554 : i32
    %while3A_556 = arith.muli %while3A_555, %while3A_554 : i32
    %while3A_557 = arith.addi %select_n3A_522, %while3A_556 : i32
    %while3A_558 = arith.constant 1 : i32
    scf.for %while3A_629 = %select_n3A_522 to %while3A_557 step %while3A_558  : i32 {
      %jit3A_630 = arith.constant 42 : i32
      %div3A_631 = arith.divsi %while3A_629, %jit3A_630 : i32
      %sign3A_632 = arith.constant 0 : i32
      %sign3A_633 = arith.cmpi sgt, %while3A_629, %sign3A_632 : i32
      %sign3A_634 = arith.extui %sign3A_633 : i1 to i32
      %sign3A_635 = arith.constant 0 : i32
      %sign3A_636 = arith.cmpi slt, %while3A_629, %sign3A_635 : i32
      %sign3A_637 = arith.extui %sign3A_636 : i1 to i32
      %sign3A_638 = arith.subi %sign3A_634, %sign3A_637 : i32
      %sign3A_639 = arith.constant 0 : i32
      %sign3A_640 = arith.cmpi sgt, %jit3A_630, %sign3A_639 : i32
      %sign3A_641 = arith.extui %sign3A_640 : i1 to i32
      %sign3A_642 = arith.constant 0 : i32
      %sign3A_643 = arith.cmpi slt, %jit3A_630, %sign3A_642 : i32
      %sign3A_644 = arith.extui %sign3A_643 : i1 to i32
      %sign3A_645 = arith.subi %sign3A_641, %sign3A_644 : i32
      %ne3A_646 = arith.cmpi ne, %sign3A_638, %sign3A_645 : i32
      %rem3A_647 = arith.remsi %while3A_629, %jit3A_630 : i32
      %ne3A_648 = arith.constant 0 : i32
      %ne3A_649 = arith.cmpi ne, %rem3A_647, %ne3A_648 : i32
      %and3A_650 = arith.andi %ne3A_646, %ne3A_649 : i1
      %sub3A_651 = arith.constant 1 : i32
      %sub3A_652 = arith.subi %div3A_631, %sub3A_651 : i32
      %select_n3A_653 = arith.select %and3A_650, %sub3A_652, %div3A_631 : i32
      %mul3A_654 = arith.constant 42 : i32
      %mul3A_655 = arith.muli %select_n3A_653, %mul3A_654 : i32
      %sub3A_656 = arith.subi %while3A_629, %mul3A_655 : i32
      %add3A_657 = arith.constant 294 : i32
      %add3A_658 = arith.addi %add3A_657, %sub3A_656 : i32
      %mul3A_659 = arith.constant 384 : i32
      %mul3A_660 = arith.muli %select_n3A_653, %mul3A_659 : i32
      %add3A_661 = arith.addi %mul3A_660, %add3A_658 : i32
      "tpu.region"() ({
        %run_scoped3A = tpu.sem_alloc : memref<!tpu.dma_semaphore, #tpu.memory_space<semaphore_mem>>
        %dma_start3A_686 = arith.constant 480 : i32
        %dma_start3A_687 = tpu.memref_slice %arg4[%dma_start3A_686] : memref<50688xf32, #tpu.memory_space<vmem>> -> memref<50176xf32, #tpu.memory_space<vmem>>
        %dma_start3A_688 = arith.constant 0 : i32
        %dma_start3A_689 = tpu.memref_slice %arg2[%add3A_661, %dma_start3A_688] : memref<768x50176xf32, #tpu.memory_space<hbm>> -> memref<1x50176xf32, #tpu.memory_space<hbm>>
        %dma_start3A_690 = tpu.memref_squeeze %dma_start3A_689 : memref<1x50176xf32, #tpu.memory_space<hbm>> -> memref<50176xf32, #tpu.memory_space<hbm>>
        %dma_start3A_691 = arith.constant 480 : i32
        %dma_start3A_692 = tpu.memref_slice %arg4[%dma_start3A_691] : memref<50688xf32, #tpu.memory_space<vmem>> -> memref<50176xf32, #tpu.memory_space<vmem>>
        %dma_start3A_693 = arith.constant 0 : i32
        %dma_start3A_694 = tpu.memref_slice %arg2[%add3A_661, %dma_start3A_693] : memref<768x50176xf32, #tpu.memory_space<hbm>> -> memref<1x50176xf32, #tpu.memory_space<hbm>>
        %dma_start3A_695 = tpu.memref_squeeze %dma_start3A_694 : memref<1x50176xf32, #tpu.memory_space<hbm>> -> memref<50176xf32, #tpu.memory_space<hbm>>
        tpu.enqueue_dma source(%dma_start3A_695 : memref<50176xf32, #tpu.memory_space<hbm>>) target(%dma_start3A_692 : memref<50176xf32, #tpu.memory_space<vmem>>) target_semaphore(%run_scoped3A : memref<!tpu.dma_semaphore, #tpu.memory_space<semaphore_mem>>)
        %dma_wait3A_696 = arith.constant 480 : i32
        %dma_wait3A_697 = tpu.memref_slice %arg4[%dma_wait3A_696] : memref<50688xf32, #tpu.memory_space<vmem>> -> memref<50176xf32, #tpu.memory_space<vmem>>
        %dma_wait3A_698 = arith.constant 0 : i32
        %dma_wait3A_699 = tpu.memref_slice %arg2[%add3A_661, %dma_wait3A_698] : memref<768x50176xf32, #tpu.memory_space<hbm>> -> memref<1x50176xf32, #tpu.memory_space<hbm>>
        %dma_wait3A_700 = tpu.memref_squeeze %dma_wait3A_699 : memref<1x50176xf32, #tpu.memory_space<hbm>> -> memref<50176xf32, #tpu.memory_space<hbm>>
        %dma_wait3A_701 = arith.constant 480 : i32
        %dma_wait3A_702 = tpu.memref_slice %arg4[%dma_wait3A_701] : memref<50688xf32, #tpu.memory_space<vmem>> -> memref<50176xf32, #tpu.memory_space<vmem>>
        %dma_wait3A_703 = arith.constant 0 : i32
        %dma_wait3A_704 = tpu.memref_slice %arg2[%add3A_661, %dma_wait3A_703] : memref<768x50176xf32, #tpu.memory_space<hbm>> -> memref<1x50176xf32, #tpu.memory_space<hbm>>
        %dma_wait3A_705 = tpu.memref_squeeze %dma_wait3A_704 : memref<1x50176xf32, #tpu.memory_space<hbm>> -> memref<50176xf32, #tpu.memory_space<hbm>>
        tpu.wait_dma2 semaphore(%run_scoped3A : memref<!tpu.dma_semaphore, #tpu.memory_space<semaphore_mem>>) src(%dma_wait3A_705 : memref<50176xf32, #tpu.memory_space<hbm>>) dst(%dma_wait3A_702 : memref<50176xf32, #tpu.memory_space<vmem>>)
        tpu.yield
      }) : () -> ()
      %dma_wait3A_662 = arith.constant 0 : i32
      %dma_wait3A_663 = tpu.memref_slice %arg3[%add3A_661, %dma_wait3A_662] : memref<768x50176xf32, #tpu.memory_space<hbm>> -> memref<1x50176xf32, #tpu.memory_space<hbm>>
      %dma_wait3A_664 = tpu.memref_squeeze %dma_wait3A_663 : memref<1x50176xf32, #tpu.memory_space<hbm>> -> memref<50176xf32, #tpu.memory_space<hbm>>
      %dma_wait3A_665 = arith.constant 0 : i32
      %dma_wait3A_666 = tpu.memref_slice %arg3[%add3A_661, %dma_wait3A_665] : memref<768x50176xf32, #tpu.memory_space<hbm>> -> memref<1x50176xf32, #tpu.memory_space<hbm>>
      %dma_wait3A_667 = tpu.memref_squeeze %dma_wait3A_666 : memref<1x50176xf32, #tpu.memory_space<hbm>> -> memref<50176xf32, #tpu.memory_space<hbm>>
      tpu.wait_dma2 semaphore(%arg6 : memref<!tpu.dma_semaphore, #tpu.memory_space<semaphore_mem>>) src(%arg5 : memref<50176xf32, #tpu.memory_space<vmem>>) dst(%dma_wait3A_667 : memref<50176xf32, #tpu.memory_space<hbm>>)
      %eq3A = arith.constant 15 : i32
      %eq3A_668 = vector.broadcast %eq3A : i32 to vector<16xi32>
      %eq3A_669 = arith.cmpi eq, %iota3A, %eq3A_668 : vector<16xi32>
      %scan3A = arith.constant 0 : i32
      %scan3A_670 = arith.constant 0 : i32
      %scan3A_671 = arith.constant 224 : i32
      %scan3A_672 = arith.addi %scan3A_670, %scan3A_671 : i32
      %scan3A_673 = arith.constant 1 : i32
      scf.for %scan3A_686 = %scan3A_670 to %scan3A_672 step %scan3A_673  : i32 {
        %mul3A_687 = arith.constant 224 : i32
        %mul3A_688 = arith.muli %scan3A_686, %mul3A_687 : i32
        %add3A_689 = arith.constant 257 : i32
        %add3A_690 = arith.addi %add3A_689, %mul3A_688 : i32
        %add3A_691 = arith.constant 0 : i32
        %add3A_692 = arith.addi %add3A_690, %add3A_691 : i32
        %get3A = arith.index_cast %add3A_692 : i32 to index
        %get3A_693 = tpu.vector_load %arg4[%get3A] {strides = array<i32>} : memref<50688xf32, #tpu.memory_space<vmem>>, vector<16xf32>,
        %get3A_694 = vector.shape_cast %get3A_693 : vector<16xf32> to vector<16xf32>
        %add3A_695 = arith.constant 0 : i32
        %add3A_696 = arith.addi %mul3A_688, %add3A_695 : i32
        %swap3A = arith.index_cast %add3A_696 : i32 to index
        %swap3A_697 = tpu.vector_load %arg5[%swap3A] {strides = array<i32>} : memref<50176xf32, #tpu.memory_space<vmem>>, vector<16xf32>,
        %swap3A_698 = vector.shape_cast %swap3A_697 : vector<16xf32> to vector<16xf32>
        %swap3A_699 = vector.shape_cast %get3A_694 : vector<16xf32> to vector<16xf32>
        tpu.vector_store %arg5[%swap3A], %swap3A_699 {strides = array<i32>} : memref<50176xf32, #tpu.memory_space<vmem>>, vector<16xf32>,
        %add3A_700 = arith.constant 257 : i32
        %add3A_701 = arith.addi %add3A_700, %mul3A_688 : i32
        %add3A_702 = arith.constant 16 : i32
        %add3A_703 = arith.addi %add3A_701, %add3A_702 : i32
        %get3A_704 = arith.index_cast %add3A_703 : i32 to index
        %get3A_705 = tpu.vector_load %arg4[%get3A_704] {strides = array<i32>} : memref<50688xf32, #tpu.memory_space<vmem>>, vector<16xf32>,
        %get3A_706 = vector.shape_cast %get3A_705 : vector<16xf32> to vector<16xf32>
        %add3A_707 = arith.constant 16 : i32
        %add3A_708 = arith.addi %mul3A_688, %add3A_707 : i32
        %swap3A_709 = arith.index_cast %add3A_708 : i32 to index
        %swap3A_710 = tpu.vector_load %arg5[%swap3A_709] {strides = array<i32>} : memref<50176xf32, #tpu.memory_space<vmem>>, vector<16xf32>,
        %swap3A_711 = vector.shape_cast %swap3A_710 : vector<16xf32> to vector<16xf32>
        %swap3A_712 = vector.shape_cast %get3A_706 : vector<16xf32> to vector<16xf32>
        tpu.vector_store %arg5[%swap3A_709], %swap3A_712 {strides = array<i32>} : memref<50176xf32, #tpu.memory_space<vmem>>, vector<16xf32>,
        %add3A_713 = arith.constant 257 : i32
        %add3A_714 = arith.addi %add3A_713, %mul3A_688 : i32
        %add3A_715 = arith.constant 32 : i32
        %add3A_716 = arith.addi %add3A_714, %add3A_715 : i32
        %get3A_717 = arith.index_cast %add3A_716 : i32 to index
        %get3A_718 = tpu.vector_load %arg4[%get3A_717] {strides = array<i32>} : memref<50688xf32, #tpu.memory_space<vmem>>, vector<16xf32>,
        %get3A_719 = vector.shape_cast %get3A_718 : vector<16xf32> to vector<16xf32>
        %add3A_720 = arith.constant 32 : i32
        %add3A_721 = arith.addi %mul3A_688, %add3A_720 : i32
        %swap3A_722 = arith.index_cast %add3A_721 : i32 to index
        %swap3A_723 = tpu.vector_load %arg5[%swap3A_722] {strides = array<i32>} : memref<50176xf32, #tpu.memory_space<vmem>>, vector<16xf32>,
        %swap3A_724 = vector.shape_cast %swap3A_723 : vector<16xf32> to vector<16xf32>
        %swap3A_725 = vector.shape_cast %get3A_719 : vector<16xf32> to vector<16xf32>
        tpu.vector_store %arg5[%swap3A_722], %swap3A_725 {strides = array<i32>} : memref<50176xf32, #tpu.memory_space<vmem>>, vector<16xf32>,
        %add3A_726 = arith.constant 257 : i32
        %add3A_727 = arith.addi %add3A_726, %mul3A_688 : i32
        %add3A_728 = arith.constant 48 : i32
        %add3A_729 = arith.addi %add3A_727, %add3A_728 : i32
        %get3A_730 = arith.index_cast %add3A_729 : i32 to index
        %get3A_731 = tpu.vector_load %arg4[%get3A_730] {strides = array<i32>} : memref<50688xf32, #tpu.memory_space<vmem>>, vector<16xf32>,
        %get3A_732 = vector.shape_cast %get3A_731 : vector<16xf32> to vector<16xf32>
        %add3A_733 = arith.constant 48 : i32
        %add3A_734 = arith.addi %mul3A_688, %add3A_733 : i32
        %swap3A_735 = arith.index_cast %add3A_734 : i32 to index
        %swap3A_736 = tpu.vector_load %arg5[%swap3A_735] {strides = array<i32>} : memref<50176xf32, #tpu.memory_space<vmem>>, vector<16xf32>,
        %swap3A_737 = vector.shape_cast %swap3A_736 : vector<16xf32> to vector<16xf32>
        %swap3A_738 = vector.shape_cast %get3A_732 : vector<16xf32> to vector<16xf32>
        tpu.vector_store %arg5[%swap3A_735], %swap3A_738 {strides = array<i32>} : memref<50176xf32, #tpu.memory_space<vmem>>, vector<16xf32>,
        %add3A_739 = arith.constant 257 : i32
        %add3A_740 = arith.addi %add3A_739, %mul3A_688 : i32
        %add3A_741 = arith.constant 64 : i32
        %add3A_742 = arith.addi %add3A_740, %add3A_741 : i32
        %get3A_743 = arith.index_cast %add3A_742 : i32 to index
        %get3A_744 = tpu.vector_load %arg4[%get3A_743] {strides = array<i32>} : memref<50688xf32, #tpu.memory_space<vmem>>, vector<16xf32>,
        %get3A_745 = vector.shape_cast %get3A_744 : vector<16xf32> to vector<16xf32>
        %add3A_746 = arith.constant 64 : i32
        %add3A_747 = arith.addi %mul3A_688, %add3A_746 : i32
        %swap3A_748 = arith.index_cast %add3A_747 : i32 to index
        %swap3A_749 = tpu.vector_load %arg5[%swap3A_748] {strides = array<i32>} : memref<50176xf32, #tpu.memory_space<vmem>>, vector<16xf32>,
        %swap3A_750 = vector.shape_cast %swap3A_749 : vector<16xf32> to vector<16xf32>
        %swap3A_751 = vector.shape_cast %get3A_745 : vector<16xf32> to vector<16xf32>
        tpu.vector_store %arg5[%swap3A_748], %swap3A_751 {strides = array<i32>} : memref<50176xf32, #tpu.memory_space<vmem>>, vector<16xf32>,
        %add3A_752 = arith.constant 257 : i32
        %add3A_753 = arith.addi %add3A_752, %mul3A_688 : i32
        %add3A_754 = arith.constant 80 : i32
        %add3A_755 = arith.addi %add3A_753, %add3A_754 : i32
        %get3A_756 = arith.index_cast %add3A_755 : i32 to index
        %get3A_757 = tpu.vector_load %arg4[%get3A_756] {strides = array<i32>} : memref<50688xf32, #tpu.memory_space<vmem>>, vector<16xf32>,
        %get3A_758 = vector.shape_cast %get3A_757 : vector<16xf32> to vector<16xf32>
        %add3A_759 = arith.constant 80 : i32
        %add3A_760 = arith.addi %mul3A_688, %add3A_759 : i32
        %swap3A_761 = arith.index_cast %add3A_760 : i32 to index
        %swap3A_762 = tpu.vector_load %arg5[%swap3A_761] {strides = array<i32>} : memref<50176xf32, #tpu.memory_space<vmem>>, vector<16xf32>,
        %swap3A_763 = vector.shape_cast %swap3A_762 : vector<16xf32> to vector<16xf32>
        %swap3A_764 = vector.shape_cast %get3A_758 : vector<16xf32> to vector<16xf32>
        tpu.vector_store %arg5[%swap3A_761], %swap3A_764 {strides = array<i32>} : memref<50176xf32, #tpu.memory_space<vmem>>, vector<16xf32>,
        %add3A_765 = arith.constant 257 : i32
        %add3A_766 = arith.addi %add3A_765, %mul3A_688 : i32
        %add3A_767 = arith.constant 96 : i32
        %add3A_768 = arith.addi %add3A_766, %add3A_767 : i32
        %get3A_769 = arith.index_cast %add3A_768 : i32 to index
        %get3A_770 = tpu.vector_load %arg4[%get3A_769] {strides = array<i32>} : memref<50688xf32, #tpu.memory_space<vmem>>, vector<16xf32>,
        %get3A_771 = vector.shape_cast %get3A_770 : vector<16xf32> to vector<16xf32>
        %add3A_772 = arith.constant 96 : i32
        %add3A_773 = arith.addi %mul3A_688, %add3A_772 : i32
        %swap3A_774 = arith.index_cast %add3A_773 : i32 to index
        %swap3A_775 = tpu.vector_load %arg5[%swap3A_774] {strides = array<i32>} : memref<50176xf32, #tpu.memory_space<vmem>>, vector<16xf32>,
        %swap3A_776 = vector.shape_cast %swap3A_775 : vector<16xf32> to vector<16xf32>
        %swap3A_777 = vector.shape_cast %get3A_771 : vector<16xf32> to vector<16xf32>
        tpu.vector_store %arg5[%swap3A_774], %swap3A_777 {strides = array<i32>} : memref<50176xf32, #tpu.memory_space<vmem>>, vector<16xf32>,
        %add3A_778 = arith.constant 257 : i32
        %add3A_779 = arith.addi %add3A_778, %mul3A_688 : i32
        %add3A_780 = arith.constant 112 : i32
        %add3A_781 = arith.addi %add3A_779, %add3A_780 : i32
        %get3A_782 = arith.index_cast %add3A_781 : i32 to index
        %get3A_783 = tpu.vector_load %arg4[%get3A_782] {strides = array<i32>} : memref<50688xf32, #tpu.memory_space<vmem>>, vector<16xf32>,
        %get3A_784 = vector.shape_cast %get3A_783 : vector<16xf32> to vector<16xf32>
        %add3A_785 = arith.constant 112 : i32
        %add3A_786 = arith.addi %mul3A_688, %add3A_785 : i32
        %swap3A_787 = arith.index_cast %add3A_786 : i32 to index
        %swap3A_788 = tpu.vector_load %arg5[%swap3A_787] {strides = array<i32>} : memref<50176xf32, #tpu.memory_space<vmem>>, vector<16xf32>,
        %swap3A_789 = vector.shape_cast %swap3A_788 : vector<16xf32> to vector<16xf32>
        %swap3A_790 = vector.shape_cast %get3A_784 : vector<16xf32> to vector<16xf32>
        tpu.vector_store %arg5[%swap3A_787], %swap3A_790 {strides = array<i32>} : memref<50176xf32, #tpu.memory_space<vmem>>, vector<16xf32>,
        %add3A_791 = arith.constant 257 : i32
        %add3A_792 = arith.addi %add3A_791, %mul3A_688 : i32
        %add3A_793 = arith.constant 128 : i32
        %add3A_794 = arith.addi %add3A_792, %add3A_793 : i32
        %get3A_795 = arith.index_cast %add3A_794 : i32 to index
        %get3A_796 = tpu.vector_load %arg4[%get3A_795] {strides = array<i32>} : memref<50688xf32, #tpu.memory_space<vmem>>, vector<16xf32>,
        %get3A_797 = vector.shape_cast %get3A_796 : vector<16xf32> to vector<16xf32>
        %add3A_798 = arith.constant 128 : i32
        %add3A_799 = arith.addi %mul3A_688, %add3A_798 : i32
        %swap3A_800 = arith.index_cast %add3A_799 : i32 to index
        %swap3A_801 = tpu.vector_load %arg5[%swap3A_800] {strides = array<i32>} : memref<50176xf32, #tpu.memory_space<vmem>>, vector<16xf32>,
        %swap3A_802 = vector.shape_cast %swap3A_801 : vector<16xf32> to vector<16xf32>
        %swap3A_803 = vector.shape_cast %get3A_797 : vector<16xf32> to vector<16xf32>
        tpu.vector_store %arg5[%swap3A_800], %swap3A_803 {strides = array<i32>} : memref<50176xf32, #tpu.memory_space<vmem>>, vector<16xf32>,
        %add3A_804 = arith.constant 257 : i32
        %add3A_805 = arith.addi %add3A_804, %mul3A_688 : i32
        %add3A_806 = arith.constant 144 : i32
        %add3A_807 = arith.addi %add3A_805, %add3A_806 : i32
        %get3A_808 = arith.index_cast %add3A_807 : i32 to index
        %get3A_809 = tpu.vector_load %arg4[%get3A_808] {strides = array<i32>} : memref<50688xf32, #tpu.memory_space<vmem>>, vector<16xf32>,
        %get3A_810 = vector.shape_cast %get3A_809 : vector<16xf32> to vector<16xf32>
        %add3A_811 = arith.constant 144 : i32
        %add3A_812 = arith.addi %mul3A_688, %add3A_811 : i32
        %swap3A_813 = arith.index_cast %add3A_812 : i32 to index
        %swap3A_814 = tpu.vector_load %arg5[%swap3A_813] {strides = array<i32>} : memref<50176xf32, #tpu.memory_space<vmem>>, vector<16xf32>,
        %swap3A_815 = vector.shape_cast %swap3A_814 : vector<16xf32> to vector<16xf32>
        %swap3A_816 = vector.shape_cast %get3A_810 : vector<16xf32> to vector<16xf32>
        tpu.vector_store %arg5[%swap3A_813], %swap3A_816 {strides = array<i32>} : memref<50176xf32, #tpu.memory_space<vmem>>, vector<16xf32>,
        %add3A_817 = arith.constant 257 : i32
        %add3A_818 = arith.addi %add3A_817, %mul3A_688 : i32
        %add3A_819 = arith.constant 160 : i32
        %add3A_820 = arith.addi %add3A_818, %add3A_819 : i32
        %get3A_821 = arith.index_cast %add3A_820 : i32 to index
        %get3A_822 = tpu.vector_load %arg4[%get3A_821] {strides = array<i32>} : memref<50688xf32, #tpu.memory_space<vmem>>, vector<16xf32>,
        %get3A_823 = vector.shape_cast %get3A_822 : vector<16xf32> to vector<16xf32>
        %add3A_824 = arith.constant 160 : i32
        %add3A_825 = arith.addi %mul3A_688, %add3A_824 : i32
        %swap3A_826 = arith.index_cast %add3A_825 : i32 to index
        %swap3A_827 = tpu.vector_load %arg5[%swap3A_826] {strides = array<i32>} : memref<50176xf32, #tpu.memory_space<vmem>>, vector<16xf32>,
        %swap3A_828 = vector.shape_cast %swap3A_827 : vector<16xf32> to vector<16xf32>
        %swap3A_829 = vector.shape_cast %get3A_823 : vector<16xf32> to vector<16xf32>
        tpu.vector_store %arg5[%swap3A_826], %swap3A_829 {strides = array<i32>} : memref<50176xf32, #tpu.memory_space<vmem>>, vector<16xf32>,
        %add3A_830 = arith.constant 257 : i32
        %add3A_831 = arith.addi %add3A_830, %mul3A_688 : i32
        %add3A_832 = arith.constant 176 : i32
        %add3A_833 = arith.addi %add3A_831, %add3A_832 : i32
        %get3A_834 = arith.index_cast %add3A_833 : i32 to index
        %get3A_835 = tpu.vector_load %arg4[%get3A_834] {strides = array<i32>} : memref<50688xf32, #tpu.memory_space<vmem>>, vector<16xf32>,
        %get3A_836 = vector.shape_cast %get3A_835 : vector<16xf32> to vector<16xf32>
        %add3A_837 = arith.constant 176 : i32
        %add3A_838 = arith.addi %mul3A_688, %add3A_837 : i32
        %swap3A_839 = arith.index_cast %add3A_838 : i32 to index
        %swap3A_840 = tpu.vector_load %arg5[%swap3A_839] {strides = array<i32>} : memref<50176xf32, #tpu.memory_space<vmem>>, vector<16xf32>,
        %swap3A_841 = vector.shape_cast %swap3A_840 : vector<16xf32> to vector<16xf32>
        %swap3A_842 = vector.shape_cast %get3A_836 : vector<16xf32> to vector<16xf32>
        tpu.vector_store %arg5[%swap3A_839], %swap3A_842 {strides = array<i32>} : memref<50176xf32, #tpu.memory_space<vmem>>, vector<16xf32>,
        %add3A_843 = arith.constant 257 : i32
        %add3A_844 = arith.addi %add3A_843, %mul3A_688 : i32
        %add3A_845 = arith.constant 192 : i32
        %add3A_846 = arith.addi %add3A_844, %add3A_845 : i32
        %get3A_847 = arith.index_cast %add3A_846 : i32 to index
        %get3A_848 = tpu.vector_load %arg4[%get3A_847] {strides = array<i32>} : memref<50688xf32, #tpu.memory_space<vmem>>, vector<16xf32>,
        %get3A_849 = vector.shape_cast %get3A_848 : vector<16xf32> to vector<16xf32>
        %add3A_850 = arith.constant 192 : i32
        %add3A_851 = arith.addi %mul3A_688, %add3A_850 : i32
        %swap3A_852 = arith.index_cast %add3A_851 : i32 to index
        %swap3A_853 = tpu.vector_load %arg5[%swap3A_852] {strides = array<i32>} : memref<50176xf32, #tpu.memory_space<vmem>>, vector<16xf32>,
        %swap3A_854 = vector.shape_cast %swap3A_853 : vector<16xf32> to vector<16xf32>
        %swap3A_855 = vector.shape_cast %get3A_849 : vector<16xf32> to vector<16xf32>
        tpu.vector_store %arg5[%swap3A_852], %swap3A_855 {strides = array<i32>} : memref<50176xf32, #tpu.memory_space<vmem>>, vector<16xf32>,
        %add3A_856 = arith.constant 257 : i32
        %add3A_857 = arith.addi %add3A_856, %mul3A_688 : i32
        %add3A_858 = arith.constant 208 : i32
        %add3A_859 = arith.addi %add3A_857, %add3A_858 : i32
        %get3A_860 = arith.index_cast %add3A_859 : i32 to index
        %get3A_861 = tpu.vector_load %arg4[%get3A_860] {strides = array<i32>} : memref<50688xf32, #tpu.memory_space<vmem>>, vector<16xf32>,
        %get3A_862 = vector.shape_cast %get3A_861 : vector<16xf32> to vector<16xf32>
        %jit3A_863 = arith.constant 0.000000e+00 : f32
        %broadcast_in_dim3A_864 = vector.broadcast %jit3A_863 : f32 to vector<16xf32>
        %select_n3A_865 = arith.select %eq3A_669, %broadcast_in_dim3A_864, %get3A_862 : vector<16xi1>, vector<16xf32>
        %add3A_866 = arith.constant 208 : i32
        %add3A_867 = arith.addi %mul3A_688, %add3A_866 : i32
        %swap3A_868 = arith.index_cast %add3A_867 : i32 to index
        %swap3A_869 = tpu.vector_load %arg5[%swap3A_868] {strides = array<i32>} : memref<50176xf32, #tpu.memory_space<vmem>>, vector<16xf32>,
        %swap3A_870 = vector.shape_cast %swap3A_869 : vector<16xf32> to vector<16xf32>
        %swap3A_871 = vector.shape_cast %select_n3A_865 : vector<16xf32> to vector<16xf32>
        tpu.vector_store %arg5[%swap3A_868], %swap3A_871 {strides = array<i32>} : memref<50176xf32, #tpu.memory_space<vmem>>, vector<16xf32>,
      }
      %scan3A_674 = arith.constant 224 : i32
      %scan3A_675 = arith.constant 0 : i32
      %scan3A_676 = arith.constant 0 : i32
      %scan3A_677 = arith.constant 14 : i32
      %scan3A_678 = arith.addi %scan3A_676, %scan3A_677 : i32
      %scan3A_679 = arith.constant 1 : i32
      scf.for %scan3A_686 = %scan3A_676 to %scan3A_678 step %scan3A_679  : i32 {
        %mul3A_687 = arith.constant 16 : i32
        %mul3A_688 = arith.muli %scan3A_686, %mul3A_687 : i32
        %add3A_689 = arith.constant 0 : i32
        %add3A_690 = arith.addi %add3A_689, %mul3A_688 : i32
        %swap3A = arith.index_cast %add3A_690 : i32 to index
        %swap3A_691 = tpu.vector_load %arg5[%swap3A] {strides = array<i32>} : memref<50176xf32, #tpu.memory_space<vmem>>, vector<16xf32>,
        %swap3A_692 = vector.shape_cast %swap3A_691 : vector<16xf32> to vector<16xf32>
        %swap3A_693 = vector.shape_cast %broadcast_in_dim3A_1 : vector<16xf32> to vector<16xf32>
        tpu.vector_store %arg5[%swap3A], %swap3A_693 {strides = array<i32>} : memref<50176xf32, #tpu.memory_space<vmem>>, vector<16xf32>,
      }
      %scan3A_680 = arith.constant 14 : i32
      %dma_start3A = arith.constant 0 : i32
      %dma_start3A_681 = tpu.memref_slice %arg3[%add3A_661, %dma_start3A] : memref<768x50176xf32, #tpu.memory_space<hbm>> -> memref<1x50176xf32, #tpu.memory_space<hbm>>
      %dma_start3A_682 = tpu.memref_squeeze %dma_start3A_681 : memref<1x50176xf32, #tpu.memory_space<hbm>> -> memref<50176xf32, #tpu.memory_space<hbm>>
      %dma_start3A_683 = arith.constant 0 : i32
      %dma_start3A_684 = tpu.memref_slice %arg3[%add3A_661, %dma_start3A_683] : memref<768x50176xf32, #tpu.memory_space<hbm>> -> memref<1x50176xf32, #tpu.memory_space<hbm>>
      %dma_start3A_685 = tpu.memref_squeeze %dma_start3A_684 : memref<1x50176xf32, #tpu.memory_space<hbm>> -> memref<50176xf32, #tpu.memory_space<hbm>>
      tpu.enqueue_dma source(%arg5 : memref<50176xf32, #tpu.memory_space<vmem>>) target(%dma_start3A_685 : memref<50176xf32, #tpu.memory_space<hbm>>) target_semaphore(%arg6 : memref<!tpu.dma_semaphore, #tpu.memory_space<semaphore_mem>>)
    }
    %while3A_559 = arith.constant 1 : i32
    scf.for %while3A_629 = %while3A_557 to %while3A_553 step %while3A_559  : i32 {
      %jit3A_630 = arith.constant 42 : i32
      %div3A_631 = arith.divsi %while3A_629, %jit3A_630 : i32
      %sign3A_632 = arith.constant 0 : i32
      %sign3A_633 = arith.cmpi sgt, %while3A_629, %sign3A_632 : i32
      %sign3A_634 = arith.extui %sign3A_633 : i1 to i32
      %sign3A_635 = arith.constant 0 : i32
      %sign3A_636 = arith.cmpi slt, %while3A_629, %sign3A_635 : i32
      %sign3A_637 = arith.extui %sign3A_636 : i1 to i32
      %sign3A_638 = arith.subi %sign3A_634, %sign3A_637 : i32
      %sign3A_639 = arith.constant 0 : i32
      %sign3A_640 = arith.cmpi sgt, %jit3A_630, %sign3A_639 : i32
      %sign3A_641 = arith.extui %sign3A_640 : i1 to i32
      %sign3A_642 = arith.constant 0 : i32
      %sign3A_643 = arith.cmpi slt, %jit3A_630, %sign3A_642 : i32
      %sign3A_644 = arith.extui %sign3A_643 : i1 to i32
      %sign3A_645 = arith.subi %sign3A_641, %sign3A_644 : i32
      %ne3A_646 = arith.cmpi ne, %sign3A_638, %sign3A_645 : i32
      %rem3A_647 = arith.remsi %while3A_629, %jit3A_630 : i32
      %ne3A_648 = arith.constant 0 : i32
      %ne3A_649 = arith.cmpi ne, %rem3A_647, %ne3A_648 : i32
      %and3A_650 = arith.andi %ne3A_646, %ne3A_649 : i1
      %sub3A_651 = arith.constant 1 : i32
      %sub3A_652 = arith.subi %div3A_631, %sub3A_651 : i32
      %select_n3A_653 = arith.select %and3A_650, %sub3A_652, %div3A_631 : i32
      %mul3A_654 = arith.constant 42 : i32
      %mul3A_655 = arith.muli %select_n3A_653, %mul3A_654 : i32
      %sub3A_656 = arith.subi %while3A_629, %mul3A_655 : i32
      %add3A_657 = arith.constant 294 : i32
      %add3A_658 = arith.addi %add3A_657, %sub3A_656 : i32
      %mul3A_659 = arith.constant 384 : i32
      %mul3A_660 = arith.muli %select_n3A_653, %mul3A_659 : i32
      %add3A_661 = arith.addi %mul3A_660, %add3A_658 : i32
      "tpu.region"() ({
        %run_scoped3A = tpu.sem_alloc : memref<!tpu.dma_semaphore, #tpu.memory_space<semaphore_mem>>
        %dma_start3A_686 = arith.constant 480 : i32
        %dma_start3A_687 = tpu.memref_slice %arg4[%dma_start3A_686] : memref<50688xf32, #tpu.memory_space<vmem>> -> memref<50176xf32, #tpu.memory_space<vmem>>
        %dma_start3A_688 = arith.constant 0 : i32
        %dma_start3A_689 = tpu.memref_slice %arg2[%add3A_661, %dma_start3A_688] : memref<768x50176xf32, #tpu.memory_space<hbm>> -> memref<1x50176xf32, #tpu.memory_space<hbm>>
        %dma_start3A_690 = tpu.memref_squeeze %dma_start3A_689 : memref<1x50176xf32, #tpu.memory_space<hbm>> -> memref<50176xf32, #tpu.memory_space<hbm>>
        %dma_start3A_691 = arith.constant 480 : i32
        %dma_start3A_692 = tpu.memref_slice %arg4[%dma_start3A_691] : memref<50688xf32, #tpu.memory_space<vmem>> -> memref<50176xf32, #tpu.memory_space<vmem>>
        %dma_start3A_693 = arith.constant 0 : i32
        %dma_start3A_694 = tpu.memref_slice %arg2[%add3A_661, %dma_start3A_693] : memref<768x50176xf32, #tpu.memory_space<hbm>> -> memref<1x50176xf32, #tpu.memory_space<hbm>>
        %dma_start3A_695 = tpu.memref_squeeze %dma_start3A_694 : memref<1x50176xf32, #tpu.memory_space<hbm>> -> memref<50176xf32, #tpu.memory_space<hbm>>
        tpu.enqueue_dma source(%dma_start3A_695 : memref<50176xf32, #tpu.memory_space<hbm>>) target(%dma_start3A_692 : memref<50176xf32, #tpu.memory_space<vmem>>) target_semaphore(%run_scoped3A : memref<!tpu.dma_semaphore, #tpu.memory_space<semaphore_mem>>)
        %dma_wait3A_696 = arith.constant 480 : i32
        %dma_wait3A_697 = tpu.memref_slice %arg4[%dma_wait3A_696] : memref<50688xf32, #tpu.memory_space<vmem>> -> memref<50176xf32, #tpu.memory_space<vmem>>
        %dma_wait3A_698 = arith.constant 0 : i32
        %dma_wait3A_699 = tpu.memref_slice %arg2[%add3A_661, %dma_wait3A_698] : memref<768x50176xf32, #tpu.memory_space<hbm>> -> memref<1x50176xf32, #tpu.memory_space<hbm>>
        %dma_wait3A_700 = tpu.memref_squeeze %dma_wait3A_699 : memref<1x50176xf32, #tpu.memory_space<hbm>> -> memref<50176xf32, #tpu.memory_space<hbm>>
        %dma_wait3A_701 = arith.constant 480 : i32
        %dma_wait3A_702 = tpu.memref_slice %arg4[%dma_wait3A_701] : memref<50688xf32, #tpu.memory_space<vmem>> -> memref<50176xf32, #tpu.memory_space<vmem>>
        %dma_wait3A_703 = arith.constant 0 : i32
        %dma_wait3A_704 = tpu.memref_slice %arg2[%add3A_661, %dma_wait3A_703] : memref<768x50176xf32, #tpu.memory_space<hbm>> -> memref<1x50176xf32, #tpu.memory_space<hbm>>
        %dma_wait3A_705 = tpu.memref_squeeze %dma_wait3A_704 : memref<1x50176xf32, #tpu.memory_space<hbm>> -> memref<50176xf32, #tpu.memory_space<hbm>>
        tpu.wait_dma2 semaphore(%run_scoped3A : memref<!tpu.dma_semaphore, #tpu.memory_space<semaphore_mem>>) src(%dma_wait3A_705 : memref<50176xf32, #tpu.memory_space<hbm>>) dst(%dma_wait3A_702 : memref<50176xf32, #tpu.memory_space<vmem>>)
        tpu.yield
      }) : () -> ()
      %dma_wait3A_662 = arith.constant 0 : i32
      %dma_wait3A_663 = tpu.memref_slice %arg3[%add3A_661, %dma_wait3A_662] : memref<768x50176xf32, #tpu.memory_space<hbm>> -> memref<1x50176xf32, #tpu.memory_space<hbm>>
      %dma_wait3A_664 = tpu.memref_squeeze %dma_wait3A_663 : memref<1x50176xf32, #tpu.memory_space<hbm>> -> memref<50176xf32, #tpu.memory_space<hbm>>
      %dma_wait3A_665 = arith.constant 0 : i32
      %dma_wait3A_666 = tpu.memref_slice %arg3[%add3A_661, %dma_wait3A_665] : memref<768x50176xf32, #tpu.memory_space<hbm>> -> memref<1x50176xf32, #tpu.memory_space<hbm>>
      %dma_wait3A_667 = tpu.memref_squeeze %dma_wait3A_666 : memref<1x50176xf32, #tpu.memory_space<hbm>> -> memref<50176xf32, #tpu.memory_space<hbm>>
      tpu.wait_dma2 semaphore(%arg6 : memref<!tpu.dma_semaphore, #tpu.memory_space<semaphore_mem>>) src(%arg5 : memref<50176xf32, #tpu.memory_space<vmem>>) dst(%dma_wait3A_667 : memref<50176xf32, #tpu.memory_space<hbm>>)
      %eq3A = arith.constant 15 : i32
      %eq3A_668 = vector.broadcast %eq3A : i32 to vector<16xi32>
      %eq3A_669 = arith.cmpi eq, %iota3A, %eq3A_668 : vector<16xi32>
      %scan3A = arith.constant 0 : i32
      %scan3A_670 = arith.constant 0 : i32
      %scan3A_671 = arith.constant 224 : i32
      %scan3A_672 = arith.addi %scan3A_670, %scan3A_671 : i32
      %scan3A_673 = arith.constant 1 : i32
      scf.for %scan3A_686 = %scan3A_670 to %scan3A_672 step %scan3A_673  : i32 {
        %mul3A_687 = arith.constant 224 : i32
        %mul3A_688 = arith.muli %scan3A_686, %mul3A_687 : i32
        %add3A_689 = arith.constant 257 : i32
        %add3A_690 = arith.addi %add3A_689, %mul3A_688 : i32
        %add3A_691 = arith.constant 0 : i32
        %add3A_692 = arith.addi %add3A_690, %add3A_691 : i32
        %get3A = arith.index_cast %add3A_692 : i32 to index
        %get3A_693 = tpu.vector_load %arg4[%get3A] {strides = array<i32>} : memref<50688xf32, #tpu.memory_space<vmem>>, vector<16xf32>,
        %get3A_694 = vector.shape_cast %get3A_693 : vector<16xf32> to vector<16xf32>
        %add3A_695 = arith.constant 0 : i32
        %add3A_696 = arith.addi %mul3A_688, %add3A_695 : i32
        %swap3A = arith.index_cast %add3A_696 : i32 to index
        %swap3A_697 = tpu.vector_load %arg5[%swap3A] {strides = array<i32>} : memref<50176xf32, #tpu.memory_space<vmem>>, vector<16xf32>,
        %swap3A_698 = vector.shape_cast %swap3A_697 : vector<16xf32> to vector<16xf32>
        %swap3A_699 = vector.shape_cast %get3A_694 : vector<16xf32> to vector<16xf32>
        tpu.vector_store %arg5[%swap3A], %swap3A_699 {strides = array<i32>} : memref<50176xf32, #tpu.memory_space<vmem>>, vector<16xf32>,
        %add3A_700 = arith.constant 257 : i32
        %add3A_701 = arith.addi %add3A_700, %mul3A_688 : i32
        %add3A_702 = arith.constant 16 : i32
        %add3A_703 = arith.addi %add3A_701, %add3A_702 : i32
        %get3A_704 = arith.index_cast %add3A_703 : i32 to index
        %get3A_705 = tpu.vector_load %arg4[%get3A_704] {strides = array<i32>} : memref<50688xf32, #tpu.memory_space<vmem>>, vector<16xf32>,
        %get3A_706 = vector.shape_cast %get3A_705 : vector<16xf32> to vector<16xf32>
        %add3A_707 = arith.constant 16 : i32
        %add3A_708 = arith.addi %mul3A_688, %add3A_707 : i32
        %swap3A_709 = arith.index_cast %add3A_708 : i32 to index
        %swap3A_710 = tpu.vector_load %arg5[%swap3A_709] {strides = array<i32>} : memref<50176xf32, #tpu.memory_space<vmem>>, vector<16xf32>,
        %swap3A_711 = vector.shape_cast %swap3A_710 : vector<16xf32> to vector<16xf32>
        %swap3A_712 = vector.shape_cast %get3A_706 : vector<16xf32> to vector<16xf32>
        tpu.vector_store %arg5[%swap3A_709], %swap3A_712 {strides = array<i32>} : memref<50176xf32, #tpu.memory_space<vmem>>, vector<16xf32>,
        %add3A_713 = arith.constant 257 : i32
        %add3A_714 = arith.addi %add3A_713, %mul3A_688 : i32
        %add3A_715 = arith.constant 32 : i32
        %add3A_716 = arith.addi %add3A_714, %add3A_715 : i32
        %get3A_717 = arith.index_cast %add3A_716 : i32 to index
        %get3A_718 = tpu.vector_load %arg4[%get3A_717] {strides = array<i32>} : memref<50688xf32, #tpu.memory_space<vmem>>, vector<16xf32>,
        %get3A_719 = vector.shape_cast %get3A_718 : vector<16xf32> to vector<16xf32>
        %add3A_720 = arith.constant 32 : i32
        %add3A_721 = arith.addi %mul3A_688, %add3A_720 : i32
        %swap3A_722 = arith.index_cast %add3A_721 : i32 to index
        %swap3A_723 = tpu.vector_load %arg5[%swap3A_722] {strides = array<i32>} : memref<50176xf32, #tpu.memory_space<vmem>>, vector<16xf32>,
        %swap3A_724 = vector.shape_cast %swap3A_723 : vector<16xf32> to vector<16xf32>
        %swap3A_725 = vector.shape_cast %get3A_719 : vector<16xf32> to vector<16xf32>
        tpu.vector_store %arg5[%swap3A_722], %swap3A_725 {strides = array<i32>} : memref<50176xf32, #tpu.memory_space<vmem>>, vector<16xf32>,
        %add3A_726 = arith.constant 257 : i32
        %add3A_727 = arith.addi %add3A_726, %mul3A_688 : i32
        %add3A_728 = arith.constant 48 : i32
        %add3A_729 = arith.addi %add3A_727, %add3A_728 : i32
        %get3A_730 = arith.index_cast %add3A_729 : i32 to index
        %get3A_731 = tpu.vector_load %arg4[%get3A_730] {strides = array<i32>} : memref<50688xf32, #tpu.memory_space<vmem>>, vector<16xf32>,
        %get3A_732 = vector.shape_cast %get3A_731 : vector<16xf32> to vector<16xf32>
        %add3A_733 = arith.constant 48 : i32
        %add3A_734 = arith.addi %mul3A_688, %add3A_733 : i32
        %swap3A_735 = arith.index_cast %add3A_734 : i32 to index
        %swap3A_736 = tpu.vector_load %arg5[%swap3A_735] {strides = array<i32>} : memref<50176xf32, #tpu.memory_space<vmem>>, vector<16xf32>,
        %swap3A_737 = vector.shape_cast %swap3A_736 : vector<16xf32> to vector<16xf32>
        %swap3A_738 = vector.shape_cast %get3A_732 : vector<16xf32> to vector<16xf32>
        tpu.vector_store %arg5[%swap3A_735], %swap3A_738 {strides = array<i32>} : memref<50176xf32, #tpu.memory_space<vmem>>, vector<16xf32>,
        %add3A_739 = arith.constant 257 : i32
        %add3A_740 = arith.addi %add3A_739, %mul3A_688 : i32
        %add3A_741 = arith.constant 64 : i32
        %add3A_742 = arith.addi %add3A_740, %add3A_741 : i32
        %get3A_743 = arith.index_cast %add3A_742 : i32 to index
        %get3A_744 = tpu.vector_load %arg4[%get3A_743] {strides = array<i32>} : memref<50688xf32, #tpu.memory_space<vmem>>, vector<16xf32>,
        %get3A_745 = vector.shape_cast %get3A_744 : vector<16xf32> to vector<16xf32>
        %add3A_746 = arith.constant 64 : i32
        %add3A_747 = arith.addi %mul3A_688, %add3A_746 : i32
        %swap3A_748 = arith.index_cast %add3A_747 : i32 to index
        %swap3A_749 = tpu.vector_load %arg5[%swap3A_748] {strides = array<i32>} : memref<50176xf32, #tpu.memory_space<vmem>>, vector<16xf32>,
        %swap3A_750 = vector.shape_cast %swap3A_749 : vector<16xf32> to vector<16xf32>
        %swap3A_751 = vector.shape_cast %get3A_745 : vector<16xf32> to vector<16xf32>
        tpu.vector_store %arg5[%swap3A_748], %swap3A_751 {strides = array<i32>} : memref<50176xf32, #tpu.memory_space<vmem>>, vector<16xf32>,
        %add3A_752 = arith.constant 257 : i32
        %add3A_753 = arith.addi %add3A_752, %mul3A_688 : i32
        %add3A_754 = arith.constant 80 : i32
        %add3A_755 = arith.addi %add3A_753, %add3A_754 : i32
        %get3A_756 = arith.index_cast %add3A_755 : i32 to index
        %get3A_757 = tpu.vector_load %arg4[%get3A_756] {strides = array<i32>} : memref<50688xf32, #tpu.memory_space<vmem>>, vector<16xf32>,
        %get3A_758 = vector.shape_cast %get3A_757 : vector<16xf32> to vector<16xf32>
        %add3A_759 = arith.constant 80 : i32
        %add3A_760 = arith.addi %mul3A_688, %add3A_759 : i32
        %swap3A_761 = arith.index_cast %add3A_760 : i32 to index
        %swap3A_762 = tpu.vector_load %arg5[%swap3A_761] {strides = array<i32>} : memref<50176xf32, #tpu.memory_space<vmem>>, vector<16xf32>,
        %swap3A_763 = vector.shape_cast %swap3A_762 : vector<16xf32> to vector<16xf32>
        %swap3A_764 = vector.shape_cast %get3A_758 : vector<16xf32> to vector<16xf32>
        tpu.vector_store %arg5[%swap3A_761], %swap3A_764 {strides = array<i32>} : memref<50176xf32, #tpu.memory_space<vmem>>, vector<16xf32>,
        %add3A_765 = arith.constant 257 : i32
        %add3A_766 = arith.addi %add3A_765, %mul3A_688 : i32
        %add3A_767 = arith.constant 96 : i32
        %add3A_768 = arith.addi %add3A_766, %add3A_767 : i32
        %get3A_769 = arith.index_cast %add3A_768 : i32 to index
        %get3A_770 = tpu.vector_load %arg4[%get3A_769] {strides = array<i32>} : memref<50688xf32, #tpu.memory_space<vmem>>, vector<16xf32>,
        %get3A_771 = vector.shape_cast %get3A_770 : vector<16xf32> to vector<16xf32>
        %add3A_772 = arith.constant 96 : i32
        %add3A_773 = arith.addi %mul3A_688, %add3A_772 : i32
        %swap3A_774 = arith.index_cast %add3A_773 : i32 to index
        %swap3A_775 = tpu.vector_load %arg5[%swap3A_774] {strides = array<i32>} : memref<50176xf32, #tpu.memory_space<vmem>>, vector<16xf32>,
        %swap3A_776 = vector.shape_cast %swap3A_775 : vector<16xf32> to vector<16xf32>
        %swap3A_777 = vector.shape_cast %get3A_771 : vector<16xf32> to vector<16xf32>
        tpu.vector_store %arg5[%swap3A_774], %swap3A_777 {strides = array<i32>} : memref<50176xf32, #tpu.memory_space<vmem>>, vector<16xf32>,
        %add3A_778 = arith.constant 257 : i32
        %add3A_779 = arith.addi %add3A_778, %mul3A_688 : i32
        %add3A_780 = arith.constant 112 : i32
        %add3A_781 = arith.addi %add3A_779, %add3A_780 : i32
        %get3A_782 = arith.index_cast %add3A_781 : i32 to index
        %get3A_783 = tpu.vector_load %arg4[%get3A_782] {strides = array<i32>} : memref<50688xf32, #tpu.memory_space<vmem>>, vector<16xf32>,
        %get3A_784 = vector.shape_cast %get3A_783 : vector<16xf32> to vector<16xf32>
        %add3A_785 = arith.constant 112 : i32
        %add3A_786 = arith.addi %mul3A_688, %add3A_785 : i32
        %swap3A_787 = arith.index_cast %add3A_786 : i32 to index
        %swap3A_788 = tpu.vector_load %arg5[%swap3A_787] {strides = array<i32>} : memref<50176xf32, #tpu.memory_space<vmem>>, vector<16xf32>,
        %swap3A_789 = vector.shape_cast %swap3A_788 : vector<16xf32> to vector<16xf32>
        %swap3A_790 = vector.shape_cast %get3A_784 : vector<16xf32> to vector<16xf32>
        tpu.vector_store %arg5[%swap3A_787], %swap3A_790 {strides = array<i32>} : memref<50176xf32, #tpu.memory_space<vmem>>, vector<16xf32>,
        %add3A_791 = arith.constant 257 : i32
        %add3A_792 = arith.addi %add3A_791, %mul3A_688 : i32
        %add3A_793 = arith.constant 128 : i32
        %add3A_794 = arith.addi %add3A_792, %add3A_793 : i32
        %get3A_795 = arith.index_cast %add3A_794 : i32 to index
        %get3A_796 = tpu.vector_load %arg4[%get3A_795] {strides = array<i32>} : memref<50688xf32, #tpu.memory_space<vmem>>, vector<16xf32>,
        %get3A_797 = vector.shape_cast %get3A_796 : vector<16xf32> to vector<16xf32>
        %add3A_798 = arith.constant 128 : i32
        %add3A_799 = arith.addi %mul3A_688, %add3A_798 : i32
        %swap3A_800 = arith.index_cast %add3A_799 : i32 to index
        %swap3A_801 = tpu.vector_load %arg5[%swap3A_800] {strides = array<i32>} : memref<50176xf32, #tpu.memory_space<vmem>>, vector<16xf32>,
        %swap3A_802 = vector.shape_cast %swap3A_801 : vector<16xf32> to vector<16xf32>
        %swap3A_803 = vector.shape_cast %get3A_797 : vector<16xf32> to vector<16xf32>
        tpu.vector_store %arg5[%swap3A_800], %swap3A_803 {strides = array<i32>} : memref<50176xf32, #tpu.memory_space<vmem>>, vector<16xf32>,
        %add3A_804 = arith.constant 257 : i32
        %add3A_805 = arith.addi %add3A_804, %mul3A_688 : i32
        %add3A_806 = arith.constant 144 : i32
        %add3A_807 = arith.addi %add3A_805, %add3A_806 : i32
        %get3A_808 = arith.index_cast %add3A_807 : i32 to index
        %get3A_809 = tpu.vector_load %arg4[%get3A_808] {strides = array<i32>} : memref<50688xf32, #tpu.memory_space<vmem>>, vector<16xf32>,
        %get3A_810 = vector.shape_cast %get3A_809 : vector<16xf32> to vector<16xf32>
        %add3A_811 = arith.constant 144 : i32
        %add3A_812 = arith.addi %mul3A_688, %add3A_811 : i32
        %swap3A_813 = arith.index_cast %add3A_812 : i32 to index
        %swap3A_814 = tpu.vector_load %arg5[%swap3A_813] {strides = array<i32>} : memref<50176xf32, #tpu.memory_space<vmem>>, vector<16xf32>,
        %swap3A_815 = vector.shape_cast %swap3A_814 : vector<16xf32> to vector<16xf32>
        %swap3A_816 = vector.shape_cast %get3A_810 : vector<16xf32> to vector<16xf32>
        tpu.vector_store %arg5[%swap3A_813], %swap3A_816 {strides = array<i32>} : memref<50176xf32, #tpu.memory_space<vmem>>, vector<16xf32>,
        %add3A_817 = arith.constant 257 : i32
        %add3A_818 = arith.addi %add3A_817, %mul3A_688 : i32
        %add3A_819 = arith.constant 160 : i32
        %add3A_820 = arith.addi %add3A_818, %add3A_819 : i32
        %get3A_821 = arith.index_cast %add3A_820 : i32 to index
        %get3A_822 = tpu.vector_load %arg4[%get3A_821] {strides = array<i32>} : memref<50688xf32, #tpu.memory_space<vmem>>, vector<16xf32>,
        %get3A_823 = vector.shape_cast %get3A_822 : vector<16xf32> to vector<16xf32>
        %add3A_824 = arith.constant 160 : i32
        %add3A_825 = arith.addi %mul3A_688, %add3A_824 : i32
        %swap3A_826 = arith.index_cast %add3A_825 : i32 to index
        %swap3A_827 = tpu.vector_load %arg5[%swap3A_826] {strides = array<i32>} : memref<50176xf32, #tpu.memory_space<vmem>>, vector<16xf32>,
        %swap3A_828 = vector.shape_cast %swap3A_827 : vector<16xf32> to vector<16xf32>
        %swap3A_829 = vector.shape_cast %get3A_823 : vector<16xf32> to vector<16xf32>
        tpu.vector_store %arg5[%swap3A_826], %swap3A_829 {strides = array<i32>} : memref<50176xf32, #tpu.memory_space<vmem>>, vector<16xf32>,
        %add3A_830 = arith.constant 257 : i32
        %add3A_831 = arith.addi %add3A_830, %mul3A_688 : i32
        %add3A_832 = arith.constant 176 : i32
        %add3A_833 = arith.addi %add3A_831, %add3A_832 : i32
        %get3A_834 = arith.index_cast %add3A_833 : i32 to index
        %get3A_835 = tpu.vector_load %arg4[%get3A_834] {strides = array<i32>} : memref<50688xf32, #tpu.memory_space<vmem>>, vector<16xf32>,
        %get3A_836 = vector.shape_cast %get3A_835 : vector<16xf32> to vector<16xf32>
        %add3A_837 = arith.constant 176 : i32
        %add3A_838 = arith.addi %mul3A_688, %add3A_837 : i32
        %swap3A_839 = arith.index_cast %add3A_838 : i32 to index
        %swap3A_840 = tpu.vector_load %arg5[%swap3A_839] {strides = array<i32>} : memref<50176xf32, #tpu.memory_space<vmem>>, vector<16xf32>,
        %swap3A_841 = vector.shape_cast %swap3A_840 : vector<16xf32> to vector<16xf32>
        %swap3A_842 = vector.shape_cast %get3A_836 : vector<16xf32> to vector<16xf32>
        tpu.vector_store %arg5[%swap3A_839], %swap3A_842 {strides = array<i32>} : memref<50176xf32, #tpu.memory_space<vmem>>, vector<16xf32>,
        %add3A_843 = arith.constant 257 : i32
        %add3A_844 = arith.addi %add3A_843, %mul3A_688 : i32
        %add3A_845 = arith.constant 192 : i32
        %add3A_846 = arith.addi %add3A_844, %add3A_845 : i32
        %get3A_847 = arith.index_cast %add3A_846 : i32 to index
        %get3A_848 = tpu.vector_load %arg4[%get3A_847] {strides = array<i32>} : memref<50688xf32, #tpu.memory_space<vmem>>, vector<16xf32>,
        %get3A_849 = vector.shape_cast %get3A_848 : vector<16xf32> to vector<16xf32>
        %add3A_850 = arith.constant 192 : i32
        %add3A_851 = arith.addi %mul3A_688, %add3A_850 : i32
        %swap3A_852 = arith.index_cast %add3A_851 : i32 to index
        %swap3A_853 = tpu.vector_load %arg5[%swap3A_852] {strides = array<i32>} : memref<50176xf32, #tpu.memory_space<vmem>>, vector<16xf32>,
        %swap3A_854 = vector.shape_cast %swap3A_853 : vector<16xf32> to vector<16xf32>
        %swap3A_855 = vector.shape_cast %get3A_849 : vector<16xf32> to vector<16xf32>
        tpu.vector_store %arg5[%swap3A_852], %swap3A_855 {strides = array<i32>} : memref<50176xf32, #tpu.memory_space<vmem>>, vector<16xf32>,
        %add3A_856 = arith.constant 257 : i32
        %add3A_857 = arith.addi %add3A_856, %mul3A_688 : i32
        %add3A_858 = arith.constant 208 : i32
        %add3A_859 = arith.addi %add3A_857, %add3A_858 : i32
        %get3A_860 = arith.index_cast %add3A_859 : i32 to index
        %get3A_861 = tpu.vector_load %arg4[%get3A_860] {strides = array<i32>} : memref<50688xf32, #tpu.memory_space<vmem>>, vector<16xf32>,
        %get3A_862 = vector.shape_cast %get3A_861 : vector<16xf32> to vector<16xf32>
        %jit3A_863 = arith.constant 0.000000e+00 : f32
        %broadcast_in_dim3A_864 = vector.broadcast %jit3A_863 : f32 to vector<16xf32>
        %select_n3A_865 = arith.select %eq3A_669, %broadcast_in_dim3A_864, %get3A_862 : vector<16xi1>, vector<16xf32>
        %add3A_866 = arith.constant 208 : i32
        %add3A_867 = arith.addi %mul3A_688, %add3A_866 : i32
        %swap3A_868 = arith.index_cast %add3A_867 : i32 to index
        %swap3A_869 = tpu.vector_load %arg5[%swap3A_868] {strides = array<i32>} : memref<50176xf32, #tpu.memory_space<vmem>>, vector<16xf32>,
        %swap3A_870 = vector.shape_cast %swap3A_869 : vector<16xf32> to vector<16xf32>
        %swap3A_871 = vector.shape_cast %select_n3A_865 : vector<16xf32> to vector<16xf32>
        tpu.vector_store %arg5[%swap3A_868], %swap3A_871 {strides = array<i32>} : memref<50176xf32, #tpu.memory_space<vmem>>, vector<16xf32>,
      }
      %scan3A_674 = arith.constant 224 : i32
      %scan3A_675 = arith.constant 0 : i32
      %scan3A_676 = arith.constant 0 : i32
      %scan3A_677 = arith.constant 14 : i32
      %scan3A_678 = arith.addi %scan3A_676, %scan3A_677 : i32
      %scan3A_679 = arith.constant 1 : i32
      scf.for %scan3A_686 = %scan3A_676 to %scan3A_678 step %scan3A_679  : i32 {
        %mul3A_687 = arith.constant 16 : i32
        %mul3A_688 = arith.muli %scan3A_686, %mul3A_687 : i32
        %add3A_689 = arith.constant 0 : i32
        %add3A_690 = arith.addi %add3A_689, %mul3A_688 : i32
        %swap3A = arith.index_cast %add3A_690 : i32 to index
        %swap3A_691 = tpu.vector_load %arg5[%swap3A] {strides = array<i32>} : memref<50176xf32, #tpu.memory_space<vmem>>, vector<16xf32>,
        %swap3A_692 = vector.shape_cast %swap3A_691 : vector<16xf32> to vector<16xf32>
        %swap3A_693 = vector.shape_cast %broadcast_in_dim3A_1 : vector<16xf32> to vector<16xf32>
        tpu.vector_store %arg5[%swap3A], %swap3A_693 {strides = array<i32>} : memref<50176xf32, #tpu.memory_space<vmem>>, vector<16xf32>,
      }
      %scan3A_680 = arith.constant 14 : i32
      %dma_start3A = arith.constant 0 : i32
      %dma_start3A_681 = tpu.memref_slice %arg3[%add3A_661, %dma_start3A] : memref<768x50176xf32, #tpu.memory_space<hbm>> -> memref<1x50176xf32, #tpu.memory_space<hbm>>
      %dma_start3A_682 = tpu.memref_squeeze %dma_start3A_681 : memref<1x50176xf32, #tpu.memory_space<hbm>> -> memref<50176xf32, #tpu.memory_space<hbm>>
      %dma_start3A_683 = arith.constant 0 : i32
      %dma_start3A_684 = tpu.memref_slice %arg3[%add3A_661, %dma_start3A_683] : memref<768x50176xf32, #tpu.memory_space<hbm>> -> memref<1x50176xf32, #tpu.memory_space<hbm>>
      %dma_start3A_685 = tpu.memref_squeeze %dma_start3A_684 : memref<1x50176xf32, #tpu.memory_space<hbm>> -> memref<50176xf32, #tpu.memory_space<hbm>>
      tpu.enqueue_dma source(%arg5 : memref<50176xf32, #tpu.memory_space<vmem>>) target(%dma_start3A_685 : memref<50176xf32, #tpu.memory_space<hbm>>) target_semaphore(%arg6 : memref<!tpu.dma_semaphore, #tpu.memory_space<semaphore_mem>>)
    }
    %mul3A_560 = arith.constant 84 : i32
    %mul3A_561 = arith.muli %add3A, %mul3A_560 : i32
    %jit3A_562 = arith.constant 32 : i32
    %div3A_563 = arith.divsi %mul3A_561, %jit3A_562 : i32
    %sign3A_564 = arith.constant 0 : i32
    %sign3A_565 = arith.cmpi sgt, %mul3A_561, %sign3A_564 : i32
    %sign3A_566 = arith.extui %sign3A_565 : i1 to i32
    %sign3A_567 = arith.constant 0 : i32
    %sign3A_568 = arith.cmpi slt, %mul3A_561, %sign3A_567 : i32
    %sign3A_569 = arith.extui %sign3A_568 : i1 to i32
    %sign3A_570 = arith.subi %sign3A_566, %sign3A_569 : i32
    %sign3A_571 = arith.constant 0 : i32
    %sign3A_572 = arith.cmpi sgt, %jit3A_562, %sign3A_571 : i32
    %sign3A_573 = arith.extui %sign3A_572 : i1 to i32
    %sign3A_574 = arith.constant 0 : i32
    %sign3A_575 = arith.cmpi slt, %jit3A_562, %sign3A_574 : i32
    %sign3A_576 = arith.extui %sign3A_575 : i1 to i32
    %sign3A_577 = arith.subi %sign3A_573, %sign3A_576 : i32
    %ne3A_578 = arith.cmpi ne, %sign3A_570, %sign3A_577 : i32
    %rem3A_579 = arith.remsi %mul3A_561, %jit3A_562 : i32
    %ne3A_580 = arith.constant 0 : i32
    %ne3A_581 = arith.cmpi ne, %rem3A_579, %ne3A_580 : i32
    %and3A_582 = arith.andi %ne3A_578, %ne3A_581 : i1
    %sub3A_583 = arith.constant 1 : i32
    %sub3A_584 = arith.subi %div3A_563, %sub3A_583 : i32
    %select_n3A_585 = arith.select %and3A_582, %sub3A_584, %div3A_563 : i32
    %add3A_586 = arith.constant 1 : i32
    %add3A_587 = arith.addi %add3A, %add3A_586 : i32
    %mul3A_588 = arith.constant 84 : i32
    %mul3A_589 = arith.muli %add3A_587, %mul3A_588 : i32
    %jit3A_590 = arith.constant 32 : i32
    %div3A_591 = arith.divsi %mul3A_589, %jit3A_590 : i32
    %sign3A_592 = arith.constant 0 : i32
    %sign3A_593 = arith.cmpi sgt, %mul3A_589, %sign3A_592 : i32
    %sign3A_594 = arith.extui %sign3A_593 : i1 to i32
    %sign3A_595 = arith.constant 0 : i32
    %sign3A_596 = arith.cmpi slt, %mul3A_589, %sign3A_595 : i32
    %sign3A_597 = arith.extui %sign3A_596 : i1 to i32
    %sign3A_598 = arith.subi %sign3A_594, %sign3A_597 : i32
    %sign3A_599 = arith.constant 0 : i32
    %sign3A_600 = arith.cmpi sgt, %jit3A_590, %sign3A_599 : i32
    %sign3A_601 = arith.extui %sign3A_600 : i1 to i32
    %sign3A_602 = arith.constant 0 : i32
    %sign3A_603 = arith.cmpi slt, %jit3A_590, %sign3A_602 : i32
    %sign3A_604 = arith.extui %sign3A_603 : i1 to i32
    %sign3A_605 = arith.subi %sign3A_601, %sign3A_604 : i32
    %ne3A_606 = arith.cmpi ne, %sign3A_598, %sign3A_605 : i32
    %rem3A_607 = arith.remsi %mul3A_589, %jit3A_590 : i32
    %ne3A_608 = arith.constant 0 : i32
    %ne3A_609 = arith.cmpi ne, %rem3A_607, %ne3A_608 : i32
    %and3A_610 = arith.andi %ne3A_606, %ne3A_609 : i1
    %sub3A_611 = arith.constant 1 : i32
    %sub3A_612 = arith.subi %div3A_591, %sub3A_611 : i32
    %select_n3A_613 = arith.select %and3A_610, %sub3A_612, %div3A_591 : i32
    %while3A_614 = arith.constant 0 : i32
    %while3A_615 = arith.subi %select_n3A_613, %select_n3A_585 : i32
    %while3A_616 = arith.addi %select_n3A_585, %while3A_615 : i32
    %while3A_617 = arith.constant 1 : i32
    %while3A_618 = arith.divsi %while3A_615, %while3A_617 : i32
    %while3A_619 = arith.muli %while3A_618, %while3A_617 : i32
    %while3A_620 = arith.addi %select_n3A_585, %while3A_619 : i32
    %while3A_621 = arith.constant 1 : i32
    scf.for %while3A_629 = %select_n3A_585 to %while3A_620 step %while3A_621  : i32 {
      %jit3A_630 = arith.constant 42 : i32
      %div3A_631 = arith.divsi %while3A_629, %jit3A_630 : i32
      %sign3A_632 = arith.constant 0 : i32
      %sign3A_633 = arith.cmpi sgt, %while3A_629, %sign3A_632 : i32
      %sign3A_634 = arith.extui %sign3A_633 : i1 to i32
      %sign3A_635 = arith.constant 0 : i32
      %sign3A_636 = arith.cmpi slt, %while3A_629, %sign3A_635 : i32
      %sign3A_637 = arith.extui %sign3A_636 : i1 to i32
      %sign3A_638 = arith.subi %sign3A_634, %sign3A_637 : i32
      %sign3A_639 = arith.constant 0 : i32
      %sign3A_640 = arith.cmpi sgt, %jit3A_630, %sign3A_639 : i32
      %sign3A_641 = arith.extui %sign3A_640 : i1 to i32
      %sign3A_642 = arith.constant 0 : i32
      %sign3A_643 = arith.cmpi slt, %jit3A_630, %sign3A_642 : i32
      %sign3A_644 = arith.extui %sign3A_643 : i1 to i32
      %sign3A_645 = arith.subi %sign3A_641, %sign3A_644 : i32
      %ne3A_646 = arith.cmpi ne, %sign3A_638, %sign3A_645 : i32
      %rem3A_647 = arith.remsi %while3A_629, %jit3A_630 : i32
      %ne3A_648 = arith.constant 0 : i32
      %ne3A_649 = arith.cmpi ne, %rem3A_647, %ne3A_648 : i32
      %and3A_650 = arith.andi %ne3A_646, %ne3A_649 : i1
      %sub3A_651 = arith.constant 1 : i32
      %sub3A_652 = arith.subi %div3A_631, %sub3A_651 : i32
      %select_n3A_653 = arith.select %and3A_650, %sub3A_652, %div3A_631 : i32
      %mul3A_654 = arith.constant 42 : i32
      %mul3A_655 = arith.muli %select_n3A_653, %mul3A_654 : i32
      %sub3A_656 = arith.subi %while3A_629, %mul3A_655 : i32
      %add3A_657 = arith.constant 336 : i32
      %add3A_658 = arith.addi %add3A_657, %sub3A_656 : i32
      %mul3A_659 = arith.constant 384 : i32
      %mul3A_660 = arith.muli %select_n3A_653, %mul3A_659 : i32
      %add3A_661 = arith.addi %mul3A_660, %add3A_658 : i32
      "tpu.region"() ({
        %run_scoped3A = tpu.sem_alloc : memref<!tpu.dma_semaphore, #tpu.memory_space<semaphore_mem>>
        %dma_start3A_686 = arith.constant 480 : i32
        %dma_start3A_687 = tpu.memref_slice %arg4[%dma_start3A_686] : memref<50688xf32, #tpu.memory_space<vmem>> -> memref<50176xf32, #tpu.memory_space<vmem>>
        %dma_start3A_688 = arith.constant 0 : i32
        %dma_start3A_689 = tpu.memref_slice %arg2[%add3A_661, %dma_start3A_688] : memref<768x50176xf32, #tpu.memory_space<hbm>> -> memref<1x50176xf32, #tpu.memory_space<hbm>>
        %dma_start3A_690 = tpu.memref_squeeze %dma_start3A_689 : memref<1x50176xf32, #tpu.memory_space<hbm>> -> memref<50176xf32, #tpu.memory_space<hbm>>
        %dma_start3A_691 = arith.constant 480 : i32
        %dma_start3A_692 = tpu.memref_slice %arg4[%dma_start3A_691] : memref<50688xf32, #tpu.memory_space<vmem>> -> memref<50176xf32, #tpu.memory_space<vmem>>
        %dma_start3A_693 = arith.constant 0 : i32
        %dma_start3A_694 = tpu.memref_slice %arg2[%add3A_661, %dma_start3A_693] : memref<768x50176xf32, #tpu.memory_space<hbm>> -> memref<1x50176xf32, #tpu.memory_space<hbm>>
        %dma_start3A_695 = tpu.memref_squeeze %dma_start3A_694 : memref<1x50176xf32, #tpu.memory_space<hbm>> -> memref<50176xf32, #tpu.memory_space<hbm>>
        tpu.enqueue_dma source(%dma_start3A_695 : memref<50176xf32, #tpu.memory_space<hbm>>) target(%dma_start3A_692 : memref<50176xf32, #tpu.memory_space<vmem>>) target_semaphore(%run_scoped3A : memref<!tpu.dma_semaphore, #tpu.memory_space<semaphore_mem>>)
        %dma_wait3A_696 = arith.constant 480 : i32
        %dma_wait3A_697 = tpu.memref_slice %arg4[%dma_wait3A_696] : memref<50688xf32, #tpu.memory_space<vmem>> -> memref<50176xf32, #tpu.memory_space<vmem>>
        %dma_wait3A_698 = arith.constant 0 : i32
        %dma_wait3A_699 = tpu.memref_slice %arg2[%add3A_661, %dma_wait3A_698] : memref<768x50176xf32, #tpu.memory_space<hbm>> -> memref<1x50176xf32, #tpu.memory_space<hbm>>
        %dma_wait3A_700 = tpu.memref_squeeze %dma_wait3A_699 : memref<1x50176xf32, #tpu.memory_space<hbm>> -> memref<50176xf32, #tpu.memory_space<hbm>>
        %dma_wait3A_701 = arith.constant 480 : i32
        %dma_wait3A_702 = tpu.memref_slice %arg4[%dma_wait3A_701] : memref<50688xf32, #tpu.memory_space<vmem>> -> memref<50176xf32, #tpu.memory_space<vmem>>
        %dma_wait3A_703 = arith.constant 0 : i32
        %dma_wait3A_704 = tpu.memref_slice %arg2[%add3A_661, %dma_wait3A_703] : memref<768x50176xf32, #tpu.memory_space<hbm>> -> memref<1x50176xf32, #tpu.memory_space<hbm>>
        %dma_wait3A_705 = tpu.memref_squeeze %dma_wait3A_704 : memref<1x50176xf32, #tpu.memory_space<hbm>> -> memref<50176xf32, #tpu.memory_space<hbm>>
        tpu.wait_dma2 semaphore(%run_scoped3A : memref<!tpu.dma_semaphore, #tpu.memory_space<semaphore_mem>>) src(%dma_wait3A_705 : memref<50176xf32, #tpu.memory_space<hbm>>) dst(%dma_wait3A_702 : memref<50176xf32, #tpu.memory_space<vmem>>)
        tpu.yield
      }) : () -> ()
      %dma_wait3A_662 = arith.constant 0 : i32
      %dma_wait3A_663 = tpu.memref_slice %arg3[%add3A_661, %dma_wait3A_662] : memref<768x50176xf32, #tpu.memory_space<hbm>> -> memref<1x50176xf32, #tpu.memory_space<hbm>>
      %dma_wait3A_664 = tpu.memref_squeeze %dma_wait3A_663 : memref<1x50176xf32, #tpu.memory_space<hbm>> -> memref<50176xf32, #tpu.memory_space<hbm>>
      %dma_wait3A_665 = arith.constant 0 : i32
      %dma_wait3A_666 = tpu.memref_slice %arg3[%add3A_661, %dma_wait3A_665] : memref<768x50176xf32, #tpu.memory_space<hbm>> -> memref<1x50176xf32, #tpu.memory_space<hbm>>
      %dma_wait3A_667 = tpu.memref_squeeze %dma_wait3A_666 : memref<1x50176xf32, #tpu.memory_space<hbm>> -> memref<50176xf32, #tpu.memory_space<hbm>>
      tpu.wait_dma2 semaphore(%arg6 : memref<!tpu.dma_semaphore, #tpu.memory_space<semaphore_mem>>) src(%arg5 : memref<50176xf32, #tpu.memory_space<vmem>>) dst(%dma_wait3A_667 : memref<50176xf32, #tpu.memory_space<hbm>>)
      %eq3A = arith.constant 0 : i32
      %eq3A_668 = vector.broadcast %eq3A : i32 to vector<16xi32>
      %eq3A_669 = arith.cmpi eq, %iota3A, %eq3A_668 : vector<16xi32>
      %scan3A = arith.constant 0 : i32
      %scan3A_670 = arith.constant 0 : i32
      %scan3A_671 = arith.constant 224 : i32
      %scan3A_672 = arith.addi %scan3A_670, %scan3A_671 : i32
      %scan3A_673 = arith.constant 1 : i32
      scf.for %scan3A_686 = %scan3A_670 to %scan3A_672 step %scan3A_673  : i32 {
        %mul3A_687 = arith.constant 224 : i32
        %mul3A_688 = arith.muli %scan3A_686, %mul3A_687 : i32
        %add3A_689 = arith.constant 255 : i32
        %add3A_690 = arith.addi %add3A_689, %mul3A_688 : i32
        %add3A_691 = arith.constant 0 : i32
        %add3A_692 = arith.addi %add3A_690, %add3A_691 : i32
        %get3A = arith.index_cast %add3A_692 : i32 to index
        %get3A_693 = tpu.vector_load %arg4[%get3A] {strides = array<i32>} : memref<50688xf32, #tpu.memory_space<vmem>>, vector<16xf32>,
        %get3A_694 = vector.shape_cast %get3A_693 : vector<16xf32> to vector<16xf32>
        %jit3A_695 = arith.constant 0.000000e+00 : f32
        %broadcast_in_dim3A_696 = vector.broadcast %jit3A_695 : f32 to vector<16xf32>
        %select_n3A_697 = arith.select %eq3A_669, %broadcast_in_dim3A_696, %get3A_694 : vector<16xi1>, vector<16xf32>
        %add3A_698 = arith.constant 0 : i32
        %add3A_699 = arith.addi %mul3A_688, %add3A_698 : i32
        %swap3A = arith.index_cast %add3A_699 : i32 to index
        %swap3A_700 = tpu.vector_load %arg5[%swap3A] {strides = array<i32>} : memref<50176xf32, #tpu.memory_space<vmem>>, vector<16xf32>,
        %swap3A_701 = vector.shape_cast %swap3A_700 : vector<16xf32> to vector<16xf32>
        %swap3A_702 = vector.shape_cast %select_n3A_697 : vector<16xf32> to vector<16xf32>
        tpu.vector_store %arg5[%swap3A], %swap3A_702 {strides = array<i32>} : memref<50176xf32, #tpu.memory_space<vmem>>, vector<16xf32>,
        %add3A_703 = arith.constant 255 : i32
        %add3A_704 = arith.addi %add3A_703, %mul3A_688 : i32
        %add3A_705 = arith.constant 16 : i32
        %add3A_706 = arith.addi %add3A_704, %add3A_705 : i32
        %get3A_707 = arith.index_cast %add3A_706 : i32 to index
        %get3A_708 = tpu.vector_load %arg4[%get3A_707] {strides = array<i32>} : memref<50688xf32, #tpu.memory_space<vmem>>, vector<16xf32>,
        %get3A_709 = vector.shape_cast %get3A_708 : vector<16xf32> to vector<16xf32>
        %add3A_710 = arith.constant 16 : i32
        %add3A_711 = arith.addi %mul3A_688, %add3A_710 : i32
        %swap3A_712 = arith.index_cast %add3A_711 : i32 to index
        %swap3A_713 = tpu.vector_load %arg5[%swap3A_712] {strides = array<i32>} : memref<50176xf32, #tpu.memory_space<vmem>>, vector<16xf32>,
        %swap3A_714 = vector.shape_cast %swap3A_713 : vector<16xf32> to vector<16xf32>
        %swap3A_715 = vector.shape_cast %get3A_709 : vector<16xf32> to vector<16xf32>
        tpu.vector_store %arg5[%swap3A_712], %swap3A_715 {strides = array<i32>} : memref<50176xf32, #tpu.memory_space<vmem>>, vector<16xf32>,
        %add3A_716 = arith.constant 255 : i32
        %add3A_717 = arith.addi %add3A_716, %mul3A_688 : i32
        %add3A_718 = arith.constant 32 : i32
        %add3A_719 = arith.addi %add3A_717, %add3A_718 : i32
        %get3A_720 = arith.index_cast %add3A_719 : i32 to index
        %get3A_721 = tpu.vector_load %arg4[%get3A_720] {strides = array<i32>} : memref<50688xf32, #tpu.memory_space<vmem>>, vector<16xf32>,
        %get3A_722 = vector.shape_cast %get3A_721 : vector<16xf32> to vector<16xf32>
        %add3A_723 = arith.constant 32 : i32
        %add3A_724 = arith.addi %mul3A_688, %add3A_723 : i32
        %swap3A_725 = arith.index_cast %add3A_724 : i32 to index
        %swap3A_726 = tpu.vector_load %arg5[%swap3A_725] {strides = array<i32>} : memref<50176xf32, #tpu.memory_space<vmem>>, vector<16xf32>,
        %swap3A_727 = vector.shape_cast %swap3A_726 : vector<16xf32> to vector<16xf32>
        %swap3A_728 = vector.shape_cast %get3A_722 : vector<16xf32> to vector<16xf32>
        tpu.vector_store %arg5[%swap3A_725], %swap3A_728 {strides = array<i32>} : memref<50176xf32, #tpu.memory_space<vmem>>, vector<16xf32>,
        %add3A_729 = arith.constant 255 : i32
        %add3A_730 = arith.addi %add3A_729, %mul3A_688 : i32
        %add3A_731 = arith.constant 48 : i32
        %add3A_732 = arith.addi %add3A_730, %add3A_731 : i32
        %get3A_733 = arith.index_cast %add3A_732 : i32 to index
        %get3A_734 = tpu.vector_load %arg4[%get3A_733] {strides = array<i32>} : memref<50688xf32, #tpu.memory_space<vmem>>, vector<16xf32>,
        %get3A_735 = vector.shape_cast %get3A_734 : vector<16xf32> to vector<16xf32>
        %add3A_736 = arith.constant 48 : i32
        %add3A_737 = arith.addi %mul3A_688, %add3A_736 : i32
        %swap3A_738 = arith.index_cast %add3A_737 : i32 to index
        %swap3A_739 = tpu.vector_load %arg5[%swap3A_738] {strides = array<i32>} : memref<50176xf32, #tpu.memory_space<vmem>>, vector<16xf32>,
        %swap3A_740 = vector.shape_cast %swap3A_739 : vector<16xf32> to vector<16xf32>
        %swap3A_741 = vector.shape_cast %get3A_735 : vector<16xf32> to vector<16xf32>
        tpu.vector_store %arg5[%swap3A_738], %swap3A_741 {strides = array<i32>} : memref<50176xf32, #tpu.memory_space<vmem>>, vector<16xf32>,
        %add3A_742 = arith.constant 255 : i32
        %add3A_743 = arith.addi %add3A_742, %mul3A_688 : i32
        %add3A_744 = arith.constant 64 : i32
        %add3A_745 = arith.addi %add3A_743, %add3A_744 : i32
        %get3A_746 = arith.index_cast %add3A_745 : i32 to index
        %get3A_747 = tpu.vector_load %arg4[%get3A_746] {strides = array<i32>} : memref<50688xf32, #tpu.memory_space<vmem>>, vector<16xf32>,
        %get3A_748 = vector.shape_cast %get3A_747 : vector<16xf32> to vector<16xf32>
        %add3A_749 = arith.constant 64 : i32
        %add3A_750 = arith.addi %mul3A_688, %add3A_749 : i32
        %swap3A_751 = arith.index_cast %add3A_750 : i32 to index
        %swap3A_752 = tpu.vector_load %arg5[%swap3A_751] {strides = array<i32>} : memref<50176xf32, #tpu.memory_space<vmem>>, vector<16xf32>,
        %swap3A_753 = vector.shape_cast %swap3A_752 : vector<16xf32> to vector<16xf32>
        %swap3A_754 = vector.shape_cast %get3A_748 : vector<16xf32> to vector<16xf32>
        tpu.vector_store %arg5[%swap3A_751], %swap3A_754 {strides = array<i32>} : memref<50176xf32, #tpu.memory_space<vmem>>, vector<16xf32>,
        %add3A_755 = arith.constant 255 : i32
        %add3A_756 = arith.addi %add3A_755, %mul3A_688 : i32
        %add3A_757 = arith.constant 80 : i32
        %add3A_758 = arith.addi %add3A_756, %add3A_757 : i32
        %get3A_759 = arith.index_cast %add3A_758 : i32 to index
        %get3A_760 = tpu.vector_load %arg4[%get3A_759] {strides = array<i32>} : memref<50688xf32, #tpu.memory_space<vmem>>, vector<16xf32>,
        %get3A_761 = vector.shape_cast %get3A_760 : vector<16xf32> to vector<16xf32>
        %add3A_762 = arith.constant 80 : i32
        %add3A_763 = arith.addi %mul3A_688, %add3A_762 : i32
        %swap3A_764 = arith.index_cast %add3A_763 : i32 to index
        %swap3A_765 = tpu.vector_load %arg5[%swap3A_764] {strides = array<i32>} : memref<50176xf32, #tpu.memory_space<vmem>>, vector<16xf32>,
        %swap3A_766 = vector.shape_cast %swap3A_765 : vector<16xf32> to vector<16xf32>
        %swap3A_767 = vector.shape_cast %get3A_761 : vector<16xf32> to vector<16xf32>
        tpu.vector_store %arg5[%swap3A_764], %swap3A_767 {strides = array<i32>} : memref<50176xf32, #tpu.memory_space<vmem>>, vector<16xf32>,
        %add3A_768 = arith.constant 255 : i32
        %add3A_769 = arith.addi %add3A_768, %mul3A_688 : i32
        %add3A_770 = arith.constant 96 : i32
        %add3A_771 = arith.addi %add3A_769, %add3A_770 : i32
        %get3A_772 = arith.index_cast %add3A_771 : i32 to index
        %get3A_773 = tpu.vector_load %arg4[%get3A_772] {strides = array<i32>} : memref<50688xf32, #tpu.memory_space<vmem>>, vector<16xf32>,
        %get3A_774 = vector.shape_cast %get3A_773 : vector<16xf32> to vector<16xf32>
        %add3A_775 = arith.constant 96 : i32
        %add3A_776 = arith.addi %mul3A_688, %add3A_775 : i32
        %swap3A_777 = arith.index_cast %add3A_776 : i32 to index
        %swap3A_778 = tpu.vector_load %arg5[%swap3A_777] {strides = array<i32>} : memref<50176xf32, #tpu.memory_space<vmem>>, vector<16xf32>,
        %swap3A_779 = vector.shape_cast %swap3A_778 : vector<16xf32> to vector<16xf32>
        %swap3A_780 = vector.shape_cast %get3A_774 : vector<16xf32> to vector<16xf32>
        tpu.vector_store %arg5[%swap3A_777], %swap3A_780 {strides = array<i32>} : memref<50176xf32, #tpu.memory_space<vmem>>, vector<16xf32>,
        %add3A_781 = arith.constant 255 : i32
        %add3A_782 = arith.addi %add3A_781, %mul3A_688 : i32
        %add3A_783 = arith.constant 112 : i32
        %add3A_784 = arith.addi %add3A_782, %add3A_783 : i32
        %get3A_785 = arith.index_cast %add3A_784 : i32 to index
        %get3A_786 = tpu.vector_load %arg4[%get3A_785] {strides = array<i32>} : memref<50688xf32, #tpu.memory_space<vmem>>, vector<16xf32>,
        %get3A_787 = vector.shape_cast %get3A_786 : vector<16xf32> to vector<16xf32>
        %add3A_788 = arith.constant 112 : i32
        %add3A_789 = arith.addi %mul3A_688, %add3A_788 : i32
        %swap3A_790 = arith.index_cast %add3A_789 : i32 to index
        %swap3A_791 = tpu.vector_load %arg5[%swap3A_790] {strides = array<i32>} : memref<50176xf32, #tpu.memory_space<vmem>>, vector<16xf32>,
        %swap3A_792 = vector.shape_cast %swap3A_791 : vector<16xf32> to vector<16xf32>
        %swap3A_793 = vector.shape_cast %get3A_787 : vector<16xf32> to vector<16xf32>
        tpu.vector_store %arg5[%swap3A_790], %swap3A_793 {strides = array<i32>} : memref<50176xf32, #tpu.memory_space<vmem>>, vector<16xf32>,
        %add3A_794 = arith.constant 255 : i32
        %add3A_795 = arith.addi %add3A_794, %mul3A_688 : i32
        %add3A_796 = arith.constant 128 : i32
        %add3A_797 = arith.addi %add3A_795, %add3A_796 : i32
        %get3A_798 = arith.index_cast %add3A_797 : i32 to index
        %get3A_799 = tpu.vector_load %arg4[%get3A_798] {strides = array<i32>} : memref<50688xf32, #tpu.memory_space<vmem>>, vector<16xf32>,
        %get3A_800 = vector.shape_cast %get3A_799 : vector<16xf32> to vector<16xf32>
        %add3A_801 = arith.constant 128 : i32
        %add3A_802 = arith.addi %mul3A_688, %add3A_801 : i32
        %swap3A_803 = arith.index_cast %add3A_802 : i32 to index
        %swap3A_804 = tpu.vector_load %arg5[%swap3A_803] {strides = array<i32>} : memref<50176xf32, #tpu.memory_space<vmem>>, vector<16xf32>,
        %swap3A_805 = vector.shape_cast %swap3A_804 : vector<16xf32> to vector<16xf32>
        %swap3A_806 = vector.shape_cast %get3A_800 : vector<16xf32> to vector<16xf32>
        tpu.vector_store %arg5[%swap3A_803], %swap3A_806 {strides = array<i32>} : memref<50176xf32, #tpu.memory_space<vmem>>, vector<16xf32>,
        %add3A_807 = arith.constant 255 : i32
        %add3A_808 = arith.addi %add3A_807, %mul3A_688 : i32
        %add3A_809 = arith.constant 144 : i32
        %add3A_810 = arith.addi %add3A_808, %add3A_809 : i32
        %get3A_811 = arith.index_cast %add3A_810 : i32 to index
        %get3A_812 = tpu.vector_load %arg4[%get3A_811] {strides = array<i32>} : memref<50688xf32, #tpu.memory_space<vmem>>, vector<16xf32>,
        %get3A_813 = vector.shape_cast %get3A_812 : vector<16xf32> to vector<16xf32>
        %add3A_814 = arith.constant 144 : i32
        %add3A_815 = arith.addi %mul3A_688, %add3A_814 : i32
        %swap3A_816 = arith.index_cast %add3A_815 : i32 to index
        %swap3A_817 = tpu.vector_load %arg5[%swap3A_816] {strides = array<i32>} : memref<50176xf32, #tpu.memory_space<vmem>>, vector<16xf32>,
        %swap3A_818 = vector.shape_cast %swap3A_817 : vector<16xf32> to vector<16xf32>
        %swap3A_819 = vector.shape_cast %get3A_813 : vector<16xf32> to vector<16xf32>
        tpu.vector_store %arg5[%swap3A_816], %swap3A_819 {strides = array<i32>} : memref<50176xf32, #tpu.memory_space<vmem>>, vector<16xf32>,
        %add3A_820 = arith.constant 255 : i32
        %add3A_821 = arith.addi %add3A_820, %mul3A_688 : i32
        %add3A_822 = arith.constant 160 : i32
        %add3A_823 = arith.addi %add3A_821, %add3A_822 : i32
        %get3A_824 = arith.index_cast %add3A_823 : i32 to index
        %get3A_825 = tpu.vector_load %arg4[%get3A_824] {strides = array<i32>} : memref<50688xf32, #tpu.memory_space<vmem>>, vector<16xf32>,
        %get3A_826 = vector.shape_cast %get3A_825 : vector<16xf32> to vector<16xf32>
        %add3A_827 = arith.constant 160 : i32
        %add3A_828 = arith.addi %mul3A_688, %add3A_827 : i32
        %swap3A_829 = arith.index_cast %add3A_828 : i32 to index
        %swap3A_830 = tpu.vector_load %arg5[%swap3A_829] {strides = array<i32>} : memref<50176xf32, #tpu.memory_space<vmem>>, vector<16xf32>,
        %swap3A_831 = vector.shape_cast %swap3A_830 : vector<16xf32> to vector<16xf32>
        %swap3A_832 = vector.shape_cast %get3A_826 : vector<16xf32> to vector<16xf32>
        tpu.vector_store %arg5[%swap3A_829], %swap3A_832 {strides = array<i32>} : memref<50176xf32, #tpu.memory_space<vmem>>, vector<16xf32>,
        %add3A_833 = arith.constant 255 : i32
        %add3A_834 = arith.addi %add3A_833, %mul3A_688 : i32
        %add3A_835 = arith.constant 176 : i32
        %add3A_836 = arith.addi %add3A_834, %add3A_835 : i32
        %get3A_837 = arith.index_cast %add3A_836 : i32 to index
        %get3A_838 = tpu.vector_load %arg4[%get3A_837] {strides = array<i32>} : memref<50688xf32, #tpu.memory_space<vmem>>, vector<16xf32>,
        %get3A_839 = vector.shape_cast %get3A_838 : vector<16xf32> to vector<16xf32>
        %add3A_840 = arith.constant 176 : i32
        %add3A_841 = arith.addi %mul3A_688, %add3A_840 : i32
        %swap3A_842 = arith.index_cast %add3A_841 : i32 to index
        %swap3A_843 = tpu.vector_load %arg5[%swap3A_842] {strides = array<i32>} : memref<50176xf32, #tpu.memory_space<vmem>>, vector<16xf32>,
        %swap3A_844 = vector.shape_cast %swap3A_843 : vector<16xf32> to vector<16xf32>
        %swap3A_845 = vector.shape_cast %get3A_839 : vector<16xf32> to vector<16xf32>
        tpu.vector_store %arg5[%swap3A_842], %swap3A_845 {strides = array<i32>} : memref<50176xf32, #tpu.memory_space<vmem>>, vector<16xf32>,
        %add3A_846 = arith.constant 255 : i32
        %add3A_847 = arith.addi %add3A_846, %mul3A_688 : i32
        %add3A_848 = arith.constant 192 : i32
        %add3A_849 = arith.addi %add3A_847, %add3A_848 : i32
        %get3A_850 = arith.index_cast %add3A_849 : i32 to index
        %get3A_851 = tpu.vector_load %arg4[%get3A_850] {strides = array<i32>} : memref<50688xf32, #tpu.memory_space<vmem>>, vector<16xf32>,
        %get3A_852 = vector.shape_cast %get3A_851 : vector<16xf32> to vector<16xf32>
        %add3A_853 = arith.constant 192 : i32
        %add3A_854 = arith.addi %mul3A_688, %add3A_853 : i32
        %swap3A_855 = arith.index_cast %add3A_854 : i32 to index
        %swap3A_856 = tpu.vector_load %arg5[%swap3A_855] {strides = array<i32>} : memref<50176xf32, #tpu.memory_space<vmem>>, vector<16xf32>,
        %swap3A_857 = vector.shape_cast %swap3A_856 : vector<16xf32> to vector<16xf32>
        %swap3A_858 = vector.shape_cast %get3A_852 : vector<16xf32> to vector<16xf32>
        tpu.vector_store %arg5[%swap3A_855], %swap3A_858 {strides = array<i32>} : memref<50176xf32, #tpu.memory_space<vmem>>, vector<16xf32>,
        %add3A_859 = arith.constant 255 : i32
        %add3A_860 = arith.addi %add3A_859, %mul3A_688 : i32
        %add3A_861 = arith.constant 208 : i32
        %add3A_862 = arith.addi %add3A_860, %add3A_861 : i32
        %get3A_863 = arith.index_cast %add3A_862 : i32 to index
        %get3A_864 = tpu.vector_load %arg4[%get3A_863] {strides = array<i32>} : memref<50688xf32, #tpu.memory_space<vmem>>, vector<16xf32>,
        %get3A_865 = vector.shape_cast %get3A_864 : vector<16xf32> to vector<16xf32>
        %add3A_866 = arith.constant 208 : i32
        %add3A_867 = arith.addi %mul3A_688, %add3A_866 : i32
        %swap3A_868 = arith.index_cast %add3A_867 : i32 to index
        %swap3A_869 = tpu.vector_load %arg5[%swap3A_868] {strides = array<i32>} : memref<50176xf32, #tpu.memory_space<vmem>>, vector<16xf32>,
        %swap3A_870 = vector.shape_cast %swap3A_869 : vector<16xf32> to vector<16xf32>
        %swap3A_871 = vector.shape_cast %get3A_865 : vector<16xf32> to vector<16xf32>
        tpu.vector_store %arg5[%swap3A_868], %swap3A_871 {strides = array<i32>} : memref<50176xf32, #tpu.memory_space<vmem>>, vector<16xf32>,
      }
      %scan3A_674 = arith.constant 224 : i32
      %scan3A_675 = arith.constant 0 : i32
      %scan3A_676 = arith.constant 0 : i32
      %scan3A_677 = arith.constant 14 : i32
      %scan3A_678 = arith.addi %scan3A_676, %scan3A_677 : i32
      %scan3A_679 = arith.constant 1 : i32
      scf.for %scan3A_686 = %scan3A_676 to %scan3A_678 step %scan3A_679  : i32 {
        %mul3A_687 = arith.constant 16 : i32
        %mul3A_688 = arith.muli %scan3A_686, %mul3A_687 : i32
        %add3A_689 = arith.constant 0 : i32
        %add3A_690 = arith.addi %add3A_689, %mul3A_688 : i32
        %swap3A = arith.index_cast %add3A_690 : i32 to index
        %swap3A_691 = tpu.vector_load %arg5[%swap3A] {strides = array<i32>} : memref<50176xf32, #tpu.memory_space<vmem>>, vector<16xf32>,
        %swap3A_692 = vector.shape_cast %swap3A_691 : vector<16xf32> to vector<16xf32>
        %swap3A_693 = vector.shape_cast %broadcast_in_dim3A_1 : vector<16xf32> to vector<16xf32>
        tpu.vector_store %arg5[%swap3A], %swap3A_693 {strides = array<i32>} : memref<50176xf32, #tpu.memory_space<vmem>>, vector<16xf32>,
      }
      %scan3A_680 = arith.constant 14 : i32
      %dma_start3A = arith.constant 0 : i32
      %dma_start3A_681 = tpu.memref_slice %arg3[%add3A_661, %dma_start3A] : memref<768x50176xf32, #tpu.memory_space<hbm>> -> memref<1x50176xf32, #tpu.memory_space<hbm>>
      %dma_start3A_682 = tpu.memref_squeeze %dma_start3A_681 : memref<1x50176xf32, #tpu.memory_space<hbm>> -> memref<50176xf32, #tpu.memory_space<hbm>>
      %dma_start3A_683 = arith.constant 0 : i32
      %dma_start3A_684 = tpu.memref_slice %arg3[%add3A_661, %dma_start3A_683] : memref<768x50176xf32, #tpu.memory_space<hbm>> -> memref<1x50176xf32, #tpu.memory_space<hbm>>
      %dma_start3A_685 = tpu.memref_squeeze %dma_start3A_684 : memref<1x50176xf32, #tpu.memory_space<hbm>> -> memref<50176xf32, #tpu.memory_space<hbm>>
      tpu.enqueue_dma source(%arg5 : memref<50176xf32, #tpu.memory_space<vmem>>) target(%dma_start3A_685 : memref<50176xf32, #tpu.memory_space<hbm>>) target_semaphore(%arg6 : memref<!tpu.dma_semaphore, #tpu.memory_space<semaphore_mem>>)
    }
    %while3A_622 = arith.constant 1 : i32
    scf.for %while3A_629 = %while3A_620 to %while3A_616 step %while3A_622  : i32 {
      %jit3A_630 = arith.constant 42 : i32
      %div3A_631 = arith.divsi %while3A_629, %jit3A_630 : i32
      %sign3A_632 = arith.constant 0 : i32
      %sign3A_633 = arith.cmpi sgt, %while3A_629, %sign3A_632 : i32
      %sign3A_634 = arith.extui %sign3A_633 : i1 to i32
      %sign3A_635 = arith.constant 0 : i32
      %sign3A_636 = arith.cmpi slt, %while3A_629, %sign3A_635 : i32
      %sign3A_637 = arith.extui %sign3A_636 : i1 to i32
      %sign3A_638 = arith.subi %sign3A_634, %sign3A_637 : i32
      %sign3A_639 = arith.constant 0 : i32
      %sign3A_640 = arith.cmpi sgt, %jit3A_630, %sign3A_639 : i32
      %sign3A_641 = arith.extui %sign3A_640 : i1 to i32
      %sign3A_642 = arith.constant 0 : i32
      %sign3A_643 = arith.cmpi slt, %jit3A_630, %sign3A_642 : i32
      %sign3A_644 = arith.extui %sign3A_643 : i1 to i32
      %sign3A_645 = arith.subi %sign3A_641, %sign3A_644 : i32
      %ne3A_646 = arith.cmpi ne, %sign3A_638, %sign3A_645 : i32
      %rem3A_647 = arith.remsi %while3A_629, %jit3A_630 : i32
      %ne3A_648 = arith.constant 0 : i32
      %ne3A_649 = arith.cmpi ne, %rem3A_647, %ne3A_648 : i32
      %and3A_650 = arith.andi %ne3A_646, %ne3A_649 : i1
      %sub3A_651 = arith.constant 1 : i32
      %sub3A_652 = arith.subi %div3A_631, %sub3A_651 : i32
      %select_n3A_653 = arith.select %and3A_650, %sub3A_652, %div3A_631 : i32
      %mul3A_654 = arith.constant 42 : i32
      %mul3A_655 = arith.muli %select_n3A_653, %mul3A_654 : i32
      %sub3A_656 = arith.subi %while3A_629, %mul3A_655 : i32
      %add3A_657 = arith.constant 336 : i32
      %add3A_658 = arith.addi %add3A_657, %sub3A_656 : i32
      %mul3A_659 = arith.constant 384 : i32
      %mul3A_660 = arith.muli %select_n3A_653, %mul3A_659 : i32
      %add3A_661 = arith.addi %mul3A_660, %add3A_658 : i32
      "tpu.region"() ({
        %run_scoped3A = tpu.sem_alloc : memref<!tpu.dma_semaphore, #tpu.memory_space<semaphore_mem>>
        %dma_start3A_686 = arith.constant 480 : i32
        %dma_start3A_687 = tpu.memref_slice %arg4[%dma_start3A_686] : memref<50688xf32, #tpu.memory_space<vmem>> -> memref<50176xf32, #tpu.memory_space<vmem>>
        %dma_start3A_688 = arith.constant 0 : i32
        %dma_start3A_689 = tpu.memref_slice %arg2[%add3A_661, %dma_start3A_688] : memref<768x50176xf32, #tpu.memory_space<hbm>> -> memref<1x50176xf32, #tpu.memory_space<hbm>>
        %dma_start3A_690 = tpu.memref_squeeze %dma_start3A_689 : memref<1x50176xf32, #tpu.memory_space<hbm>> -> memref<50176xf32, #tpu.memory_space<hbm>>
        %dma_start3A_691 = arith.constant 480 : i32
        %dma_start3A_692 = tpu.memref_slice %arg4[%dma_start3A_691] : memref<50688xf32, #tpu.memory_space<vmem>> -> memref<50176xf32, #tpu.memory_space<vmem>>
        %dma_start3A_693 = arith.constant 0 : i32
        %dma_start3A_694 = tpu.memref_slice %arg2[%add3A_661, %dma_start3A_693] : memref<768x50176xf32, #tpu.memory_space<hbm>> -> memref<1x50176xf32, #tpu.memory_space<hbm>>
        %dma_start3A_695 = tpu.memref_squeeze %dma_start3A_694 : memref<1x50176xf32, #tpu.memory_space<hbm>> -> memref<50176xf32, #tpu.memory_space<hbm>>
        tpu.enqueue_dma source(%dma_start3A_695 : memref<50176xf32, #tpu.memory_space<hbm>>) target(%dma_start3A_692 : memref<50176xf32, #tpu.memory_space<vmem>>) target_semaphore(%run_scoped3A : memref<!tpu.dma_semaphore, #tpu.memory_space<semaphore_mem>>)
        %dma_wait3A_696 = arith.constant 480 : i32
        %dma_wait3A_697 = tpu.memref_slice %arg4[%dma_wait3A_696] : memref<50688xf32, #tpu.memory_space<vmem>> -> memref<50176xf32, #tpu.memory_space<vmem>>
        %dma_wait3A_698 = arith.constant 0 : i32
        %dma_wait3A_699 = tpu.memref_slice %arg2[%add3A_661, %dma_wait3A_698] : memref<768x50176xf32, #tpu.memory_space<hbm>> -> memref<1x50176xf32, #tpu.memory_space<hbm>>
        %dma_wait3A_700 = tpu.memref_squeeze %dma_wait3A_699 : memref<1x50176xf32, #tpu.memory_space<hbm>> -> memref<50176xf32, #tpu.memory_space<hbm>>
        %dma_wait3A_701 = arith.constant 480 : i32
        %dma_wait3A_702 = tpu.memref_slice %arg4[%dma_wait3A_701] : memref<50688xf32, #tpu.memory_space<vmem>> -> memref<50176xf32, #tpu.memory_space<vmem>>
        %dma_wait3A_703 = arith.constant 0 : i32
        %dma_wait3A_704 = tpu.memref_slice %arg2[%add3A_661, %dma_wait3A_703] : memref<768x50176xf32, #tpu.memory_space<hbm>> -> memref<1x50176xf32, #tpu.memory_space<hbm>>
        %dma_wait3A_705 = tpu.memref_squeeze %dma_wait3A_704 : memref<1x50176xf32, #tpu.memory_space<hbm>> -> memref<50176xf32, #tpu.memory_space<hbm>>
        tpu.wait_dma2 semaphore(%run_scoped3A : memref<!tpu.dma_semaphore, #tpu.memory_space<semaphore_mem>>) src(%dma_wait3A_705 : memref<50176xf32, #tpu.memory_space<hbm>>) dst(%dma_wait3A_702 : memref<50176xf32, #tpu.memory_space<vmem>>)
        tpu.yield
      }) : () -> ()
      %dma_wait3A_662 = arith.constant 0 : i32
      %dma_wait3A_663 = tpu.memref_slice %arg3[%add3A_661, %dma_wait3A_662] : memref<768x50176xf32, #tpu.memory_space<hbm>> -> memref<1x50176xf32, #tpu.memory_space<hbm>>
      %dma_wait3A_664 = tpu.memref_squeeze %dma_wait3A_663 : memref<1x50176xf32, #tpu.memory_space<hbm>> -> memref<50176xf32, #tpu.memory_space<hbm>>
      %dma_wait3A_665 = arith.constant 0 : i32
      %dma_wait3A_666 = tpu.memref_slice %arg3[%add3A_661, %dma_wait3A_665] : memref<768x50176xf32, #tpu.memory_space<hbm>> -> memref<1x50176xf32, #tpu.memory_space<hbm>>
      %dma_wait3A_667 = tpu.memref_squeeze %dma_wait3A_666 : memref<1x50176xf32, #tpu.memory_space<hbm>> -> memref<50176xf32, #tpu.memory_space<hbm>>
      tpu.wait_dma2 semaphore(%arg6 : memref<!tpu.dma_semaphore, #tpu.memory_space<semaphore_mem>>) src(%arg5 : memref<50176xf32, #tpu.memory_space<vmem>>) dst(%dma_wait3A_667 : memref<50176xf32, #tpu.memory_space<hbm>>)
      %eq3A = arith.constant 0 : i32
      %eq3A_668 = vector.broadcast %eq3A : i32 to vector<16xi32>
      %eq3A_669 = arith.cmpi eq, %iota3A, %eq3A_668 : vector<16xi32>
      %scan3A = arith.constant 0 : i32
      %scan3A_670 = arith.constant 0 : i32
      %scan3A_671 = arith.constant 224 : i32
      %scan3A_672 = arith.addi %scan3A_670, %scan3A_671 : i32
      %scan3A_673 = arith.constant 1 : i32
      scf.for %scan3A_686 = %scan3A_670 to %scan3A_672 step %scan3A_673  : i32 {
        %mul3A_687 = arith.constant 224 : i32
        %mul3A_688 = arith.muli %scan3A_686, %mul3A_687 : i32
        %add3A_689 = arith.constant 255 : i32
        %add3A_690 = arith.addi %add3A_689, %mul3A_688 : i32
        %add3A_691 = arith.constant 0 : i32
        %add3A_692 = arith.addi %add3A_690, %add3A_691 : i32
        %get3A = arith.index_cast %add3A_692 : i32 to index
        %get3A_693 = tpu.vector_load %arg4[%get3A] {strides = array<i32>} : memref<50688xf32, #tpu.memory_space<vmem>>, vector<16xf32>,
        %get3A_694 = vector.shape_cast %get3A_693 : vector<16xf32> to vector<16xf32>
        %jit3A_695 = arith.constant 0.000000e+00 : f32
        %broadcast_in_dim3A_696 = vector.broadcast %jit3A_695 : f32 to vector<16xf32>
        %select_n3A_697 = arith.select %eq3A_669, %broadcast_in_dim3A_696, %get3A_694 : vector<16xi1>, vector<16xf32>
        %add3A_698 = arith.constant 0 : i32
        %add3A_699 = arith.addi %mul3A_688, %add3A_698 : i32
        %swap3A = arith.index_cast %add3A_699 : i32 to index
        %swap3A_700 = tpu.vector_load %arg5[%swap3A] {strides = array<i32>} : memref<50176xf32, #tpu.memory_space<vmem>>, vector<16xf32>,
        %swap3A_701 = vector.shape_cast %swap3A_700 : vector<16xf32> to vector<16xf32>
        %swap3A_702 = vector.shape_cast %select_n3A_697 : vector<16xf32> to vector<16xf32>
        tpu.vector_store %arg5[%swap3A], %swap3A_702 {strides = array<i32>} : memref<50176xf32, #tpu.memory_space<vmem>>, vector<16xf32>,
        %add3A_703 = arith.constant 255 : i32
        %add3A_704 = arith.addi %add3A_703, %mul3A_688 : i32
        %add3A_705 = arith.constant 16 : i32
        %add3A_706 = arith.addi %add3A_704, %add3A_705 : i32
        %get3A_707 = arith.index_cast %add3A_706 : i32 to index
        %get3A_708 = tpu.vector_load %arg4[%get3A_707] {strides = array<i32>} : memref<50688xf32, #tpu.memory_space<vmem>>, vector<16xf32>,
        %get3A_709 = vector.shape_cast %get3A_708 : vector<16xf32> to vector<16xf32>
        %add3A_710 = arith.constant 16 : i32
        %add3A_711 = arith.addi %mul3A_688, %add3A_710 : i32
        %swap3A_712 = arith.index_cast %add3A_711 : i32 to index
        %swap3A_713 = tpu.vector_load %arg5[%swap3A_712] {strides = array<i32>} : memref<50176xf32, #tpu.memory_space<vmem>>, vector<16xf32>,
        %swap3A_714 = vector.shape_cast %swap3A_713 : vector<16xf32> to vector<16xf32>
        %swap3A_715 = vector.shape_cast %get3A_709 : vector<16xf32> to vector<16xf32>
        tpu.vector_store %arg5[%swap3A_712], %swap3A_715 {strides = array<i32>} : memref<50176xf32, #tpu.memory_space<vmem>>, vector<16xf32>,
        %add3A_716 = arith.constant 255 : i32
        %add3A_717 = arith.addi %add3A_716, %mul3A_688 : i32
        %add3A_718 = arith.constant 32 : i32
        %add3A_719 = arith.addi %add3A_717, %add3A_718 : i32
        %get3A_720 = arith.index_cast %add3A_719 : i32 to index
        %get3A_721 = tpu.vector_load %arg4[%get3A_720] {strides = array<i32>} : memref<50688xf32, #tpu.memory_space<vmem>>, vector<16xf32>,
        %get3A_722 = vector.shape_cast %get3A_721 : vector<16xf32> to vector<16xf32>
        %add3A_723 = arith.constant 32 : i32
        %add3A_724 = arith.addi %mul3A_688, %add3A_723 : i32
        %swap3A_725 = arith.index_cast %add3A_724 : i32 to index
        %swap3A_726 = tpu.vector_load %arg5[%swap3A_725] {strides = array<i32>} : memref<50176xf32, #tpu.memory_space<vmem>>, vector<16xf32>,
        %swap3A_727 = vector.shape_cast %swap3A_726 : vector<16xf32> to vector<16xf32>
        %swap3A_728 = vector.shape_cast %get3A_722 : vector<16xf32> to vector<16xf32>
        tpu.vector_store %arg5[%swap3A_725], %swap3A_728 {strides = array<i32>} : memref<50176xf32, #tpu.memory_space<vmem>>, vector<16xf32>,
        %add3A_729 = arith.constant 255 : i32
        %add3A_730 = arith.addi %add3A_729, %mul3A_688 : i32
        %add3A_731 = arith.constant 48 : i32
        %add3A_732 = arith.addi %add3A_730, %add3A_731 : i32
        %get3A_733 = arith.index_cast %add3A_732 : i32 to index
        %get3A_734 = tpu.vector_load %arg4[%get3A_733] {strides = array<i32>} : memref<50688xf32, #tpu.memory_space<vmem>>, vector<16xf32>,
        %get3A_735 = vector.shape_cast %get3A_734 : vector<16xf32> to vector<16xf32>
        %add3A_736 = arith.constant 48 : i32
        %add3A_737 = arith.addi %mul3A_688, %add3A_736 : i32
        %swap3A_738 = arith.index_cast %add3A_737 : i32 to index
        %swap3A_739 = tpu.vector_load %arg5[%swap3A_738] {strides = array<i32>} : memref<50176xf32, #tpu.memory_space<vmem>>, vector<16xf32>,
        %swap3A_740 = vector.shape_cast %swap3A_739 : vector<16xf32> to vector<16xf32>
        %swap3A_741 = vector.shape_cast %get3A_735 : vector<16xf32> to vector<16xf32>
        tpu.vector_store %arg5[%swap3A_738], %swap3A_741 {strides = array<i32>} : memref<50176xf32, #tpu.memory_space<vmem>>, vector<16xf32>,
        %add3A_742 = arith.constant 255 : i32
        %add3A_743 = arith.addi %add3A_742, %mul3A_688 : i32
        %add3A_744 = arith.constant 64 : i32
        %add3A_745 = arith.addi %add3A_743, %add3A_744 : i32
        %get3A_746 = arith.index_cast %add3A_745 : i32 to index
        %get3A_747 = tpu.vector_load %arg4[%get3A_746] {strides = array<i32>} : memref<50688xf32, #tpu.memory_space<vmem>>, vector<16xf32>,
        %get3A_748 = vector.shape_cast %get3A_747 : vector<16xf32> to vector<16xf32>
        %add3A_749 = arith.constant 64 : i32
        %add3A_750 = arith.addi %mul3A_688, %add3A_749 : i32
        %swap3A_751 = arith.index_cast %add3A_750 : i32 to index
        %swap3A_752 = tpu.vector_load %arg5[%swap3A_751] {strides = array<i32>} : memref<50176xf32, #tpu.memory_space<vmem>>, vector<16xf32>,
        %swap3A_753 = vector.shape_cast %swap3A_752 : vector<16xf32> to vector<16xf32>
        %swap3A_754 = vector.shape_cast %get3A_748 : vector<16xf32> to vector<16xf32>
        tpu.vector_store %arg5[%swap3A_751], %swap3A_754 {strides = array<i32>} : memref<50176xf32, #tpu.memory_space<vmem>>, vector<16xf32>,
        %add3A_755 = arith.constant 255 : i32
        %add3A_756 = arith.addi %add3A_755, %mul3A_688 : i32
        %add3A_757 = arith.constant 80 : i32
        %add3A_758 = arith.addi %add3A_756, %add3A_757 : i32
        %get3A_759 = arith.index_cast %add3A_758 : i32 to index
        %get3A_760 = tpu.vector_load %arg4[%get3A_759] {strides = array<i32>} : memref<50688xf32, #tpu.memory_space<vmem>>, vector<16xf32>,
        %get3A_761 = vector.shape_cast %get3A_760 : vector<16xf32> to vector<16xf32>
        %add3A_762 = arith.constant 80 : i32
        %add3A_763 = arith.addi %mul3A_688, %add3A_762 : i32
        %swap3A_764 = arith.index_cast %add3A_763 : i32 to index
        %swap3A_765 = tpu.vector_load %arg5[%swap3A_764] {strides = array<i32>} : memref<50176xf32, #tpu.memory_space<vmem>>, vector<16xf32>,
        %swap3A_766 = vector.shape_cast %swap3A_765 : vector<16xf32> to vector<16xf32>
        %swap3A_767 = vector.shape_cast %get3A_761 : vector<16xf32> to vector<16xf32>
        tpu.vector_store %arg5[%swap3A_764], %swap3A_767 {strides = array<i32>} : memref<50176xf32, #tpu.memory_space<vmem>>, vector<16xf32>,
        %add3A_768 = arith.constant 255 : i32
        %add3A_769 = arith.addi %add3A_768, %mul3A_688 : i32
        %add3A_770 = arith.constant 96 : i32
        %add3A_771 = arith.addi %add3A_769, %add3A_770 : i32
        %get3A_772 = arith.index_cast %add3A_771 : i32 to index
        %get3A_773 = tpu.vector_load %arg4[%get3A_772] {strides = array<i32>} : memref<50688xf32, #tpu.memory_space<vmem>>, vector<16xf32>,
        %get3A_774 = vector.shape_cast %get3A_773 : vector<16xf32> to vector<16xf32>
        %add3A_775 = arith.constant 96 : i32
        %add3A_776 = arith.addi %mul3A_688, %add3A_775 : i32
        %swap3A_777 = arith.index_cast %add3A_776 : i32 to index
        %swap3A_778 = tpu.vector_load %arg5[%swap3A_777] {strides = array<i32>} : memref<50176xf32, #tpu.memory_space<vmem>>, vector<16xf32>,
        %swap3A_779 = vector.shape_cast %swap3A_778 : vector<16xf32> to vector<16xf32>
        %swap3A_780 = vector.shape_cast %get3A_774 : vector<16xf32> to vector<16xf32>
        tpu.vector_store %arg5[%swap3A_777], %swap3A_780 {strides = array<i32>} : memref<50176xf32, #tpu.memory_space<vmem>>, vector<16xf32>,
        %add3A_781 = arith.constant 255 : i32
        %add3A_782 = arith.addi %add3A_781, %mul3A_688 : i32
        %add3A_783 = arith.constant 112 : i32
        %add3A_784 = arith.addi %add3A_782, %add3A_783 : i32
        %get3A_785 = arith.index_cast %add3A_784 : i32 to index
        %get3A_786 = tpu.vector_load %arg4[%get3A_785] {strides = array<i32>} : memref<50688xf32, #tpu.memory_space<vmem>>, vector<16xf32>,
        %get3A_787 = vector.shape_cast %get3A_786 : vector<16xf32> to vector<16xf32>
        %add3A_788 = arith.constant 112 : i32
        %add3A_789 = arith.addi %mul3A_688, %add3A_788 : i32
        %swap3A_790 = arith.index_cast %add3A_789 : i32 to index
        %swap3A_791 = tpu.vector_load %arg5[%swap3A_790] {strides = array<i32>} : memref<50176xf32, #tpu.memory_space<vmem>>, vector<16xf32>,
        %swap3A_792 = vector.shape_cast %swap3A_791 : vector<16xf32> to vector<16xf32>
        %swap3A_793 = vector.shape_cast %get3A_787 : vector<16xf32> to vector<16xf32>
        tpu.vector_store %arg5[%swap3A_790], %swap3A_793 {strides = array<i32>} : memref<50176xf32, #tpu.memory_space<vmem>>, vector<16xf32>,
        %add3A_794 = arith.constant 255 : i32
        %add3A_795 = arith.addi %add3A_794, %mul3A_688 : i32
        %add3A_796 = arith.constant 128 : i32
        %add3A_797 = arith.addi %add3A_795, %add3A_796 : i32
        %get3A_798 = arith.index_cast %add3A_797 : i32 to index
        %get3A_799 = tpu.vector_load %arg4[%get3A_798] {strides = array<i32>} : memref<50688xf32, #tpu.memory_space<vmem>>, vector<16xf32>,
        %get3A_800 = vector.shape_cast %get3A_799 : vector<16xf32> to vector<16xf32>
        %add3A_801 = arith.constant 128 : i32
        %add3A_802 = arith.addi %mul3A_688, %add3A_801 : i32
        %swap3A_803 = arith.index_cast %add3A_802 : i32 to index
        %swap3A_804 = tpu.vector_load %arg5[%swap3A_803] {strides = array<i32>} : memref<50176xf32, #tpu.memory_space<vmem>>, vector<16xf32>,
        %swap3A_805 = vector.shape_cast %swap3A_804 : vector<16xf32> to vector<16xf32>
        %swap3A_806 = vector.shape_cast %get3A_800 : vector<16xf32> to vector<16xf32>
        tpu.vector_store %arg5[%swap3A_803], %swap3A_806 {strides = array<i32>} : memref<50176xf32, #tpu.memory_space<vmem>>, vector<16xf32>,
        %add3A_807 = arith.constant 255 : i32
        %add3A_808 = arith.addi %add3A_807, %mul3A_688 : i32
        %add3A_809 = arith.constant 144 : i32
        %add3A_810 = arith.addi %add3A_808, %add3A_809 : i32
        %get3A_811 = arith.index_cast %add3A_810 : i32 to index
        %get3A_812 = tpu.vector_load %arg4[%get3A_811] {strides = array<i32>} : memref<50688xf32, #tpu.memory_space<vmem>>, vector<16xf32>,
        %get3A_813 = vector.shape_cast %get3A_812 : vector<16xf32> to vector<16xf32>
        %add3A_814 = arith.constant 144 : i32
        %add3A_815 = arith.addi %mul3A_688, %add3A_814 : i32
        %swap3A_816 = arith.index_cast %add3A_815 : i32 to index
        %swap3A_817 = tpu.vector_load %arg5[%swap3A_816] {strides = array<i32>} : memref<50176xf32, #tpu.memory_space<vmem>>, vector<16xf32>,
        %swap3A_818 = vector.shape_cast %swap3A_817 : vector<16xf32> to vector<16xf32>
        %swap3A_819 = vector.shape_cast %get3A_813 : vector<16xf32> to vector<16xf32>
        tpu.vector_store %arg5[%swap3A_816], %swap3A_819 {strides = array<i32>} : memref<50176xf32, #tpu.memory_space<vmem>>, vector<16xf32>,
        %add3A_820 = arith.constant 255 : i32
        %add3A_821 = arith.addi %add3A_820, %mul3A_688 : i32
        %add3A_822 = arith.constant 160 : i32
        %add3A_823 = arith.addi %add3A_821, %add3A_822 : i32
        %get3A_824 = arith.index_cast %add3A_823 : i32 to index
        %get3A_825 = tpu.vector_load %arg4[%get3A_824] {strides = array<i32>} : memref<50688xf32, #tpu.memory_space<vmem>>, vector<16xf32>,
        %get3A_826 = vector.shape_cast %get3A_825 : vector<16xf32> to vector<16xf32>
        %add3A_827 = arith.constant 160 : i32
        %add3A_828 = arith.addi %mul3A_688, %add3A_827 : i32
        %swap3A_829 = arith.index_cast %add3A_828 : i32 to index
        %swap3A_830 = tpu.vector_load %arg5[%swap3A_829] {strides = array<i32>} : memref<50176xf32, #tpu.memory_space<vmem>>, vector<16xf32>,
        %swap3A_831 = vector.shape_cast %swap3A_830 : vector<16xf32> to vector<16xf32>
        %swap3A_832 = vector.shape_cast %get3A_826 : vector<16xf32> to vector<16xf32>
        tpu.vector_store %arg5[%swap3A_829], %swap3A_832 {strides = array<i32>} : memref<50176xf32, #tpu.memory_space<vmem>>, vector<16xf32>,
        %add3A_833 = arith.constant 255 : i32
        %add3A_834 = arith.addi %add3A_833, %mul3A_688 : i32
        %add3A_835 = arith.constant 176 : i32
        %add3A_836 = arith.addi %add3A_834, %add3A_835 : i32
        %get3A_837 = arith.index_cast %add3A_836 : i32 to index
        %get3A_838 = tpu.vector_load %arg4[%get3A_837] {strides = array<i32>} : memref<50688xf32, #tpu.memory_space<vmem>>, vector<16xf32>,
        %get3A_839 = vector.shape_cast %get3A_838 : vector<16xf32> to vector<16xf32>
        %add3A_840 = arith.constant 176 : i32
        %add3A_841 = arith.addi %mul3A_688, %add3A_840 : i32
        %swap3A_842 = arith.index_cast %add3A_841 : i32 to index
        %swap3A_843 = tpu.vector_load %arg5[%swap3A_842] {strides = array<i32>} : memref<50176xf32, #tpu.memory_space<vmem>>, vector<16xf32>,
        %swap3A_844 = vector.shape_cast %swap3A_843 : vector<16xf32> to vector<16xf32>
        %swap3A_845 = vector.shape_cast %get3A_839 : vector<16xf32> to vector<16xf32>
        tpu.vector_store %arg5[%swap3A_842], %swap3A_845 {strides = array<i32>} : memref<50176xf32, #tpu.memory_space<vmem>>, vector<16xf32>,
        %add3A_846 = arith.constant 255 : i32
        %add3A_847 = arith.addi %add3A_846, %mul3A_688 : i32
        %add3A_848 = arith.constant 192 : i32
        %add3A_849 = arith.addi %add3A_847, %add3A_848 : i32
        %get3A_850 = arith.index_cast %add3A_849 : i32 to index
        %get3A_851 = tpu.vector_load %arg4[%get3A_850] {strides = array<i32>} : memref<50688xf32, #tpu.memory_space<vmem>>, vector<16xf32>,
        %get3A_852 = vector.shape_cast %get3A_851 : vector<16xf32> to vector<16xf32>
        %add3A_853 = arith.constant 192 : i32
        %add3A_854 = arith.addi %mul3A_688, %add3A_853 : i32
        %swap3A_855 = arith.index_cast %add3A_854 : i32 to index
        %swap3A_856 = tpu.vector_load %arg5[%swap3A_855] {strides = array<i32>} : memref<50176xf32, #tpu.memory_space<vmem>>, vector<16xf32>,
        %swap3A_857 = vector.shape_cast %swap3A_856 : vector<16xf32> to vector<16xf32>
        %swap3A_858 = vector.shape_cast %get3A_852 : vector<16xf32> to vector<16xf32>
        tpu.vector_store %arg5[%swap3A_855], %swap3A_858 {strides = array<i32>} : memref<50176xf32, #tpu.memory_space<vmem>>, vector<16xf32>,
        %add3A_859 = arith.constant 255 : i32
        %add3A_860 = arith.addi %add3A_859, %mul3A_688 : i32
        %add3A_861 = arith.constant 208 : i32
        %add3A_862 = arith.addi %add3A_860, %add3A_861 : i32
        %get3A_863 = arith.index_cast %add3A_862 : i32 to index
        %get3A_864 = tpu.vector_load %arg4[%get3A_863] {strides = array<i32>} : memref<50688xf32, #tpu.memory_space<vmem>>, vector<16xf32>,
        %get3A_865 = vector.shape_cast %get3A_864 : vector<16xf32> to vector<16xf32>
        %add3A_866 = arith.constant 208 : i32
        %add3A_867 = arith.addi %mul3A_688, %add3A_866 : i32
        %swap3A_868 = arith.index_cast %add3A_867 : i32 to index
        %swap3A_869 = tpu.vector_load %arg5[%swap3A_868] {strides = array<i32>} : memref<50176xf32, #tpu.memory_space<vmem>>, vector<16xf32>,
        %swap3A_870 = vector.shape_cast %swap3A_869 : vector<16xf32> to vector<16xf32>
        %swap3A_871 = vector.shape_cast %get3A_865 : vector<16xf32> to vector<16xf32>
        tpu.vector_store %arg5[%swap3A_868], %swap3A_871 {strides = array<i32>} : memref<50176xf32, #tpu.memory_space<vmem>>, vector<16xf32>,
      }
      %scan3A_674 = arith.constant 224 : i32
      %scan3A_675 = arith.constant 0 : i32
      %scan3A_676 = arith.constant 0 : i32
      %scan3A_677 = arith.constant 14 : i32
      %scan3A_678 = arith.addi %scan3A_676, %scan3A_677 : i32
      %scan3A_679 = arith.constant 1 : i32
      scf.for %scan3A_686 = %scan3A_676 to %scan3A_678 step %scan3A_679  : i32 {
        %mul3A_687 = arith.constant 16 : i32
        %mul3A_688 = arith.muli %scan3A_686, %mul3A_687 : i32
        %add3A_689 = arith.constant 0 : i32
        %add3A_690 = arith.addi %add3A_689, %mul3A_688 : i32
        %swap3A = arith.index_cast %add3A_690 : i32 to index
        %swap3A_691 = tpu.vector_load %arg5[%swap3A] {strides = array<i32>} : memref<50176xf32, #tpu.memory_space<vmem>>, vector<16xf32>,
        %swap3A_692 = vector.shape_cast %swap3A_691 : vector<16xf32> to vector<16xf32>
        %swap3A_693 = vector.shape_cast %broadcast_in_dim3A_1 : vector<16xf32> to vector<16xf32>
        tpu.vector_store %arg5[%swap3A], %swap3A_693 {strides = array<i32>} : memref<50176xf32, #tpu.memory_space<vmem>>, vector<16xf32>,
      }
      %scan3A_680 = arith.constant 14 : i32
      %dma_start3A = arith.constant 0 : i32
      %dma_start3A_681 = tpu.memref_slice %arg3[%add3A_661, %dma_start3A] : memref<768x50176xf32, #tpu.memory_space<hbm>> -> memref<1x50176xf32, #tpu.memory_space<hbm>>
      %dma_start3A_682 = tpu.memref_squeeze %dma_start3A_681 : memref<1x50176xf32, #tpu.memory_space<hbm>> -> memref<50176xf32, #tpu.memory_space<hbm>>
      %dma_start3A_683 = arith.constant 0 : i32
      %dma_start3A_684 = tpu.memref_slice %arg3[%add3A_661, %dma_start3A_683] : memref<768x50176xf32, #tpu.memory_space<hbm>> -> memref<1x50176xf32, #tpu.memory_space<hbm>>
      %dma_start3A_685 = tpu.memref_squeeze %dma_start3A_684 : memref<1x50176xf32, #tpu.memory_space<hbm>> -> memref<50176xf32, #tpu.memory_space<hbm>>
      tpu.enqueue_dma source(%arg5 : memref<50176xf32, #tpu.memory_space<vmem>>) target(%dma_start3A_685 : memref<50176xf32, #tpu.memory_space<hbm>>) target_semaphore(%arg6 : memref<!tpu.dma_semaphore, #tpu.memory_space<semaphore_mem>>)
    }
    %dma_wait3A = arith.constant 0 : i32
    %dma_wait3A_623 = arith.constant 0 : i32
    %dma_wait3A_624 = tpu.memref_slice %arg3[%dma_wait3A, %dma_wait3A_623] : memref<768x50176xf32, #tpu.memory_space<hbm>> -> memref<1x50176xf32, #tpu.memory_space<hbm>>
    %dma_wait3A_625 = tpu.memref_squeeze %dma_wait3A_624 : memref<1x50176xf32, #tpu.memory_space<hbm>> -> memref<50176xf32, #tpu.memory_space<hbm>>
    %dma_wait3A_626 = arith.constant 0 : i32
    %dma_wait3A_627 = tpu.memref_slice %arg3[%dma_wait3A, %dma_wait3A_626] : memref<768x50176xf32, #tpu.memory_space<hbm>> -> memref<1x50176xf32, #tpu.memory_space<hbm>>
    %dma_wait3A_628 = tpu.memref_squeeze %dma_wait3A_627 : memref<1x50176xf32, #tpu.memory_space<hbm>> -> memref<50176xf32, #tpu.memory_space<hbm>>
    tpu.wait_dma2 semaphore(%arg6 : memref<!tpu.dma_semaphore, #tpu.memory_space<semaphore_mem>>) src(%arg5 : memref<50176xf32, #tpu.memory_space<vmem>>) dst(%dma_wait3A_628 : memref<50176xf32, #tpu.memory_space<hbm>>)
    return
  }
}

</mosaic_0001>

<sc_bundles>
// kernel: kernel.3.cloned.1.call-start
scs
__scs_entry_jumppad:
0x0: {  	(pc) =	sbr.rel $0x88, $3  }
0x1: {  	(tag) =	ssettag $0x0;
	lr =	simm.s32 $0x1  }
0x2: {  	[smem:$0x3FA0] =	sst lr;
	_ =	strace $0xD0000000  }
0x3: {  	_ = 	snop  }
0x4: {  	_ = 	snop  }
0x5: {  	_ = 	snop  }
0x6: {  	_ = 	snop  }
0x7: {  	_ = 	snop  }
__scs_overlays_trampoline_lowered:
0x8: {  	[smem:$0x3FAF] =	sst s0  }
0x9: {  	[smem:$0x3FB0] =	sst s1  }
0xa: {  	[smem:$0x3FB1] =	sst s2  }
0xb: {  	[smem:$0x3FB2] =	sst s3  }
0xc: {  	[smem:$0x3FB3] =	sst s4  }
0xd: {  	[smem:$0x3FB4] =	sst s5  }
0xe: {  	[smem:$0x3FB5] =	sst s6  }
0xf: {  	[smem:$0x3FB6] =	sst s7  }
0x10: {  	[smem:$0x3FB7] =	sst s8  }
0x11: {  	[smem:$0x3FB8] =	sst s9;
	s0 =	simm.s32 @!p0 $0x0  }
0x12: {  	s1 =	sld [smem:$0x3F9E];
	s0 =	simm.s32 @p0 $0x1  }
0x13: {  	[smem:$0x3FB9] =	sst s0;
	s0 =	simm.s32 @!p1 $0x0  }
0x14: {  	s2 =	sld [smem:$0x3F9D];
	s0 =	simm.s32 @p1 $0x1  }
0x15: {  	[smem:$0x3FBA] =	sst s0;
	s0 =	simm.s32 @!p2 $0x0  }
0x16: {  	s3 =	sld [smem:$0x3FDB];
	s0 =	simm.s32 @p2 $0x1  }
0x17: {  	s4 =	simm.s32 $0x1BF5;
	[smem:$0x3FBC] =	sst s0  }
0x18: {  	s0 =	sld [smem:$0x3F9F];
	_ =	swait.ge [sflag:s4], $0x0  }
0x19: {  	s7 =	sld [smem:$0x3FA0]  }
0x1a: {  	s8 =	sadd.s32 $0xFFFFE003, lr  }
0x1b: {  	s9 =	sadd.s32 $0xFFFFFEF7, lr;
	s5 =	simm.s32 $0xFFFFFFFF;
	p2 =	slt.u32 s8, $0xFFFFF086  }
0x1c: {  	p1 =	slt.u32 s9, $0xF7A;
	s5 =	simm.s32 @!p2 $0x0  }
0x1d: {  	s5 =	simm.s32 @p1 $0x1;
	p0 =	seq.s32 s7, s2  }
0x1e: {  	s7 =	smul.u32 @!p0 $0xF7A, s2;
	p2 =	seq.s32 @!p0 s5, $0x0  }
0x1f: {  	s9 =	smul.u32 $0xF7A, s1;
	s8 =	simm.s32 @!p0 $0x1BF5;
	p2 =	por !p2, p0  }
0x20: {  	[sflag:s8] =	ssyncset.s32 @!p0 $0xFFFFF086;
	s6 =	sadd.s32 @!p0 s3, s7;
	s7 =	simm.s32 @!p0 $0x108  }
0x21: {  	s3 =	sadd.s32 s3, s9;
	s6 =	sadd.s32 @!p0 $0x88, s6;
	s7 =	simm.s32 @p2 $0x1082  }
0x22: {  	[simem:s7], [sflag:s8] =	dma.local @!p0 [hbm:s6], $0xF7A  }
0x23: {  	s9 =	sor.u32 $0xD0000000, s2;
	s6 =	simm.s32 $0x108;
	_ =	swait.ge @!p0 [sflag:s8], $0x0  }
0x24: {  	s3 =	sadd.s32 $0x88, s3;
	s6 =	simm.s32 @!p1 $0x1082;
	[sflag:s4] =	ssyncset.s32 $0xFFFFF086  }
0x25: {  	[simem:s6], [sflag:s4] =	dma.local [hbm:s3], $0xF7A  }
0x26: {  	[smem:$0x3FA0] =	sst s1;
	(tag) =	ssettag s2;
	_ =	strace s9  }
0x27: {  	s1 =	sld [smem:$0x3FB0]  }
0x28: {  	s2 =	sld [smem:$0x3FB1]  }
0x29: {  	s4 =	sld [smem:$0x3FB3]  }
0x2a: {  	p0 =	seq.s32 s5, $0x0;
	s5 =	sld [smem:$0x3FB4]  }
0x2b: {  	s6 =	sld [smem:$0x3FB5]  }
0x2c: {  	s7 =	sld [smem:$0x3FB6]  }
0x2d: {  	s3 =	simm.s32 $0x108;
	s8 =	sld [smem:$0x3FB7]  }
0x2e: {  	s3 =	simm.s32 @!p0 $0x1082;
	s9 =	sld [smem:$0x3FB8]  }
0x2f: {  	lr =	sadd.s32 s0, s3;
	s0 =	sld [smem:$0x3FAF]  }
0x30: {  	s3 =	sld [smem:$0x3FB2]  }
0x31: {  	[smem:$0x3FBB] =	sst s10  }
0x32: {  	s10 =	sld [smem:$0x3FB9];
	_ =	sdelay $0x3  }
0x33: {  	p0 =	seq.s32 s10, $0x1;
	s10 =	sld [smem:$0x3FBB];
	_ =	sdelay $0x3  }
0x34: {  	[smem:$0x3FBB] =	sst s10  }
0x35: {  	s10 =	sld [smem:$0x3FBA];
	_ =	sdelay $0x3  }
0x36: {  	p1 =	seq.s32 s10, $0x1;
	s10 =	sld [smem:$0x3FBB];
	_ =	sdelay $0x3  }
0x37: {  	[smem:$0x3FBB] =	sst s10  }
0x38: {  	s10 =	sld [smem:$0x3FBC]  }
0x39: {  	_ = 	snop;
	(pc) =	sbr.ind lr, $3  }
0x3a: {  	_ = 	snop  }
0x3b: {  	_ = 	snop  }
0x3c: {  	p2 =	seq.s32 s10, $0x1;
	s10 =	sld [smem:$0x3FBB]  }
0x3d: {  	_ =	shalt  }
0x3e: {  	_ =	shalt  }
0x3f: {  	_ =	shalt  }
0x40: {  	_ =	shalt  }
0x41: {  	_ =	shalt  }
0x42: {  	_ =	shalt  }
0x43: {  	_ =	shalt  }
0x44: {  	_ =	shalt  }
0x45: {  	_ =	shalt  }
0x46: {  	_ =	shalt  }
0x47: {  	_ =	shalt  }
0x48: {  	_ =	shalt  }
0x49: {  	_ =	shalt  }
0x4a: {  	_ =	shalt  }
0x4b: {  	_ =	shalt  }
0x4c: {  	_ =	shalt  }
0x4d: {  	_ =	shalt  }
0x4e: {  	_ =	shalt  }
0x4f: {  	_ =	shalt  }
0x50: {  	_ =	shalt  }
0x51: {  	_ =	shalt  }
0x52: {  	_ =	shalt  }
0x53: {  	_ =	shalt  }
0x54: {  	_ =	shalt  }
0x55: {  	_ =	shalt  }
0x56: {  	_ =	shalt  }
0x57: {  	_ =	shalt  }
0x58: {  	_ =	shalt  }
0x59: {  	_ =	shalt  }
0x5a: {  	_ =	shalt  }
0x5b: {  	_ =	shalt  }
0x5c: {  	_ =	shalt  }
0x5d: {  	_ =	shalt  }
0x5e: {  	_ =	shalt  }
0x5f: {  	_ =	shalt  }
0x60: {  	_ =	shalt  }
0x61: {  	_ =	shalt  }
0x62: {  	_ =	shalt  }
0x63: {  	_ =	shalt  }
0x64: {  	_ =	shalt  }
0x65: {  	_ =	shalt  }
0x66: {  	_ =	shalt  }
0x67: {  	_ =	shalt  }
0x68: {  	_ =	shalt  }
0x69: {  	_ =	shalt  }
0x6a: {  	_ =	shalt  }
0x6b: {  	_ =	shalt  }
0x6c: {  	_ =	shalt  }
0x6d: {  	_ =	shalt  }
0x6e: {  	_ =	shalt  }
0x6f: {  	_ =	shalt  }
0x70: {  	_ =	shalt  }
0x71: {  	_ =	shalt  }
0x72: {  	_ =	shalt  }
0x73: {  	_ =	shalt  }
0x74: {  	_ =	shalt  }
0x75: {  	_ =	shalt  }
0x76: {  	_ =	shalt  }
0x77: {  	_ =	shalt  }
0x78: {  	_ =	shalt  }
0x79: {  	_ =	shalt  }
0x7a: {  	_ =	shalt  }
0x7b: {  	_ =	shalt  }
0x7c: {  	_ =	shalt  }
0x7d: {  	_ =	shalt  }
0x7e: {  	_ =	shalt  }
0x7f: {  	_ =	shalt  }
0x80: {  	_ =	shalt  }
0x81: {  	_ =	shalt  }
0x82: {  	_ =	shalt  }
0x83: {  	_ =	shalt  }
0x84: {  	_ =	shalt  }
0x85: {  	_ =	shalt  }
0x86: {  	_ =	shalt  }
0x87: {  	_ =	shalt  }
.Lfunc_end0:
.L_simem_size_0:
called_computation.2_lowered:
.L_overlay_start_0:
0x88: {  	s2 =	sld [smem:$0x3FD9]  }
0x89: {  	s3 =	sld [smem:$0x3FFE];
	_ =	sdelay $0x1  }
0x8a: {  	s1 =	srdreg.scid  }
0x8b: {  	s0 =	sand.u32 $0x1, s1  }
0x8c: {  	s17 =	sshll.u32 s0, $0xA;
	s2 =	sadd.s32 s3, s2  }
0x8d: {  	s2 =	sadd.s32 s2, s17  }
0x8e: {  	[smem:$0x3FC7] =	sst s2  }
0x8f: {  	_ = 	snop  }
0x90: {  	s2 =	sld [smem:$0x3FD0];
	(tm) =	ssettm $0x1  }
0x91: {  	s18 =	sld [smem:$0x3FFB];
	_ =	sdelay $0x3  }
0x92: {  	_ =	strace s18  }
0x93: {  	s3 =	sld [smem:$0x3FFC];
	_ =	sdelay $0x3  }
0x94: {  	_ =	strace s3  }
0x95: {  	s3 =	sld [smem:$0x3FFD];
	_ =	sdelay $0x3  }
0x96: {  	_ =	strace s3  }
0x97: {  	_ =	strace $0x8FFFFFFF  }
0x98: {  	s19 =	sld [smem:$0x3FDB];
	_ =	sdelay $0x1  }
0x99: {  	s4 =	simm.s32 $_scs_section_size  }
0x9a: {  	s5 =	simm.s32 $_size__tile_overlayer_lowered;
	s6 =	simm.s32 $_tile_overlayer_lowered  }
0x9b: {  	s22 =	simm.s32 $0x1BFF;
	s21 =	sshll.u32 s6, $0x1;
	s3 =	sadd.s32 s4, s19  }
0x9c: {  	s7 =	simm.s32 $0x0;
	s20 =	sshll.u32 s5, $0x1;
	s5 =	sadd.s32 s21, s3  }
0x9d: {  	[timem:s7], [sflag:s22] =	dma.local [hbm:s5], s20  }
0x9e: {  	_ =	swait.ge [sflag:s22], s20  }
0x9f: {  	s4 =	ssub.s32 $0x0, s20;
	[sflag:s22] =	ssyncset.done $0x0  }
0xa0: {  	[sflag:s22] =	ssyncadd.s32 s4;
	_ =	sdelay $0x1  }
0xa1: {  	s23 =	simm.s32 $0x1B8B  }
0xa2: {  	_ =	swait.ge [sflag:s23], $0x1  }
0xa3: {  	[sflag:s23] =	ssyncset.done $0x0  }
0xa4: {  	s25 =	simm.s32 $0x1B8E;
	s24 =	sld [smem:$0x3FFE];
	[sflag:s23] =	ssyncadd.s32 $0xFFFFFFFF  }
0xa5: {  	s26 =	simm.s32 $execute0_lowered;
	[smem:$0x3FD2] =	sst s25  }
0xa6: {  	s5 =	sshll.u32 s26, $0x1;
	_ =	strace $0x80000049;
	[dreg:$0x1] =	wrdreg $0xFFFFFFFF  }
0xa7: {  	s28 =	simm.s32 $_size_execute0_lowered;
	s3 =	sadd.s32 s3, s5;
	[dreg:$0x0] =	wrdreg $0x0  }
0xa8: {  	s5 =	sshll.u32 s28, $0x1;
	[dreg:$0x2] =	wrdreg s3  }
0xa9: {  	[dreg:$0x3] =	wrdreg s5  }
0xaa: {  	[dreg:$0x4] =	wrdreg $0xC0  }
0xab: {  	_ =	task [dreg:s7], $0x5FFFF  }
0xac: {  	[dreg:$0x1] =	wrdreg $0xFFFFFFFF  }
0xad: {  	[dreg:$0x0] =	wrdreg $0x60  }
0xae: {  	[dreg:$0x2] =	wrdreg s2  }
0xaf: {  	[dreg:$0x3] =	wrdreg s24  }
0xb0: {  	[dreg:$0x4] =	wrdreg $0x9  }
0xb1: {  	_ =	task.clear_ibuf [dreg:s7], $0x5FFFF;
	_ =	strace $0x90000049  }
0xb2: {  	s29 =	simm.s32 $0x9;
	_ =	strace $0x8000004B  }
0xb3: {  	_ =	swait.ge [sflag:s29], $0x1  }
0xb4: {  	[sflag:s29] =	ssyncadd.s32 $0xFFFFFFFF  }
0xb5: {  	_ =	strace $0x9000004B  }
0xb6: {  	_ =	sfence  }
0xb7: {  	s30 =	sld [smem:$0x0];
	_ =	sdelay $0x2  }
0xb8: {  	s31 =	sshll.u32 s1, $0xD;
	s1 =	sshrl.u32 s1, $0x2  }
0xb9: {  	s3 =	sand.u32 $0x4000, s31;
	s1 =	sadd.s32 s1, s30  }
0xba: {  	s0 =	sor.u32 s3, s0;
	s1 =	sshll.u32 s1, $0x11  }
0xbb: {  	s0 =	sor.u32 s1, s0  }
0xbc: {  	s0 =	sadd.s32 $0x8F2B, s0  }
0xbd: {  	[sflag:s0] =	ssyncadd.remote.s32 $0x1  }
0xbe: {  	_ =	sfence.sel $0xFFFF  }
0xbf: {  	[dreg:$0x0] =	wrdreg $0xFFFFFFFF;
	(pc) =	sbr.abs _section_cstart, $3  }
0xc0: {  	[dreg:$0x1] =	wrdreg $0xFFFFFFFF  }
0xc1: {  	_ =	task.clear_ibuf [dreg:s7], $0x2FFFF;
	_ =	strace $0x9FFFFFFF  }
0xc2: {  	(tm) =	ssettm $0x7FFFFFFF  }
0xc3: {  	_ =	shalt  }
tec
execute0_lowered:
.L_overlay_start_1:
0x0: {  	(tag) =	ssettag $0x1  }
0x1: {  	s1 =	srdreg.scid;
	s2 =	rddreg [dreg:$0x0]  }
0x2: {  	s0 =	stileid.u32;
	s4 =	rddreg [dreg:$0x1];
	s3 =	simm.s32 $0x0  }
0x3: {  	s15 =	simm.s32 $0x100;
	s16 =	simm.s32 $0x2;
	s17 =	simm.s32 $0x20  }
0x4: {  	s18 =	simm.s32 $0x1E0;
	s19 =	simm.s32 $0xC600;
	s9 =	smul.u32 $0xA8, s0  }
0x5: {  	s20 =	simm.s32 $0x1;
	s6 =	sand.u32 $0x1, s1;
	s12 =	smul.u32 $0x18, s0  }
0x6: {  	s21 =	simm.s32 $0x0;
	s24 =	sshll.u32 s0, $0x1;
	s11 =	smul.u32 $0x54, s6  }
0x7: {  	s1 =	rddreg [dreg:$0x2];
	s7 =	sor.u32 s6, s24;
	s13 =	smul.u32 $0xC, s6  }
0x8: {  	[smem:$0x7FF] =	sst s3;
	s5 =	ssub.s32 $0x2, s6;
	s8 =	smul.u32 $0x54, s7  }
0x9: {  	s4 =	sadd.s32 $0xC00, s4;
	s10 =	sshrl.u32 s5, $0x1;
	s25 =	smul.u32 $0xC, s7  }
0xa: {  	_ =	strace $0x8000004A;
	s26 =	smul.u32 $0x15, s7;
	s10 =	ssub.s32 s5, s10  }
0xb: {  	s9 =	sadd.s32 s11, s9;
	s29 =	sadd.s32 s13, s12;
	s5 =	sshrl.u32 s8, $0x5  }
0xc: {  	s8 =	sadd.s32 $0x54, s8;
	s28 =	sshrl.u32 s9, $0x5;
	s30 =	sadd.s32 $0xC, s25  }
.Ltmp0:
0xd: {  	s13 =	sshrl.u32 s29, $0x5;
	s10 =	smax.u32 s10, $0x1;
	(pc) =	sbr.rel .LBB2_1-.Ltmp0, $4  }
0xe: {  	s31 =	sadd.s32 $0x15, s26;
	s6 =	sshrl.u32 s8, $0x5;
	s7 =	smul.u32 $0xC400, s28  }
0xf: {  	s8 =	sshrl.u32 s25, $0x5;
	s9 =	sshrl.u32 s30, $0x5;
	s14 =	smul.u32 $0xC400, s13  }
0x10: {  	s12 =	sshrl.u32 s31, $0x3;
	p0 =	sge.u32 s5, s6;
	s11 =	sadd.s32 $0x607800, s7  }
0x11: {  	v0 =	vimm.f32 $0.0e+00;
	v1 =	vlaneseq.u32;
	p1 =	sge.u32 s8, s9;
	s13 =	sadd.s32 $0x80A000, s7;
	s14 =	sadd.s32 $0x1216800, s14  }
.LBB2_35:
0x12: {  	s21 =	sadd.s32 $0x1, s21  }
0x13: {  	p2 =	sne.s32 s21, s10  }
.Ltmp1:
0x14: {  	_ = 	snop;
	(pc) =	sbr.rel @!p2 .LBB2_36-.Ltmp1, $4  }
0x15: {  	_ = 	snop  }
0x16: {  	_ =	swait.ge [sflag:s20], $0xC400  }
0x17: {  	[sflag:s20] =	ssyncset.done $0x0  }
0x18: {  	[sflag:s20] =	ssyncadd.s32 $0xFFFF3C00  }
.LBB2_1:
.Ltmp2:
0x19: {  	(pc) =	sbr.rel @p0 .LBB2_10-.Ltmp2, $1  }
0x1a: {  	_ =	sdelay $0x3  }
0x1b: {  	s22 =	sshrl.u32 s5, $0x1;
	s23 =	sadd.s32 $0x1, s5  }
0x1c: {  	s22 =	smulhi.u32 $0x30C30C31, s22;
	p2 =	sne.s32 s12, s23  }
.Ltmp3:
0x1d: {  	_ = 	snop;
	(pc) =	sbr.rel @!p2 .LBB2_5-.Ltmp3, $3  }
0x1e: {  	s22 =	sshrl.u32 s22, $0x2  }
0x1f: {  	s22 =	smul.u32 $0x105D800, s22;
	_ =	sdelay $0x1  }
0x20: {  	p3 =	por $0x0, $0x0;
	s26 =	sadd.s32 s22, s7  }
0x21: {  	s25 =	sshrl.u32 s26, $0x3;
	s24 =	sshrl.u32 s23, $0x1  }
0x22: {  	s26 =	sadd.s32 s2, s25;
	s31 =	smulhi.u32 $0x30C30C31, s24;
	s24 =	sadd.s32 $0x1, s23  }
0x23: {  	[tilespmem:s15], [sflag:$0x2] =	stream.linear.gather [hbm4b:s26+s3], $0xC400, $0x38;
	[tilespmem:$0x18A00] =	vst v63  }
0x24: {  	p4 =	sne.s32 s12, s24;
	_ =	swait.ge [sflag:s16], $0xC400  }
.Ltmp4:
0x25: {  	s26 =	sshrl.u32 s31, $0x2;
	[sflag:s16] =	ssyncset.done $0x0;
	(pc) =	sbr.rel @!p4 .LBB2_5-.Ltmp4, $4  }
0x26: {  	s25 =	sadd.s32 s4, s25;
	s26 =	smul.u32 $0x105D800, s26;
	[sflag:s16] =	ssyncadd.s32 $0xFFFF3C00  }
0x27: {  	[hbm4b:s25+s3] =	stream.linear.scatter [tilespmem:s15], [sflag:$0x2], $0xC400, $0x38;
	[tilespmem:$0x18A00] =	vst v63  }
0x28: {  	s25 =	sadd.s32 $0xC400, s7  }
0x29: {  	p3 =	por $0x1, $0x1;
	s26 =	sadd.s32 s26, s25;
	_ =	swait.ge [sflag:s16], $0xC400  }
.LBB2_4:
0x2a: {  	s26 =	sshrl.u32 s26, $0x3  }
0x2b: {  	[sflag:s16] =	ssyncset.done $0x0;
	s28 =	smov.u32 s24;
	s24 =	sadd.s32 $0x1, s24  }
0x2c: {  	s28 =	sshrl.u32 s28, $0x1;
	s29 =	sadd.s32 s2, s26;
	[sflag:s16] =	ssyncadd.s32 $0xFFFF3C00  }
0x2d: {  	[tilespmem:s15], [sflag:$0x2] =	stream.linear.gather [hbm4b:s29+s3], $0xC400, $0x38;
	[tilespmem:$0x18A00] =	vst v63  }
0x2e: {  	p4 =	sne.s32 s12, s24;
	s28 =	smulhi.u32 $0x30C30C31, s28;
	_ =	swait.ge [sflag:s16], $0xC400  }
.Ltmp5:
0x2f: {  	[sflag:s16] =	ssyncset.done $0x0;
	(pc) =	sbr.rel @p4 .LBB2_4-.Ltmp5, $4  }
0x30: {  	s26 =	sadd.s32 s4, s26;
	s28 =	sshrl.u32 s28, $0x2;
	[sflag:s16] =	ssyncadd.s32 $0xFFFF3C00  }
0x31: {  	s25 =	sadd.s32 $0xC400, s25;
	s28 =	smul.u32 $0x105D800, s28  }
0x32: {  	[hbm4b:s26+s3] =	stream.linear.scatter [tilespmem:s15], [sflag:$0x2], $0xC400, $0x38;
	[tilespmem:$0x18A00] =	vst v63  }
0x33: {  	s26 =	sadd.s32 s28, s25;
	_ =	swait.ge [sflag:s16], $0xC400  }
.LBB2_5:
0x34: {  	s24 =	sshrl.u32 s26, $0x3;
	[sflag:s16] =	ssyncset.done @p3 $0x0  }
0x35: {  	s25 =	sadd.s32 s2, s24;
	[sflag:s16] =	ssyncadd.s32 @p3 $0xFFFF3C00  }
0x36: {  	[tilespmem:s15], [sflag:$0x2] =	stream.linear.gather [hbm4b:s25+s3], $0xC400, $0x38;
	[tilespmem:$0x18A00] =	vst v63  }
0x37: {  	_ =	swait.ge [sflag:s16], $0xC400  }
0x38: {  	[sflag:s16] =	ssyncset.done $0x0  }
0x39: {  	s24 =	sadd.s32 s4, s24;
	[sflag:s16] =	ssyncadd.s32 $0xFFFF3C00  }
0x3a: {  	[hbm4b:s24+s3] =	stream.linear.scatter [tilespmem:s15], [sflag:$0x2], $0xC400, $0x38;
	[tilespmem:$0x18A00] =	vst v63  }
0x3b: {  	s30 =	sadd.s32 s22, s11;
	_ =	swait.ge [sflag:s16], $0xC400  }
0x3c: {  	s24 =	sshrl.u32 s30, $0x3;
	[sflag:s16] =	ssyncset.done $0x0  }
0x3d: {  	s31 =	sadd.s32 s2, s24;
	[sflag:s16] =	ssyncadd.s32 $0xFFFF3C00  }
0x3e: {  	[tilespmem:s17], [sflag:$0x2] =	stream.linear.gather [hbm4b:s31+s3], $0xC400, $0x38;
	[tilespmem:$0x18A00] =	vst v63  }
0x3f: {  	_ =	swait.ge [sflag:s16], $0xC400  }
0x40: {  	[sflag:s16] =	ssyncset.done $0x0  }
.Ltmp6:
0x41: {  	[sflag:s16] =	ssyncadd.s32 $0xFFFF3C00;
	(pc) =	sbr.rel @!p2 .LBB2_7-.Ltmp6, $4  }
0x42: {  	[tilespmem:$0xC4F0] =	vst v0  }
0x43: {  	[tilespmem:$0xC4E0] =	vst v0  }
0x44: {  	[tilespmem:$0xC4D0] =	vst v0  }
0x45: {  	s25 =	smov.u32 s11;
	[tilespmem:$0xC4C0] =	vst v0  }
.LBB2_6:
0x46: {  	[tilespmem:$0xC4B0] =	vst v0;
	s25 =	sadd.s32 $0xC400, s25;
	s26 =	smov.u32 s23;
	s23 =	sadd.s32 $0x1, s23  }
0x47: {  	p2 =	sne.s32 s12, s23;
	[tilespmem:$0xC4A0] =	vst v0  }
0x48: {  	[tilespmem:$0xC490] =	vst v0  }
0x49: {  	[tilespmem:$0xC480] =	vst v0  }
0x4a: {  	s26 =	sshrl.u32 s26, $0x1;
	[tilespmem:$0xC470] =	vst v0  }
0x4b: {  	s26 =	smulhi.u32 $0x30C30C31, s26;
	[tilespmem:$0xC460] =	vst v0  }
0x4c: {  	[tilespmem:$0xC450] =	vst v0  }
0x4d: {  	s26 =	sshrl.u32 s26, $0x2;
	[tilespmem:$0xC440] =	vst v0  }
0x4e: {  	s24 =	sadd.s32 s4, s24;
	s26 =	smul.u32 $0x105D800, s26;
	[tilespmem:$0xC420] =	vst v0  }
0x4f: {  	[tilespmem:$0xC430] =	vst v0  }
0x50: {  	[hbm4b:s24+s3] =	stream.linear.scatter [tilespmem:s15], [sflag:$0x2], $0xC400, $0x38;
	[tilespmem:$0x18A00] =	vst v63  }
0x51: {  	s24 =	sadd.s32 s26, s25;
	_ =	swait.ge [sflag:s16], $0xC400  }
0x52: {  	s24 =	sshrl.u32 s24, $0x3;
	[sflag:s16] =	ssyncset.done $0x0  }
0x53: {  	s26 =	sadd.s32 s2, s24;
	[sflag:s16] =	ssyncadd.s32 $0xFFFF3C00  }
0x54: {  	[tilespmem:s17], [sflag:$0x2] =	stream.linear.gather [hbm4b:s26+s3], $0xC400, $0x38;
	[tilespmem:$0x18A00] =	vst v63  }
0x55: {  	_ =	swait.ge [sflag:s16], $0xC400  }
0x56: {  	[sflag:s16] =	ssyncset.done $0x0  }
.Ltmp7:
0x57: {  	[sflag:s16] =	ssyncadd.s32 $0xFFFF3C00;
	(pc) =	sbr.rel @p2 .LBB2_6-.Ltmp7, $4  }
0x58: {  	[tilespmem:$0xC4F0] =	vst v0  }
0x59: {  	[tilespmem:$0xC4E0] =	vst v0  }
0x5a: {  	[tilespmem:$0xC4D0] =	vst v0  }
0x5b: {  	[tilespmem:$0xC4C0] =	vst v0  }
.LBB2_7:
0x5c: {  	[tilespmem:$0xC4B0] =	vst v0  }
0x5d: {  	[tilespmem:$0xC4A0] =	vst v0  }
0x5e: {  	[tilespmem:$0xC490] =	vst v0  }
0x5f: {  	[tilespmem:$0xC480] =	vst v0  }
0x60: {  	[tilespmem:$0xC470] =	vst v0  }
0x61: {  	[tilespmem:$0xC460] =	vst v0  }
0x62: {  	[tilespmem:$0xC450] =	vst v0  }
0x63: {  	[tilespmem:$0xC440] =	vst v0  }
0x64: {  	[tilespmem:$0xC420] =	vst v0  }
0x65: {  	s23 =	sadd.s32 s4, s24;
	[tilespmem:$0xC430] =	vst v0  }
0x66: {  	[hbm4b:s23+s3] =	stream.linear.scatter [tilespmem:s15], [sflag:$0x2], $0xC400, $0x38;
	[tilespmem:$0x18A00] =	vst v63  }
0x67: {  	s22 =	sadd.s32 s22, s13;
	_ =	swait.ge [sflag:s16], $0xC400  }
0x68: {  	s22 =	sshrl.u32 s22, $0x3;
	[sflag:s16] =	ssyncset.done $0x0  }
0x69: {  	s31 =	sadd.s32 s2, s22;
	[sflag:s16] =	ssyncadd.s32 $0xFFFF3C00  }
0x6a: {  	[tilespmem:s18], [sflag:$0x2] =	stream.linear.gather [hbm4b:s31+s3], $0xC400, $0x38;
	[tilespmem:$0x18A00] =	vst v63  }
0x6b: {  	s23 =	sadd.s32 $0x1, s5;
	_ =	swait.ge [sflag:s16], $0xC400  }
0x6c: {  	p2 =	sne.s32 s12, s23;
	[sflag:s16] =	ssyncset.done $0x0  }
.Ltmp8:
0x6d: {  	[sflag:s16] =	ssyncadd.s32 $0xFFFF3C00;
	(pc) =	sbr.rel @!p2 .LBB2_9-.Ltmp8, $4  }
0x6e: {  	[tilespmem:$0x1D0] =	vst v0  }
0x6f: {  	[tilespmem:$0x1C0] =	vst v0  }
0x70: {  	[tilespmem:$0x1B0] =	vst v0  }
0x71: {  	s24 =	smov.u32 s13;
	[tilespmem:$0x1A0] =	vst v0  }
.LBB2_8:
0x72: {  	[tilespmem:$0x190] =	vst v0;
	s24 =	sadd.s32 $0xC400, s24;
	s25 =	smov.u32 s23;
	s23 =	sadd.s32 $0x1, s23  }
0x73: {  	p2 =	sne.s32 s12, s23;
	[tilespmem:$0x180] =	vst v0  }
0x74: {  	[tilespmem:$0x170] =	vst v0  }
0x75: {  	[tilespmem:$0x160] =	vst v0  }
0x76: {  	s25 =	sshrl.u32 s25, $0x1;
	[tilespmem:$0x150] =	vst v0  }
0x77: {  	s25 =	smulhi.u32 $0x30C30C31, s25;
	[tilespmem:$0x140] =	vst v0  }
0x78: {  	[tilespmem:$0x130] =	vst v0  }
0x79: {  	s25 =	sshrl.u32 s25, $0x2;
	[tilespmem:$0x120] =	vst v0  }
0x7a: {  	s22 =	sadd.s32 s4, s22;
	s25 =	smul.u32 $0x105D800, s25;
	[tilespmem:$0x100] =	vst v0  }
0x7b: {  	[tilespmem:$0x110] =	vst v0  }
0x7c: {  	[hbm4b:s22+s3] =	stream.linear.scatter [tilespmem:s15], [sflag:$0x2], $0xC400, $0x38;
	[tilespmem:$0x18A00] =	vst v63  }
0x7d: {  	s22 =	sadd.s32 s25, s24;
	_ =	swait.ge [sflag:s16], $0xC400  }
0x7e: {  	s22 =	sshrl.u32 s22, $0x3;
	[sflag:s16] =	ssyncset.done $0x0  }
0x7f: {  	s25 =	sadd.s32 s2, s22;
	[sflag:s16] =	ssyncadd.s32 $0xFFFF3C00  }
0x80: {  	[tilespmem:s18], [sflag:$0x2] =	stream.linear.gather [hbm4b:s25+s3], $0xC400, $0x38;
	[tilespmem:$0x18A00] =	vst v63  }
0x81: {  	_ =	swait.ge [sflag:s16], $0xC400  }
0x82: {  	[sflag:s16] =	ssyncset.done $0x0  }
.Ltmp9:
0x83: {  	[sflag:s16] =	ssyncadd.s32 $0xFFFF3C00;
	(pc) =	sbr.rel @p2 .LBB2_8-.Ltmp9, $4  }
0x84: {  	[tilespmem:$0x1D0] =	vst v0  }
0x85: {  	[tilespmem:$0x1C0] =	vst v0  }
0x86: {  	[tilespmem:$0x1B0] =	vst v0  }
0x87: {  	[tilespmem:$0x1A0] =	vst v0  }
.LBB2_9:
0x88: {  	[tilespmem:$0x190] =	vst v0  }
0x89: {  	[tilespmem:$0x180] =	vst v0  }
0x8a: {  	[tilespmem:$0x170] =	vst v0  }
0x8b: {  	[tilespmem:$0x160] =	vst v0  }
0x8c: {  	[tilespmem:$0x150] =	vst v0  }
0x8d: {  	[tilespmem:$0x140] =	vst v0  }
0x8e: {  	[tilespmem:$0x130] =	vst v0  }
0x8f: {  	[tilespmem:$0x120] =	vst v0  }
0x90: {  	[tilespmem:$0x100] =	vst v0  }
0x91: {  	s22 =	sadd.s32 s4, s22;
	[tilespmem:$0x110] =	vst v0  }
0x92: {  	[hbm4b:s22+s3] =	stream.linear.scatter [tilespmem:s15], [sflag:$0x2], $0xC400, $0x38;
	[tilespmem:$0x18A00] =	vst v63  }
0x93: {  	_ =	swait.ge [sflag:s16], $0xC400  }
0x94: {  	[sflag:s16] =	ssyncset.done $0x0  }
0x95: {  	[sflag:s16] =	ssyncadd.s32 $0xFFFF3C00  }
.LBB2_10:
.Ltmp10:
0x96: {  	(pc) =	sbr.rel @p1 .LBB2_11-.Ltmp10, $1  }
0x97: {  	_ =	sdelay $0x3  }
0x98: {  	s22 =	smulhi.u32 $0xAAAAAAAB, s8;
	s23 =	sadd.s32 $0x1, s8  }
0x99: {  	p3 =	slt.u32 s23, s9  }
.Ltmp11:
0x9a: {  	s22 =	sshrl.u32 s22, $0x2;
	(pc) =	sbr.rel @!p3 .LBB2_40-.Ltmp11, $3  }
0x9b: {  	s22 =	smul.u32 $0x1216800, s22;
	_ =	sdelay $0x1  }
0x9c: {  	s22 =	sadd.s32 s22, s14  }
0x9d: {  	p2 =	por $0x0, $0x0;
	s22 =	sshrl.u32 s22, $0x3  }
0x9e: {  	s25 =	smulhi.u32 $0xAAAAAAAB, s23;
	s24 =	sadd.s32 s2, s22;
	s23 =	sadd.s32 $0x1, s23  }
0x9f: {  	[tilespmem:s15], [sflag:$0x2] =	stream.linear.gather [hbm4b:s24+s3], $0xC400, $0x38;
	[tilespmem:$0x18A00] =	vst v63  }
0xa0: {  	s30 =	sadd.s32 s4, s22;
	p3 =	slt.u32 s23, s9;
	_ =	swait.ge [sflag:s16], $0xC400  }
.Ltmp12:
0xa1: {  	s25 =	sshrl.u32 s25, $0x2;
	[sflag:s16] =	ssyncset.done $0x0;
	(pc) =	sbr.rel @!p3 .LBB2_40-.Ltmp12, $4  }
0xa2: {  	s24 =	sadd.s32 $0xC400, s14;
	s25 =	smul.u32 $0x1216800, s25;
	[sflag:s16] =	ssyncadd.s32 $0xFFFF3C00  }
0xa3: {  	[hbm4b:s30+s3] =	stream.linear.scatter [tilespmem:s15], [sflag:$0x2], $0xC400, $0x38;
	[tilespmem:$0x18A00] =	vst v63  }
0xa4: {  	s31 =	sadd.s32 s25, s24;
	_ =	swait.ge [sflag:s16], $0xC400  }
0xa5: {  	p2 =	por $0x1, $0x1;
	s22 =	sshrl.u32 s31, $0x3;
	[sflag:s16] =	ssyncset.done $0x0  }
.LBB2_39:
0xa6: {  	s25 =	smulhi.u32 $0xAAAAAAAB, s23  }
0xa7: {  	s26 =	sadd.s32 s2, s22;
	[sflag:s16] =	ssyncadd.s32 $0xFFFF3C00;
	s23 =	sadd.s32 $0x1, s23  }
0xa8: {  	[tilespmem:s15], [sflag:$0x2] =	stream.linear.gather [hbm4b:s26+s3], $0xC400, $0x38;
	[tilespmem:$0x18A00] =	vst v63  }
0xa9: {  	s24 =	sadd.s32 $0xC400, s24;
	p3 =	slt.u32 s23, s9;
	_ =	swait.ge [sflag:s16], $0xC400  }
.Ltmp13:
0xaa: {  	s25 =	sshrl.u32 s25, $0x2;
	[sflag:s16] =	ssyncset.done $0x0;
	(pc) =	sbr.rel @p3 .LBB2_39-.Ltmp13, $4  }
0xab: {  	s22 =	sadd.s32 s4, s22;
	s25 =	smul.u32 $0x1216800, s25;
	[sflag:s16] =	ssyncadd.s32 $0xFFFF3C00  }
0xac: {  	[hbm4b:s22+s3] =	stream.linear.scatter [tilespmem:s15], [sflag:$0x2], $0xC400, $0x38;
	[tilespmem:$0x18A00] =	vst v63  }
0xad: {  	s22 =	sadd.s32 s25, s24;
	_ =	swait.ge [sflag:s16], $0xC400  }
0xae: {  	s22 =	sshrl.u32 s22, $0x3;
	[sflag:s16] =	ssyncset.done $0x0  }
.LBB2_40:
0xaf: {  	s23 =	sadd.s32 s2, s22;
	[sflag:s16] =	ssyncadd.s32 @p2 $0xFFFF3C00  }
0xb0: {  	[tilespmem:s15], [sflag:$0x2] =	stream.linear.gather [hbm4b:s23+s3], $0xC400, $0x38;
	[tilespmem:$0x18A00] =	vst v63  }
0xb1: {  	_ =	swait.ge [sflag:s16], $0xC400  }
0xb2: {  	[sflag:s16] =	ssyncset.done $0x0  }
0xb3: {  	s31 =	sadd.s32 s4, s22;
	[sflag:s16] =	ssyncadd.s32 $0xFFFF3C00  }
0xb4: {  	[hbm4b:s31+s3] =	stream.linear.scatter [tilespmem:s15], [sflag:$0x2], $0xC400, $0x38;
	[tilespmem:$0x18A00] =	vst v63  }
0xb5: {  	_ =	swait.ge [sflag:s16], $0xC400  }
0xb6: {  	[sflag:s16] =	ssyncset.done $0x0  }
0xb7: {  	[sflag:s16] =	ssyncadd.s32 $0xFFFF3C00  }
.LBB2_11:
.Ltmp14:
0xb8: {  	(pc) =	sbr.rel @p0 .LBB2_35-.Ltmp14, $2  }
0xb9: {  	_ =	sdelay $0x2  }
0xba: {  	s22 =	smov.u32 s5  }
.LBB2_12:
0xbb: {  	s23 =	sshrl.u32 s22, $0x1  }
0xbc: {  	s23 =	smulhi.u32 $0x30C30C31, s23;
	_ =	sdelay $0x1  }
0xbd: {  	s23 =	sshrl.u32 s23, $0x2  }
0xbe: {  	s23 =	smul.u32 $0x156, s23;
	_ =	sdelay $0x1  }
0xbf: {  	s23 =	sadd.s32 s23, s22  }
0xc0: {  	s23 =	smul.u32 $0xC400, s23;
	_ =	sdelay $0x1  }
0xc1: {  	s23 =	sadd.s32 $0x202800, s23  }
0xc2: {  	s23 =	sshrl.u32 s23, $0x3  }
0xc3: {  	s24 =	sadd.s32 s2, s23  }
0xc4: {  	[tilespmem:s15], [sflag:$0x2] =	stream.linear.gather [hbm4b:s24+s3], $0xC400, $0x38;
	[tilespmem:$0x18A00] =	vst v63  }
0xc5: {  	_ =	swait.ge [sflag:s16], $0xC400  }
0xc6: {  	p2 =	sle.u32 s22, s5;
	[sflag:s16] =	ssyncset.done $0x0  }
0xc7: {  	s24 =	simm.s32 @!p2 $0x1;
	[sflag:s16] =	ssyncadd.s32 $0xFFFF3C00  }
0xc8: {  	_ =	swait.ge @!p2 [sflag:s24], $0xC400  }
0xc9: {  	[sflag:s24] =	ssyncset.done @!p2 $0x0  }
0xca: {  	[sflag:s24] =	ssyncadd.s32 @!p2 $0xFFFF3C00;
	s24 =	simm.s32 $0x0  }
0xcb: {  	v2 =	vld [tilespmem:s24+$0x1D1]  }
0xcc: {  	v3 =	vld [tilespmem:s24+$0x101]  }
0xcd: {  	v4 =	vld [tilespmem:s24+$0x111]  }
0xce: {  	v5 =	vld [tilespmem:s24+$0x121]  }
0xcf: {  	v6 =	vld [tilespmem:s24+$0x131]  }
0xd0: {  	v7 =	vld [tilespmem:s24+$0x141]  }
0xd1: {  	v8 =	vld [tilespmem:s24+$0x151];
	[tilespmem:s24+$0xC600] =	vst v3  }
0xd2: {  	vm0 =	veq.s32 v1, $0xF;
	v9 =	vld [tilespmem:s24+$0x161];
	[tilespmem:s24+$0xC610] =	vst v4  }
0xd3: {  	v2 =	vsel vm0, $0x0, v2;
	[tilespmem:s24+$0xC620] =	vst v5;
	v3 =	vld [tilespmem:s24+$0x181]  }
0xd4: {  	[tilespmem:s24+$0xC6D0] =	vst v2;
	v2 =	vld [tilespmem:s24+$0x171]  }
0xd5: {  	[tilespmem:s24+$0xC630] =	vst v6;
	v4 =	vld [tilespmem:s24+$0x191]  }
0xd6: {  	[tilespmem:s24+$0xC640] =	vst v7;
	v5 =	vld [tilespmem:s24+$0x1A1]  }
0xd7: {  	[tilespmem:s24+$0xC650] =	vst v8;
	v6 =	vld [tilespmem:s24+$0x1B1]  }
0xd8: {  	s25 =	simm.s32 $0xE0;
	s26 =	simm.s32 $0x700;
	[tilespmem:s24+$0xC660] =	vst v9;
	v7 =	vld [tilespmem:s24+$0x1C1]  }
.LBB2_13:
0xd9: {  	p2 =	sne.s32 s26, $0x30C80;
	v8 =	vld [tilespmem:s25+$0x1D1];
	[tilespmem:s24+$0xC670] =	vst v2  }
0xda: {  	v2 =	vld [tilespmem:s25+$0x101];
	[tilespmem:s24+$0xC680] =	vst v3  }
0xdb: {  	v3 =	vld [tilespmem:s25+$0x111];
	[tilespmem:s24+$0xC690] =	vst v4  }
0xdc: {  	v4 =	vld [tilespmem:s25+$0x121];
	[tilespmem:s24+$0xC6A0] =	vst v5  }
0xdd: {  	v5 =	vld [tilespmem:s25+$0x131];
	[tilespmem:s24+$0xC6B0] =	vst v6  }
0xde: {  	v6 =	vld [tilespmem:s25+$0x141];
	v8 =	vsel vm0, $0x0, v8;
	[tilespmem:s24+$0xC6C0] =	vst v7;
	s24 =	smov.u32 s25  }
0xdf: {  	v7 =	vld [tilespmem:s24+$0x151];
	[tilespmem:s24+$0xC6D0] =	vst v8  }
0xe0: {  	[tilespmem:s24+$0xC600] =	vst v2;
	v8 =	vld [tilespmem:s24+$0x161]  }
0xe1: {  	[tilespmem:s24+$0xC610] =	vst v3;
	v2 =	vld [tilespmem:s24+$0x171]  }
.Ltmp15:
0xe2: {  	[tilespmem:s24+$0xC620] =	vst v4;
	v3 =	vld [tilespmem:s24+$0x181];
	(pc) =	sbr.rel @p2 .LBB2_13-.Ltmp15, $4  }
0xe3: {  	[tilespmem:s24+$0xC630] =	vst v5;
	v4 =	vld [tilespmem:s24+$0x191]  }
0xe4: {  	[tilespmem:s24+$0xC640] =	vst v6;
	v5 =	vld [tilespmem:s24+$0x1A1]  }
0xe5: {  	[tilespmem:s24+$0xC650] =	vst v7;
	v6 =	vld [tilespmem:s24+$0x1B1]  }
0xe6: {  	s25 =	sshra.s32 s26, $0x2;
	s26 =	sadd.s32 $0x380, s26;
	[tilespmem:s24+$0xC660] =	vst v8;
	v7 =	vld [tilespmem:s24+$0x1C1]  }
0xe7: {  	v8 =	vld [tilespmem:s25+$0x1D1];
	[tilespmem:s24+$0xC670] =	vst v2  }
0xe8: {  	v2 =	vld [tilespmem:s25+$0x101];
	[tilespmem:s24+$0xC680] =	vst v3  }
0xe9: {  	v3 =	vld [tilespmem:s25+$0x111];
	[tilespmem:s24+$0xC690] =	vst v4  }
0xea: {  	v4 =	vld [tilespmem:s25+$0x121];
	[tilespmem:s24+$0xC6A0] =	vst v5  }
0xeb: {  	vm0 =	veq.s32 v1, $0xF;
	v5 =	vld [tilespmem:s25+$0x131];
	[tilespmem:s24+$0xC6B0] =	vst v6  }
0xec: {  	v6 =	vld [tilespmem:s25+$0x141];
	[tilespmem:s24+$0xC6C0] =	vst v7;
	v58 =	vsel vm0, $0x0, v8  }
0xed: {  	[tilespmem:s25+$0xC6D0] =	vst v58  }
0xee: {  	v59 =	vld [tilespmem:s25+$0x151];
	[tilespmem:s25+$0xC600] =	vst v2  }
0xef: {  	v2 =	vld [tilespmem:s25+$0x161];
	[tilespmem:s25+$0xC610] =	vst v3  }
0xf0: {  	v60 =	vld [tilespmem:s25+$0x181];
	[tilespmem:s25+$0xC620] =	vst v4  }
0xf1: {  	v61 =	vld [tilespmem:s25+$0x191];
	[tilespmem:s25+$0xC630] =	vst v5  }
0xf2: {  	v62 =	vld [tilespmem:s25+$0x1A1];
	[tilespmem:s25+$0xC640] =	vst v6  }
0xf3: {  	v63 =	vld [tilespmem:s25+$0x1B1];
	[tilespmem:s25+$0xC650] =	vst v59  }
0xf4: {  	v3 =	vld [tilespmem:s25+$0x171];
	[tilespmem:s25+$0xC660] =	vst v2  }
0xf5: {  	s22 =	sadd.s32 $0x1, s22;
	v2 =	vld [tilespmem:s25+$0x1C1];
	[tilespmem:s25+$0xC680] =	vst v60  }
0xf6: {  	p2 =	sne.s32 s22, s6;
	[tilespmem:s25+$0xC690] =	vst v61  }
.Ltmp16:
0xf7: {  	[tilespmem:s25+$0xC6A0] =	vst v62;
	(pc) =	sbr.rel @p2 .LBB2_12-.Ltmp16, $4  }
0xf8: {  	[tilespmem:s25+$0xC6B0] =	vst v63  }
0xf9: {  	[tilespmem:s25+$0xC670] =	vst v3  }
0xfa: {  	s23 =	sadd.s32 s4, s23;
	[tilespmem:s25+$0xC6C0] =	vst v2  }
0xfb: {  	[hbm4b:s23+s3] =	stream.linear.scatter [tilespmem:s19], [sflag:$0x1], $0xC400, $0x38;
	[tilespmem:$0x18A00] =	vst v63  }
0xfc: {  	s22 =	smov.u32 s5  }
.LBB2_16:
0xfd: {  	s23 =	sshrl.u32 s22, $0x1  }
0xfe: {  	s23 =	smulhi.u32 $0x30C30C31, s23;
	_ =	sdelay $0x1  }
0xff: {  	s23 =	sshrl.u32 s23, $0x2  }
0x100: {  	s23 =	smul.u32 $0x156, s23;
	_ =	sdelay $0x1  }
0x101: {  	s23 =	sadd.s32 s23, s22  }
0x102: {  	s23 =	smul.u32 $0xC400, s23;
	_ =	sdelay $0x1  }
0x103: {  	s23 =	sadd.s32 $0x405000, s23  }
0x104: {  	s24 =	sshrl.u32 s23, $0x3  }
0x105: {  	s25 =	simm.s32 $0x0;
	s23 =	sadd.s32 s2, s24  }
0x106: {  	[tilespmem:s15], [sflag:$0x2] =	stream.linear.gather [hbm4b:s23+s25], $0xC400, $0x38;
	[tilespmem:$0x18A00] =	vst v63  }
0x107: {  	_ =	swait.ge [sflag:s16], $0xC400  }
0x108: {  	[sflag:s16] =	ssyncset.done $0x0  }
0x109: {  	[sflag:s16] =	ssyncadd.s32 $0xFFFF3C00  }
0x10a: {  	_ =	swait.ge [sflag:s20], $0xC400  }
0x10b: {  	[sflag:s20] =	ssyncset.done $0x0  }
0x10c: {  	s23 =	simm.s32 $0x0;
	[sflag:s20] =	ssyncadd.s32 $0xFFFF3C00  }
0x10d: {  	v2 =	vld [tilespmem:s23+$0xFF]  }
0x10e: {  	v3 =	vld [tilespmem:s23+$0x10F]  }
0x10f: {  	v4 =	vld [tilespmem:s23+$0x11F]  }
0x110: {  	v5 =	vld [tilespmem:s23+$0x12F]  }
0x111: {  	v6 =	vld [tilespmem:s23+$0x13F]  }
0x112: {  	v7 =	vld [tilespmem:s23+$0x14F]  }
0x113: {  	v8 =	vld [tilespmem:s23+$0x15F];
	[tilespmem:s23+$0xC610] =	vst v3  }
0x114: {  	vm0 =	veq.s32 v1, $0x0;
	v9 =	vld [tilespmem:s23+$0x16F];
	[tilespmem:s23+$0xC620] =	vst v4  }
0x115: {  	v2 =	vsel vm0, $0x0, v2;
	[tilespmem:s23+$0xC630] =	vst v5;
	v3 =	vld [tilespmem:s23+$0x18F]  }
0x116: {  	[tilespmem:s23+$0xC600] =	vst v2;
	v2 =	vld [tilespmem:s23+$0x17F]  }
0x117: {  	[tilespmem:s23+$0xC640] =	vst v6;
	v4 =	vld [tilespmem:s23+$0x19F]  }
0x118: {  	[tilespmem:s23+$0xC650] =	vst v7;
	v5 =	vld [tilespmem:s23+$0x1AF]  }
0x119: {  	[tilespmem:s23+$0xC660] =	vst v8;
	v6 =	vld [tilespmem:s23+$0x1BF]  }
0x11a: {  	s26 =	simm.s32 $0x700;
	s24 =	sadd.s32 s4, s24;
	s25 =	simm.s32 $0xE0;
	[tilespmem:s23+$0xC670] =	vst v9;
	v7 =	vld [tilespmem:s23+$0x1CF]  }
.LBB2_17:
0x11b: {  	p2 =	sne.s32 s26, $0x30C80;
	v8 =	vld [tilespmem:s25+$0xFF];
	[tilespmem:s23+$0xC680] =	vst v2  }
0x11c: {  	v2 =	vld [tilespmem:s25+$0x10F];
	[tilespmem:s23+$0xC690] =	vst v3  }
0x11d: {  	v3 =	vld [tilespmem:s25+$0x11F];
	[tilespmem:s23+$0xC6A0] =	vst v4  }
0x11e: {  	v4 =	vld [tilespmem:s25+$0x12F];
	[tilespmem:s23+$0xC6B0] =	vst v5  }
0x11f: {  	v5 =	vld [tilespmem:s25+$0x13F];
	[tilespmem:s23+$0xC6C0] =	vst v6  }
0x120: {  	v6 =	vsel vm0, $0x0, v8;
	v8 =	vld [tilespmem:s25+$0x14F];
	[tilespmem:s23+$0xC6D0] =	vst v7;
	s23 =	smov.u32 s25  }
0x121: {  	[tilespmem:s23+$0xC600] =	vst v6;
	v6 =	vld [tilespmem:s23+$0x15F]  }
0x122: {  	[tilespmem:s23+$0xC610] =	vst v2;
	v7 =	vld [tilespmem:s23+$0x16F]  }
0x123: {  	[tilespmem:s23+$0xC620] =	vst v3;
	v2 =	vld [tilespmem:s23+$0x17F]  }
.Ltmp17:
0x124: {  	[tilespmem:s23+$0xC630] =	vst v4;
	v3 =	vld [tilespmem:s23+$0x18F];
	(pc) =	sbr.rel @p2 .LBB2_17-.Ltmp17, $4  }
0x125: {  	[tilespmem:s23+$0xC640] =	vst v5;
	v4 =	vld [tilespmem:s23+$0x19F]  }
0x126: {  	[tilespmem:s23+$0xC650] =	vst v8;
	v5 =	vld [tilespmem:s23+$0x1AF]  }
0x127: {  	[tilespmem:s23+$0xC660] =	vst v6;
	v6 =	vld [tilespmem:s23+$0x1BF]  }
0x128: {  	s25 =	sshra.s32 s26, $0x2;
	s26 =	sadd.s32 $0x380, s26;
	[tilespmem:s23+$0xC670] =	vst v7;
	v7 =	vld [tilespmem:s23+$0x1CF]  }
0x129: {  	v8 =	vld [tilespmem:s25+$0xFF];
	[tilespmem:s23+$0xC680] =	vst v2  }
0x12a: {  	v2 =	vld [tilespmem:s25+$0x10F];
	[tilespmem:s23+$0xC690] =	vst v3  }
0x12b: {  	v3 =	vld [tilespmem:s25+$0x11F];
	[tilespmem:s23+$0xC6A0] =	vst v4  }
0x12c: {  	v4 =	vld [tilespmem:s25+$0x12F];
	[tilespmem:s23+$0xC6B0] =	vst v5  }
0x12d: {  	vm0 =	veq.s32 v1, $0x0;
	v5 =	vld [tilespmem:s25+$0x13F];
	[tilespmem:s23+$0xC6C0] =	vst v6  }
0x12e: {  	v6 =	vld [tilespmem:s25+$0x14F];
	v8 =	vsel vm0, $0x0, v8;
	[tilespmem:s23+$0xC6D0] =	vst v7  }
0x12f: {  	[tilespmem:s25+$0xC600] =	vst v8  }
0x130: {  	v7 =	vld [tilespmem:s25+$0x15F];
	[tilespmem:s25+$0xC610] =	vst v2  }
0x131: {  	v2 =	vld [tilespmem:s25+$0x16F];
	[tilespmem:s25+$0xC620] =	vst v3  }
0x132: {  	v60 =	vld [tilespmem:s25+$0x18F];
	[tilespmem:s25+$0xC630] =	vst v4  }
0x133: {  	v61 =	vld [tilespmem:s25+$0x19F];
	[tilespmem:s25+$0xC640] =	vst v5  }
0x134: {  	v62 =	vld [tilespmem:s25+$0x1AF];
	[tilespmem:s25+$0xC650] =	vst v6  }
0x135: {  	v63 =	vld [tilespmem:s25+$0x1BF];
	[tilespmem:s25+$0xC660] =	vst v7  }
0x136: {  	v3 =	vld [tilespmem:s25+$0x17F];
	[tilespmem:s25+$0xC670] =	vst v2  }
0x137: {  	s22 =	sadd.s32 $0x1, s22;
	v2 =	vld [tilespmem:s25+$0x1CF];
	[tilespmem:s25+$0xC690] =	vst v60  }
0x138: {  	p2 =	sne.s32 s22, s6;
	[tilespmem:s25+$0xC6A0] =	vst v61  }
.Ltmp18:
0x139: {  	[tilespmem:s25+$0xC6B0] =	vst v62;
	(pc) =	sbr.rel @p2 .LBB2_16-.Ltmp18, $4  }
0x13a: {  	[tilespmem:s25+$0xC6C0] =	vst v63  }
0x13b: {  	[tilespmem:s25+$0xC680] =	vst v3  }
0x13c: {  	[tilespmem:s25+$0xC6D0] =	vst v2  }
0x13d: {  	[hbm4b:s24+s3] =	stream.linear.scatter [tilespmem:s19], [sflag:$0x1], $0xC400, $0x38;
	[tilespmem:$0x18A00] =	vst v63  }
0x13e: {  	s22 =	smov.u32 s5  }
.LBB2_20:
0x13f: {  	s23 =	sshrl.u32 s22, $0x1  }
0x140: {  	s23 =	smulhi.u32 $0x30C30C31, s23;
	_ =	sdelay $0x1  }
0x141: {  	s23 =	sshrl.u32 s23, $0x2  }
0x142: {  	s23 =	smul.u32 $0x156, s23;
	_ =	sdelay $0x1  }
0x143: {  	s23 =	sadd.s32 s23, s22  }
0x144: {  	s23 =	smul.u32 $0xC400, s23;
	_ =	sdelay $0x1  }
0x145: {  	s23 =	sadd.s32 $0xA0C800, s23  }
0x146: {  	s23 =	sshrl.u32 s23, $0x3  }
0x147: {  	s25 =	simm.s32 $0x0;
	s24 =	sadd.s32 s2, s23  }
0x148: {  	[tilespmem:s17], [sflag:$0x2] =	stream.linear.gather [hbm4b:s24+s25], $0xC400, $0x38;
	[tilespmem:$0x18A00] =	vst v63  }
0x149: {  	_ =	swait.ge [sflag:s16], $0xC400  }
0x14a: {  	[sflag:s16] =	ssyncset.done $0x0  }
0x14b: {  	[sflag:s16] =	ssyncadd.s32 $0xFFFF3C00  }
0x14c: {  	_ =	swait.ge [sflag:s20], $0xC400  }
0x14d: {  	[sflag:s20] =	ssyncset.done $0x0  }
0x14e: {  	s24 =	simm.s32 $0x0;
	[sflag:s20] =	ssyncadd.s32 $0xFFFF3C00  }
0x14f: {  	v2 =	vld [tilespmem:s24+$0x1D1]  }
0x150: {  	v3 =	vld [tilespmem:s24+$0x101]  }
0x151: {  	v4 =	vld [tilespmem:s24+$0x111]  }
0x152: {  	v5 =	vld [tilespmem:s24+$0x121]  }
0x153: {  	v6 =	vld [tilespmem:s24+$0x131]  }
0x154: {  	v7 =	vld [tilespmem:s24+$0x141]  }
0x155: {  	v8 =	vld [tilespmem:s24+$0x151];
	[tilespmem:s24+$0xC600] =	vst v3  }
0x156: {  	vm0 =	veq.s32 v1, $0xF;
	v9 =	vld [tilespmem:s24+$0x161];
	[tilespmem:s24+$0xC610] =	vst v4  }
0x157: {  	v2 =	vsel vm0, $0x0, v2;
	[tilespmem:s24+$0xC620] =	vst v5;
	v3 =	vld [tilespmem:s24+$0x181]  }
0x158: {  	[tilespmem:s24+$0xC6D0] =	vst v2;
	v2 =	vld [tilespmem:s24+$0x171]  }
0x159: {  	[tilespmem:s24+$0xC630] =	vst v6;
	v4 =	vld [tilespmem:s24+$0x191]  }
0x15a: {  	[tilespmem:s24+$0xC640] =	vst v7;
	v5 =	vld [tilespmem:s24+$0x1A1]  }
0x15b: {  	[tilespmem:s24+$0xC650] =	vst v8;
	v6 =	vld [tilespmem:s24+$0x1B1]  }
0x15c: {  	s26 =	simm.s32 $0x700;
	s23 =	sadd.s32 s4, s23;
	s25 =	simm.s32 $0xE0;
	[tilespmem:s24+$0xC660] =	vst v9;
	v7 =	vld [tilespmem:s24+$0x1C1]  }
.LBB2_21:
0x15d: {  	p2 =	sne.s32 s26, $0x30C80;
	v8 =	vld [tilespmem:s25+$0x1D1];
	[tilespmem:s24+$0xC670] =	vst v2  }
0x15e: {  	v2 =	vld [tilespmem:s25+$0x101];
	[tilespmem:s24+$0xC680] =	vst v3  }
0x15f: {  	v3 =	vld [tilespmem:s25+$0x111];
	[tilespmem:s24+$0xC690] =	vst v4  }
0x160: {  	v4 =	vld [tilespmem:s25+$0x121];
	[tilespmem:s24+$0xC6A0] =	vst v5  }
0x161: {  	v5 =	vld [tilespmem:s25+$0x131];
	[tilespmem:s24+$0xC6B0] =	vst v6  }
0x162: {  	v6 =	vld [tilespmem:s25+$0x141];
	v8 =	vsel vm0, $0x0, v8;
	[tilespmem:s24+$0xC6C0] =	vst v7;
	s24 =	smov.u32 s25  }
0x163: {  	v7 =	vld [tilespmem:s24+$0x151];
	[tilespmem:s24+$0xC6D0] =	vst v8  }
0x164: {  	[tilespmem:s24+$0xC600] =	vst v2;
	v8 =	vld [tilespmem:s24+$0x161]  }
0x165: {  	[tilespmem:s24+$0xC610] =	vst v3;
	v2 =	vld [tilespmem:s24+$0x171]  }
.Ltmp19:
0x166: {  	[tilespmem:s24+$0xC620] =	vst v4;
	v3 =	vld [tilespmem:s24+$0x181];
	(pc) =	sbr.rel @p2 .LBB2_21-.Ltmp19, $4  }
0x167: {  	[tilespmem:s24+$0xC630] =	vst v5;
	v4 =	vld [tilespmem:s24+$0x191]  }
0x168: {  	[tilespmem:s24+$0xC640] =	vst v6;
	v5 =	vld [tilespmem:s24+$0x1A1]  }
0x169: {  	[tilespmem:s24+$0xC650] =	vst v7;
	v6 =	vld [tilespmem:s24+$0x1B1]  }
0x16a: {  	s25 =	sshra.s32 s26, $0x2;
	s26 =	sadd.s32 $0x380, s26;
	[tilespmem:s24+$0xC660] =	vst v8;
	v7 =	vld [tilespmem:s24+$0x1C1]  }
0x16b: {  	v8 =	vld [tilespmem:s25+$0x1D1];
	[tilespmem:s24+$0xC670] =	vst v2  }
0x16c: {  	v2 =	vld [tilespmem:s25+$0x101];
	[tilespmem:s24+$0xC680] =	vst v3  }
0x16d: {  	v3 =	vld [tilespmem:s25+$0x111];
	[tilespmem:s24+$0xC690] =	vst v4  }
0x16e: {  	v4 =	vld [tilespmem:s25+$0x121];
	[tilespmem:s24+$0xC6A0] =	vst v5  }
0x16f: {  	vm0 =	veq.s32 v1, $0xF;
	v5 =	vld [tilespmem:s25+$0x131];
	[tilespmem:s24+$0xC6B0] =	vst v6  }
0x170: {  	v6 =	vld [tilespmem:s25+$0x141];
	[tilespmem:s24+$0xC6C0] =	vst v7;
	v58 =	vsel vm0, $0x0, v8  }
0x171: {  	[tilespmem:s25+$0xC6D0] =	vst v58  }
0x172: {  	v59 =	vld [tilespmem:s25+$0x151];
	[tilespmem:s25+$0xC600] =	vst v2  }
0x173: {  	v2 =	vld [tilespmem:s25+$0x161];
	[tilespmem:s25+$0xC610] =	vst v3  }
0x174: {  	v60 =	vld [tilespmem:s25+$0x181];
	[tilespmem:s25+$0xC620] =	vst v4  }
0x175: {  	v61 =	vld [tilespmem:s25+$0x191];
	[tilespmem:s25+$0xC630] =	vst v5  }
0x176: {  	v62 =	vld [tilespmem:s25+$0x1A1];
	[tilespmem:s25+$0xC640] =	vst v6  }
0x177: {  	v63 =	vld [tilespmem:s25+$0x1B1];
	[tilespmem:s25+$0xC650] =	vst v59  }
0x178: {  	v3 =	vld [tilespmem:s25+$0x171];
	[tilespmem:s25+$0xC660] =	vst v2  }
0x179: {  	v2 =	vld [tilespmem:s25+$0x1C1];
	[tilespmem:s25+$0xC680] =	vst v60  }
0x17a: {  	[tilespmem:s25+$0xC690] =	vst v61  }
0x17b: {  	[tilespmem:s25+$0xC6A0] =	vst v62  }
0x17c: {  	[tilespmem:s25+$0xC6B0] =	vst v63  }
0x17d: {  	[tilespmem:s25+$0xC670] =	vst v3  }
0x17e: {  	[tilespmem:s25+$0xC6C0] =	vst v2  }
0x17f: {  	[tilespmem:$0x18920] =	vst v0  }
0x180: {  	[tilespmem:$0x18930] =	vst v0  }
0x181: {  	[tilespmem:$0x18940] =	vst v0  }
0x182: {  	[tilespmem:$0x18950] =	vst v0  }
0x183: {  	[tilespmem:$0x18960] =	vst v0  }
0x184: {  	[tilespmem:$0x18970] =	vst v0  }
0x185: {  	[tilespmem:$0x18980] =	vst v0  }
0x186: {  	[tilespmem:$0x18990] =	vst v0  }
0x187: {  	s22 =	sadd.s32 $0x1, s22;
	[tilespmem:$0x189A0] =	vst v0  }
0x188: {  	p2 =	sne.s32 s22, s6;
	[tilespmem:$0x189B0] =	vst v0  }
.Ltmp20:
0x189: {  	[tilespmem:$0x189C0] =	vst v0;
	(pc) =	sbr.rel @p2 .LBB2_20-.Ltmp20, $4  }
0x18a: {  	[tilespmem:$0x189D0] =	vst v0  }
0x18b: {  	[tilespmem:$0x189E0] =	vst v0  }
0x18c: {  	[tilespmem:$0x189F0] =	vst v0  }
0x18d: {  	[hbm4b:s23+s3] =	stream.linear.scatter [tilespmem:s19], [sflag:$0x1], $0xC400, $0x38;
	[tilespmem:$0x18A00] =	vst v63  }
0x18e: {  	s22 =	smov.u32 s5  }
.LBB2_24:
0x18f: {  	s23 =	sshrl.u32 s22, $0x1  }
0x190: {  	s23 =	smulhi.u32 $0x30C30C31, s23;
	_ =	sdelay $0x1  }
0x191: {  	s23 =	sshrl.u32 s23, $0x2  }
0x192: {  	s23 =	smul.u32 $0x156, s23;
	_ =	sdelay $0x1  }
0x193: {  	s23 =	sadd.s32 s23, s22  }
0x194: {  	s23 =	smul.u32 $0xC400, s23;
	_ =	sdelay $0x1  }
0x195: {  	s23 =	sadd.s32 $0xC0F000, s23  }
0x196: {  	s23 =	sshrl.u32 s23, $0x3  }
0x197: {  	s25 =	simm.s32 $0x0;
	s24 =	sadd.s32 s2, s23  }
0x198: {  	[tilespmem:s17], [sflag:$0x2] =	stream.linear.gather [hbm4b:s24+s25], $0xC400, $0x38;
	[tilespmem:$0x18A00] =	vst v63  }
0x199: {  	_ =	swait.ge [sflag:s16], $0xC400  }
0x19a: {  	[sflag:s16] =	ssyncset.done $0x0  }
0x19b: {  	[sflag:s16] =	ssyncadd.s32 $0xFFFF3C00  }
0x19c: {  	_ =	swait.ge [sflag:s20], $0xC400  }
0x19d: {  	[sflag:s20] =	ssyncset.done $0x0  }
0x19e: {  	s24 =	simm.s32 $0x0;
	[sflag:s20] =	ssyncadd.s32 $0xFFFF3C00  }
0x19f: {  	v2 =	vld [tilespmem:s24+$0xFF]  }
0x1a0: {  	v3 =	vld [tilespmem:s24+$0x10F]  }
0x1a1: {  	v4 =	vld [tilespmem:s24+$0x11F]  }
0x1a2: {  	v5 =	vld [tilespmem:s24+$0x12F]  }
0x1a3: {  	v6 =	vld [tilespmem:s24+$0x13F]  }
0x1a4: {  	v7 =	vld [tilespmem:s24+$0x14F]  }
0x1a5: {  	v8 =	vld [tilespmem:s24+$0x15F];
	[tilespmem:s24+$0xC610] =	vst v3  }
0x1a6: {  	vm0 =	veq.s32 v1, $0x0;
	v9 =	vld [tilespmem:s24+$0x16F];
	[tilespmem:s24+$0xC620] =	vst v4  }
0x1a7: {  	v2 =	vsel vm0, $0x0, v2;
	[tilespmem:s24+$0xC630] =	vst v5;
	v3 =	vld [tilespmem:s24+$0x18F]  }
0x1a8: {  	[tilespmem:s24+$0xC600] =	vst v2;
	v2 =	vld [tilespmem:s24+$0x17F]  }
0x1a9: {  	[tilespmem:s24+$0xC640] =	vst v6;
	v4 =	vld [tilespmem:s24+$0x19F]  }
0x1aa: {  	[tilespmem:s24+$0xC650] =	vst v7;
	v5 =	vld [tilespmem:s24+$0x1AF]  }
0x1ab: {  	[tilespmem:s24+$0xC660] =	vst v8;
	v6 =	vld [tilespmem:s24+$0x1BF]  }
0x1ac: {  	s26 =	simm.s32 $0x700;
	s23 =	sadd.s32 s4, s23;
	s25 =	simm.s32 $0xE0;
	[tilespmem:s24+$0xC670] =	vst v9;
	v7 =	vld [tilespmem:s24+$0x1CF]  }
.LBB2_25:
0x1ad: {  	p2 =	sne.s32 s26, $0x30C80;
	v8 =	vld [tilespmem:s25+$0xFF];
	[tilespmem:s24+$0xC680] =	vst v2  }
0x1ae: {  	v2 =	vld [tilespmem:s25+$0x10F];
	[tilespmem:s24+$0xC690] =	vst v3  }
0x1af: {  	v3 =	vld [tilespmem:s25+$0x11F];
	[tilespmem:s24+$0xC6A0] =	vst v4  }
0x1b0: {  	v4 =	vld [tilespmem:s25+$0x12F];
	[tilespmem:s24+$0xC6B0] =	vst v5  }
0x1b1: {  	v5 =	vld [tilespmem:s25+$0x13F];
	[tilespmem:s24+$0xC6C0] =	vst v6  }
0x1b2: {  	v6 =	vsel vm0, $0x0, v8;
	v8 =	vld [tilespmem:s25+$0x14F];
	[tilespmem:s24+$0xC6D0] =	vst v7;
	s24 =	smov.u32 s25  }
0x1b3: {  	[tilespmem:s24+$0xC600] =	vst v6;
	v6 =	vld [tilespmem:s24+$0x15F]  }
0x1b4: {  	[tilespmem:s24+$0xC610] =	vst v2;
	v7 =	vld [tilespmem:s24+$0x16F]  }
0x1b5: {  	[tilespmem:s24+$0xC620] =	vst v3;
	v2 =	vld [tilespmem:s24+$0x17F]  }
.Ltmp21:
0x1b6: {  	[tilespmem:s24+$0xC630] =	vst v4;
	v3 =	vld [tilespmem:s24+$0x18F];
	(pc) =	sbr.rel @p2 .LBB2_25-.Ltmp21, $4  }
0x1b7: {  	[tilespmem:s24+$0xC640] =	vst v5;
	v4 =	vld [tilespmem:s24+$0x19F]  }
0x1b8: {  	[tilespmem:s24+$0xC650] =	vst v8;
	v5 =	vld [tilespmem:s24+$0x1AF]  }
0x1b9: {  	[tilespmem:s24+$0xC660] =	vst v6;
	v6 =	vld [tilespmem:s24+$0x1BF]  }
0x1ba: {  	s25 =	sshra.s32 s26, $0x2;
	s26 =	sadd.s32 $0x380, s26;
	[tilespmem:s24+$0xC670] =	vst v7;
	v7 =	vld [tilespmem:s24+$0x1CF]  }
0x1bb: {  	v8 =	vld [tilespmem:s25+$0xFF];
	[tilespmem:s24+$0xC680] =	vst v2  }
0x1bc: {  	v2 =	vld [tilespmem:s25+$0x10F];
	[tilespmem:s24+$0xC690] =	vst v3  }
0x1bd: {  	v3 =	vld [tilespmem:s25+$0x11F];
	[tilespmem:s24+$0xC6A0] =	vst v4  }
0x1be: {  	v4 =	vld [tilespmem:s25+$0x12F];
	[tilespmem:s24+$0xC6B0] =	vst v5  }
0x1bf: {  	vm0 =	veq.s32 v1, $0x0;
	v5 =	vld [tilespmem:s25+$0x13F];
	[tilespmem:s24+$0xC6C0] =	vst v6  }
0x1c0: {  	v6 =	vld [tilespmem:s25+$0x14F];
	v8 =	vsel vm0, $0x0, v8;
	[tilespmem:s24+$0xC6D0] =	vst v7  }
0x1c1: {  	[tilespmem:s25+$0xC600] =	vst v8  }
0x1c2: {  	v7 =	vld [tilespmem:s25+$0x15F];
	[tilespmem:s25+$0xC610] =	vst v2  }
0x1c3: {  	v2 =	vld [tilespmem:s25+$0x16F];
	[tilespmem:s25+$0xC620] =	vst v3  }
0x1c4: {  	v60 =	vld [tilespmem:s25+$0x18F];
	[tilespmem:s25+$0xC630] =	vst v4  }
0x1c5: {  	v61 =	vld [tilespmem:s25+$0x19F];
	[tilespmem:s25+$0xC640] =	vst v5  }
0x1c6: {  	v62 =	vld [tilespmem:s25+$0x1AF];
	[tilespmem:s25+$0xC650] =	vst v6  }
0x1c7: {  	v63 =	vld [tilespmem:s25+$0x1BF];
	[tilespmem:s25+$0xC660] =	vst v7  }
0x1c8: {  	v3 =	vld [tilespmem:s25+$0x17F];
	[tilespmem:s25+$0xC670] =	vst v2  }
0x1c9: {  	v2 =	vld [tilespmem:s25+$0x1CF];
	[tilespmem:s25+$0xC690] =	vst v60  }
0x1ca: {  	[tilespmem:s25+$0xC6A0] =	vst v61  }
0x1cb: {  	[tilespmem:s25+$0xC6B0] =	vst v62  }
0x1cc: {  	[tilespmem:s25+$0xC6C0] =	vst v63  }
0x1cd: {  	[tilespmem:s25+$0xC680] =	vst v3  }
0x1ce: {  	[tilespmem:s25+$0xC6D0] =	vst v2  }
0x1cf: {  	[tilespmem:$0x18920] =	vst v0  }
0x1d0: {  	[tilespmem:$0x18930] =	vst v0  }
0x1d1: {  	[tilespmem:$0x18940] =	vst v0  }
0x1d2: {  	[tilespmem:$0x18950] =	vst v0  }
0x1d3: {  	[tilespmem:$0x18960] =	vst v0  }
0x1d4: {  	[tilespmem:$0x18970] =	vst v0  }
0x1d5: {  	[tilespmem:$0x18980] =	vst v0  }
0x1d6: {  	[tilespmem:$0x18990] =	vst v0  }
0x1d7: {  	s22 =	sadd.s32 $0x1, s22;
	[tilespmem:$0x189A0] =	vst v0  }
0x1d8: {  	p2 =	sne.s32 s22, s6;
	[tilespmem:$0x189B0] =	vst v0  }
.Ltmp22:
0x1d9: {  	[tilespmem:$0x189C0] =	vst v0;
	(pc) =	sbr.rel @p2 .LBB2_24-.Ltmp22, $4  }
0x1da: {  	[tilespmem:$0x189D0] =	vst v0  }
0x1db: {  	[tilespmem:$0x189E0] =	vst v0  }
0x1dc: {  	[tilespmem:$0x189F0] =	vst v0  }
0x1dd: {  	[hbm4b:s23+s3] =	stream.linear.scatter [tilespmem:s19], [sflag:$0x1], $0xC400, $0x38;
	[tilespmem:$0x18A00] =	vst v63  }
0x1de: {  	s22 =	smov.u32 s5  }
.LBB2_28:
0x1df: {  	s23 =	sshrl.u32 s22, $0x1  }
0x1e0: {  	s23 =	smulhi.u32 $0x30C30C31, s23;
	_ =	sdelay $0x1  }
0x1e1: {  	s23 =	sshrl.u32 s23, $0x2  }
0x1e2: {  	s23 =	smul.u32 $0x156, s23;
	_ =	sdelay $0x1  }
0x1e3: {  	s23 =	sadd.s32 s23, s22  }
0x1e4: {  	s23 =	smul.u32 $0xC400, s23;
	_ =	sdelay $0x1  }
0x1e5: {  	s23 =	sadd.s32 $0xE11800, s23  }
0x1e6: {  	s23 =	sshrl.u32 s23, $0x3  }
0x1e7: {  	s25 =	simm.s32 $0x0;
	s24 =	sadd.s32 s2, s23  }
0x1e8: {  	[tilespmem:s18], [sflag:$0x2] =	stream.linear.gather [hbm4b:s24+s25], $0xC400, $0x38;
	[tilespmem:$0x18A00] =	vst v63  }
0x1e9: {  	_ =	swait.ge [sflag:s16], $0xC400  }
0x1ea: {  	[sflag:s16] =	ssyncset.done $0x0  }
0x1eb: {  	[sflag:s16] =	ssyncadd.s32 $0xFFFF3C00  }
0x1ec: {  	_ =	swait.ge [sflag:s20], $0xC400  }
0x1ed: {  	[sflag:s20] =	ssyncset.done $0x0  }
0x1ee: {  	s24 =	simm.s32 $0x0;
	[sflag:s20] =	ssyncadd.s32 $0xFFFF3C00  }
0x1ef: {  	v2 =	vld [tilespmem:s24+$0x1D1]  }
0x1f0: {  	v3 =	vld [tilespmem:s24+$0x101]  }
0x1f1: {  	v4 =	vld [tilespmem:s24+$0x111]  }
0x1f2: {  	v5 =	vld [tilespmem:s24+$0x121]  }
0x1f3: {  	v6 =	vld [tilespmem:s24+$0x131]  }
0x1f4: {  	v7 =	vld [tilespmem:s24+$0x141]  }
0x1f5: {  	v8 =	vld [tilespmem:s24+$0x151];
	[tilespmem:s24+$0xC600] =	vst v3  }
0x1f6: {  	vm0 =	veq.s32 v1, $0xF;
	v9 =	vld [tilespmem:s24+$0x161];
	[tilespmem:s24+$0xC610] =	vst v4  }
0x1f7: {  	v2 =	vsel vm0, $0x0, v2;
	[tilespmem:s24+$0xC620] =	vst v5;
	v3 =	vld [tilespmem:s24+$0x181]  }
0x1f8: {  	[tilespmem:s24+$0xC6D0] =	vst v2;
	v2 =	vld [tilespmem:s24+$0x171]  }
0x1f9: {  	[tilespmem:s24+$0xC630] =	vst v6;
	v4 =	vld [tilespmem:s24+$0x191]  }
0x1fa: {  	[tilespmem:s24+$0xC640] =	vst v7;
	v5 =	vld [tilespmem:s24+$0x1A1]  }
0x1fb: {  	[tilespmem:s24+$0xC650] =	vst v8;
	v6 =	vld [tilespmem:s24+$0x1B1]  }
0x1fc: {  	s26 =	simm.s32 $0x700;
	s23 =	sadd.s32 s4, s23;
	s25 =	simm.s32 $0xE0;
	[tilespmem:s24+$0xC660] =	vst v9;
	v7 =	vld [tilespmem:s24+$0x1C1]  }
.LBB2_29:
0x1fd: {  	p2 =	sne.s32 s26, $0x30C80;
	v8 =	vld [tilespmem:s25+$0x1D1];
	[tilespmem:s24+$0xC670] =	vst v2  }
0x1fe: {  	v2 =	vld [tilespmem:s25+$0x101];
	[tilespmem:s24+$0xC680] =	vst v3  }
0x1ff: {  	v3 =	vld [tilespmem:s25+$0x111];
	[tilespmem:s24+$0xC690] =	vst v4  }
0x200: {  	v4 =	vld [tilespmem:s25+$0x121];
	[tilespmem:s24+$0xC6A0] =	vst v5  }
0x201: {  	v5 =	vld [tilespmem:s25+$0x131];
	[tilespmem:s24+$0xC6B0] =	vst v6  }
0x202: {  	v6 =	vld [tilespmem:s25+$0x141];
	v8 =	vsel vm0, $0x0, v8;
	[tilespmem:s24+$0xC6C0] =	vst v7;
	s24 =	smov.u32 s25  }
0x203: {  	v7 =	vld [tilespmem:s24+$0x151];
	[tilespmem:s24+$0xC6D0] =	vst v8  }
0x204: {  	[tilespmem:s24+$0xC600] =	vst v2;
	v8 =	vld [tilespmem:s24+$0x161]  }
0x205: {  	[tilespmem:s24+$0xC610] =	vst v3;
	v2 =	vld [tilespmem:s24+$0x171]  }
.Ltmp23:
0x206: {  	[tilespmem:s24+$0xC620] =	vst v4;
	v3 =	vld [tilespmem:s24+$0x181];
	(pc) =	sbr.rel @p2 .LBB2_29-.Ltmp23, $4  }
0x207: {  	[tilespmem:s24+$0xC630] =	vst v5;
	v4 =	vld [tilespmem:s24+$0x191]  }
0x208: {  	[tilespmem:s24+$0xC640] =	vst v6;
	v5 =	vld [tilespmem:s24+$0x1A1]  }
0x209: {  	[tilespmem:s24+$0xC650] =	vst v7;
	v6 =	vld [tilespmem:s24+$0x1B1]  }
0x20a: {  	s25 =	sshra.s32 s26, $0x2;
	s26 =	sadd.s32 $0x380, s26;
	[tilespmem:s24+$0xC660] =	vst v8;
	v7 =	vld [tilespmem:s24+$0x1C1]  }
0x20b: {  	v8 =	vld [tilespmem:s25+$0x1D1];
	[tilespmem:s24+$0xC670] =	vst v2  }
0x20c: {  	v2 =	vld [tilespmem:s25+$0x101];
	[tilespmem:s24+$0xC680] =	vst v3  }
0x20d: {  	v3 =	vld [tilespmem:s25+$0x111];
	[tilespmem:s24+$0xC690] =	vst v4  }
0x20e: {  	v4 =	vld [tilespmem:s25+$0x121];
	[tilespmem:s24+$0xC6A0] =	vst v5  }
0x20f: {  	vm0 =	veq.s32 v1, $0xF;
	v5 =	vld [tilespmem:s25+$0x131];
	[tilespmem:s24+$0xC6B0] =	vst v6  }
0x210: {  	v6 =	vld [tilespmem:s25+$0x141];
	[tilespmem:s24+$0xC6C0] =	vst v7;
	v58 =	vsel vm0, $0x0, v8  }
0x211: {  	[tilespmem:s25+$0xC6D0] =	vst v58  }
0x212: {  	v59 =	vld [tilespmem:s25+$0x151];
	[tilespmem:s25+$0xC600] =	vst v2  }
0x213: {  	v2 =	vld [tilespmem:s25+$0x161];
	[tilespmem:s25+$0xC610] =	vst v3  }
0x214: {  	v60 =	vld [tilespmem:s25+$0x181];
	[tilespmem:s25+$0xC620] =	vst v4  }
0x215: {  	v61 =	vld [tilespmem:s25+$0x191];
	[tilespmem:s25+$0xC630] =	vst v5  }
0x216: {  	v62 =	vld [tilespmem:s25+$0x1A1];
	[tilespmem:s25+$0xC640] =	vst v6  }
0x217: {  	v63 =	vld [tilespmem:s25+$0x1B1];
	[tilespmem:s25+$0xC650] =	vst v59  }
0x218: {  	v3 =	vld [tilespmem:s25+$0x171];
	[tilespmem:s25+$0xC660] =	vst v2  }
0x219: {  	v2 =	vld [tilespmem:s25+$0x1C1];
	[tilespmem:s25+$0xC680] =	vst v60  }
0x21a: {  	[tilespmem:s25+$0xC690] =	vst v61  }
0x21b: {  	[tilespmem:s25+$0xC6A0] =	vst v62  }
0x21c: {  	[tilespmem:s25+$0xC6B0] =	vst v63  }
0x21d: {  	[tilespmem:s25+$0xC670] =	vst v3  }
0x21e: {  	[tilespmem:s25+$0xC6C0] =	vst v2  }
0x21f: {  	[tilespmem:$0xC600] =	vst v0  }
0x220: {  	[tilespmem:$0xC610] =	vst v0  }
0x221: {  	[tilespmem:$0xC620] =	vst v0  }
0x222: {  	[tilespmem:$0xC630] =	vst v0  }
0x223: {  	[tilespmem:$0xC640] =	vst v0  }
0x224: {  	[tilespmem:$0xC650] =	vst v0  }
0x225: {  	[tilespmem:$0xC660] =	vst v0  }
0x226: {  	[tilespmem:$0xC670] =	vst v0  }
0x227: {  	s22 =	sadd.s32 $0x1, s22;
	[tilespmem:$0xC680] =	vst v0  }
0x228: {  	p2 =	sne.s32 s22, s6;
	[tilespmem:$0xC690] =	vst v0  }
.Ltmp24:
0x229: {  	[tilespmem:$0xC6A0] =	vst v0;
	(pc) =	sbr.rel @p2 .LBB2_28-.Ltmp24, $4  }
0x22a: {  	[tilespmem:$0xC6B0] =	vst v0  }
0x22b: {  	[tilespmem:$0xC6C0] =	vst v0  }
0x22c: {  	[tilespmem:$0xC6D0] =	vst v0  }
0x22d: {  	[hbm4b:s23+s3] =	stream.linear.scatter [tilespmem:s19], [sflag:$0x1], $0xC400, $0x38;
	[tilespmem:$0x18A00] =	vst v63  }
0x22e: {  	s22 =	smov.u32 s5  }
.LBB2_32:
0x22f: {  	s23 =	sshrl.u32 s22, $0x1  }
0x230: {  	s23 =	smulhi.u32 $0x30C30C31, s23;
	_ =	sdelay $0x1  }
0x231: {  	s23 =	sshrl.u32 s23, $0x2  }
0x232: {  	s23 =	smul.u32 $0x156, s23;
	_ =	sdelay $0x1  }
0x233: {  	s23 =	sadd.s32 s23, s22  }
0x234: {  	s23 =	smul.u32 $0xC400, s23;
	_ =	sdelay $0x1  }
0x235: {  	s23 =	sadd.s32 $0x1014000, s23  }
0x236: {  	s23 =	sshrl.u32 s23, $0x3  }
0x237: {  	s25 =	simm.s32 $0x0;
	s24 =	sadd.s32 s2, s23  }
0x238: {  	[tilespmem:s18], [sflag:$0x2] =	stream.linear.gather [hbm4b:s24+s25], $0xC400, $0x38;
	[tilespmem:$0x18A00] =	vst v63  }
0x239: {  	_ =	swait.ge [sflag:s16], $0xC400  }
0x23a: {  	[sflag:s16] =	ssyncset.done $0x0  }
0x23b: {  	[sflag:s16] =	ssyncadd.s32 $0xFFFF3C00  }
0x23c: {  	_ =	swait.ge [sflag:s20], $0xC400  }
0x23d: {  	[sflag:s20] =	ssyncset.done $0x0  }
0x23e: {  	s24 =	simm.s32 $0x0;
	[sflag:s20] =	ssyncadd.s32 $0xFFFF3C00  }
0x23f: {  	v2 =	vld [tilespmem:s24+$0xFF]  }
0x240: {  	v3 =	vld [tilespmem:s24+$0x10F]  }
0x241: {  	v4 =	vld [tilespmem:s24+$0x11F]  }
0x242: {  	v5 =	vld [tilespmem:s24+$0x12F]  }
0x243: {  	v6 =	vld [tilespmem:s24+$0x13F]  }
0x244: {  	v7 =	vld [tilespmem:s24+$0x14F]  }
0x245: {  	v8 =	vld [tilespmem:s24+$0x15F];
	[tilespmem:s24+$0xC610] =	vst v3  }
0x246: {  	vm0 =	veq.s32 v1, $0x0;
	v9 =	vld [tilespmem:s24+$0x16F];
	[tilespmem:s24+$0xC620] =	vst v4  }
0x247: {  	v2 =	vsel vm0, $0x0, v2;
	[tilespmem:s24+$0xC630] =	vst v5;
	v3 =	vld [tilespmem:s24+$0x18F]  }
0x248: {  	[tilespmem:s24+$0xC600] =	vst v2;
	v2 =	vld [tilespmem:s24+$0x17F]  }
0x249: {  	[tilespmem:s24+$0xC640] =	vst v6;
	v4 =	vld [tilespmem:s24+$0x19F]  }
0x24a: {  	[tilespmem:s24+$0xC650] =	vst v7;
	v5 =	vld [tilespmem:s24+$0x1AF]  }
0x24b: {  	[tilespmem:s24+$0xC660] =	vst v8;
	v6 =	vld [tilespmem:s24+$0x1BF]  }
0x24c: {  	s26 =	simm.s32 $0x700;
	s23 =	sadd.s32 s4, s23;
	s25 =	simm.s32 $0xE0;
	[tilespmem:s24+$0xC670] =	vst v9;
	v7 =	vld [tilespmem:s24+$0x1CF]  }
.LBB2_33:
0x24d: {  	p2 =	sne.s32 s26, $0x30C80;
	v8 =	vld [tilespmem:s25+$0xFF];
	[tilespmem:s24+$0xC680] =	vst v2  }
0x24e: {  	v2 =	vld [tilespmem:s25+$0x10F];
	[tilespmem:s24+$0xC690] =	vst v3  }
0x24f: {  	v3 =	vld [tilespmem:s25+$0x11F];
	[tilespmem:s24+$0xC6A0] =	vst v4  }
0x250: {  	v4 =	vld [tilespmem:s25+$0x12F];
	[tilespmem:s24+$0xC6B0] =	vst v5  }
0x251: {  	v5 =	vld [tilespmem:s25+$0x13F];
	[tilespmem:s24+$0xC6C0] =	vst v6  }
0x252: {  	v6 =	vsel vm0, $0x0, v8;
	v8 =	vld [tilespmem:s25+$0x14F];
	[tilespmem:s24+$0xC6D0] =	vst v7;
	s24 =	smov.u32 s25  }
0x253: {  	[tilespmem:s24+$0xC600] =	vst v6;
	v6 =	vld [tilespmem:s24+$0x15F]  }
0x254: {  	[tilespmem:s24+$0xC610] =	vst v2;
	v7 =	vld [tilespmem:s24+$0x16F]  }
0x255: {  	[tilespmem:s24+$0xC620] =	vst v3;
	v2 =	vld [tilespmem:s24+$0x17F]  }
.Ltmp25:
0x256: {  	[tilespmem:s24+$0xC630] =	vst v4;
	v3 =	vld [tilespmem:s24+$0x18F];
	(pc) =	sbr.rel @p2 .LBB2_33-.Ltmp25, $4  }
0x257: {  	[tilespmem:s24+$0xC640] =	vst v5;
	v4 =	vld [tilespmem:s24+$0x19F]  }
0x258: {  	[tilespmem:s24+$0xC650] =	vst v8;
	v5 =	vld [tilespmem:s24+$0x1AF]  }
0x259: {  	[tilespmem:s24+$0xC660] =	vst v6;
	v6 =	vld [tilespmem:s24+$0x1BF]  }
0x25a: {  	s25 =	sshra.s32 s26, $0x2;
	s26 =	sadd.s32 $0x380, s26;
	[tilespmem:s24+$0xC670] =	vst v7;
	v7 =	vld [tilespmem:s24+$0x1CF]  }
0x25b: {  	v8 =	vld [tilespmem:s25+$0xFF];
	[tilespmem:s24+$0xC680] =	vst v2  }
0x25c: {  	v2 =	vld [tilespmem:s25+$0x10F];
	[tilespmem:s24+$0xC690] =	vst v3  }
0x25d: {  	v3 =	vld [tilespmem:s25+$0x11F];
	[tilespmem:s24+$0xC6A0] =	vst v4  }
0x25e: {  	v4 =	vld [tilespmem:s25+$0x12F];
	[tilespmem:s24+$0xC6B0] =	vst v5  }
0x25f: {  	vm0 =	veq.s32 v1, $0x0;
	v5 =	vld [tilespmem:s25+$0x13F];
	[tilespmem:s24+$0xC6C0] =	vst v6  }
0x260: {  	v6 =	vld [tilespmem:s25+$0x14F];
	v8 =	vsel vm0, $0x0, v8;
	[tilespmem:s24+$0xC6D0] =	vst v7  }
0x261: {  	[tilespmem:s25+$0xC600] =	vst v8  }
0x262: {  	v7 =	vld [tilespmem:s25+$0x15F];
	[tilespmem:s25+$0xC610] =	vst v2  }
0x263: {  	v2 =	vld [tilespmem:s25+$0x16F];
	[tilespmem:s25+$0xC620] =	vst v3  }
0x264: {  	v60 =	vld [tilespmem:s25+$0x18F];
	[tilespmem:s25+$0xC630] =	vst v4  }
0x265: {  	v61 =	vld [tilespmem:s25+$0x19F];
	[tilespmem:s25+$0xC640] =	vst v5  }
0x266: {  	v62 =	vld [tilespmem:s25+$0x1AF];
	[tilespmem:s25+$0xC650] =	vst v6  }
0x267: {  	v63 =	vld [tilespmem:s25+$0x1BF];
	[tilespmem:s25+$0xC660] =	vst v7  }
0x268: {  	v3 =	vld [tilespmem:s25+$0x17F];
	[tilespmem:s25+$0xC670] =	vst v2  }
0x269: {  	v2 =	vld [tilespmem:s25+$0x1CF];
	[tilespmem:s25+$0xC690] =	vst v60  }
0x26a: {  	[tilespmem:s25+$0xC6A0] =	vst v61  }
0x26b: {  	[tilespmem:s25+$0xC6B0] =	vst v62  }
0x26c: {  	[tilespmem:s25+$0xC6C0] =	vst v63  }
0x26d: {  	[tilespmem:s25+$0xC680] =	vst v3  }
0x26e: {  	[tilespmem:s25+$0xC6D0] =	vst v2  }
0x26f: {  	[tilespmem:$0xC600] =	vst v0  }
0x270: {  	[tilespmem:$0xC610] =	vst v0  }
0x271: {  	[tilespmem:$0xC620] =	vst v0  }
0x272: {  	[tilespmem:$0xC630] =	vst v0  }
0x273: {  	[tilespmem:$0xC640] =	vst v0  }
0x274: {  	[tilespmem:$0xC650] =	vst v0  }
0x275: {  	[tilespmem:$0xC660] =	vst v0  }
0x276: {  	[tilespmem:$0xC670] =	vst v0  }
0x277: {  	s22 =	sadd.s32 $0x1, s22;
	[tilespmem:$0xC680] =	vst v0  }
0x278: {  	p2 =	sne.s32 s22, s6;
	[tilespmem:$0xC690] =	vst v0  }
.Ltmp26:
0x279: {  	[tilespmem:$0xC6A0] =	vst v0;
	(pc) =	sbr.rel @p2 .LBB2_32-.Ltmp26, $4  }
.Ltmp27:
0x27a: {  	[tilespmem:$0xC6B0] =	vst v0;
	(pc) =	sbr.rel @!p2 .LBB2_35-.Ltmp27, $4  }
0x27b: {  	[tilespmem:$0xC6C0] =	vst v0  }
0x27c: {  	[tilespmem:$0xC6D0] =	vst v0  }
0x27d: {  	[hbm4b:s23+s3] =	stream.linear.scatter [tilespmem:s19], [sflag:$0x1], $0xC400, $0x38;
	[tilespmem:$0x18A00] =	vst v63  }
0x27e: {  	_ = 	snop  }
.LBB2_36:
0x27f: {  	_ =	sfence.sel $0x180000  }
0x280: {  	[bflag:$0x0] =	sbarrier.arrive $0xFFFF  }
0x281: {  	p0 =	sne.s32 s0, $0x0;
	_ =	strace $0x9000004A  }
0x282: {  	s0 =	sadd.s32 @!p0 $0x100000, s1;
	[bflag:$0x2] =	sbarrier.arrive $0xFFFF  }
0x283: {  	[sflag:s0] =	ssyncadd.tile.s32 @!p0 $0x1;
	_ =	shalt  }
.Lfunc_end2:
_tile_overlayer_lowered:
.L_overlay_start_2:
0x284: {  	(tag) =	ssettag $0x2  }
0x285: {  	s0 =	rddreg [dreg:$0x0];
	s2 =	stileid.u32  }
0x286: {  	s1 =	rddreg [dreg:$0x1];
	p0 =	sne.s32 s2, $0x0  }
0x287: {  	s3 =	rddreg [dreg:$0x2];
	[bflag:$0x3] =	sbarrier.arrive $0xFFFF;
	s2 =	simm.s32 @!p0 $0x1C02  }
0x288: {  	[timem:s3], [sflag:s2] =	dma.local @!p0 [hbm:s0], s1  }
0x289: {  	s0 =	simm.s32 @!p0 $0x2  }
0x28a: {  	_ =	swait.ge @!p0 [sflag:s0], s1  }
0x28b: {  	s1 =	ssub.s32 @!p0 $0x0, s1;
	[sflag:s0] =	ssyncset.done @!p0 $0x0  }
0x28c: {  	[sflag:s0] =	ssyncadd.s32 @!p0 s1  }
0x28d: {  	[bflag:$0x3] =	sbarrier.arrive $0xFFFF  }
0x28e: {  	_ =	shalt  }

// kernel: sparse-core-data-format-call.1.cloned.1.call-start
scs
called_computation.1_lowered:
.L_overlay_start_0:
0x0: {  	s2 =	sld [smem:$0x3FD9]  }
0x1: {  	s3 =	sld [smem:$0x3FFE];
	_ =	sdelay $0x1  }
0x2: {  	s1 =	srdreg.scid  }
0x3: {  	s0 =	sand.u32 $0x1, s1  }
0x4: {  	s18 =	sshll.u32 s0, $0xA;
	s2 =	sadd.s32 s3, s2  }
0x5: {  	s2 =	sadd.s32 s2, s18  }
0x6: {  	[smem:$0x3FC7] =	sst s2  }
0x7: {  	_ = 	snop  }
0x8: {  	s2 =	sld [smem:$0x3FC9];
	(tm) =	ssettm $0x1  }
0x9: {  	s19 =	sld [smem:$0x3FFB];
	_ =	sdelay $0x3  }
0xa: {  	_ =	strace s19  }
0xb: {  	s3 =	sld [smem:$0x3FFC];
	_ =	sdelay $0x3  }
0xc: {  	_ =	strace s3  }
0xd: {  	s3 =	sld [smem:$0x3FFD];
	_ =	sdelay $0x3  }
0xe: {  	_ =	strace s3  }
0xf: {  	_ =	strace $0x8FFFFFFF  }
0x10: {  	s20 =	sld [smem:$0x3FDB];
	_ =	sdelay $0x1  }
0x11: {  	s4 =	simm.s32 $_scs_section_size  }
0x12: {  	s5 =	simm.s32 $_size__tile_overlayer_lowered;
	s6 =	simm.s32 $_tile_overlayer_lowered  }
0x13: {  	s23 =	simm.s32 $0x1BFF;
	s22 =	sshll.u32 s6, $0x1;
	s3 =	sadd.s32 s4, s20  }
0x14: {  	s7 =	simm.s32 $0x0;
	s21 =	sshll.u32 s5, $0x1;
	s5 =	sadd.s32 s22, s3  }
0x15: {  	[timem:s7], [sflag:s23] =	dma.local [hbm:s5], s21  }
0x16: {  	_ =	swait.ge [sflag:s23], s21  }
0x17: {  	s4 =	ssub.s32 $0x0, s21;
	[sflag:s23] =	ssyncset.done $0x0  }
0x18: {  	[sflag:s23] =	ssyncadd.s32 s4;
	_ =	sdelay $0x1  }
0x19: {  	s24 =	simm.s32 $0x1B8B  }
0x1a: {  	_ =	swait.ge [sflag:s24], $0x1  }
0x1b: {  	[sflag:s24] =	ssyncset.done $0x0  }
0x1c: {  	s26 =	simm.s32 $0x1B8E;
	s25 =	sld [smem:$0x3FFE];
	[sflag:s24] =	ssyncadd.s32 $0xFFFFFFFF  }
0x1d: {  	s27 =	simm.s32 $execute0_lowered;
	[smem:$0x3FD2] =	sst s26  }
0x1e: {  	s5 =	sshll.u32 s27, $0x1;
	_ =	strace $0x80000046;
	[dreg:$0x1] =	wrdreg $0xFFFFFFFF  }
0x1f: {  	s28 =	simm.s32 $_size_execute0_lowered;
	s3 =	sadd.s32 s3, s5;
	[dreg:$0x0] =	wrdreg $0x0  }
0x20: {  	s5 =	sshll.u32 s28, $0x1;
	[dreg:$0x2] =	wrdreg s3  }
0x21: {  	[dreg:$0x3] =	wrdreg s5  }
0x22: {  	[dreg:$0x4] =	wrdreg $0xC0  }
0x23: {  	_ =	task [dreg:s7], $0x5FFFF  }
0x24: {  	[dreg:$0x1] =	wrdreg $0xFFFFFFFF  }
0x25: {  	[dreg:$0x0] =	wrdreg $0x60  }
0x26: {  	[dreg:$0x2] =	wrdreg s2  }
0x27: {  	[dreg:$0x3] =	wrdreg s25  }
0x28: {  	[dreg:$0x4] =	wrdreg $0x9  }
0x29: {  	_ =	task.clear_ibuf [dreg:s7], $0x5FFFF;
	_ =	strace $0x90000046  }
0x2a: {  	s29 =	simm.s32 $0x9;
	_ =	strace $0x80000048  }
0x2b: {  	_ =	swait.ge [sflag:s29], $0x1  }
0x2c: {  	[sflag:s29] =	ssyncadd.s32 $0xFFFFFFFF  }
0x2d: {  	_ =	strace $0x90000048  }
0x2e: {  	_ =	sfence  }
0x2f: {  	s30 =	sld [smem:$0x0];
	_ =	sdelay $0x2  }
0x30: {  	s31 =	sshll.u32 s1, $0xD;
	s1 =	sshrl.u32 s1, $0x2  }
0x31: {  	s3 =	sand.u32 $0x4000, s31;
	s1 =	sadd.s32 s1, s30  }
0x32: {  	s0 =	sor.u32 s3, s0;
	s1 =	sshll.u32 s1, $0x11  }
0x33: {  	s0 =	sor.u32 s1, s0  }
0x34: {  	s0 =	sadd.s32 $0x8F2B, s0  }
0x35: {  	[sflag:s0] =	ssyncadd.remote.s32 $0x1  }
0x36: {  	_ =	sfence.sel $0xFFFF  }
0x37: {  	[dreg:$0x0] =	wrdreg $0xFFFFFFFF;
	(pc) =	sbr.abs _section_cstart, $3  }
0x38: {  	[dreg:$0x1] =	wrdreg $0xFFFFFFFF  }
0x39: {  	_ =	task.clear_ibuf [dreg:s7], $0x2FFFF;
	_ =	strace $0x9FFFFFFF  }
0x3a: {  	(tm) =	ssettm $0x7FFFFFFF  }
0x3b: {  	_ =	shalt  }
tec
execute0_lowered:
.L_overlay_start_1:
0x0: {  	(tag) =	ssettag $0x1  }
0x1: {  	s2 =	rddreg [dreg:$0x0]  }
0x2: {  	s4 =	rddreg [dreg:$0x1]  }
0x3: {  	s1 =	stileid.u32;
	s0 =	rddreg [dreg:$0x2];
	_ =	strace $0x80000047  }
0x4: {  	s5 =	srdreg.scid;
	s8 =	simm.s32 $0x2;
	s17 =	simm.s32 $0x0  }
0x5: {  	p0 =	por $0x0, $0x0;
	s9 =	simm.s32 $0xC00;
	s10 =	simm.s32 $0xE000  }
0x6: {  	s16 =	simm.s32 $0x0;
	s19 =	simm.s32 $0x0;
	s18 =	simm.s32 $0x0  }
0x7: {  	s11 =	simm.s32 $0x0;
	s12 =	simm.s32 $0x0;
	s3 =	sand.u32 $0x1, s1  }
0x8: {  	s15 =	simm.s32 $0x0;
	s5 =	sshll.u32 s5, $0x4;
	s6 =	ssub.s32 $0x2, s3  }
.Ltmp0:
0x9: {  	s7 =	sshrl.u32 s6, $0x1;
	s6 =	sand.u32 $0x1, s6;
	(pc) =	sbr.rel .LBB1_1-.Ltmp0, $4  }
0xa: {  	s4 =	sadd.s32 $0xC00, s4;
	s5 =	sand.u32 $0x10, s5;
	s6 =	sadd.s32 s6, s7  }
0xb: {  	s31 =	sor.u32 s1, s5;
	s5 =	simm.s32 $0x1;
	s6 =	smul.u32 $0x54, s6  }
0xc: {  	s14 =	smov.u32 s3;
	s7 =	sshrl.u32 s31, $0x1;
	[sflag:s5] =	ssyncpa.u1 $0x0  }
0xd: {  	[sflag:s8] =	ssyncpa.u1 $0x0;
	s13 =	smov.u32 s7;
	s8 =	sor.u32 $0x1, s6  }
.LBB1_6:
0xe: {  	s25 =	sshll.u32 s19, $0x8;
	s26 =	sshll.u32 s16, $0x3;
	v5 =	vld [tilespmem:s23+$0xFFFFFFD0];
	[tilespmem:s22+$0x2040 ss:$0x81] =	vst.msk $0xffff, v4  }
0xf: {  	s31 =	sshll.u32 s19, $0x7;
	v58 =	vld [tilespmem:s23+$0xFFFFFFE0];
	[tilespmem:s22+$0x2850 ss:$0x81] =	vst.msk $0xffff, v2;
	s25 =	sand.u32 $0xFFFFF800, s25;
	s26 =	sand.u32 $0xFFFFFC00, s26  }
0x10: {  	s24 =	sshra.s32 s24, $0x2;
	v59 =	vld [tilespmem:s23+$0xFFFFFFF0];
	[tilespmem:s22+$0x3060 ss:$0x81] =	vst.msk $0xffff, v3;
	s27 =	sand.u32 $0x300, s31;
	s25 =	sadd.s32 s25, s26  }
0x11: {  	v60 =	vld [tilespmem:s23+$0x0];
	[tilespmem:s22+$0x0 ss:$0x81] =	vst.msk $0xffff, v0;
	s21 =	sadd.s32 s24, s21;
	s25 =	sor.u32 s27, s25  }
0x12: {  	v61 =	vld [tilespmem:s23+$0x10];
	s18 =	smul.u32 $0x2A0000, s18;
	[tilespmem:s21+$0x3870 ss:$0x81] =	vst.msk $0xffff, v1;
	s25 =	sshrl.u32 s25, $0x8  }
0x13: {  	v62 =	vld [tilespmem:s23+$0x20];
	s28 =	smulhi.u32 $0x124924A, s25;
	[tilespmem:s21+$0x810 ss:$0x81] =	vst.msk $0xffff, v5  }
0x14: {  	v63 =	vld [tilespmem:s23+$0xFFFFFFC0];
	s17 =	smul.u32 $0x1C00, s17;
	[tilespmem:s21+$0x1020 ss:$0x81] =	vst.msk $0xffff, v58  }
0x15: {  	s29 =	sand.u32 $0x78, s16;
	s19 =	sand.u32 $0x80, s31;
	[tilespmem:s21+$0x1830 ss:$0x81] =	vst.msk $0xffff, v59;
	s22 =	smul.u32 $0xE0, s28  }
0x16: {  	s30 =	sand.u32 $0x7, s16;
	s19 =	sor.u32 s29, s19;
	s18 =	sadd.s32 s4, s18;
	[tilespmem:s21+$0x2040 ss:$0x81] =	vst.msk $0xffff, v60  }
0x17: {  	s19 =	sshrl.u32 s19, $0x3;
	s17 =	sadd.s32 s17, s18;
	[tilespmem:s21+$0x2850 ss:$0x81] =	vst.msk $0xffff, v61;
	s22 =	ssub.s32 s25, s22  }
0x18: {  	s16 =	sshll.u32 s30, $0x12;
	s17 =	sadd.s32 s19, s17;
	[tilespmem:s21+$0x3060 ss:$0x81] =	vst.msk $0xffff, v62;
	s31 =	sshll.u32 s22, $0x5  }
0x19: {  	s16 =	sor.u32 $0x80, s16;
	[tilespmem:s21+$0x0 ss:$0x81] =	vst.msk $0xffff, v63;
	s17 =	sadd.s32 s31, s17  }
0x1a: {  	[hbm4b:s17+s16] =	stream.strided.scatter [tilespmem:s20], [sflag:$0x2], $0x4000, s10, s16, $0x20;
	[tilespmem:$0x10100] =	vst v63  }
.LBB1_7:
0x1b: {  	s20 =	sadd.s32 $0x80, s11  }
0x1c: {  	s16 =	sadd.s32 $0x80, s12;
	s21 =	smov.u32 s12;
	p2 =	sgt.s32 s20, $0x17F  }
0x1d: {  	s21 =	smov.u32 @p2 s16  }
0x1e: {  	s22 =	smov.u32 s13;
	s16 =	sadd.s32 $0x10, s13;
	p3 =	sgt.s32 s21, $0xDF  }
0x1f: {  	s22 =	smov.u32 @p3 s16  }
0x20: {  	s23 =	smov.u32 s14;
	s16 =	sadd.s32 $0x2, s14;
	p4 =	sgt.s32 s22, $0xDF  }
0x21: {  	p1 =	slt.u32 s15, $0x2;
	s23 =	smov.u32 @p4 s16  }
0x22: {  	s17 =	smov.u32 s11;
	s20 =	simm.s32 @p2 $0x0;
	p2 =	sgt.s32 s23, $0x1  }
0x23: {  	s24 =	simm.s32 @!p1 $0x2;
	s23 =	smov.u32 @p2 s3;
	p2 =	sne.s32 s15, s8  }
.Ltmp1:
0x24: {  	s19 =	smov.u32 s13;
	_ =	swait.ge @!p1 [sflag:s24], $0x4000;
	(pc) =	sbr.rel @!p2 .LBB1_8-.Ltmp1, $4  }
0x25: {  	s18 =	smov.u32 s14;
	p0 =	por !p0, !p0;
	[sflag:s24] =	ssyncset.done @!p1 $0x0  }
0x26: {  	s11 =	smov.u32 s20;
	s21 =	simm.s32 @p3 $0x0;
	[sflag:s24] =	ssyncadd.s32 @!p1 $0xFFFFC000  }
0x27: {  	s22 =	smov.u32 @p4 s7;
	s16 =	smov.u32 s12;
	s12 =	smov.u32 s21  }
0x28: {  	s13 =	smov.u32 s22;
	s15 =	sadd.s32 $0x1, s15;
	s14 =	smov.u32 s23  }
.LBB1_1:
0x29: {  	p1 =	sge.u32 s15, s6  }
.Ltmp2:
0x2a: {  	_ = 	snop;
	(pc) =	sbr.rel @p1 .LBB1_3-.Ltmp2, $1  }
0x2b: {  	_ =	sdelay $0x3  }
0x2c: {  	s20 =	sshrl.u32 s12, $0x3  }
0x2d: {  	s21 =	sshll.u32 s11, $0x3;
	s20 =	smul.u32 $0xC00, s20  }
0x2e: {  	s22 =	sshll.u32 s12, $0x7;
	s21 =	sand.u32 $0xFFFFFC00, s21  }
0x2f: {  	s27 =	sand.u32 $0x380, s22;
	s20 =	sadd.s32 s20, s21  }
0x30: {  	s28 =	sand.u32 $0x7F, s11;
	s20 =	sor.u32 s27, s20  }
0x31: {  	s23 =	sshra.s32 s14, $0x1F;
	s21 =	sor.u32 s28, s20  }
0x32: {  	p1 =	sgt.s32 s14, $0x1;
	s24 =	smov.u32 s14;
	s22 =	smulhi.u32 $0xAAAAAAAB, s21  }
0x33: {  	s25 =	sxor.u32 $0xFFFFFFFF, s15;
	s30 =	sshra.s32 s13, $0x1F;
	s23 =	sand.u32 s23, s14  }
0x34: {  	s24 =	simm.s32 @!p1 $0x1;
	s23 =	sxor.u32 $0xFFFFFFFF, s23;
	s22 =	sshrl.u32 s22, $0x8  }
0x35: {  	s26 =	sshra.s32 s12, $0x1F;
	s29 =	sadd.s32 s23, s24;
	s22 =	smul.u32 $0x180, s22  }
0x36: {  	s25 =	sshll.u32 s25, $0xE;
	s26 =	sand.u32 s26, s12;
	p1 =	sgt.s32 s29, $0x0  }
0x37: {  	s20 =	smulhi.u32 $0xAAAAAAAB, s20;
	s21 =	ssub.s32 s21, s22;
	s22 =	ssub.s32 $0x1, s29  }
0x38: {  	s23 =	smov.u32 s13;
	s22 =	simm.s32 @p1 $0x0;
	p1 =	sgt.s32 s13, $0xDF  }
0x39: {  	s24 =	sand.u32 s30, s13;
	s20 =	sshrl.u32 s20, $0x8;
	s23 =	simm.s32 @!p1 $0xDF  }
0x3a: {  	p1 =	sgt.s32 s12, $0x60;
	s23 =	ssub.s32 s23, s24;
	s24 =	smov.u32 s12  }
0x3b: {  	s31 =	smulhi.u32 $0x124924A, s20;
	s27 =	sadd.s32 $0xFFFFFF21, s23;
	s24 =	simm.s32 @!p1 $0x60  }
0x3c: {  	s23 =	ssub.s32 $0xE0, s23;
	p1 =	sgt.s32 s27, $0x0;
	s24 =	ssub.s32 s24, s26  }
0x3d: {  	s29 =	sshra.s32 s11, $0x1F;
	s23 =	simm.s32 @p1 $0x0;
	s28 =	sadd.s32 $0xFFFFFFA0, s24  }
0x3e: {  	s22 =	smul.u32 s22, s23;
	p1 =	sgt.s32 s28, $0x7F;
	s23 =	ssub.s32 $0xE0, s24  }
0x3f: {  	s24 =	smov.u32 s11;
	s23 =	simm.s32 @p1 $0x0;
	p1 =	sgt.s32 s11, $0x100  }
0x40: {  	s26 =	smul.u32 $0xE0, s31;
	s27 =	sand.u32 s29, s11;
	s24 =	simm.s32 @!p1 $0x100  }
0x41: {  	s31 =	smul.u32 $0x24C000, s14;
	s29 =	sand.u32 $0x7, s21;
	s24 =	ssub.s32 s24, s27  }
0x42: {  	s20 =	ssub.s32 s20, s26;
	s22 =	smul.u32 s23, s22;
	s30 =	sadd.s32 $0xFFFFFF00, s24  }
0x43: {  	s27 =	smul.u32 $0x2A00, s13;
	s24 =	ssub.s32 $0x180, s24;
	p1 =	sgt.s32 s30, $0x7F  }
0x44: {  	s26 =	sadd.s32 s2, s31;
	s20 =	smul.u32 $0x30, s20;
	s24 =	simm.s32 @p1 $0x0  }
0x45: {  	s21 =	sshrl.u32 s21, $0x3;
	s28 =	sadd.s32 s27, s26;
	s22 =	smul.u32 s24, s22  }
0x46: {  	s23 =	sand.u32 $0x4000, s25;
	s30 =	sshll.u32 s29, $0x12;
	s20 =	sadd.s32 s20, s28  }
0x47: {  	s31 =	sor.u32 $0x400, s30;
	s20 =	sadd.s32 s21, s20;
	s22 =	sand.u32 $0x3FFFFFFF, s22  }
0x48: {  	[tilespmem:s23], [sflag:$0x1] =	stream.strided.gather [hbm4b:s20+s31], s22, s9, s31, $0x38;
	[tilespmem:$0x10100] =	vst v63  }
.LBB1_3:
0x49: {  	s20 =	sadd.s32 $0xFFFFFFFF, s15  }
0x4a: {  	p1 =	sge.u32 s20, s6  }
.Ltmp3:
0x4b: {  	_ = 	snop;
	(pc) =	sbr.rel @p1 .LBB1_7-.Ltmp3, $1  }
0x4c: {  	_ =	sdelay $0x3  }
0x4d: {  	p1 =	sgt.s32 s18, $0x1;
	s20 =	smov.u32 s18;
	s21 =	sshra.s32 s18, $0x1F  }
0x4e: {  	s22 =	smov.u32 s19;
	s23 =	sshra.s32 s19, $0x1F;
	s25 =	sshra.s32 s16, $0x1F  }
0x4f: {  	s20 =	simm.s32 @!p1 $0x1;
	s21 =	sand.u32 s21, s18;
	p1 =	sgt.s32 s19, $0xDF  }
0x50: {  	s23 =	sand.u32 s23, s19;
	s21 =	sxor.u32 $0xFFFFFFFF, s21;
	s22 =	simm.s32 @!p1 $0xDF  }
0x51: {  	s27 =	sshra.s32 s17, $0x1F;
	s20 =	sadd.s32 s21, s20;
	s24 =	ssub.s32 s22, s23  }
0x52: {  	p1 =	sgt.s32 s20, $0x0;
	s20 =	ssub.s32 $0x1, s20;
	s22 =	sadd.s32 $0xFFFFFF21, s24  }
0x53: {  	s21 =	ssub.s32 $0xE0, s24;
	s20 =	simm.s32 @p1 $0x0;
	p1 =	sgt.s32 s22, $0x0  }
0x54: {  	s22 =	smov.u32 s16;
	s21 =	simm.s32 @p1 $0x0;
	p1 =	sgt.s32 s16, $0x60  }
0x55: {  	s26 =	sand.u32 s25, s16;
	s20 =	smul.u32 s20, s21;
	s22 =	simm.s32 @!p1 $0x60  }
0x56: {  	p1 =	sgt.s32 s17, $0x100;
	s21 =	ssub.s32 s22, s26;
	s22 =	smov.u32 s17  }
0x57: {  	s23 =	sand.u32 s27, s17;
	s24 =	sadd.s32 $0xFFFFFFA0, s21;
	s22 =	simm.s32 @!p1 $0x100  }
0x58: {  	s21 =	ssub.s32 $0xE0, s21;
	p1 =	sgt.s32 s24, $0x7F;
	s22 =	ssub.s32 s22, s23  }
0x59: {  	s21 =	simm.s32 @p1 $0x0;
	s23 =	sadd.s32 $0xFFFFFF00, s22  }
0x5a: {  	s20 =	smul.u32 s21, s20;
	p1 =	sgt.s32 s23, $0x7F;
	s21 =	ssub.s32 $0x180, s22  }
0x5b: {  	s21 =	simm.s32 @p1 $0x0  }
0x5c: {  	s20 =	smul.u32 s21, s20;
	_ =	sdelay $0x1  }
0x5d: {  	s21 =	simm.s32 $0x1;
	s20 =	sand.u32 $0x3FFFFFFF, s20  }
0x5e: {  	s21 =	simm.s32 @!p0 $0x0;
	_ =	swait.ge [sflag:s5], s20  }
0x5f: {  	s28 =	sshll.u32 s21, $0xE;
	s20 =	ssub.s32 $0x0, s20;
	[sflag:s5] =	ssyncset.done $0x0  }
0x60: {  	s29 =	sor.u32 $0x40, s28;
	[sflag:s5] =	ssyncadd.s32 s20  }
0x61: {  	s30 =	smul.u32 $0x10200, s21;
	v0 =	vld [tilespmem:s29+$0x30]  }
0x62: {  	v1 =	vld [tilespmem:s29+$0xFFFFFFD0]  }
0x63: {  	s20 =	sshrl.u32 s30, $0x2;
	v5 =	vld [tilespmem:s29+$0xFFFFFFE0]  }
0x64: {  	s21 =	sor.u32 $0x8000, s20;
	v6 =	vld [tilespmem:s29+$0xFFFFFFF0]  }
0x65: {  	s31 =	sand.u32 $0x1, s15;
	v4 =	vld [tilespmem:s29+$0x0];
	s22 =	sadd.s32 $0x0, s21  }
0x66: {  	s20 =	smul.u32 $0x10200, s31;
	v2 =	vld [tilespmem:s29+$0x10];
	[tilespmem:s22+$0x3870 ss:$0x81] =	vst.msk $0xffff, v0  }
0x67: {  	v3 =	vld [tilespmem:s29+$0x20];
	[tilespmem:s22+$0x810 ss:$0x81] =	vst.msk $0xffff, v1  }
0x68: {  	s23 =	sadd.s32 $0x80, s29;
	s20 =	sshrl.u32 s20, $0x2;
	v0 =	vld [tilespmem:s29+$0xFFFFFFC0];
	[tilespmem:s22+$0x1020 ss:$0x81] =	vst.msk $0xffff, v5  }
0x69: {  	s25 =	simm.s32 $0x8;
	s24 =	simm.s32 $0x4;
	s20 =	sor.u32 $0x8000, s20;
	v1 =	vld [tilespmem:s23+$0x30];
	[tilespmem:s22+$0x1830 ss:$0x81] =	vst.msk $0xffff, v6  }
.LBB1_5:
0x6a: {  	p1 =	sne.s32 s25, $0x1FC;
	v5 =	vld [tilespmem:s23+$0xFFFFFFD0];
	[tilespmem:s22+$0x2040 ss:$0x81] =	vst.msk $0xffff, v4  }
0x6b: {  	v6 =	vld [tilespmem:s23+$0xFFFFFFE0];
	[tilespmem:s22+$0x2850 ss:$0x81] =	vst.msk $0xffff, v2  }
0x6c: {  	s26 =	sshra.s32 s24, $0x2;
	s24 =	smov.u32 s25;
	v7 =	vld [tilespmem:s23+$0xFFFFFFF0];
	[tilespmem:s22+$0x3060 ss:$0x81] =	vst.msk $0xffff, v3  }
.Ltmp4:
0x6d: {  	v4 =	vld [tilespmem:s23+$0x0];
	[tilespmem:s22+$0x0 ss:$0x81] =	vst.msk $0xffff, v0;
	s22 =	sadd.s32 s26, s21;
	(pc) =	sbr.rel @p1 .LBB1_5-.Ltmp4, $4  }
0x6e: {  	v2 =	vld [tilespmem:s23+$0x10];
	[tilespmem:s22+$0x3870 ss:$0x81] =	vst.msk $0xffff, v1  }
0x6f: {  	[tilespmem:s22+$0x810 ss:$0x81] =	vst.msk $0xffff, v5;
	v3 =	vld [tilespmem:s23+$0x20]  }
0x70: {  	v0 =	vld [tilespmem:s23+$0xFFFFFFC0];
	[tilespmem:s22+$0x1020 ss:$0x81] =	vst.msk $0xffff, v6;
	s23 =	sadd.s32 $0x80, s23  }
0x71: {  	s25 =	sadd.s32 $0x4, s25;
	v1 =	vld [tilespmem:s23+$0x30];
	[tilespmem:s22+$0x1830 ss:$0x81] =	vst.msk $0xffff, v7  }
.Ltmp5:
0x72: {  	_ = 	snop;
	(pc) =	sbr.rel .LBB1_6-.Ltmp5, $1  }
0x73: {  	_ =	sdelay $0x3  }
.LBB1_8:
0x74: {  	_ =	sfence.sel $0x180000  }
0x75: {  	s2 =	simm.s32 $0x1;
	[bflag:$0x0] =	sbarrier.arrive $0xFFFF  }
0x76: {  	s31 =	simm.s32 $0x2;
	[sflag:s2] =	ssyncpa.u1 $0x1  }
0x77: {  	[sflag:s31] =	ssyncpa.u1 $0x1  }
0x78: {  	p0 =	sne.s32 s1, $0x0;
	_ =	strace $0x90000047  }
0x79: {  	s0 =	sadd.s32 @!p0 $0x100000, s0;
	[bflag:$0x2] =	sbarrier.arrive $0xFFFF  }
0x7a: {  	[sflag:s0] =	ssyncadd.tile.s32 @!p0 $0x1;
	_ =	shalt  }
.Lfunc_end1:
_tile_overlayer_lowered:
.L_overlay_start_2:
0x7b: {  	(tag) =	ssettag $0x2  }
0x7c: {  	s0 =	rddreg [dreg:$0x0];
	s2 =	stileid.u32  }
0x7d: {  	s1 =	rddreg [dreg:$0x1];
	p0 =	sne.s32 s2, $0x0  }
0x7e: {  	s3 =	rddreg [dreg:$0x2];
	[bflag:$0x3] =	sbarrier.arrive $0xFFFF;
	s2 =	simm.s32 @!p0 $0x1C01  }
0x7f: {  	[timem:s3], [sflag:s2] =	dma.local @!p0 [hbm:s0], s1  }
0x80: {  	s0 =	simm.s32 @!p0 $0x1  }
0x81: {  	_ =	swait.ge @!p0 [sflag:s0], s1  }
0x82: {  	s1 =	ssub.s32 @!p0 $0x0, s1;
	[sflag:s0] =	ssyncset.done @!p0 $0x0  }
0x83: {  	[sflag:s0] =	ssyncadd.s32 @!p0 s1  }
0x84: {  	[bflag:$0x3] =	sbarrier.arrive $0xFFFF  }
0x85: {  	_ =	shalt  }

// kernel: sparse-core-data-format-call.cloned.1.call-start
scs
called_computation_lowered:
.L_overlay_start_0:
0x0: {  	s2 =	sld [smem:$0x3FD9]  }
0x1: {  	s3 =	sld [smem:$0x3FFE];
	_ =	sdelay $0x1  }
0x2: {  	s1 =	srdreg.scid  }
0x3: {  	s0 =	sand.u32 $0x1, s1  }
0x4: {  	s18 =	sshll.u32 s0, $0xA;
	s2 =	sadd.s32 s3, s2  }
0x5: {  	s2 =	sadd.s32 s2, s18  }
0x6: {  	[smem:$0x3FC7] =	sst s2  }
0x7: {  	_ = 	snop  }
0x8: {  	s2 =	sld [smem:$0x3FD0];
	(tm) =	ssettm $0x1  }
0x9: {  	s19 =	sld [smem:$0x3FFB];
	_ =	sdelay $0x3  }
0xa: {  	_ =	strace s19  }
0xb: {  	s3 =	sld [smem:$0x3FFC];
	_ =	sdelay $0x3  }
0xc: {  	_ =	strace s3  }
0xd: {  	s3 =	sld [smem:$0x3FFD];
	_ =	sdelay $0x3  }
0xe: {  	_ =	strace s3  }
0xf: {  	_ =	strace $0x8FFFFFFF  }
0x10: {  	s20 =	sld [smem:$0x3FDB];
	_ =	sdelay $0x1  }
0x11: {  	s4 =	simm.s32 $_scs_section_size  }
0x12: {  	s5 =	simm.s32 $_size__tile_overlayer_lowered;
	s6 =	simm.s32 $_tile_overlayer_lowered  }
0x13: {  	s23 =	simm.s32 $0x1BFF;
	s22 =	sshll.u32 s6, $0x1;
	s3 =	sadd.s32 s4, s20  }
0x14: {  	s7 =	simm.s32 $0x0;
	s21 =	sshll.u32 s5, $0x1;
	s5 =	sadd.s32 s22, s3  }
0x15: {  	[timem:s7], [sflag:s23] =	dma.local [hbm:s5], s21  }
0x16: {  	_ =	swait.ge [sflag:s23], s21  }
0x17: {  	s4 =	ssub.s32 $0x0, s21;
	[sflag:s23] =	ssyncset.done $0x0  }
0x18: {  	[sflag:s23] =	ssyncadd.s32 s4;
	_ =	sdelay $0x1  }
0x19: {  	s24 =	simm.s32 $0x1B8B  }
0x1a: {  	_ =	swait.ge [sflag:s24], $0x1  }
0x1b: {  	[sflag:s24] =	ssyncset.done $0x0  }
0x1c: {  	s26 =	simm.s32 $0x1B8E;
	s25 =	sld [smem:$0x3FFE];
	[sflag:s24] =	ssyncadd.s32 $0xFFFFFFFF  }
0x1d: {  	s27 =	simm.s32 $execute0_lowered;
	[smem:$0x3FD2] =	sst s26  }
0x1e: {  	s5 =	sshll.u32 s27, $0x1;
	_ =	strace $0x8000004C;
	[dreg:$0x1] =	wrdreg $0xFFFFFFFF  }
0x1f: {  	s28 =	simm.s32 $_size_execute0_lowered;
	s3 =	sadd.s32 s3, s5;
	[dreg:$0x0] =	wrdreg $0x0  }
0x20: {  	s5 =	sshll.u32 s28, $0x1;
	[dreg:$0x2] =	wrdreg s3  }
0x21: {  	[dreg:$0x3] =	wrdreg s5  }
0x22: {  	[dreg:$0x4] =	wrdreg $0xC0  }
0x23: {  	_ =	task [dreg:s7], $0x5FFFF  }
0x24: {  	[dreg:$0x1] =	wrdreg $0xFFFFFFFF  }
0x25: {  	[dreg:$0x0] =	wrdreg $0x60  }
0x26: {  	[dreg:$0x2] =	wrdreg s25  }
0x27: {  	[dreg:$0x3] =	wrdreg s2  }
0x28: {  	[dreg:$0x4] =	wrdreg $0x9  }
0x29: {  	_ =	task.clear_ibuf [dreg:s7], $0x5FFFF;
	_ =	strace $0x9000004C  }
0x2a: {  	s29 =	simm.s32 $0x9;
	_ =	strace $0x8000004E  }
0x2b: {  	_ =	swait.ge [sflag:s29], $0x1  }
0x2c: {  	[sflag:s29] =	ssyncadd.s32 $0xFFFFFFFF  }
0x2d: {  	_ =	strace $0x9000004E  }
0x2e: {  	_ =	sfence  }
0x2f: {  	s30 =	sld [smem:$0x0];
	_ =	sdelay $0x2  }
0x30: {  	s31 =	sshll.u32 s1, $0xD;
	s1 =	sshrl.u32 s1, $0x2  }
0x31: {  	s3 =	sand.u32 $0x4000, s31;
	s1 =	sadd.s32 s1, s30  }
0x32: {  	s0 =	sor.u32 s3, s0;
	s1 =	sshll.u32 s1, $0x11  }
0x33: {  	s0 =	sor.u32 s1, s0  }
0x34: {  	s0 =	sadd.s32 $0x8F2B, s0  }
0x35: {  	[sflag:s0] =	ssyncadd.remote.s32 $0x1  }
0x36: {  	_ =	sfence.sel $0xFFFF  }
0x37: {  	[dreg:$0x0] =	wrdreg $0xFFFFFFFF;
	(pc) =	sbr.abs _section_cstart, $3  }
0x38: {  	[dreg:$0x1] =	wrdreg $0xFFFFFFFF  }
0x39: {  	_ =	task.clear_ibuf [dreg:s7], $0x2FFFF;
	_ =	strace $0x9FFFFFFF  }
0x3a: {  	(tm) =	ssettm $0x7FFFFFFF  }
0x3b: {  	_ =	shalt  }
tec
execute0_lowered:
.L_overlay_start_1:
0x0: {  	(tag) =	ssettag $0x1  }
0x1: {  	s4 =	rddreg [dreg:$0x0];
	s0 =	stileid.u32;
	_ =	strace $0x8000004D  }
0x2: {  	s5 =	srdreg.scid;
	s8 =	simm.s32 $0x2;
	s19 =	simm.s32 $0x0  }
0x3: {  	p0 =	por $0x0, $0x0;
	s9 =	simm.s32 $0xC00;
	s21 =	simm.s32 $0x0  }
0x4: {  	s20 =	simm.s32 $0x0;
	s22 =	simm.s32 $0x0;
	s10 =	simm.s32 $0x0  }
0x5: {  	s11 =	simm.s32 $0x0;
	s12 =	simm.s32 $0x0;
	s2 =	simm.s32 $0x0  }
0x6: {  	s14 =	simm.s32 $0x0;
	s16 =	simm.s32 $0x0;
	s3 =	sand.u32 $0x1, s0  }
0x7: {  	s18 =	simm.s32 $0x0;
	s5 =	sshll.u32 s5, $0x4;
	s6 =	ssub.s32 $0x2, s3  }
.Ltmp0:
0x8: {  	s7 =	sshrl.u32 s6, $0x1;
	s6 =	sand.u32 $0x1, s6;
	(pc) =	sbr.rel .LBB1_1-.Ltmp0, $4  }
0x9: {  	s4 =	sadd.s32 $0x498C00, s4;
	s5 =	sand.u32 $0x10, s5;
	s6 =	sadd.s32 s6, s7  }
0xa: {  	s31 =	sor.u32 s0, s5;
	s5 =	simm.s32 $0x1;
	s6 =	smul.u32 $0x54, s6  }
0xb: {  	s17 =	smov.u32 s3;
	s7 =	sshrl.u32 s31, $0x1;
	[sflag:s5] =	ssyncpa.u1 $0x0  }
0xc: {  	[sflag:s8] =	ssyncpa.u1 $0x0;
	s15 =	smov.u32 s7;
	s8 =	sor.u32 $0x1, s6  }
.LBB1_4:
0xd: {  	s28 =	sshrl.u32 s10, $0x3;
	s29 =	sshll.u32 s12, $0x3;
	[tilespmem:s26+$0x2040 ss:$0x81] =	vst.msk $0xffff, v4  }
0xe: {  	s30 =	sshll.u32 s10, $0x7;
	p1 =	sgt.s32 s2, $0x1;
	p2 =	sgt.s32 s11, $0xDF;
	[tilespmem:s26+$0x2850 ss:$0x81] =	vst.msk $0xffff, v3  }
0xf: {  	s31 =	sshra.s32 s11, $0x1F;
	s0 =	sshra.s32 s2, $0x1F;
	s1 =	sshra.s32 s12, $0x1F;
	[tilespmem:s26+$0x3060 ss:$0x81] =	vst.msk $0xffff, v2  }
0x10: {  	s27 =	sshra.s32 s27, $0x2;
	[tilespmem:s26+$0x0 ss:$0x81] =	vst.msk $0xffff, v1;
	s26 =	smov.u32 s10;
	s28 =	smul.u32 $0xC00, s28  }
0x11: {  	s29 =	sand.u32 $0xFFFFFC00, s29;
	s13 =	sand.u32 $0x380, s30;
	s30 =	sand.u32 $0x7F, s12  }
0x12: {  	s31 =	sand.u32 s31, s11;
	s0 =	sand.u32 s0, s2;
	s1 =	sand.u32 s1, s12  }
0x13: {  	s25 =	sadd.s32 s27, s25;
	s28 =	sadd.s32 s29, s28;
	s29 =	smov.u32 s11  }
0x14: {  	s28 =	sor.u32 s13, s28;
	s29 =	simm.s32 @!p2 $0xDF;
	p2 =	sgt.s32 s12, $0x100  }
0x15: {  	s13 =	smov.u32 s2;
	s29 =	ssub.s32 s29, s31;
	s31 =	smov.u32 s12  }
0x16: {  	s0 =	sxor.u32 $0xFFFFFFFF, s0;
	s13 =	simm.s32 @!p1 $0x1;
	s31 =	simm.s32 @!p2 $0x100  }
0x17: {  	s0 =	sadd.s32 s0, s13;
	s13 =	sadd.s32 $0xFFFFFF21, s29;
	s29 =	ssub.s32 $0xE0, s29  }
0x18: {  	s1 =	ssub.s32 s31, s1;
	p2 =	sgt.s32 s13, $0x0;
	s13 =	sor.u32 s30, s28  }
0x19: {  	p3 =	sgt.s32 s0, $0x0;
	s0 =	ssub.s32 $0x1, s0;
	s28 =	smulhi.u32 $0xAAAAAAAB, s28  }
0x1a: {  	s31 =	sadd.s32 $0xFFFFFF00, s1;
	s30 =	smulhi.u32 $0xAAAAAAAB, s13;
	s0 =	simm.s32 @p3 $0x0  }
0x1b: {  	v5 =	vld [tilespmem:s24+$0xFFFFFFD0];
	s29 =	simm.s32 @p2 $0x0;
	s1 =	ssub.s32 $0x180, s1;
	s28 =	sshrl.u32 s28, $0x8  }
0x1c: {  	v58 =	vld [tilespmem:s24+$0xFFFFFFE0];
	p1 =	sgt.s32 s31, $0x7F;
	s30 =	sshrl.u32 s30, $0x8;
	s27 =	smulhi.u32 $0x124924A, s28  }
0x1d: {  	v59 =	vld [tilespmem:s24+$0xFFFFFFF0];
	s1 =	simm.s32 @p1 $0x0;
	p1 =	sgt.s32 s10, $0x60;
	s30 =	smul.u32 $0x180, s30  }
0x1e: {  	v60 =	vld [tilespmem:s24+$0x0];
	s31 =	sshra.s32 s10, $0x1F;
	s0 =	smul.u32 s0, s1;
	s26 =	simm.s32 @!p1 $0x60  }
0x1f: {  	v61 =	vld [tilespmem:s24+$0x10];
	[tilespmem:s25+$0x3870 ss:$0x81] =	vst.msk $0xffff, v0;
	s1 =	sand.u32 s31, s10;
	s31 =	rddreg [dreg:$0x1];
	s27 =	smul.u32 $0xE0, s27  }
0x20: {  	v62 =	vld [tilespmem:s24+$0x20];
	[tilespmem:s25+$0x810 ss:$0x81] =	vst.msk $0xffff, v5;
	s1 =	ssub.s32 s26, s1;
	s13 =	ssub.s32 s13, s30;
	s0 =	smul.u32 s29, s0  }
0x21: {  	v63 =	vld [tilespmem:s24+$0xFFFFFFC0];
	[tilespmem:s25+$0x1020 ss:$0x81] =	vst.msk $0xffff, v58;
	s26 =	sadd.s32 $0xFFFFFFA0, s1;
	s29 =	smul.u32 $0x24C000, s2;
	s1 =	ssub.s32 $0xE0, s1  }
0x22: {  	[tilespmem:s25+$0x1830 ss:$0x81] =	vst.msk $0xffff, v59;
	s30 =	smul.u32 $0x2A00, s11;
	s28 =	ssub.s32 s28, s27;
	p1 =	sgt.s32 s26, $0x7F  }
0x23: {  	[tilespmem:s25+$0x2040 ss:$0x81] =	vst.msk $0xffff, v60;
	s1 =	simm.s32 @p1 $0x0;
	s24 =	smul.u32 $0x30, s28;
	s27 =	sadd.s32 s31, s29  }
0x24: {  	[tilespmem:s25+$0x2850 ss:$0x81] =	vst.msk $0xffff, v61;
	s29 =	sand.u32 $0x7, s13;
	s0 =	smul.u32 s1, s0;
	s28 =	sadd.s32 s30, s27  }
0x25: {  	[tilespmem:s25+$0x3060 ss:$0x81] =	vst.msk $0xffff, v62;
	s13 =	sshrl.u32 s13, $0x3;
	s30 =	sshll.u32 s29, $0x12;
	s1 =	sadd.s32 s24, s28  }
0x26: {  	[tilespmem:s25+$0x0 ss:$0x81] =	vst.msk $0xffff, v63;
	s31 =	sor.u32 $0x400, s30;
	s0 =	sand.u32 $0x3FFFFFFF, s0;
	s1 =	sadd.s32 s13, s1  }
0x27: {  	[hbm4b:s1+s31] =	stream.strided.scatter [tilespmem:s23], [sflag:$0x2], s0, s9, s31, $0x20;
	[tilespmem:$0x10100] =	vst v63  }
.LBB1_5:
0x28: {  	p1 =	slt.u32 s18, $0x2;
	s1 =	smov.u32 s22  }
0x29: {  	s23 =	smov.u32 s15;
	s24 =	smov.u32 s16;
	s25 =	smov.u32 s17  }
0x2a: {  	p0 =	por !p0, !p0;
	p2 =	sgt.s32 @!p1 s22, $0x1;
	s0 =	sshra.s32 @!p1 s22, $0x1F  }
0x2b: {  	s13 =	sshra.s32 @!p1 s21, $0x1F;
	p2 =	por !p2, p1;
	s0 =	sand.u32 @!p1 s0, s22  }
0x2c: {  	s1 =	simm.s32 @p2 $0x1;
	s0 =	sxor.u32 @!p1 $0xFFFFFFFF, s0;
	p2 =	sgt.s32 @!p1 s21, $0xDF  }
0x2d: {  	s0 =	sadd.s32 @!p1 s0, s1;
	p2 =	por !p2, p1;
	s1 =	smov.u32 s21  }
0x2e: {  	s13 =	sand.u32 @!p1 s13, s21;
	p3 =	sgt.s32 @!p1 s0, $0x0;
	s1 =	simm.s32 @p2 $0xDF  }
0x2f: {  	s0 =	ssub.s32 @!p1 $0x1, s0;
	p2 =	por !p3, p1;
	s1 =	ssub.s32 @!p1 s1, s13  }
0x30: {  	s21 =	sshra.s32 @!p1 s20, $0x1F;
	s0 =	simm.s32 @!p2 $0x0;
	s13 =	sadd.s32 @!p1 $0xFFFFFF21, s1  }
0x31: {  	p2 =	sgt.s32 @!p1 s20, $0x100;
	s1 =	ssub.s32 @!p1 $0xE0, s1;
	p3 =	sgt.s32 @!p1 s13, $0x0  }
0x32: {  	p2 =	por !p2, p1;
	s13 =	smov.u32 s20;
	s20 =	sand.u32 @!p1 s21, s20  }
0x33: {  	s21 =	sshra.s32 @!p1 s19, $0x1F;
	s13 =	simm.s32 @p2 $0x100;
	p2 =	sgt.s32 @!p1 s19, $0x60  }
0x34: {  	p3 =	por !p3, p1;
	s13 =	ssub.s32 @!p1 s13, s20;
	p2 =	por !p2, p1  }
0x35: {  	s20 =	smov.u32 s19;
	s19 =	sand.u32 @!p1 s21, s19;
	s21 =	sadd.s32 @!p1 $0xFFFFFF00, s13  }
0x36: {  	s1 =	simm.s32 @!p3 $0x0;
	s20 =	simm.s32 @p2 $0x60;
	p2 =	sgt.s32 @!p1 s21, $0x7F  }
0x37: {  	s13 =	ssub.s32 @!p1 $0x180, s13;
	s19 =	ssub.s32 @!p1 s20, s19;
	p2 =	por !p2, p1  }
0x38: {  	s20 =	sadd.s32 @!p1 $0xFFFFFFA0, s19;
	s19 =	ssub.s32 @!p1 $0xE0, s19;
	s13 =	simm.s32 @!p2 $0x0  }
0x39: {  	p2 =	sgt.s32 @!p1 s20, $0x7F;
	s0 =	smul.u32 @!p1 s0, s13;
	s13 =	sadd.s32 $0x80, s14  }
0x3a: {  	s20 =	sadd.s32 $0x10, s15;
	p2 =	por !p2, p1;
	p3 =	sgt.s32 s13, $0xDF  }
0x3b: {  	s22 =	smov.u32 s2;
	s19 =	simm.s32 @!p2 $0x0;
	s23 =	smov.u32 @p3 s20  }
0x3c: {  	s0 =	smul.u32 @!p1 s1, s0;
	s1 =	sadd.s32 $0x80, s16;
	p2 =	sgt.s32 s23, $0xDF  }
0x3d: {  	s2 =	smov.u32 s17;
	s21 =	smov.u32 s11;
	s24 =	smov.u32 @p2 s1  }
0x3e: {  	s13 =	simm.s32 @p3 $0x0;
	s1 =	sadd.s32 $0x2, s17;
	p3 =	sgt.s32 s24, $0x17F  }
0x3f: {  	s11 =	smov.u32 s15;
	s20 =	smov.u32 s12;
	s25 =	smov.u32 @p3 s1  }
0x40: {  	s12 =	smov.u32 s16;
	s23 =	smov.u32 @p2 s7;
	p2 =	sgt.s32 s25, $0x1  }
0x41: {  	s0 =	smul.u32 @!p1 s19, s0;
	s25 =	smov.u32 @p2 s3;
	p2 =	sne.s32 s18, s8  }
.Ltmp1:
0x42: {  	s19 =	smov.u32 s10;
	s10 =	smov.u32 s14;
	(pc) =	sbr.rel @!p2 .LBB1_6-.Ltmp1, $4  }
0x43: {  	s14 =	smov.u32 s13;
	s0 =	sand.u32 @!p1 $0x3FFFFFFF, s0;
	s1 =	simm.s32 @!p1 $0x2  }
0x44: {  	s15 =	smov.u32 s23;
	s24 =	simm.s32 @p3 $0x0;
	_ =	swait.ge @!p1 [sflag:s1], s0  }
0x45: {  	s0 =	ssub.s32 @!p1 $0x0, s0;
	s16 =	smov.u32 s24;
	[sflag:s1] =	ssyncset.done @!p1 $0x0  }
0x46: {  	s18 =	sadd.s32 $0x1, s18;
	[sflag:s1] =	ssyncadd.s32 @!p1 s0;
	s17 =	smov.u32 s25  }
.LBB1_1:
0x47: {  	p1 =	sge.u32 s18, s6  }
0x48: {  	s23 =	sshll.u32 @!p1 s15, $0x8;
	s24 =	sshll.u32 @!p1 s14, $0x3  }
0x49: {  	s25 =	sshll.u32 @!p1 s15, $0x7;
	s23 =	sand.u32 @!p1 $0xFFFFF800, s23;
	s24 =	sand.u32 @!p1 $0xFFFFFC00, s24  }
0x4a: {  	s23 =	sadd.s32 @!p1 s23, s24;
	s24 =	sand.u32 @!p1 $0x300, s25  }
0x4b: {  	s23 =	sor.u32 @!p1 s24, s23  }
0x4c: {  	s23 =	sshrl.u32 @!p1 s23, $0x8  }
0x4d: {  	s24 =	smulhi.u32 @!p1 $0x124924A, s23  }
0x4e: {  	s31 =	sadd.s32 $0xFFFFFFFF, s18;
	s26 =	sxor.u32 @!p1 $0xFFFFFFFF, s18;
	s28 =	smul.u32 @!p1 $0x2A0000, s17  }
0x4f: {  	s27 =	sand.u32 @!p1 $0x78, s14;
	s25 =	sand.u32 @!p1 $0x80, s25;
	s24 =	smul.u32 @!p1 $0xE0, s24  }
0x50: {  	s26 =	sshll.u32 @!p1 s26, $0xE;
	s25 =	sor.u32 @!p1 s27, s25;
	s27 =	smul.u32 @!p1 $0x1C00, s16  }
0x51: {  	s23 =	ssub.s32 @!p1 s23, s24;
	s24 =	sand.u32 @!p1 $0x4000, s26;
	s26 =	sadd.s32 @!p1 s4, s28  }
0x52: {  	s25 =	sshrl.u32 @!p1 s25, $0x3;
	s26 =	sadd.s32 @!p1 s27, s26;
	s27 =	sand.u32 @!p1 $0x7, s14  }
0x53: {  	s23 =	sshll.u32 @!p1 s23, $0x5;
	s25 =	sadd.s32 @!p1 s25, s26;
	s26 =	sshll.u32 @!p1 s27, $0x12  }
0x54: {  	s23 =	sadd.s32 @!p1 s23, s25;
	s25 =	sor.u32 @!p1 $0x80, s26;
	s26 =	simm.s32 @!p1 $0xE000  }
0x55: {  	[tilespmem:s24], [sflag:$0x1] =	stream.strided.gather @!p1 [hbm4b:s23+s25], $0x4000, s26, s25, $0x38;
	[tilespmem:$0x10100] =	vst v63  }
0x56: {  	p1 =	sge.u32 s31, s6  }
.Ltmp2:
0x57: {  	_ = 	snop;
	(pc) =	sbr.rel @p1 .LBB1_5-.Ltmp2, $1  }
0x58: {  	_ =	sdelay $0x3  }
0x59: {  	s23 =	simm.s32 $0x1  }
0x5a: {  	_ =	swait.ge [sflag:s5], $0x4000;
	s23 =	simm.s32 @!p0 $0x0  }
0x5b: {  	[sflag:s5] =	ssyncset.done $0x0;
	s24 =	sshll.u32 s23, $0xE  }
0x5c: {  	[sflag:s5] =	ssyncadd.s32 $0xFFFFC000;
	s24 =	sor.u32 $0x40, s24  }
0x5d: {  	s23 =	smul.u32 $0x10200, s23;
	v0 =	vld [tilespmem:s24+$0x30]  }
0x5e: {  	v1 =	vld [tilespmem:s24+$0xFFFFFFD0]  }
0x5f: {  	s23 =	sshrl.u32 s23, $0x2;
	v5 =	vld [tilespmem:s24+$0xFFFFFFE0]  }
0x60: {  	v6 =	vld [tilespmem:s24+$0xFFFFFFF0];
	s25 =	sor.u32 $0x8000, s23  }
0x61: {  	s31 =	sand.u32 $0x1, s18;
	v4 =	vld [tilespmem:s24+$0x0];
	s26 =	sadd.s32 $0x0, s25  }
0x62: {  	v3 =	vld [tilespmem:s24+$0x10];
	s23 =	smul.u32 $0x10200, s31;
	[tilespmem:s26+$0x3870 ss:$0x81] =	vst.msk $0xffff, v0  }
0x63: {  	v2 =	vld [tilespmem:s24+$0x20];
	[tilespmem:s26+$0x810 ss:$0x81] =	vst.msk $0xffff, v1  }
0x64: {  	s23 =	sshrl.u32 s23, $0x2;
	v1 =	vld [tilespmem:s24+$0xFFFFFFC0];
	[tilespmem:s26+$0x1020 ss:$0x81] =	vst.msk $0xffff, v5;
	s24 =	sadd.s32 $0x80, s24  }
0x65: {  	s27 =	simm.s32 $0x4;
	s28 =	simm.s32 $0x8;
	s23 =	sor.u32 $0x8000, s23;
	[tilespmem:s26+$0x1830 ss:$0x81] =	vst.msk $0xffff, v6;
	v0 =	vld [tilespmem:s24+$0x30]  }
.LBB1_3:
0x66: {  	p1 =	sne.s32 s28, $0x1FC;
	v5 =	vld [tilespmem:s24+$0xFFFFFFD0];
	[tilespmem:s26+$0x2040 ss:$0x81] =	vst.msk $0xffff, v4  }
0x67: {  	v6 =	vld [tilespmem:s24+$0xFFFFFFE0];
	[tilespmem:s26+$0x2850 ss:$0x81] =	vst.msk $0xffff, v3  }
0x68: {  	s29 =	sshra.s32 s27, $0x2;
	s27 =	smov.u32 s28;
	v7 =	vld [tilespmem:s24+$0xFFFFFFF0];
	[tilespmem:s26+$0x3060 ss:$0x81] =	vst.msk $0xffff, v2  }
.Ltmp3:
0x69: {  	v4 =	vld [tilespmem:s24+$0x0];
	[tilespmem:s26+$0x0 ss:$0x81] =	vst.msk $0xffff, v1;
	s26 =	sadd.s32 s29, s25;
	(pc) =	sbr.rel @p1 .LBB1_3-.Ltmp3, $4  }
0x6a: {  	v3 =	vld [tilespmem:s24+$0x10];
	[tilespmem:s26+$0x3870 ss:$0x81] =	vst.msk $0xffff, v0  }
0x6b: {  	[tilespmem:s26+$0x810 ss:$0x81] =	vst.msk $0xffff, v5;
	v2 =	vld [tilespmem:s24+$0x20]  }
0x6c: {  	v1 =	vld [tilespmem:s24+$0xFFFFFFC0];
	[tilespmem:s26+$0x1020 ss:$0x81] =	vst.msk $0xffff, v6;
	s24 =	sadd.s32 $0x80, s24  }
0x6d: {  	s28 =	sadd.s32 $0x4, s28;
	v0 =	vld [tilespmem:s24+$0x30];
	[tilespmem:s26+$0x1830 ss:$0x81] =	vst.msk $0xffff, v7  }
.Ltmp4:
0x6e: {  	_ = 	snop;
	(pc) =	sbr.rel .LBB1_4-.Ltmp4, $1  }
0x6f: {  	_ =	sdelay $0x3  }
.LBB1_6:
0x70: {  	_ =	sfence.sel $0x180000  }
0x71: {  	s0 =	simm.s32 $0x1;
	[bflag:$0x0] =	sbarrier.arrive $0xFFFF  }
0x72: {  	s30 =	simm.s32 $0x2;
	[sflag:s0] =	ssyncpa.u1 $0x1  }
0x73: {  	[sflag:s30] =	ssyncpa.u1 $0x1  }
0x74: {  	_ =	strace $0x9000004D  }
0x75: {  	s31 =	stileid.u32;
	[bflag:$0x2] =	sbarrier.arrive $0xFFFF  }
0x76: {  	p0 =	sne.s32 s31, $0x0;
	s0 =	rddreg [dreg:$0x2]  }
0x77: {  	s0 =	sadd.s32 @!p0 $0x100000, s0  }
0x78: {  	[sflag:s0] =	ssyncadd.tile.s32 @!p0 $0x1;
	_ =	shalt  }
.Lfunc_end1:
_tile_overlayer_lowered:
.L_overlay_start_2:
0x79: {  	(tag) =	ssettag $0x2  }
0x7a: {  	s0 =	rddreg [dreg:$0x0];
	s2 =	stileid.u32  }
0x7b: {  	s1 =	rddreg [dreg:$0x1];
	p0 =	sne.s32 s2, $0x0  }
0x7c: {  	s3 =	rddreg [dreg:$0x2];
	[bflag:$0x3] =	sbarrier.arrive $0xFFFF;
	s2 =	simm.s32 @!p0 $0x1C01  }
0x7d: {  	[timem:s3], [sflag:s2] =	dma.local @!p0 [hbm:s0], s1  }
0x7e: {  	s0 =	simm.s32 @!p0 $0x1  }
0x7f: {  	_ =	swait.ge @!p0 [sflag:s0], s1  }
0x80: {  	s1 =	ssub.s32 @!p0 $0x0, s1;
	[sflag:s0] =	ssyncset.done @!p0 $0x0  }
0x81: {  	[sflag:s0] =	ssyncadd.s32 @!p0 s1  }
0x82: {  	[bflag:$0x3] =	sbarrier.arrive $0xFFFF  }
0x83: {  	_ =	shalt  }

</sc_bundles>
